<compile_context>
chip_gen: v7x
topology: tpu7x:2x2x1
jax: 0.10.2.dev20260603
libtpu: 0.0.44.dev20260713+nightly
codegen_flags: <defaults>
</compile_context>

<pallas_src>
import functools

import jax
import jax.numpy as jnp
from jax import lax
from jax.experimental import pallas as pl
from jax.experimental.pallas import tpu as pltpu
from jax.experimental.pallas import tpu_sc as plsc

HIDDEN = 256
EMBED = 128
VOCAB = 1000
N = 10000
E = 160000
T = 4
NSRT = 7

NC = 2
NS = 16
NW = NC * NS
CHUNK = 128
NP = 10240
EP = 163840
DUMP = N
ROWS_PER_TILE = NP // NS
CHUNKS_PER_TILE = EP // NW // CHUNK
NBLK = 256
PREC = jax.lax.Precision.DEFAULT


def _mesh():
    return plsc.VectorSubcoreMesh(
        core_axis_name="c", subcore_axis_name="s", num_cores=NC, num_subcores=NS
    )


def _embed_call(tok2, tab):
    @functools.partial(
        pl.kernel,
        out_type=jax.ShapeDtypeStruct((NP, EMBED), jnp.float32),
        mesh=_mesh(),
        scratch_types=[
            pltpu.VMEM((8, CHUNK), jnp.int32),
            pltpu.VMEM((CHUNK, EMBED), jnp.float32),
            pltpu.VMEM((CHUNK, EMBED), jnp.float32),
            pltpu.VMEM((CHUNK, EMBED), jnp.float32),
            pltpu.SemaphoreType.DMA,
            pltpu.SemaphoreType.DMA,
            pltpu.SemaphoreType.DMA,
        ],
    )
    def k(tok_hbm, tab_hbm, out_hbm, idx_v, g0, g1, g2, s0, s1, s2):
        c = lax.axis_index("c")
        s = lax.axis_index("s")
        wid = c * NS + s

        @pl.loop(wid, NP // CHUNK, step=NW)
        def _(j):
            base = j * CHUNK
            pltpu.sync_copy(tok_hbm.at[pl.ds(8 * j, 8)], idx_v)
            pltpu.async_copy(tab_hbm.at[idx_v.at[0]], g0, s0)
            pltpu.async_copy(tab_hbm.at[idx_v.at[1]], g1, s1)
            pltpu.async_copy(tab_hbm.at[idx_v.at[2]], g2, s2)
            pltpu.make_async_copy(tab_hbm.at[idx_v.at[0]], g0, s0).wait()
            pltpu.make_async_copy(tab_hbm.at[idx_v.at[1]], g1, s1).wait()
            pltpu.make_async_copy(tab_hbm.at[idx_v.at[2]], g2, s2).wait()

            @pl.loop(0, CHUNK)
            def _(r):
                for l in range(0, EMBED, 16):
                    sl = pl.ds(l, 16)
                    g0[r, sl] = g0[r, sl] + g1[r, sl] + g2[r, sl]

            pltpu.sync_copy(g0, out_hbm.at[pl.ds(base, CHUNK)])

    return k(tok2, tab)


def _deg_call(dst2):
    @functools.partial(
        pl.kernel,
        out_type=jax.ShapeDtypeStruct((NC, NP, 16), jnp.float32),
        mesh=_mesh(),
        scratch_types=[
            pltpu.VMEM_SHARED((NP, 16), jnp.float32),
            pltpu.VMEM((CHUNKS_PER_TILE, CHUNK), jnp.int32),
            pltpu.VMEM((CHUNK, 16), jnp.float32),
            pltpu.SemaphoreType.DMA,
        ],
        compiler_params=pltpu.CompilerParams(use_tc_tiling_on_sc=False),
    )
    def k(dst_hbm, out_hbm, shared_d, di_v, buf, sem):
        c = lax.axis_index("c")
        s = lax.axis_index("s")
        chunk0 = (c * NS + s) * CHUNKS_PER_TILE
        pltpu.async_copy(dst_hbm.at[pl.ds(chunk0, CHUNKS_PER_TILE)], di_v, sem)

        @pl.loop(0, CHUNK)
        def _(r):
            buf[r] = jnp.zeros((16,), jnp.float32)

        @pl.loop(0, ROWS_PER_TILE // CHUNK)
        def _(kk):
            pltpu.sync_copy(buf, shared_d.at[pl.ds(s * ROWS_PER_TILE + kk * CHUNK, CHUNK)])

        @pl.loop(0, CHUNK)
        def _(r):
            buf[r] = jnp.ones((16,), jnp.float32)

        pltpu.make_async_copy(dst_hbm.at[pl.ds(chunk0, CHUNKS_PER_TILE)], di_v, sem).wait()
        plsc.subcore_barrier()

        @pl.loop(0, CHUNKS_PER_TILE, step=4)
        def _(j):
            for b in range(4):
                pltpu.async_copy(buf, shared_d.at[di_v.at[j + b]], sem, add=True)
            for b in range(4):
                pltpu.make_async_copy(buf, shared_d.at[di_v.at[0]], sem).wait()

        plsc.subcore_barrier()
        pltpu.sync_copy(
            shared_d.at[pl.ds(s * ROWS_PER_TILE, ROWS_PER_TILE)],
            out_hbm.at[c, pl.ds(s * ROWS_PER_TILE, ROWS_PER_TILE)],
        )

    return k(dst2)


def _scatter_call(ht_flat, src2, et2, dst2):
    @functools.partial(
        pl.kernel,
        out_type=jax.ShapeDtypeStruct((NC, NP, EMBED), jnp.float32),
        mesh=_mesh(),
        scratch_types=[
            pltpu.VMEM_SHARED((NP, EMBED), jnp.float32),
            pltpu.VMEM((CHUNKS_PER_TILE, CHUNK), jnp.int32),
            pltpu.VMEM((CHUNKS_PER_TILE, CHUNK), jnp.int32),
            pltpu.VMEM((CHUNKS_PER_TILE, CHUNK), jnp.int32),
            pltpu.VMEM((CHUNK, EMBED), jnp.float32),
            pltpu.VMEM((CHUNK, EMBED), jnp.float32),
            pltpu.SemaphoreType.DMA,
            pltpu.SemaphoreType.DMA,
            pltpu.SemaphoreType.DMA,
            pltpu.SemaphoreType.DMA,
        ],
    )
    def k(ht_hbm, src_hbm, et_hbm, dst_hbm, agg_hbm,
          shared, gi_v, et_v, di_v, r0, r1, sem0, sem1, ssem0, ssem1):
        c = lax.axis_index("c")
        s = lax.axis_index("s")
        chunk0 = (c * NS + s) * CHUNKS_PER_TILE

        pltpu.async_copy(src_hbm.at[pl.ds(chunk0, CHUNKS_PER_TILE)], gi_v, sem1)
        pltpu.async_copy(et_hbm.at[pl.ds(chunk0, CHUNKS_PER_TILE)], et_v, sem1)
        pltpu.async_copy(dst_hbm.at[pl.ds(chunk0, CHUNKS_PER_TILE)], di_v, sem1)

        @pl.loop(0, CHUNK)
        def _(r):
            for l in range(0, EMBED, 16):
                r0[r, pl.ds(l, 16)] = jnp.zeros((16,), jnp.float32)
                r1[r, pl.ds(l, 16)] = jnp.zeros((16,), jnp.float32)

        @pl.loop(0, ROWS_PER_TILE // CHUNK)
        def _(kk):
            pltpu.sync_copy(r0, shared.at[pl.ds(s * ROWS_PER_TILE + kk * CHUNK, CHUNK)])

        pltpu.make_async_copy(src_hbm.at[pl.ds(chunk0, CHUNKS_PER_TILE)], gi_v, sem1).wait()
        pltpu.make_async_copy(et_hbm.at[pl.ds(chunk0, CHUNKS_PER_TILE)], et_v, sem1).wait()
        pltpu.make_async_copy(dst_hbm.at[pl.ds(chunk0, CHUNKS_PER_TILE)], di_v, sem1).wait()

        @pl.loop(0, CHUNKS_PER_TILE)
        def _(j):
            for l in range(0, CHUNK, 16):
                sl = pl.ds(l, 16)
                gi_v[j, sl] = et_v[j, sl] * NP + gi_v[j, sl]

        plsc.subcore_barrier()

        pltpu.async_copy(r1, shared.at[di_v.at[0]], ssem1, add=True)
        pltpu.async_copy(ht_hbm.at[gi_v.at[0]], r0, sem0)

        @pl.loop(0, CHUNKS_PER_TILE, step=2)
        def _(j):
            pltpu.make_async_copy(ht_hbm.at[gi_v.at[j]], r0, sem0).wait()
            pltpu.async_copy(r0, shared.at[di_v.at[j]], ssem0, add=True)
            pltpu.make_async_copy(r1, shared.at[di_v.at[0]], ssem1).wait()
            pltpu.async_copy(ht_hbm.at[gi_v.at[j + 1]], r1, sem1)
            pltpu.make_async_copy(ht_hbm.at[gi_v.at[j + 1]], r1, sem1).wait()
            pltpu.async_copy(r1, shared.at[di_v.at[j + 1]], ssem1, add=True)
            pltpu.make_async_copy(r0, shared.at[di_v.at[0]], ssem0).wait()

            @pl.when(j + 2 < CHUNKS_PER_TILE)
            def _():
                pltpu.async_copy(ht_hbm.at[gi_v.at[j + 2]], r0, sem0)

        pltpu.make_async_copy(r1, shared.at[di_v.at[0]], ssem1).wait()
        plsc.subcore_barrier()
        pltpu.sync_copy(
            shared.at[pl.ds(s * ROWS_PER_TILE, ROWS_PER_TILE)],
            agg_hbm.at[c, pl.ds(s * ROWS_PER_TILE, ROWS_PER_TILE)],
        )

    return k(ht_flat, src2, et2, dst2)


def _edge_gather_call(A, B, src2, dst2):
    @functools.partial(
        pl.kernel,
        out_type=jax.ShapeDtypeStruct((EP // 8, EMBED), jnp.float32),
        mesh=_mesh(),
        scratch_types=[
            pltpu.VMEM((CHUNKS_PER_TILE, CHUNK), jnp.int32),
            pltpu.VMEM((CHUNKS_PER_TILE, CHUNK), jnp.int32),
            pltpu.VMEM((CHUNK, 16), jnp.float32),
            pltpu.VMEM((CHUNK, 16), jnp.float32),
            pltpu.VMEM((CHUNK, 16), jnp.float32),
            pltpu.VMEM((CHUNK, 16), jnp.float32),
            pltpu.VMEM((CHUNK // 8, EMBED), jnp.float32),
            pltpu.VMEM((CHUNK // 8, EMBED), jnp.float32),
            pltpu.SemaphoreType.DMA,
            pltpu.SemaphoreType.DMA,
            pltpu.SemaphoreType.DMA,
            pltpu.SemaphoreType.DMA,
            pltpu.SemaphoreType.DMA,
            pltpu.SemaphoreType.DMA,
        ],
        compiler_params=pltpu.CompilerParams(use_tc_tiling_on_sc=False),
    )
    def k(a_hbm, b_hbm, src_hbm, dst_hbm, out_hbm,
          si_v, di_v, ga0, gb0, ga1, gb1, gc0, gc1,
          sema0, semb0, sema1, semb1, semo0, semo1):
        c = lax.axis_index("c")
        s = lax.axis_index("s")
        chunk0 = (c * NS + s) * CHUNKS_PER_TILE
        RPC = CHUNK // 8

        pltpu.async_copy(src_hbm.at[pl.ds(chunk0, CHUNKS_PER_TILE)], si_v, sema0)
        pltpu.async_copy(dst_hbm.at[pl.ds(chunk0, CHUNKS_PER_TILE)], di_v, semb0)
        pltpu.make_async_copy(src_hbm.at[pl.ds(chunk0, CHUNKS_PER_TILE)], si_v, sema0).wait()
        pltpu.make_async_copy(dst_hbm.at[pl.ds(chunk0, CHUNKS_PER_TILE)], di_v, semb0).wait()

        pltpu.async_copy(a_hbm.at[si_v.at[0]], ga0, sema0)
        pltpu.async_copy(b_hbm.at[di_v.at[0]], gb0, semb0)
        pltpu.async_copy(gc0, out_hbm.at[pl.ds(chunk0 * RPC, RPC)], semo0)
        pltpu.async_copy(gc1, out_hbm.at[pl.ds(chunk0 * RPC, RPC)], semo1)

        @pl.loop(0, CHUNKS_PER_TILE, step=2)
        def _(j):
            pltpu.async_copy(a_hbm.at[si_v.at[j + 1]], ga1, sema1)
            pltpu.async_copy(b_hbm.at[di_v.at[j + 1]], gb1, semb1)
            pltpu.make_async_copy(a_hbm.at[si_v.at[j]], ga0, sema0).wait()
            pltpu.make_async_copy(b_hbm.at[di_v.at[j]], gb0, semb0).wait()
            pltpu.make_async_copy(gc0, out_hbm.at[pl.ds(chunk0 * RPC, RPC)], semo0).wait()

            @pl.loop(0, RPC)
            def _(q):
                for m in range(8):
                    gc0[q, pl.ds(m * 16, 16)] = ga0[q * 8 + m] + gb0[q * 8 + m]

            pltpu.async_copy(gc0, out_hbm.at[pl.ds((chunk0 + j) * RPC, RPC)], semo0)

            @pl.when(j + 2 < CHUNKS_PER_TILE)
            def _():
                pltpu.async_copy(a_hbm.at[si_v.at[j + 2]], ga0, sema0)
                pltpu.async_copy(b_hbm.at[di_v.at[j + 2]], gb0, semb0)

            pltpu.make_async_copy(a_hbm.at[si_v.at[j + 1]], ga1, sema1).wait()
            pltpu.make_async_copy(b_hbm.at[di_v.at[j + 1]], gb1, semb1).wait()
            pltpu.make_async_copy(gc1, out_hbm.at[pl.ds(chunk0 * RPC, RPC)], semo1).wait()

            @pl.loop(0, RPC)
            def _(q):
                for m in range(8):
                    gc1[q, pl.ds(m * 16, 16)] = ga1[q * 8 + m] + gb1[q * 8 + m]

            pltpu.async_copy(gc1, out_hbm.at[pl.ds((chunk0 + j + 1) * RPC, RPC)], semo1)

        pltpu.make_async_copy(gc0, out_hbm.at[pl.ds(chunk0 * RPC, RPC)], semo0).wait()
        pltpu.make_async_copy(gc1, out_hbm.at[pl.ds(chunk0 * RPC, RPC)], semo1).wait()

    return k(A, B, src2, dst2)


def _ctx_call(x, W1, W3):
    nsteps = 10
    blk = N // nsteps

    def body(x_ref, w1_ref, w3_ref, o1_ref, o3_ref, acc_ref):
        i = pl.program_id(0)

        @pl.when(i == 0)
        def _():
            acc_ref[...] = jnp.zeros_like(acc_ref)

        xb = x_ref[...]
        acc_ref[...] += jnp.sum(xb.reshape(blk // 8, 8, HIDDEN), axis=0)

        @pl.when(i == nsteps - 1)
        def _():
            m = jnp.sum(acc_ref[...], axis=0, keepdims=True) * (1.0 / N)
            o1_ref[...] = jnp.dot(m, w1_ref[...], preferred_element_type=jnp.float32,
                                  precision=PREC)
            o3_ref[...] = jnp.dot(m, w3_ref[...], preferred_element_type=jnp.float32,
                                  precision=PREC)

    return pl.pallas_call(
        body,
        grid=(nsteps,),
        in_specs=[
            pl.BlockSpec((blk, HIDDEN), lambda i: (i, 0)),
            pl.BlockSpec((HIDDEN, EMBED), lambda i: (0, 0)),
            pl.BlockSpec((HIDDEN, EMBED), lambda i: (0, 0)),
        ],
        out_specs=[
            pl.BlockSpec((1, EMBED), lambda i: (0, 0)),
            pl.BlockSpec((1, EMBED), lambda i: (0, 0)),
        ],
        out_shape=[
            jax.ShapeDtypeStruct((1, EMBED), jnp.float32),
            jax.ShapeDtypeStruct((1, EMBED), jnp.float32),
        ],
        scratch_shapes=[pltpu.VMEM((8, HIDDEN), jnp.float32)],
        compiler_params=pltpu.CompilerParams(
            dimension_semantics=("arbitrary",)),
    )(x, W1, W3)


def _mm_call(h, Wcat):
    def body(h_ref, w_ref, o_ref):
        hb = h_ref[...]
        ht = jnp.dot(hb, w_ref[...], preferred_element_type=jnp.float32,
                     precision=PREC)
        for t in range(T):
            o_ref[t] = lax.slice(ht, (0, t * EMBED), (NBLK, (t + 1) * EMBED))

    return pl.pallas_call(
        body,
        grid=(NP // NBLK,),
        in_specs=[
            pl.BlockSpec((NBLK, EMBED), lambda i: (i, 0)),
            pl.BlockSpec((EMBED, T * EMBED), lambda i: (0, 0)),
        ],
        out_specs=pl.BlockSpec((T, NBLK, EMBED), lambda i: (0, i, 0)),
        out_shape=jax.ShapeDtypeStruct((T, NP, EMBED), jnp.float32),
    )(h, Wcat)


def _combine(agg_ref, deg_ref, ctx_ref, b_ref):
    a = agg_ref[0] + agg_ref[1]
    deg = deg_ref[0, :, 0] + deg_ref[1, :, 0]
    inv = 1.0 / jnp.maximum(deg, 1.0)
    return jnp.maximum(a * inv[:, None] + ctx_ref[...] + b_ref[...], 0.0)


def _combine_mm_call(agg2, deg2, ctx, b, Wcat):
    def body(agg_ref, deg_ref, ctx_ref, b_ref, w_ref, o_ref):
        hb = _combine(agg_ref, deg_ref, ctx_ref, b_ref)
        ht = jnp.dot(hb, w_ref[...], preferred_element_type=jnp.float32,
                     precision=PREC)
        for t in range(T):
            o_ref[t] = lax.slice(ht, (0, t * EMBED), (NBLK, (t + 1) * EMBED))

    return pl.pallas_call(
        body,
        grid=(NP // NBLK,),
        in_specs=[
            pl.BlockSpec((NC, NBLK, EMBED), lambda i: (0, i, 0)),
            pl.BlockSpec((NC, NBLK, 16), lambda i: (0, i, 0)),
            pl.BlockSpec((1, EMBED), lambda i: (0, 0)),
            pl.BlockSpec((1, EMBED), lambda i: (0, 0)),
            pl.BlockSpec((EMBED, T * EMBED), lambda i: (0, 0)),
        ],
        out_specs=pl.BlockSpec((T, NBLK, EMBED), lambda i: (0, i, 0)),
        out_shape=jax.ShapeDtypeStruct((T, NP, EMBED), jnp.float32),
    )(agg2, deg2, ctx, b, Wcat)


def _final_h_call(agg2, deg2, ctx, b, Wg_a, Wg_b):
    def body(agg_ref, deg_ref, ctx_ref, b_ref, wa_ref, wb_ref,
             h_ref, a_ref, b2_ref):
        hb = _combine(agg_ref, deg_ref, ctx_ref, b_ref)
        h_ref[...] = hb
        a_ref[...] = jnp.dot(hb, wa_ref[...], preferred_element_type=jnp.float32,
                             precision=PREC)
        b2_ref[...] = jnp.dot(hb, wb_ref[...], preferred_element_type=jnp.float32,
                              precision=PREC)

    return pl.pallas_call(
        body,
        grid=(NP // NBLK,),
        in_specs=[
            pl.BlockSpec((NC, NBLK, EMBED), lambda i: (0, i, 0)),
            pl.BlockSpec((NC, NBLK, 16), lambda i: (0, i, 0)),
            pl.BlockSpec((1, EMBED), lambda i: (0, 0)),
            pl.BlockSpec((1, EMBED), lambda i: (0, 0)),
            pl.BlockSpec((EMBED, 16), lambda i: (0, 0)),
            pl.BlockSpec((EMBED, 16), lambda i: (0, 0)),
        ],
        out_specs=[
            pl.BlockSpec((NBLK, EMBED), lambda i: (i, 0)),
            pl.BlockSpec((NBLK, 16), lambda i: (i, 0)),
            pl.BlockSpec((NBLK, 16), lambda i: (i, 0)),
        ],
        out_shape=[
            jax.ShapeDtypeStruct((NP, EMBED), jnp.float32),
            jax.ShapeDtypeStruct((NP, 16), jnp.float32),
            jax.ShapeDtypeStruct((NP, 16), jnp.float32),
        ],
    )(agg2, deg2, ctx, b, Wg_a, Wg_b)


def _node_pred_call(h, W_z, b_z):
    nblk = 200

    def body(h_ref, wz_ref, bz_ref, o_ref):
        logits = jnp.dot(h_ref[...], wz_ref[...], preferred_element_type=jnp.float32,
                         precision=PREC) + bz_ref[...]
        m = jnp.max(logits, axis=1, keepdims=True)
        sh = logits - m
        lse = jnp.log(jnp.sum(jnp.exp(sh), axis=1, keepdims=True))
        o_ref[...] = sh - lse

    return pl.pallas_call(
        body,
        grid=(N // nblk,),
        in_specs=[
            pl.BlockSpec((nblk, EMBED), lambda i: (i, 0)),
            pl.BlockSpec((EMBED, VOCAB), lambda i: (0, 0)),
            pl.BlockSpec((1, VOCAB), lambda i: (0, 0)),
        ],
        out_specs=pl.BlockSpec((nblk, VOCAB), lambda i: (i, 0)),
        out_shape=jax.ShapeDtypeStruct((N, VOCAB), jnp.float32),
    )(h, W_z, b_z)


def _edge_pred_call(eh2, bg128):
    blk = 400

    def body(eh_ref, bg_ref, o_ref):
        v = eh_ref[...] + bg_ref[...]
        col16 = lax.broadcasted_iota(jnp.int32, (blk, EMBED), 1) % 16
        valid = col16 < NSRT
        m = jnp.max(jnp.where(valid, v, -1e30), axis=1, keepdims=True)
        ex = jnp.where(valid, jnp.exp(v - m), 0.0)
        gi = lax.broadcasted_iota(jnp.int32, (EMBED, EMBED), 0) // 16
        gj = lax.broadcasted_iota(jnp.int32, (EMBED, EMBED), 1) // 16
        G = (gi == gj).astype(jnp.float32)
        gsum = jnp.dot(ex, G, preferred_element_type=jnp.float32, precision=PREC)
        res = (v - m) - jnp.log(gsum)
        parts = [lax.slice(res, (0, mm * 16), (blk, mm * 16 + NSRT))
                 for mm in range(8)]
        st = jnp.stack(parts, axis=1)
        o_ref[...] = st.reshape(blk * 8, NSRT)

    return pl.pallas_call(
        body,
        grid=(E // 8 // blk,),
        in_specs=[
            pl.BlockSpec((blk, EMBED), lambda i: (i, 0)),
            pl.BlockSpec((1, EMBED), lambda i: (0, 0)),
        ],
        out_specs=pl.BlockSpec((blk * 8, NSRT), lambda i: (i, 0)),
        out_shape=jax.ShapeDtypeStruct((E, NSRT), jnp.float32),
    )(eh2, bg128)


def kernel(x, tgt_x, tgt_edge_index, tgt_edge_type, embed_table,
           W_et1, W_cross1, b1, W_et3, W_cross3, b3, W_z, b_z, W_g, b_g):
    tok2 = (jnp.zeros((8, NP), jnp.int32).at[:3, :N].set(tgt_x.astype(jnp.int32).T)
            .reshape(8, NP // CHUNK, CHUNK).transpose(1, 0, 2)
            .reshape(8 * NP // CHUNK, CHUNK))
    src = tgt_edge_index[0].astype(jnp.int32)
    dst = tgt_edge_index[1].astype(jnp.int32)
    et = tgt_edge_type.astype(jnp.int32)
    pad = EP - E
    dump_rows = DUMP + jnp.arange(pad, dtype=jnp.int32) % (NP - N)
    src2 = jnp.concatenate([src, jnp.zeros((pad,), jnp.int32)]).reshape(EP // CHUNK, CHUNK)
    dst2 = jnp.concatenate([dst, dump_rows]).reshape(EP // CHUNK, CHUNK)
    et2 = jnp.concatenate([et, jnp.zeros((pad,), jnp.int32)]).reshape(EP // CHUNK, CHUNK)
    b1r = b1.reshape(1, EMBED)
    b3r = b3.reshape(1, EMBED)
    bzr = b_z.reshape(1, VOCAB)
    Wg_a = jnp.pad(W_g[:EMBED], ((0, 0), (0, 16 - NSRT)))
    Wg_b = jnp.pad(W_g[EMBED:], ((0, 0), (0, 16 - NSRT)))
    Wcat1 = W_et1.transpose(1, 0, 2).reshape(EMBED, T * EMBED)
    Wcat3 = W_et3.transpose(1, 0, 2).reshape(EMBED, T * EMBED)
    bg128 = jnp.tile(jnp.pad(b_g, (0, 16 - NSRT)), 8).reshape(1, EMBED)

    h0 = _embed_call(tok2, embed_table)
    deg2 = _deg_call(dst2)
    ctx1, ctx3 = _ctx_call(x, W_cross1, W_cross3)

    ht = _mm_call(h0, Wcat1)
    agg = _scatter_call(ht.reshape(T * NP, EMBED), src2, et2, dst2)
    ht = _combine_mm_call(agg, deg2, ctx1, b1r, Wcat1)
    agg = _scatter_call(ht.reshape(T * NP, EMBED), src2, et2, dst2)
    ht = _combine_mm_call(agg, deg2, ctx1, b1r, Wcat3)
    agg = _scatter_call(ht.reshape(T * NP, EMBED), src2, et2, dst2)

    h3, A, B = _final_h_call(agg, deg2, ctx3, b3r, Wg_a, Wg_b)
    node_pred = _node_pred_call(h3, W_z, bzr)
    eh2 = _edge_gather_call(A, B, src2, dst2)
    edge_pred = _edge_pred_call(eh2, bg128)

    return node_pred, edge_pred

# --- scband reference (transcript-rebuilt; emitter-appended) ---
"""Pipeline reference for scband-decoder-39599598469285 (READ-ONLY COPY).

The authoritative reference and input builder live on the scoring server;
editing this copy changes nothing except your own understanding.
"""

import jax, jax.numpy as jnp
import numpy as np

HIDDEN = 256
EMBED = 128
VOCAB = 1000
N_NODES = 10000
N_EDGES = 160000
N_SLT_ETYPES = 4   # CURRENT_CURRENT, PARENT_CHILD, GRANDPARENT_GRANDCHILD, LEFTBROTHER_RIGHTBROTHER
N_SRT_ETYPES = 7   # assumed len(SrtEdgeTypes)
TOK_PER_NODE = 3


def setup_inputs(seed: int = 0) -> dict:
    key = jax.random.key(seed)
    ks = jax.random.split(key, 16)
    inp = {}
    # forward args (fields of `data`)
    inp["x"] = jax.random.normal(ks[0], (N_NODES, HIDDEN), dtype=jnp.float32)
    inp["tgt_x"] = jax.random.randint(ks[1], (N_NODES, TOK_PER_NODE), 0, VOCAB)
    inp["tgt_edge_index"] = jax.random.randint(ks[2], (2, N_EDGES), 0, N_NODES)
    inp["tgt_edge_type"] = jax.random.randint(ks[3], (N_EDGES,), 0, N_SLT_ETYPES)
    # learned parameters
    inp["embed_table"] = jax.random.normal(ks[4], (VOCAB, EMBED), dtype=jnp.float32) * 0.02
    inp["W_et1"] = jax.random.normal(ks[5], (N_SLT_ETYPES, EMBED, EMBED), dtype=jnp.float32) * 0.05
    inp["W_cross1"] = jax.random.normal(ks[6], (HIDDEN, EMBED), dtype=jnp.float32) * 0.05
    inp["b1"] = jnp.zeros((EMBED,), dtype=jnp.float32)
    inp["W_et3"] = jax.random.normal(ks[7], (N_SLT_ETYPES, EMBED, EMBED), dtype=jnp.float32) * 0.05
    inp["W_cross3"] = jax.random.normal(ks[8], (HIDDEN, EMBED), dtype=jnp.float32) * 0.05
    inp["b3"] = jnp.zeros((EMBED,), dtype=jnp.float32)
    inp["W_z"] = jax.random.normal(ks[9], (EMBED, VOCAB), dtype=jnp.float32) * 0.05
    inp["b_z"] = jnp.zeros((VOCAB,), dtype=jnp.float32)
    inp["W_g"] = jax.random.normal(ks[10], (2 * EMBED, N_SRT_ETYPES), dtype=jnp.float32) * 0.05
    inp["b_g"] = jnp.zeros((N_SRT_ETYPES,), dtype=jnp.float32)
    return inp


def gcn_dec_layer(x, h, src, dst, etype, W_et, W_cross, b):
    # per-edge-type linear transform, gathered per edge
    Ht = jnp.einsum('nd,tde->tne', h, W_et)          # [T, N, EMBED]
    msgs = Ht[etype, src]                             # [E, EMBED] gather
    agg = jnp.zeros_like(h).at[dst].add(msgs)         # scatter-add
    deg = jnp.zeros((h.shape[0],), h.dtype).at[dst].add(1.0)
    agg = agg / jnp.maximum(deg, 1.0)[:, None]
    # cross term from encoder node features x
    ctx = jnp.mean(x, axis=0) @ W_cross               # [EMBED]
    return jax.nn.relu(agg + ctx[None, :] + b)


def reference(x, tgt_x, tgt_edge_index, tgt_edge_type, embed_table,
              W_et1, W_cross1, b1, W_et3, W_cross3, b3, W_z, b_z, W_g, b_g):
    src, dst = tgt_edge_index[0], tgt_edge_index[1]
    # out_x = sum of token embeddings per output node
    h = jnp.take(embed_table, tgt_x, axis=0).sum(axis=1)   # [N, EMBED]
    # training path of Decoder.forward: gcn1 applied twice (as in source), then gcn3
    h = gcn_dec_layer(x, h, src, dst, tgt_edge_type, W_et1, W_cross1, b1)
    h = gcn_dec_layer(x, h, src, dst, tgt_edge_type, W_et1, W_cross1, b1)
    h = gcn_dec_layer(x, h, src, dst, tgt_edge_type, W_et3, W_cross3, b3)
    # node predictions
    node_pred = jax.nn.log_softmax(h @ W_z + b_z, axis=1)  # [N, VOCAB]
    # edge predictions: out_x[edge_index].permute(1,0,2).flatten(1)
    ef = h[tgt_edge_index]                                  # [2, E, EMBED]
    ef = jnp.transpose(ef, (1, 0, 2)).reshape(tgt_edge_index.shape[1], 2 * EMBED)
    edge_pred = jax.nn.log_softmax(ef @ W_g + b_g, axis=1)  # [E, N_SRT_ETYPES]
    return (node_pred, edge_pred)

if __name__ == "__main__":
    import jax
    _d = setup_inputs()
    print(jax.jit(kernel)(*tuple(_d.values())))

</pallas_src>

<mosaic_0001>
#map = affine_map<(d0, d1) -> (0, 0)>
#map1 = affine_map<(d0, d1) -> (0, 0, 0)>
module attributes {stable_mosaic.version = 14 : i64} {
  func.func @k(%arg0: i32, %arg1: i32, %arg2: memref<1280x128xi32, #tpu.memory_space<hbm>>, %arg3: memref<2x10240x16xf32, #tpu.memory_space<hbm>>, %arg4: memref<10240x16xf32, #tpu.memory_space<vmem_shared>>, %arg5: memref<40x128xi32, #tpu.memory_space<vmem>>, %arg6: memref<128x16xf32, #tpu.memory_space<vmem>>, %arg7: memref<!tpu.dma_semaphore, #tpu.memory_space<semaphore_mem>>) attributes {dimension_semantics = [#tpu.dimension_semantics<core_parallel>, #tpu.dimension_semantics<subcore_parallel>], iteration_bounds = array<i64: 2, 16>, scalar_prefetch = 0 : i64, scratch_operands = 4 : i64, tpu.core_type = #tpu.core_type<sc_vector_subcore>, window_params = [{transform_indices = #map}, {transform_indices = #map1}]} {
    %mul3A = arith.constant 16 : i32
    %mul3A_0 = arith.muli %arg0, %mul3A : i32
    %add3A = arith.addi %mul3A_0, %arg1 : i32
    %mul3A_1 = arith.constant 40 : i32
    %mul3A_2 = arith.muli %add3A, %mul3A_1 : i32
    %dma_start3A = arith.constant 0 : i32
    %dma_start3A_3 = tpu.memref_slice %arg2[%mul3A_2, %dma_start3A] : memref<1280x128xi32, #tpu.memory_space<hbm>> -> memref<40x128xi32, #tpu.memory_space<hbm>>
    %dma_start3A_4 = arith.constant 0 : i32
    %dma_start3A_5 = tpu.memref_slice %arg2[%mul3A_2, %dma_start3A_4] : memref<1280x128xi32, #tpu.memory_space<hbm>> -> memref<40x128xi32, #tpu.memory_space<hbm>>
    tpu.enqueue_dma source(%dma_start3A_5 : memref<40x128xi32, #tpu.memory_space<hbm>>) target(%arg5 : memref<40x128xi32, #tpu.memory_space<vmem>>) target_semaphore(%arg7 : memref<!tpu.dma_semaphore, #tpu.memory_space<semaphore_mem>>)
    %scan3A = arith.constant 0 : i32
    %scan3A_6 = arith.constant 128 : i32
    %scan3A_7 = arith.addi %scan3A, %scan3A_6 : i32
    %scan3A_8 = arith.constant 1 : i32
    scf.for %scan3A_33 = %scan3A to %scan3A_7 step %scan3A_8  : i32 {
      %mul3A_34 = arith.constant 1 : i32
      %mul3A_35 = arith.muli %scan3A_33, %mul3A_34 : i32
      %add3A_36 = arith.constant 0 : i32
      %add3A_37 = arith.addi %add3A_36, %mul3A_35 : i32
      %broadcast_in_dim3A = arith.constant 0.000000e+00 : f32
      %broadcast_in_dim3A_38 = vector.broadcast %broadcast_in_dim3A : f32 to vector<16xf32>
      %swap3A = arith.index_cast %add3A_37 : i32 to index
      %swap3A_39 = arith.constant 0 : index
      %swap3A_40 = tpu.vector_load %arg6[%swap3A, %swap3A_39] {strides = array<i32>} : memref<128x16xf32, #tpu.memory_space<vmem>>, vector<1x16xf32>,
      %swap3A_41 = vector.shape_cast %swap3A_40 : vector<1x16xf32> to vector<16xf32>
      %swap3A_42 = vector.shape_cast %broadcast_in_dim3A_38 : vector<16xf32> to vector<1x16xf32>
      tpu.vector_store %arg6[%swap3A, %swap3A_39], %swap3A_42 {strides = array<i32>} : memref<128x16xf32, #tpu.memory_space<vmem>>, vector<1x16xf32>,
    }
    %scan3A_9 = arith.constant 128 : i32
    %scan3A_10 = arith.constant 0 : i32
    %scan3A_11 = arith.constant 5 : i32
    %scan3A_12 = arith.addi %scan3A_10, %scan3A_11 : i32
    %scan3A_13 = arith.constant 1 : i32
    scf.for %scan3A_33 = %scan3A_10 to %scan3A_12 step %scan3A_13  : i32 {
      %mul3A_34 = arith.constant 1 : i32
      %mul3A_35 = arith.muli %scan3A_33, %mul3A_34 : i32
      %add3A_36 = arith.constant 0 : i32
      %add3A_37 = arith.addi %add3A_36, %mul3A_35 : i32
      %mul3A_38 = arith.constant 640 : i32
      %mul3A_39 = arith.muli %arg1, %mul3A_38 : i32
      %mul3A_40 = arith.constant 128 : i32
      %mul3A_41 = arith.muli %add3A_37, %mul3A_40 : i32
      %add3A_42 = arith.addi %mul3A_39, %mul3A_41 : i32
      "tpu.region"() ({
        %run_scoped3A = tpu.sem_alloc : memref<!tpu.dma_semaphore, #tpu.memory_space<semaphore_mem>>
        %dma_start3A_43 = arith.constant 0 : i32
        %dma_start3A_44 = tpu.memref_slice %arg4[%add3A_42, %dma_start3A_43] : memref<10240x16xf32, #tpu.memory_space<vmem_shared>> -> memref<128x16xf32, #tpu.memory_space<vmem_shared>>
        %dma_start3A_45 = arith.constant 0 : i32
        %dma_start3A_46 = tpu.memref_slice %arg4[%add3A_42, %dma_start3A_45] : memref<10240x16xf32, #tpu.memory_space<vmem_shared>> -> memref<128x16xf32, #tpu.memory_space<vmem_shared>>
        tpu.enqueue_dma source(%arg6 : memref<128x16xf32, #tpu.memory_space<vmem>>) target(%dma_start3A_46 : memref<128x16xf32, #tpu.memory_space<vmem_shared>>) target_semaphore(%run_scoped3A : memref<!tpu.dma_semaphore, #tpu.memory_space<semaphore_mem>>)
        %dma_wait3A_47 = arith.constant 0 : i32
        %dma_wait3A_48 = tpu.memref_slice %arg4[%add3A_42, %dma_wait3A_47] : memref<10240x16xf32, #tpu.memory_space<vmem_shared>> -> memref<128x16xf32, #tpu.memory_space<vmem_shared>>
        %dma_wait3A_49 = arith.constant 0 : i32
        %dma_wait3A_50 = tpu.memref_slice %arg4[%add3A_42, %dma_wait3A_49] : memref<10240x16xf32, #tpu.memory_space<vmem_shared>> -> memref<128x16xf32, #tpu.memory_space<vmem_shared>>
        tpu.wait_dma2 semaphore(%run_scoped3A : memref<!tpu.dma_semaphore, #tpu.memory_space<semaphore_mem>>) src(%arg6 : memref<128x16xf32, #tpu.memory_space<vmem>>) dst(%dma_wait3A_50 : memref<128x16xf32, #tpu.memory_space<vmem_shared>>)
        tpu.yield
      }) : () -> ()
    }
    %scan3A_14 = arith.constant 5 : i32
    %scan3A_15 = arith.constant 0 : i32
    %scan3A_16 = arith.constant 128 : i32
    %scan3A_17 = arith.addi %scan3A_15, %scan3A_16 : i32
    %scan3A_18 = arith.constant 1 : i32
    scf.for %scan3A_33 = %scan3A_15 to %scan3A_17 step %scan3A_18  : i32 {
      %mul3A_34 = arith.constant 1 : i32
      %mul3A_35 = arith.muli %scan3A_33, %mul3A_34 : i32
      %add3A_36 = arith.constant 0 : i32
      %add3A_37 = arith.addi %add3A_36, %mul3A_35 : i32
      %broadcast_in_dim3A = arith.constant 1.000000e+00 : f32
      %broadcast_in_dim3A_38 = vector.broadcast %broadcast_in_dim3A : f32 to vector<16xf32>
      %swap3A = arith.index_cast %add3A_37 : i32 to index
      %swap3A_39 = arith.constant 0 : index
      %swap3A_40 = tpu.vector_load %arg6[%swap3A, %swap3A_39] {strides = array<i32>} : memref<128x16xf32, #tpu.memory_space<vmem>>, vector<1x16xf32>,
      %swap3A_41 = vector.shape_cast %swap3A_40 : vector<1x16xf32> to vector<16xf32>
      %swap3A_42 = vector.shape_cast %broadcast_in_dim3A_38 : vector<16xf32> to vector<1x16xf32>
      tpu.vector_store %arg6[%swap3A, %swap3A_39], %swap3A_42 {strides = array<i32>} : memref<128x16xf32, #tpu.memory_space<vmem>>, vector<1x16xf32>,
    }
    %scan3A_19 = arith.constant 128 : i32
    %dma_wait3A = arith.constant 0 : i32
    %dma_wait3A_20 = tpu.memref_slice %arg2[%mul3A_2, %dma_wait3A] : memref<1280x128xi32, #tpu.memory_space<hbm>> -> memref<40x128xi32, #tpu.memory_space<hbm>>
    %dma_wait3A_21 = arith.constant 0 : i32
    %dma_wait3A_22 = tpu.memref_slice %arg2[%mul3A_2, %dma_wait3A_21] : memref<1280x128xi32, #tpu.memory_space<hbm>> -> memref<40x128xi32, #tpu.memory_space<hbm>>
    tpu.wait_dma2 semaphore(%arg7 : memref<!tpu.dma_semaphore, #tpu.memory_space<semaphore_mem>>) src(%dma_wait3A_22 : memref<40x128xi32, #tpu.memory_space<hbm>>) dst(%arg5 : memref<40x128xi32, #tpu.memory_space<vmem>>)
    %barrier3A = arith.constant 0 : index
    tpu.barrier barrier_id(%barrier3A)
    %scan3A_23 = arith.constant 0 : i32
    %scan3A_24 = arith.constant 10 : i32
    %scan3A_25 = arith.addi %scan3A_23, %scan3A_24 : i32
    %scan3A_26 = arith.constant 1 : i32
    scf.for %scan3A_33 = %scan3A_23 to %scan3A_25 step %scan3A_26  : i32 {
      %mul3A_34 = arith.constant 4 : i32
      %mul3A_35 = arith.muli %scan3A_33, %mul3A_34 : i32
      %add3A_36 = arith.constant 0 : i32
      %add3A_37 = arith.addi %add3A_36, %mul3A_35 : i32
      %add3A_38 = arith.constant 0 : i32
      %add3A_39 = arith.addi %add3A_37, %add3A_38 : i32
      %dma_start3A_40 = arith.constant 0 : i32
      %dma_start3A_41 = tpu.memref_slice %arg5[%add3A_39, %dma_start3A_40] : memref<40x128xi32, #tpu.memory_space<vmem>> -> memref<1x128xi32, #tpu.memory_space<vmem>>
      %dma_start3A_42 = tpu.memref_squeeze %dma_start3A_41 : memref<1x128xi32, #tpu.memory_space<vmem>> -> memref<128xi32, #tpu.memory_space<vmem>>
      %dma_start3A_43 = arith.constant 0 : i32
      %dma_start3A_44 = arith.constant 0 : i32
      %dma_start3A_45 = tpu.memref_slice %arg4[%dma_start3A_43, %dma_start3A_44] : memref<10240x16xf32, #tpu.memory_space<vmem_shared>> -> memref<10240x16xf32, #tpu.memory_space<vmem_shared>>
      tpu.enqueue_indirect_dma source(%arg6 : memref<128x16xf32, #tpu.memory_space<vmem>>) target(%dma_start3A_45 : memref<10240x16xf32, #tpu.memory_space<vmem_shared>>) offsets(%dma_start3A_42 : memref<128xi32, #tpu.memory_space<vmem>>) semaphore(%arg7 : memref<!tpu.dma_semaphore, #tpu.memory_space<semaphore_mem>>) {add = true}
      %add3A_46 = arith.constant 1 : i32
      %add3A_47 = arith.addi %add3A_37, %add3A_46 : i32
      %dma_start3A_48 = arith.constant 0 : i32
      %dma_start3A_49 = tpu.memref_slice %arg5[%add3A_47, %dma_start3A_48] : memref<40x128xi32, #tpu.memory_space<vmem>> -> memref<1x128xi32, #tpu.memory_space<vmem>>
      %dma_start3A_50 = tpu.memref_squeeze %dma_start3A_49 : memref<1x128xi32, #tpu.memory_space<vmem>> -> memref<128xi32, #tpu.memory_space<vmem>>
      %dma_start3A_51 = arith.constant 0 : i32
      %dma_start3A_52 = arith.constant 0 : i32
      %dma_start3A_53 = tpu.memref_slice %arg4[%dma_start3A_51, %dma_start3A_52] : memref<10240x16xf32, #tpu.memory_space<vmem_shared>> -> memref<10240x16xf32, #tpu.memory_space<vmem_shared>>
      tpu.enqueue_indirect_dma source(%arg6 : memref<128x16xf32, #tpu.memory_space<vmem>>) target(%dma_start3A_53 : memref<10240x16xf32, #tpu.memory_space<vmem_shared>>) offsets(%dma_start3A_50 : memref<128xi32, #tpu.memory_space<vmem>>) semaphore(%arg7 : memref<!tpu.dma_semaphore, #tpu.memory_space<semaphore_mem>>) {add = true}
      %add3A_54 = arith.constant 2 : i32
      %add3A_55 = arith.addi %add3A_37, %add3A_54 : i32
      %dma_start3A_56 = arith.constant 0 : i32
      %dma_start3A_57 = tpu.memref_slice %arg5[%add3A_55, %dma_start3A_56] : memref<40x128xi32, #tpu.memory_space<vmem>> -> memref<1x128xi32, #tpu.memory_space<vmem>>
      %dma_start3A_58 = tpu.memref_squeeze %dma_start3A_57 : memref<1x128xi32, #tpu.memory_space<vmem>> -> memref<128xi32, #tpu.memory_space<vmem>>
      %dma_start3A_59 = arith.constant 0 : i32
      %dma_start3A_60 = arith.constant 0 : i32
      %dma_start3A_61 = tpu.memref_slice %arg4[%dma_start3A_59, %dma_start3A_60] : memref<10240x16xf32, #tpu.memory_space<vmem_shared>> -> memref<10240x16xf32, #tpu.memory_space<vmem_shared>>
      tpu.enqueue_indirect_dma source(%arg6 : memref<128x16xf32, #tpu.memory_space<vmem>>) target(%dma_start3A_61 : memref<10240x16xf32, #tpu.memory_space<vmem_shared>>) offsets(%dma_start3A_58 : memref<128xi32, #tpu.memory_space<vmem>>) semaphore(%arg7 : memref<!tpu.dma_semaphore, #tpu.memory_space<semaphore_mem>>) {add = true}
      %add3A_62 = arith.constant 3 : i32
      %add3A_63 = arith.addi %add3A_37, %add3A_62 : i32
      %dma_start3A_64 = arith.constant 0 : i32
      %dma_start3A_65 = tpu.memref_slice %arg5[%add3A_63, %dma_start3A_64] : memref<40x128xi32, #tpu.memory_space<vmem>> -> memref<1x128xi32, #tpu.memory_space<vmem>>
      %dma_start3A_66 = tpu.memref_squeeze %dma_start3A_65 : memref<1x128xi32, #tpu.memory_space<vmem>> -> memref<128xi32, #tpu.memory_space<vmem>>
      %dma_start3A_67 = arith.constant 0 : i32
      %dma_start3A_68 = arith.constant 0 : i32
      %dma_start3A_69 = tpu.memref_slice %arg4[%dma_start3A_67, %dma_start3A_68] : memref<10240x16xf32, #tpu.memory_space<vmem_shared>> -> memref<10240x16xf32, #tpu.memory_space<vmem_shared>>
      tpu.enqueue_indirect_dma source(%arg6 : memref<128x16xf32, #tpu.memory_space<vmem>>) target(%dma_start3A_69 : memref<10240x16xf32, #tpu.memory_space<vmem_shared>>) offsets(%dma_start3A_66 : memref<128xi32, #tpu.memory_space<vmem>>) semaphore(%arg7 : memref<!tpu.dma_semaphore, #tpu.memory_space<semaphore_mem>>) {add = true}
      %dma_wait3A_70 = arith.constant 0 : i32
      %dma_wait3A_71 = arith.constant 0 : i32
      %dma_wait3A_72 = tpu.memref_slice %arg5[%dma_wait3A_70, %dma_wait3A_71] : memref<40x128xi32, #tpu.memory_space<vmem>> -> memref<1x128xi32, #tpu.memory_space<vmem>>
      %dma_wait3A_73 = tpu.memref_squeeze %dma_wait3A_72 : memref<1x128xi32, #tpu.memory_space<vmem>> -> memref<128xi32, #tpu.memory_space<vmem>>
      %dma_wait3A_74 = arith.constant 0 : i32
      %dma_wait3A_75 = arith.constant 0 : i32
      %dma_wait3A_76 = tpu.memref_slice %arg4[%dma_wait3A_74, %dma_wait3A_75] : memref<10240x16xf32, #tpu.memory_space<vmem_shared>> -> memref<10240x16xf32, #tpu.memory_space<vmem_shared>>
      tpu.wait_indirect_dma semaphore(%arg7 : memref<!tpu.dma_semaphore, #tpu.memory_space<semaphore_mem>>) src(%arg6 : memref<128x16xf32, #tpu.memory_space<vmem>>) dst(%dma_wait3A_76 : memref<10240x16xf32, #tpu.memory_space<vmem_shared>>)
      %dma_wait3A_77 = arith.constant 0 : i32
      %dma_wait3A_78 = arith.constant 0 : i32
      %dma_wait3A_79 = tpu.memref_slice %arg5[%dma_wait3A_77, %dma_wait3A_78] : memref<40x128xi32, #tpu.memory_space<vmem>> -> memref<1x128xi32, #tpu.memory_space<vmem>>
      %dma_wait3A_80 = tpu.memref_squeeze %dma_wait3A_79 : memref<1x128xi32, #tpu.memory_space<vmem>> -> memref<128xi32, #tpu.memory_space<vmem>>
      %dma_wait3A_81 = arith.constant 0 : i32
      %dma_wait3A_82 = arith.constant 0 : i32
      %dma_wait3A_83 = tpu.memref_slice %arg4[%dma_wait3A_81, %dma_wait3A_82] : memref<10240x16xf32, #tpu.memory_space<vmem_shared>> -> memref<10240x16xf32, #tpu.memory_space<vmem_shared>>
      tpu.wait_indirect_dma semaphore(%arg7 : memref<!tpu.dma_semaphore, #tpu.memory_space<semaphore_mem>>) src(%arg6 : memref<128x16xf32, #tpu.memory_space<vmem>>) dst(%dma_wait3A_83 : memref<10240x16xf32, #tpu.memory_space<vmem_shared>>)
      %dma_wait3A_84 = arith.constant 0 : i32
      %dma_wait3A_85 = arith.constant 0 : i32
      %dma_wait3A_86 = tpu.memref_slice %arg5[%dma_wait3A_84, %dma_wait3A_85] : memref<40x128xi32, #tpu.memory_space<vmem>> -> memref<1x128xi32, #tpu.memory_space<vmem>>
      %dma_wait3A_87 = tpu.memref_squeeze %dma_wait3A_86 : memref<1x128xi32, #tpu.memory_space<vmem>> -> memref<128xi32, #tpu.memory_space<vmem>>
      %dma_wait3A_88 = arith.constant 0 : i32
      %dma_wait3A_89 = arith.constant 0 : i32
      %dma_wait3A_90 = tpu.memref_slice %arg4[%dma_wait3A_88, %dma_wait3A_89] : memref<10240x16xf32, #tpu.memory_space<vmem_shared>> -> memref<10240x16xf32, #tpu.memory_space<vmem_shared>>
      tpu.wait_indirect_dma semaphore(%arg7 : memref<!tpu.dma_semaphore, #tpu.memory_space<semaphore_mem>>) src(%arg6 : memref<128x16xf32, #tpu.memory_space<vmem>>) dst(%dma_wait3A_90 : memref<10240x16xf32, #tpu.memory_space<vmem_shared>>)
      %dma_wait3A_91 = arith.constant 0 : i32
      %dma_wait3A_92 = arith.constant 0 : i32
      %dma_wait3A_93 = tpu.memref_slice %arg5[%dma_wait3A_91, %dma_wait3A_92] : memref<40x128xi32, #tpu.memory_space<vmem>> -> memref<1x128xi32, #tpu.memory_space<vmem>>
      %dma_wait3A_94 = tpu.memref_squeeze %dma_wait3A_93 : memref<1x128xi32, #tpu.memory_space<vmem>> -> memref<128xi32, #tpu.memory_space<vmem>>
      %dma_wait3A_95 = arith.constant 0 : i32
      %dma_wait3A_96 = arith.constant 0 : i32
      %dma_wait3A_97 = tpu.memref_slice %arg4[%dma_wait3A_95, %dma_wait3A_96] : memref<10240x16xf32, #tpu.memory_space<vmem_shared>> -> memref<10240x16xf32, #tpu.memory_space<vmem_shared>>
      tpu.wait_indirect_dma semaphore(%arg7 : memref<!tpu.dma_semaphore, #tpu.memory_space<semaphore_mem>>) src(%arg6 : memref<128x16xf32, #tpu.memory_space<vmem>>) dst(%dma_wait3A_97 : memref<10240x16xf32, #tpu.memory_space<vmem_shared>>)
    }
    %scan3A_27 = arith.constant 10 : i32
    %barrier3A_28 = arith.constant 0 : index
    tpu.barrier barrier_id(%barrier3A_28)
    %mul3A_29 = arith.constant 640 : i32
    %mul3A_30 = arith.muli %arg1, %mul3A_29 : i32
    %mul3A_31 = arith.constant 640 : i32
    %mul3A_32 = arith.muli %arg1, %mul3A_31 : i32
    "tpu.region"() ({
      %run_scoped3A = tpu.sem_alloc : memref<!tpu.dma_semaphore, #tpu.memory_space<semaphore_mem>>
      %dma_start3A_33 = arith.constant 0 : i32
      %dma_start3A_34 = tpu.memref_slice %arg3[%arg0, %mul3A_32, %dma_start3A_33] : memref<2x10240x16xf32, #tpu.memory_space<hbm>> -> memref<1x640x16xf32, #tpu.memory_space<hbm>>
      %dma_start3A_35 = tpu.memref_squeeze %dma_start3A_34 : memref<1x640x16xf32, #tpu.memory_space<hbm>> -> memref<640x16xf32, #tpu.memory_space<hbm>>
      %dma_start3A_36 = arith.constant 0 : i32
      %dma_start3A_37 = tpu.memref_slice %arg4[%mul3A_30, %dma_start3A_36] : memref<10240x16xf32, #tpu.memory_space<vmem_shared>> -> memref<640x16xf32, #tpu.memory_space<vmem_shared>>
      tpu.enqueue_dma source(%dma_start3A_37 : memref<640x16xf32, #tpu.memory_space<vmem_shared>>) target(%dma_start3A_35 : memref<640x16xf32, #tpu.memory_space<hbm>>) target_semaphore(%run_scoped3A : memref<!tpu.dma_semaphore, #tpu.memory_space<semaphore_mem>>)
      %dma_wait3A_38 = arith.constant 0 : i32
      %dma_wait3A_39 = tpu.memref_slice %arg3[%arg0, %mul3A_32, %dma_wait3A_38] : memref<2x10240x16xf32, #tpu.memory_space<hbm>> -> memref<1x640x16xf32, #tpu.memory_space<hbm>>
      %dma_wait3A_40 = tpu.memref_squeeze %dma_wait3A_39 : memref<1x640x16xf32, #tpu.memory_space<hbm>> -> memref<640x16xf32, #tpu.memory_space<hbm>>
      %dma_wait3A_41 = arith.constant 0 : i32
      %dma_wait3A_42 = tpu.memref_slice %arg4[%mul3A_30, %dma_wait3A_41] : memref<10240x16xf32, #tpu.memory_space<vmem_shared>> -> memref<640x16xf32, #tpu.memory_space<vmem_shared>>
      tpu.wait_dma2 semaphore(%run_scoped3A : memref<!tpu.dma_semaphore, #tpu.memory_space<semaphore_mem>>) src(%dma_wait3A_42 : memref<640x16xf32, #tpu.memory_space<vmem_shared>>) dst(%dma_wait3A_40 : memref<640x16xf32, #tpu.memory_space<hbm>>)
      tpu.yield
    }) : () -> ()
    return
  }
}

#map = affine_map<(d0, d1) -> (0, 0)>
#map1 = affine_map<(d0, d1) -> (0, 0, 0)>
module attributes {stable_mosaic.version = 14 : i64} {
  func.func @k(%arg0: i32, %arg1: i32, %arg2: memref<40960x128xf32, #tpu.memory_space<hbm>>, %arg3: memref<1280x128xi32, #tpu.memory_space<hbm>>, %arg4: memref<1280x128xi32, #tpu.memory_space<hbm>>, %arg5: memref<1280x128xi32, #tpu.memory_space<hbm>>, %arg6: memref<2x10240x128xf32, #tpu.memory_space<hbm>>, %arg7: memref<10240x128xf32, #tpu.memory_space<vmem_shared>>, %arg8: memref<40x128xi32, #tpu.memory_space<vmem>>, %arg9: memref<40x128xi32, #tpu.memory_space<vmem>>, %arg10: memref<40x128xi32, #tpu.memory_space<vmem>>, %arg11: memref<128x128xf32, #tpu.memory_space<vmem>>, %arg12: memref<128x128xf32, #tpu.memory_space<vmem>>, %arg13: memref<!tpu.dma_semaphore, #tpu.memory_space<semaphore_mem>>, %arg14: memref<!tpu.dma_semaphore, #tpu.memory_space<semaphore_mem>>, %arg15: memref<!tpu.dma_semaphore, #tpu.memory_space<semaphore_mem>>, %arg16: memref<!tpu.dma_semaphore, #tpu.memory_space<semaphore_mem>>) attributes {dimension_semantics = [#tpu.dimension_semantics<core_parallel>, #tpu.dimension_semantics<subcore_parallel>], iteration_bounds = array<i64: 2, 16>, scalar_prefetch = 0 : i64, scratch_operands = 10 : i64, tpu.core_type = #tpu.core_type<sc_vector_subcore>, window_params = [{transform_indices = #map}, {transform_indices = #map}, {transform_indices = #map}, {transform_indices = #map}, {transform_indices = #map1}]} {
    %mul3A = arith.constant 16 : i32
    %mul3A_0 = arith.muli %arg0, %mul3A : i32
    %add3A = arith.addi %mul3A_0, %arg1 : i32
    %mul3A_1 = arith.constant 40 : i32
    %mul3A_2 = arith.muli %add3A, %mul3A_1 : i32
    %dma_start3A = arith.constant 0 : i32
    %dma_start3A_3 = tpu.memref_slice %arg3[%mul3A_2, %dma_start3A] : memref<1280x128xi32, #tpu.memory_space<hbm>> -> memref<40x128xi32, #tpu.memory_space<hbm>>
    %dma_start3A_4 = arith.constant 0 : i32
    %dma_start3A_5 = tpu.memref_slice %arg3[%mul3A_2, %dma_start3A_4] : memref<1280x128xi32, #tpu.memory_space<hbm>> -> memref<40x128xi32, #tpu.memory_space<hbm>>
    tpu.enqueue_dma source(%dma_start3A_5 : memref<40x128xi32, #tpu.memory_space<hbm>>) target(%arg8 : memref<40x128xi32, #tpu.memory_space<vmem>>) target_semaphore(%arg14 : memref<!tpu.dma_semaphore, #tpu.memory_space<semaphore_mem>>)
    %dma_start3A_6 = arith.constant 0 : i32
    %dma_start3A_7 = tpu.memref_slice %arg4[%mul3A_2, %dma_start3A_6] : memref<1280x128xi32, #tpu.memory_space<hbm>> -> memref<40x128xi32, #tpu.memory_space<hbm>>
    %dma_start3A_8 = arith.constant 0 : i32
    %dma_start3A_9 = tpu.memref_slice %arg4[%mul3A_2, %dma_start3A_8] : memref<1280x128xi32, #tpu.memory_space<hbm>> -> memref<40x128xi32, #tpu.memory_space<hbm>>
    tpu.enqueue_dma source(%dma_start3A_9 : memref<40x128xi32, #tpu.memory_space<hbm>>) target(%arg9 : memref<40x128xi32, #tpu.memory_space<vmem>>) target_semaphore(%arg14 : memref<!tpu.dma_semaphore, #tpu.memory_space<semaphore_mem>>)
    %dma_start3A_10 = arith.constant 0 : i32
    %dma_start3A_11 = tpu.memref_slice %arg5[%mul3A_2, %dma_start3A_10] : memref<1280x128xi32, #tpu.memory_space<hbm>> -> memref<40x128xi32, #tpu.memory_space<hbm>>
    %dma_start3A_12 = arith.constant 0 : i32
    %dma_start3A_13 = tpu.memref_slice %arg5[%mul3A_2, %dma_start3A_12] : memref<1280x128xi32, #tpu.memory_space<hbm>> -> memref<40x128xi32, #tpu.memory_space<hbm>>
    tpu.enqueue_dma source(%dma_start3A_13 : memref<40x128xi32, #tpu.memory_space<hbm>>) target(%arg10 : memref<40x128xi32, #tpu.memory_space<vmem>>) target_semaphore(%arg14 : memref<!tpu.dma_semaphore, #tpu.memory_space<semaphore_mem>>)
    %scan3A = arith.constant 0 : i32
    %scan3A_14 = arith.constant 128 : i32
    %scan3A_15 = arith.addi %scan3A, %scan3A_14 : i32
    %scan3A_16 = arith.constant 1 : i32
    scf.for %scan3A_70 = %scan3A to %scan3A_15 step %scan3A_16  : i32 {
      %mul3A_71 = arith.constant 1 : i32
      %mul3A_72 = arith.muli %scan3A_70, %mul3A_71 : i32
      %add3A_73 = arith.constant 0 : i32
      %add3A_74 = arith.addi %add3A_73, %mul3A_72 : i32
      %broadcast_in_dim3A = arith.constant 0.000000e+00 : f32
      %broadcast_in_dim3A_75 = vector.broadcast %broadcast_in_dim3A : f32 to vector<16xf32>
      %swap3A = arith.index_cast %add3A_74 : i32 to index
      %swap3A_76 = arith.constant 0 : index
      %swap3A_77 = tpu.vector_load %arg11[%swap3A, %swap3A_76] {strides = array<i32>} : memref<128x128xf32, #tpu.memory_space<vmem>>, vector<1x16xf32>,
      %swap3A_78 = vector.shape_cast %swap3A_77 : vector<1x16xf32> to vector<16xf32>
      %swap3A_79 = vector.shape_cast %broadcast_in_dim3A_75 : vector<16xf32> to vector<1x16xf32>
      tpu.vector_store %arg11[%swap3A, %swap3A_76], %swap3A_79 {strides = array<i32>} : memref<128x128xf32, #tpu.memory_space<vmem>>, vector<1x16xf32>,
      %broadcast_in_dim3A_80 = arith.constant 0.000000e+00 : f32
      %broadcast_in_dim3A_81 = vector.broadcast %broadcast_in_dim3A_80 : f32 to vector<16xf32>
      %swap3A_82 = arith.index_cast %add3A_74 : i32 to index
      %swap3A_83 = arith.constant 0 : index
      %swap3A_84 = tpu.vector_load %arg12[%swap3A_82, %swap3A_83] {strides = array<i32>} : memref<128x128xf32, #tpu.memory_space<vmem>>, vector<1x16xf32>,
      %swap3A_85 = vector.shape_cast %swap3A_84 : vector<1x16xf32> to vector<16xf32>
      %swap3A_86 = vector.shape_cast %broadcast_in_dim3A_81 : vector<16xf32> to vector<1x16xf32>
      tpu.vector_store %arg12[%swap3A_82, %swap3A_83], %swap3A_86 {strides = array<i32>} : memref<128x128xf32, #tpu.memory_space<vmem>>, vector<1x16xf32>,
      %broadcast_in_dim3A_87 = arith.constant 0.000000e+00 : f32
      %broadcast_in_dim3A_88 = vector.broadcast %broadcast_in_dim3A_87 : f32 to vector<16xf32>
      %swap3A_89 = arith.index_cast %add3A_74 : i32 to index
      %swap3A_90 = arith.constant 16 : index
      %swap3A_91 = tpu.vector_load %arg11[%swap3A_89, %swap3A_90] {strides = array<i32>} : memref<128x128xf32, #tpu.memory_space<vmem>>, vector<1x16xf32>,
      %swap3A_92 = vector.shape_cast %swap3A_91 : vector<1x16xf32> to vector<16xf32>
      %swap3A_93 = vector.shape_cast %broadcast_in_dim3A_88 : vector<16xf32> to vector<1x16xf32>
      tpu.vector_store %arg11[%swap3A_89, %swap3A_90], %swap3A_93 {strides = array<i32>} : memref<128x128xf32, #tpu.memory_space<vmem>>, vector<1x16xf32>,
      %broadcast_in_dim3A_94 = arith.constant 0.000000e+00 : f32
      %broadcast_in_dim3A_95 = vector.broadcast %broadcast_in_dim3A_94 : f32 to vector<16xf32>
      %swap3A_96 = arith.index_cast %add3A_74 : i32 to index
      %swap3A_97 = arith.constant 16 : index
      %swap3A_98 = tpu.vector_load %arg12[%swap3A_96, %swap3A_97] {strides = array<i32>} : memref<128x128xf32, #tpu.memory_space<vmem>>, vector<1x16xf32>,
      %swap3A_99 = vector.shape_cast %swap3A_98 : vector<1x16xf32> to vector<16xf32>
      %swap3A_100 = vector.shape_cast %broadcast_in_dim3A_95 : vector<16xf32> to vector<1x16xf32>
      tpu.vector_store %arg12[%swap3A_96, %swap3A_97], %swap3A_100 {strides = array<i32>} : memref<128x128xf32, #tpu.memory_space<vmem>>, vector<1x16xf32>,
      %broadcast_in_dim3A_101 = arith.constant 0.000000e+00 : f32
      %broadcast_in_dim3A_102 = vector.broadcast %broadcast_in_dim3A_101 : f32 to vector<16xf32>
      %swap3A_103 = arith.index_cast %add3A_74 : i32 to index
      %swap3A_104 = arith.constant 32 : index
      %swap3A_105 = tpu.vector_load %arg11[%swap3A_103, %swap3A_104] {strides = array<i32>} : memref<128x128xf32, #tpu.memory_space<vmem>>, vector<1x16xf32>,
      %swap3A_106 = vector.shape_cast %swap3A_105 : vector<1x16xf32> to vector<16xf32>
      %swap3A_107 = vector.shape_cast %broadcast_in_dim3A_102 : vector<16xf32> to vector<1x16xf32>
      tpu.vector_store %arg11[%swap3A_103, %swap3A_104], %swap3A_107 {strides = array<i32>} : memref<128x128xf32, #tpu.memory_space<vmem>>, vector<1x16xf32>,
      %broadcast_in_dim3A_108 = arith.constant 0.000000e+00 : f32
      %broadcast_in_dim3A_109 = vector.broadcast %broadcast_in_dim3A_108 : f32 to vector<16xf32>
      %swap3A_110 = arith.index_cast %add3A_74 : i32 to index
      %swap3A_111 = arith.constant 32 : index
      %swap3A_112 = tpu.vector_load %arg12[%swap3A_110, %swap3A_111] {strides = array<i32>} : memref<128x128xf32, #tpu.memory_space<vmem>>, vector<1x16xf32>,
      %swap3A_113 = vector.shape_cast %swap3A_112 : vector<1x16xf32> to vector<16xf32>
      %swap3A_114 = vector.shape_cast %broadcast_in_dim3A_109 : vector<16xf32> to vector<1x16xf32>
      tpu.vector_store %arg12[%swap3A_110, %swap3A_111], %swap3A_114 {strides = array<i32>} : memref<128x128xf32, #tpu.memory_space<vmem>>, vector<1x16xf32>,
      %broadcast_in_dim3A_115 = arith.constant 0.000000e+00 : f32
      %broadcast_in_dim3A_116 = vector.broadcast %broadcast_in_dim3A_115 : f32 to vector<16xf32>
      %swap3A_117 = arith.index_cast %add3A_74 : i32 to index
      %swap3A_118 = arith.constant 48 : index
      %swap3A_119 = tpu.vector_load %arg11[%swap3A_117, %swap3A_118] {strides = array<i32>} : memref<128x128xf32, #tpu.memory_space<vmem>>, vector<1x16xf32>,
      %swap3A_120 = vector.shape_cast %swap3A_119 : vector<1x16xf32> to vector<16xf32>
      %swap3A_121 = vector.shape_cast %broadcast_in_dim3A_116 : vector<16xf32> to vector<1x16xf32>
      tpu.vector_store %arg11[%swap3A_117, %swap3A_118], %swap3A_121 {strides = array<i32>} : memref<128x128xf32, #tpu.memory_space<vmem>>, vector<1x16xf32>,
      %broadcast_in_dim3A_122 = arith.constant 0.000000e+00 : f32
      %broadcast_in_dim3A_123 = vector.broadcast %broadcast_in_dim3A_122 : f32 to vector<16xf32>
      %swap3A_124 = arith.index_cast %add3A_74 : i32 to index
      %swap3A_125 = arith.constant 48 : index
      %swap3A_126 = tpu.vector_load %arg12[%swap3A_124, %swap3A_125] {strides = array<i32>} : memref<128x128xf32, #tpu.memory_space<vmem>>, vector<1x16xf32>,
      %swap3A_127 = vector.shape_cast %swap3A_126 : vector<1x16xf32> to vector<16xf32>
      %swap3A_128 = vector.shape_cast %broadcast_in_dim3A_123 : vector<16xf32> to vector<1x16xf32>
      tpu.vector_store %arg12[%swap3A_124, %swap3A_125], %swap3A_128 {strides = array<i32>} : memref<128x128xf32, #tpu.memory_space<vmem>>, vector<1x16xf32>,
      %broadcast_in_dim3A_129 = arith.constant 0.000000e+00 : f32
      %broadcast_in_dim3A_130 = vector.broadcast %broadcast_in_dim3A_129 : f32 to vector<16xf32>
      %swap3A_131 = arith.index_cast %add3A_74 : i32 to index
      %swap3A_132 = arith.constant 64 : index
      %swap3A_133 = tpu.vector_load %arg11[%swap3A_131, %swap3A_132] {strides = array<i32>} : memref<128x128xf32, #tpu.memory_space<vmem>>, vector<1x16xf32>,
      %swap3A_134 = vector.shape_cast %swap3A_133 : vector<1x16xf32> to vector<16xf32>
      %swap3A_135 = vector.shape_cast %broadcast_in_dim3A_130 : vector<16xf32> to vector<1x16xf32>
      tpu.vector_store %arg11[%swap3A_131, %swap3A_132], %swap3A_135 {strides = array<i32>} : memref<128x128xf32, #tpu.memory_space<vmem>>, vector<1x16xf32>,
      %broadcast_in_dim3A_136 = arith.constant 0.000000e+00 : f32
      %broadcast_in_dim3A_137 = vector.broadcast %broadcast_in_dim3A_136 : f32 to vector<16xf32>
      %swap3A_138 = arith.index_cast %add3A_74 : i32 to index
      %swap3A_139 = arith.constant 64 : index
      %swap3A_140 = tpu.vector_load %arg12[%swap3A_138, %swap3A_139] {strides = array<i32>} : memref<128x128xf32, #tpu.memory_space<vmem>>, vector<1x16xf32>,
      %swap3A_141 = vector.shape_cast %swap3A_140 : vector<1x16xf32> to vector<16xf32>
      %swap3A_142 = vector.shape_cast %broadcast_in_dim3A_137 : vector<16xf32> to vector<1x16xf32>
      tpu.vector_store %arg12[%swap3A_138, %swap3A_139], %swap3A_142 {strides = array<i32>} : memref<128x128xf32, #tpu.memory_space<vmem>>, vector<1x16xf32>,
      %broadcast_in_dim3A_143 = arith.constant 0.000000e+00 : f32
      %broadcast_in_dim3A_144 = vector.broadcast %broadcast_in_dim3A_143 : f32 to vector<16xf32>
      %swap3A_145 = arith.index_cast %add3A_74 : i32 to index
      %swap3A_146 = arith.constant 80 : index
      %swap3A_147 = tpu.vector_load %arg11[%swap3A_145, %swap3A_146] {strides = array<i32>} : memref<128x128xf32, #tpu.memory_space<vmem>>, vector<1x16xf32>,
      %swap3A_148 = vector.shape_cast %swap3A_147 : vector<1x16xf32> to vector<16xf32>
      %swap3A_149 = vector.shape_cast %broadcast_in_dim3A_144 : vector<16xf32> to vector<1x16xf32>
      tpu.vector_store %arg11[%swap3A_145, %swap3A_146], %swap3A_149 {strides = array<i32>} : memref<128x128xf32, #tpu.memory_space<vmem>>, vector<1x16xf32>,
      %broadcast_in_dim3A_150 = arith.constant 0.000000e+00 : f32
      %broadcast_in_dim3A_151 = vector.broadcast %broadcast_in_dim3A_150 : f32 to vector<16xf32>
      %swap3A_152 = arith.index_cast %add3A_74 : i32 to index
      %swap3A_153 = arith.constant 80 : index
      %swap3A_154 = tpu.vector_load %arg12[%swap3A_152, %swap3A_153] {strides = array<i32>} : memref<128x128xf32, #tpu.memory_space<vmem>>, vector<1x16xf32>,
      %swap3A_155 = vector.shape_cast %swap3A_154 : vector<1x16xf32> to vector<16xf32>
      %swap3A_156 = vector.shape_cast %broadcast_in_dim3A_151 : vector<16xf32> to vector<1x16xf32>
      tpu.vector_store %arg12[%swap3A_152, %swap3A_153], %swap3A_156 {strides = array<i32>} : memref<128x128xf32, #tpu.memory_space<vmem>>, vector<1x16xf32>,
      %broadcast_in_dim3A_157 = arith.constant 0.000000e+00 : f32
      %broadcast_in_dim3A_158 = vector.broadcast %broadcast_in_dim3A_157 : f32 to vector<16xf32>
      %swap3A_159 = arith.index_cast %add3A_74 : i32 to index
      %swap3A_160 = arith.constant 96 : index
      %swap3A_161 = tpu.vector_load %arg11[%swap3A_159, %swap3A_160] {strides = array<i32>} : memref<128x128xf32, #tpu.memory_space<vmem>>, vector<1x16xf32>,
      %swap3A_162 = vector.shape_cast %swap3A_161 : vector<1x16xf32> to vector<16xf32>
      %swap3A_163 = vector.shape_cast %broadcast_in_dim3A_158 : vector<16xf32> to vector<1x16xf32>
      tpu.vector_store %arg11[%swap3A_159, %swap3A_160], %swap3A_163 {strides = array<i32>} : memref<128x128xf32, #tpu.memory_space<vmem>>, vector<1x16xf32>,
      %broadcast_in_dim3A_164 = arith.constant 0.000000e+00 : f32
      %broadcast_in_dim3A_165 = vector.broadcast %broadcast_in_dim3A_164 : f32 to vector<16xf32>
      %swap3A_166 = arith.index_cast %add3A_74 : i32 to index
      %swap3A_167 = arith.constant 96 : index
      %swap3A_168 = tpu.vector_load %arg12[%swap3A_166, %swap3A_167] {strides = array<i32>} : memref<128x128xf32, #tpu.memory_space<vmem>>, vector<1x16xf32>,
      %swap3A_169 = vector.shape_cast %swap3A_168 : vector<1x16xf32> to vector<16xf32>
      %swap3A_170 = vector.shape_cast %broadcast_in_dim3A_165 : vector<16xf32> to vector<1x16xf32>
      tpu.vector_store %arg12[%swap3A_166, %swap3A_167], %swap3A_170 {strides = array<i32>} : memref<128x128xf32, #tpu.memory_space<vmem>>, vector<1x16xf32>,
      %broadcast_in_dim3A_171 = arith.constant 0.000000e+00 : f32
      %broadcast_in_dim3A_172 = vector.broadcast %broadcast_in_dim3A_171 : f32 to vector<16xf32>
      %swap3A_173 = arith.index_cast %add3A_74 : i32 to index
      %swap3A_174 = arith.constant 112 : index
      %swap3A_175 = tpu.vector_load %arg11[%swap3A_173, %swap3A_174] {strides = array<i32>} : memref<128x128xf32, #tpu.memory_space<vmem>>, vector<1x16xf32>,
      %swap3A_176 = vector.shape_cast %swap3A_175 : vector<1x16xf32> to vector<16xf32>
      %swap3A_177 = vector.shape_cast %broadcast_in_dim3A_172 : vector<16xf32> to vector<1x16xf32>
      tpu.vector_store %arg11[%swap3A_173, %swap3A_174], %swap3A_177 {strides = array<i32>} : memref<128x128xf32, #tpu.memory_space<vmem>>, vector<1x16xf32>,
      %broadcast_in_dim3A_178 = arith.constant 0.000000e+00 : f32
      %broadcast_in_dim3A_179 = vector.broadcast %broadcast_in_dim3A_178 : f32 to vector<16xf32>
      %swap3A_180 = arith.index_cast %add3A_74 : i32 to index
      %swap3A_181 = arith.constant 112 : index
      %swap3A_182 = tpu.vector_load %arg12[%swap3A_180, %swap3A_181] {strides = array<i32>} : memref<128x128xf32, #tpu.memory_space<vmem>>, vector<1x16xf32>,
      %swap3A_183 = vector.shape_cast %swap3A_182 : vector<1x16xf32> to vector<16xf32>
      %swap3A_184 = vector.shape_cast %broadcast_in_dim3A_179 : vector<16xf32> to vector<1x16xf32>
      tpu.vector_store %arg12[%swap3A_180, %swap3A_181], %swap3A_184 {strides = array<i32>} : memref<128x128xf32, #tpu.memory_space<vmem>>, vector<1x16xf32>,
    }
    %scan3A_17 = arith.constant 128 : i32
    %scan3A_18 = arith.constant 0 : i32
    %scan3A_19 = arith.constant 5 : i32
    %scan3A_20 = arith.addi %scan3A_18, %scan3A_19 : i32
    %scan3A_21 = arith.constant 1 : i32
    scf.for %scan3A_70 = %scan3A_18 to %scan3A_20 step %scan3A_21  : i32 {
      %mul3A_71 = arith.constant 1 : i32
      %mul3A_72 = arith.muli %scan3A_70, %mul3A_71 : i32
      %add3A_73 = arith.constant 0 : i32
      %add3A_74 = arith.addi %add3A_73, %mul3A_72 : i32
      %mul3A_75 = arith.constant 640 : i32
      %mul3A_76 = arith.muli %arg1, %mul3A_75 : i32
      %mul3A_77 = arith.constant 128 : i32
      %mul3A_78 = arith.muli %add3A_74, %mul3A_77 : i32
      %add3A_79 = arith.addi %mul3A_76, %mul3A_78 : i32
      "tpu.region"() ({
        %run_scoped3A = tpu.sem_alloc : memref<!tpu.dma_semaphore, #tpu.memory_space<semaphore_mem>>
        %dma_start3A_80 = arith.constant 0 : i32
        %dma_start3A_81 = tpu.memref_slice %arg7[%add3A_79, %dma_start3A_80] : memref<10240x128xf32, #tpu.memory_space<vmem_shared>> -> memref<128x128xf32, #tpu.memory_space<vmem_shared>>
        %dma_start3A_82 = arith.constant 0 : i32
        %dma_start3A_83 = tpu.memref_slice %arg7[%add3A_79, %dma_start3A_82] : memref<10240x128xf32, #tpu.memory_space<vmem_shared>> -> memref<128x128xf32, #tpu.memory_space<vmem_shared>>
        tpu.enqueue_dma source(%arg11 : memref<128x128xf32, #tpu.memory_space<vmem>>) target(%dma_start3A_83 : memref<128x128xf32, #tpu.memory_space<vmem_shared>>) target_semaphore(%run_scoped3A : memref<!tpu.dma_semaphore, #tpu.memory_space<semaphore_mem>>)
        %dma_wait3A_84 = arith.constant 0 : i32
        %dma_wait3A_85 = tpu.memref_slice %arg7[%add3A_79, %dma_wait3A_84] : memref<10240x128xf32, #tpu.memory_space<vmem_shared>> -> memref<128x128xf32, #tpu.memory_space<vmem_shared>>
        %dma_wait3A_86 = arith.constant 0 : i32
        %dma_wait3A_87 = tpu.memref_slice %arg7[%add3A_79, %dma_wait3A_86] : memref<10240x128xf32, #tpu.memory_space<vmem_shared>> -> memref<128x128xf32, #tpu.memory_space<vmem_shared>>
        tpu.wait_dma2 semaphore(%run_scoped3A : memref<!tpu.dma_semaphore, #tpu.memory_space<semaphore_mem>>) src(%arg11 : memref<128x128xf32, #tpu.memory_space<vmem>>) dst(%dma_wait3A_87 : memref<128x128xf32, #tpu.memory_space<vmem_shared>>)
        tpu.yield
      }) : () -> ()
    }
    %scan3A_22 = arith.constant 5 : i32
    %dma_wait3A = arith.constant 0 : i32
    %dma_wait3A_23 = tpu.memref_slice %arg3[%mul3A_2, %dma_wait3A] : memref<1280x128xi32, #tpu.memory_space<hbm>> -> memref<40x128xi32, #tpu.memory_space<hbm>>
    %dma_wait3A_24 = arith.constant 0 : i32
    %dma_wait3A_25 = tpu.memref_slice %arg3[%mul3A_2, %dma_wait3A_24] : memref<1280x128xi32, #tpu.memory_space<hbm>> -> memref<40x128xi32, #tpu.memory_space<hbm>>
    tpu.wait_dma2 semaphore(%arg14 : memref<!tpu.dma_semaphore, #tpu.memory_space<semaphore_mem>>) src(%dma_wait3A_25 : memref<40x128xi32, #tpu.memory_space<hbm>>) dst(%arg8 : memref<40x128xi32, #tpu.memory_space<vmem>>)
    %dma_wait3A_26 = arith.constant 0 : i32
    %dma_wait3A_27 = tpu.memref_slice %arg4[%mul3A_2, %dma_wait3A_26] : memref<1280x128xi32, #tpu.memory_space<hbm>> -> memref<40x128xi32, #tpu.memory_space<hbm>>
    %dma_wait3A_28 = arith.constant 0 : i32
    %dma_wait3A_29 = tpu.memref_slice %arg4[%mul3A_2, %dma_wait3A_28] : memref<1280x128xi32, #tpu.memory_space<hbm>> -> memref<40x128xi32, #tpu.memory_space<hbm>>
    tpu.wait_dma2 semaphore(%arg14 : memref<!tpu.dma_semaphore, #tpu.memory_space<semaphore_mem>>) src(%dma_wait3A_29 : memref<40x128xi32, #tpu.memory_space<hbm>>) dst(%arg9 : memref<40x128xi32, #tpu.memory_space<vmem>>)
    %dma_wait3A_30 = arith.constant 0 : i32
    %dma_wait3A_31 = tpu.memref_slice %arg5[%mul3A_2, %dma_wait3A_30] : memref<1280x128xi32, #tpu.memory_space<hbm>> -> memref<40x128xi32, #tpu.memory_space<hbm>>
    %dma_wait3A_32 = arith.constant 0 : i32
    %dma_wait3A_33 = tpu.memref_slice %arg5[%mul3A_2, %dma_wait3A_32] : memref<1280x128xi32, #tpu.memory_space<hbm>> -> memref<40x128xi32, #tpu.memory_space<hbm>>
    tpu.wait_dma2 semaphore(%arg14 : memref<!tpu.dma_semaphore, #tpu.memory_space<semaphore_mem>>) src(%dma_wait3A_33 : memref<40x128xi32, #tpu.memory_space<hbm>>) dst(%arg10 : memref<40x128xi32, #tpu.memory_space<vmem>>)
    %scan3A_34 = arith.constant 0 : i32
    %scan3A_35 = arith.constant 40 : i32
    %scan3A_36 = arith.addi %scan3A_34, %scan3A_35 : i32
    %scan3A_37 = arith.constant 1 : i32
    scf.for %scan3A_70 = %scan3A_34 to %scan3A_36 step %scan3A_37  : i32 {
      %mul3A_71 = arith.constant 1 : i32
      %mul3A_72 = arith.muli %scan3A_70, %mul3A_71 : i32
      %add3A_73 = arith.constant 0 : i32
      %add3A_74 = arith.addi %add3A_73, %mul3A_72 : i32
      %get3A = arith.index_cast %add3A_74 : i32 to index
      %get3A_75 = arith.constant 0 : index
      %get3A_76 = tpu.vector_load %arg9[%get3A, %get3A_75] {strides = array<i32>} : memref<40x128xi32, #tpu.memory_space<vmem>>, vector<1x16xi32>,
      %get3A_77 = vector.shape_cast %get3A_76 : vector<1x16xi32> to vector<16xi32>
      %mul3A_78 = arith.constant 10240 : i32
      %mul3A_79 = vector.broadcast %mul3A_78 : i32 to vector<16xi32>
      %mul3A_80 = arith.muli %get3A_77, %mul3A_79 : vector<16xi32>
      %get3A_81 = arith.index_cast %add3A_74 : i32 to index
      %get3A_82 = arith.constant 0 : index
      %get3A_83 = tpu.vector_load %arg8[%get3A_81, %get3A_82] {strides = array<i32>} : memref<40x128xi32, #tpu.memory_space<vmem>>, vector<1x16xi32>,
      %get3A_84 = vector.shape_cast %get3A_83 : vector<1x16xi32> to vector<16xi32>
      %add3A_85 = arith.addi %mul3A_80, %get3A_84 : vector<16xi32>
      %swap3A = arith.index_cast %add3A_74 : i32 to index
      %swap3A_86 = arith.constant 0 : index
      %swap3A_87 = tpu.vector_load %arg8[%swap3A, %swap3A_86] {strides = array<i32>} : memref<40x128xi32, #tpu.memory_space<vmem>>, vector<1x16xi32>,
      %swap3A_88 = vector.shape_cast %swap3A_87 : vector<1x16xi32> to vector<16xi32>
      %swap3A_89 = vector.shape_cast %add3A_85 : vector<16xi32> to vector<1x16xi32>
      tpu.vector_store %arg8[%swap3A, %swap3A_86], %swap3A_89 {strides = array<i32>} : memref<40x128xi32, #tpu.memory_space<vmem>>, vector<1x16xi32>,
      %get3A_90 = arith.index_cast %add3A_74 : i32 to index
      %get3A_91 = arith.constant 16 : index
      %get3A_92 = tpu.vector_load %arg9[%get3A_90, %get3A_91] {strides = array<i32>} : memref<40x128xi32, #tpu.memory_space<vmem>>, vector<1x16xi32>,
      %get3A_93 = vector.shape_cast %get3A_92 : vector<1x16xi32> to vector<16xi32>
      %mul3A_94 = arith.constant 10240 : i32
      %mul3A_95 = vector.broadcast %mul3A_94 : i32 to vector<16xi32>
      %mul3A_96 = arith.muli %get3A_93, %mul3A_95 : vector<16xi32>
      %get3A_97 = arith.index_cast %add3A_74 : i32 to index
      %get3A_98 = arith.constant 16 : index
      %get3A_99 = tpu.vector_load %arg8[%get3A_97, %get3A_98] {strides = array<i32>} : memref<40x128xi32, #tpu.memory_space<vmem>>, vector<1x16xi32>,
      %get3A_100 = vector.shape_cast %get3A_99 : vector<1x16xi32> to vector<16xi32>
      %add3A_101 = arith.addi %mul3A_96, %get3A_100 : vector<16xi32>
      %swap3A_102 = arith.index_cast %add3A_74 : i32 to index
      %swap3A_103 = arith.constant 16 : index
      %swap3A_104 = tpu.vector_load %arg8[%swap3A_102, %swap3A_103] {strides = array<i32>} : memref<40x128xi32, #tpu.memory_space<vmem>>, vector<1x16xi32>,
      %swap3A_105 = vector.shape_cast %swap3A_104 : vector<1x16xi32> to vector<16xi32>
      %swap3A_106 = vector.shape_cast %add3A_101 : vector<16xi32> to vector<1x16xi32>
      tpu.vector_store %arg8[%swap3A_102, %swap3A_103], %swap3A_106 {strides = array<i32>} : memref<40x128xi32, #tpu.memory_space<vmem>>, vector<1x16xi32>,
      %get3A_107 = arith.index_cast %add3A_74 : i32 to index
      %get3A_108 = arith.constant 32 : index
      %get3A_109 = tpu.vector_load %arg9[%get3A_107, %get3A_108] {strides = array<i32>} : memref<40x128xi32, #tpu.memory_space<vmem>>, vector<1x16xi32>,
      %get3A_110 = vector.shape_cast %get3A_109 : vector<1x16xi32> to vector<16xi32>
      %mul3A_111 = arith.constant 10240 : i32
      %mul3A_112 = vector.broadcast %mul3A_111 : i32 to vector<16xi32>
      %mul3A_113 = arith.muli %get3A_110, %mul3A_112 : vector<16xi32>
      %get3A_114 = arith.index_cast %add3A_74 : i32 to index
      %get3A_115 = arith.constant 32 : index
      %get3A_116 = tpu.vector_load %arg8[%get3A_114, %get3A_115] {strides = array<i32>} : memref<40x128xi32, #tpu.memory_space<vmem>>, vector<1x16xi32>,
      %get3A_117 = vector.shape_cast %get3A_116 : vector<1x16xi32> to vector<16xi32>
      %add3A_118 = arith.addi %mul3A_113, %get3A_117 : vector<16xi32>
      %swap3A_119 = arith.index_cast %add3A_74 : i32 to index
      %swap3A_120 = arith.constant 32 : index
      %swap3A_121 = tpu.vector_load %arg8[%swap3A_119, %swap3A_120] {strides = array<i32>} : memref<40x128xi32, #tpu.memory_space<vmem>>, vector<1x16xi32>,
      %swap3A_122 = vector.shape_cast %swap3A_121 : vector<1x16xi32> to vector<16xi32>
      %swap3A_123 = vector.shape_cast %add3A_118 : vector<16xi32> to vector<1x16xi32>
      tpu.vector_store %arg8[%swap3A_119, %swap3A_120], %swap3A_123 {strides = array<i32>} : memref<40x128xi32, #tpu.memory_space<vmem>>, vector<1x16xi32>,
      %get3A_124 = arith.index_cast %add3A_74 : i32 to index
      %get3A_125 = arith.constant 48 : index
      %get3A_126 = tpu.vector_load %arg9[%get3A_124, %get3A_125] {strides = array<i32>} : memref<40x128xi32, #tpu.memory_space<vmem>>, vector<1x16xi32>,
      %get3A_127 = vector.shape_cast %get3A_126 : vector<1x16xi32> to vector<16xi32>
      %mul3A_128 = arith.constant 10240 : i32
      %mul3A_129 = vector.broadcast %mul3A_128 : i32 to vector<16xi32>
      %mul3A_130 = arith.muli %get3A_127, %mul3A_129 : vector<16xi32>
      %get3A_131 = arith.index_cast %add3A_74 : i32 to index
      %get3A_132 = arith.constant 48 : index
      %get3A_133 = tpu.vector_load %arg8[%get3A_131, %get3A_132] {strides = array<i32>} : memref<40x128xi32, #tpu.memory_space<vmem>>, vector<1x16xi32>,
      %get3A_134 = vector.shape_cast %get3A_133 : vector<1x16xi32> to vector<16xi32>
      %add3A_135 = arith.addi %mul3A_130, %get3A_134 : vector<16xi32>
      %swap3A_136 = arith.index_cast %add3A_74 : i32 to index
      %swap3A_137 = arith.constant 48 : index
      %swap3A_138 = tpu.vector_load %arg8[%swap3A_136, %swap3A_137] {strides = array<i32>} : memref<40x128xi32, #tpu.memory_space<vmem>>, vector<1x16xi32>,
      %swap3A_139 = vector.shape_cast %swap3A_138 : vector<1x16xi32> to vector<16xi32>
      %swap3A_140 = vector.shape_cast %add3A_135 : vector<16xi32> to vector<1x16xi32>
      tpu.vector_store %arg8[%swap3A_136, %swap3A_137], %swap3A_140 {strides = array<i32>} : memref<40x128xi32, #tpu.memory_space<vmem>>, vector<1x16xi32>,
      %get3A_141 = arith.index_cast %add3A_74 : i32 to index
      %get3A_142 = arith.constant 64 : index
      %get3A_143 = tpu.vector_load %arg9[%get3A_141, %get3A_142] {strides = array<i32>} : memref<40x128xi32, #tpu.memory_space<vmem>>, vector<1x16xi32>,
      %get3A_144 = vector.shape_cast %get3A_143 : vector<1x16xi32> to vector<16xi32>
      %mul3A_145 = arith.constant 10240 : i32
      %mul3A_146 = vector.broadcast %mul3A_145 : i32 to vector<16xi32>
      %mul3A_147 = arith.muli %get3A_144, %mul3A_146 : vector<16xi32>
      %get3A_148 = arith.index_cast %add3A_74 : i32 to index
      %get3A_149 = arith.constant 64 : index
      %get3A_150 = tpu.vector_load %arg8[%get3A_148, %get3A_149] {strides = array<i32>} : memref<40x128xi32, #tpu.memory_space<vmem>>, vector<1x16xi32>,
      %get3A_151 = vector.shape_cast %get3A_150 : vector<1x16xi32> to vector<16xi32>
      %add3A_152 = arith.addi %mul3A_147, %get3A_151 : vector<16xi32>
      %swap3A_153 = arith.index_cast %add3A_74 : i32 to index
      %swap3A_154 = arith.constant 64 : index
      %swap3A_155 = tpu.vector_load %arg8[%swap3A_153, %swap3A_154] {strides = array<i32>} : memref<40x128xi32, #tpu.memory_space<vmem>>, vector<1x16xi32>,
      %swap3A_156 = vector.shape_cast %swap3A_155 : vector<1x16xi32> to vector<16xi32>
      %swap3A_157 = vector.shape_cast %add3A_152 : vector<16xi32> to vector<1x16xi32>
      tpu.vector_store %arg8[%swap3A_153, %swap3A_154], %swap3A_157 {strides = array<i32>} : memref<40x128xi32, #tpu.memory_space<vmem>>, vector<1x16xi32>,
      %get3A_158 = arith.index_cast %add3A_74 : i32 to index
      %get3A_159 = arith.constant 80 : index
      %get3A_160 = tpu.vector_load %arg9[%get3A_158, %get3A_159] {strides = array<i32>} : memref<40x128xi32, #tpu.memory_space<vmem>>, vector<1x16xi32>,
      %get3A_161 = vector.shape_cast %get3A_160 : vector<1x16xi32> to vector<16xi32>
      %mul3A_162 = arith.constant 10240 : i32
      %mul3A_163 = vector.broadcast %mul3A_162 : i32 to vector<16xi32>
      %mul3A_164 = arith.muli %get3A_161, %mul3A_163 : vector<16xi32>
      %get3A_165 = arith.index_cast %add3A_74 : i32 to index
      %get3A_166 = arith.constant 80 : index
      %get3A_167 = tpu.vector_load %arg8[%get3A_165, %get3A_166] {strides = array<i32>} : memref<40x128xi32, #tpu.memory_space<vmem>>, vector<1x16xi32>,
      %get3A_168 = vector.shape_cast %get3A_167 : vector<1x16xi32> to vector<16xi32>
      %add3A_169 = arith.addi %mul3A_164, %get3A_168 : vector<16xi32>
      %swap3A_170 = arith.index_cast %add3A_74 : i32 to index
      %swap3A_171 = arith.constant 80 : index
      %swap3A_172 = tpu.vector_load %arg8[%swap3A_170, %swap3A_171] {strides = array<i32>} : memref<40x128xi32, #tpu.memory_space<vmem>>, vector<1x16xi32>,
      %swap3A_173 = vector.shape_cast %swap3A_172 : vector<1x16xi32> to vector<16xi32>
      %swap3A_174 = vector.shape_cast %add3A_169 : vector<16xi32> to vector<1x16xi32>
      tpu.vector_store %arg8[%swap3A_170, %swap3A_171], %swap3A_174 {strides = array<i32>} : memref<40x128xi32, #tpu.memory_space<vmem>>, vector<1x16xi32>,
      %get3A_175 = arith.index_cast %add3A_74 : i32 to index
      %get3A_176 = arith.constant 96 : index
      %get3A_177 = tpu.vector_load %arg9[%get3A_175, %get3A_176] {strides = array<i32>} : memref<40x128xi32, #tpu.memory_space<vmem>>, vector<1x16xi32>,
      %get3A_178 = vector.shape_cast %get3A_177 : vector<1x16xi32> to vector<16xi32>
      %mul3A_179 = arith.constant 10240 : i32
      %mul3A_180 = vector.broadcast %mul3A_179 : i32 to vector<16xi32>
      %mul3A_181 = arith.muli %get3A_178, %mul3A_180 : vector<16xi32>
      %get3A_182 = arith.index_cast %add3A_74 : i32 to index
      %get3A_183 = arith.constant 96 : index
      %get3A_184 = tpu.vector_load %arg8[%get3A_182, %get3A_183] {strides = array<i32>} : memref<40x128xi32, #tpu.memory_space<vmem>>, vector<1x16xi32>,
      %get3A_185 = vector.shape_cast %get3A_184 : vector<1x16xi32> to vector<16xi32>
      %add3A_186 = arith.addi %mul3A_181, %get3A_185 : vector<16xi32>
      %swap3A_187 = arith.index_cast %add3A_74 : i32 to index
      %swap3A_188 = arith.constant 96 : index
      %swap3A_189 = tpu.vector_load %arg8[%swap3A_187, %swap3A_188] {strides = array<i32>} : memref<40x128xi32, #tpu.memory_space<vmem>>, vector<1x16xi32>,
      %swap3A_190 = vector.shape_cast %swap3A_189 : vector<1x16xi32> to vector<16xi32>
      %swap3A_191 = vector.shape_cast %add3A_186 : vector<16xi32> to vector<1x16xi32>
      tpu.vector_store %arg8[%swap3A_187, %swap3A_188], %swap3A_191 {strides = array<i32>} : memref<40x128xi32, #tpu.memory_space<vmem>>, vector<1x16xi32>,
      %get3A_192 = arith.index_cast %add3A_74 : i32 to index
      %get3A_193 = arith.constant 112 : index
      %get3A_194 = tpu.vector_load %arg9[%get3A_192, %get3A_193] {strides = array<i32>} : memref<40x128xi32, #tpu.memory_space<vmem>>, vector<1x16xi32>,
      %get3A_195 = vector.shape_cast %get3A_194 : vector<1x16xi32> to vector<16xi32>
      %mul3A_196 = arith.constant 10240 : i32
      %mul3A_197 = vector.broadcast %mul3A_196 : i32 to vector<16xi32>
      %mul3A_198 = arith.muli %get3A_195, %mul3A_197 : vector<16xi32>
      %get3A_199 = arith.index_cast %add3A_74 : i32 to index
      %get3A_200 = arith.constant 112 : index
      %get3A_201 = tpu.vector_load %arg8[%get3A_199, %get3A_200] {strides = array<i32>} : memref<40x128xi32, #tpu.memory_space<vmem>>, vector<1x16xi32>,
      %get3A_202 = vector.shape_cast %get3A_201 : vector<1x16xi32> to vector<16xi32>
      %add3A_203 = arith.addi %mul3A_198, %get3A_202 : vector<16xi32>
      %swap3A_204 = arith.index_cast %add3A_74 : i32 to index
      %swap3A_205 = arith.constant 112 : index
      %swap3A_206 = tpu.vector_load %arg8[%swap3A_204, %swap3A_205] {strides = array<i32>} : memref<40x128xi32, #tpu.memory_space<vmem>>, vector<1x16xi32>,
      %swap3A_207 = vector.shape_cast %swap3A_206 : vector<1x16xi32> to vector<16xi32>
      %swap3A_208 = vector.shape_cast %add3A_203 : vector<16xi32> to vector<1x16xi32>
      tpu.vector_store %arg8[%swap3A_204, %swap3A_205], %swap3A_208 {strides = array<i32>} : memref<40x128xi32, #tpu.memory_space<vmem>>, vector<1x16xi32>,
    }
    %scan3A_38 = arith.constant 40 : i32
    %barrier3A = arith.constant 0 : index
    tpu.barrier barrier_id(%barrier3A)
    %dma_start3A_39 = arith.constant 0 : i32
    %dma_start3A_40 = arith.constant 0 : i32
    %dma_start3A_41 = tpu.memref_slice %arg10[%dma_start3A_39, %dma_start3A_40] : memref<40x128xi32, #tpu.memory_space<vmem>> -> memref<1x128xi32, #tpu.memory_space<vmem>>
    %dma_start3A_42 = tpu.memref_squeeze %dma_start3A_41 : memref<1x128xi32, #tpu.memory_space<vmem>> -> memref<128xi32, #tpu.memory_space<vmem>>
    %dma_start3A_43 = arith.constant 0 : i32
    %dma_start3A_44 = arith.constant 0 : i32
    %dma_start3A_45 = tpu.memref_slice %arg7[%dma_start3A_43, %dma_start3A_44] : memref<10240x128xf32, #tpu.memory_space<vmem_shared>> -> memref<10240x128xf32, #tpu.memory_space<vmem_shared>>
    tpu.enqueue_indirect_dma source(%arg12 : memref<128x128xf32, #tpu.memory_space<vmem>>) target(%dma_start3A_45 : memref<10240x128xf32, #tpu.memory_space<vmem_shared>>) offsets(%dma_start3A_42 : memref<128xi32, #tpu.memory_space<vmem>>) semaphore(%arg16 : memref<!tpu.dma_semaphore, #tpu.memory_space<semaphore_mem>>) {add = true}
    %dma_start3A_46 = arith.constant 0 : i32
    %dma_start3A_47 = arith.constant 0 : i32
    %dma_start3A_48 = tpu.memref_slice %arg8[%dma_start3A_46, %dma_start3A_47] : memref<40x128xi32, #tpu.memory_space<vmem>> -> memref<1x128xi32, #tpu.memory_space<vmem>>
    %dma_start3A_49 = tpu.memref_squeeze %dma_start3A_48 : memref<1x128xi32, #tpu.memory_space<vmem>> -> memref<128xi32, #tpu.memory_space<vmem>>
    %dma_start3A_50 = arith.constant 0 : i32
    %dma_start3A_51 = arith.constant 0 : i32
    %dma_start3A_52 = tpu.memref_slice %arg2[%dma_start3A_50, %dma_start3A_51] : memref<40960x128xf32, #tpu.memory_space<hbm>> -> memref<40960x128xf32, #tpu.memory_space<hbm>>
    tpu.enqueue_indirect_dma source(%dma_start3A_52 : memref<40960x128xf32, #tpu.memory_space<hbm>>) target(%arg11 : memref<128x128xf32, #tpu.memory_space<vmem>>) offsets(%dma_start3A_49 : memref<128xi32, #tpu.memory_space<vmem>>) semaphore(%arg13 : memref<!tpu.dma_semaphore, #tpu.memory_space<semaphore_mem>>)
    %scan3A_53 = arith.constant 0 : i32
    %scan3A_54 = arith.constant 20 : i32
    %scan3A_55 = arith.addi %scan3A_53, %scan3A_54 : i32
    %scan3A_56 = arith.constant 1 : i32
    scf.for %scan3A_70 = %scan3A_53 to %scan3A_55 step %scan3A_56  : i32 {
      %mul3A_71 = arith.constant 2 : i32
      %mul3A_72 = arith.muli %scan3A_70, %mul3A_71 : i32
      %add3A_73 = arith.constant 0 : i32
      %add3A_74 = arith.addi %add3A_73, %mul3A_72 : i32
      %dma_wait3A_75 = arith.constant 0 : i32
      %dma_wait3A_76 = tpu.memref_slice %arg8[%add3A_74, %dma_wait3A_75] : memref<40x128xi32, #tpu.memory_space<vmem>> -> memref<1x128xi32, #tpu.memory_space<vmem>>
      %dma_wait3A_77 = tpu.memref_squeeze %dma_wait3A_76 : memref<1x128xi32, #tpu.memory_space<vmem>> -> memref<128xi32, #tpu.memory_space<vmem>>
      %dma_wait3A_78 = arith.constant 0 : i32
      %dma_wait3A_79 = arith.constant 0 : i32
      %dma_wait3A_80 = tpu.memref_slice %arg2[%dma_wait3A_78, %dma_wait3A_79] : memref<40960x128xf32, #tpu.memory_space<hbm>> -> memref<40960x128xf32, #tpu.memory_space<hbm>>
      tpu.wait_indirect_dma semaphore(%arg13 : memref<!tpu.dma_semaphore, #tpu.memory_space<semaphore_mem>>) src(%dma_wait3A_80 : memref<40960x128xf32, #tpu.memory_space<hbm>>) dst(%arg11 : memref<128x128xf32, #tpu.memory_space<vmem>>)
      %dma_start3A_81 = arith.constant 0 : i32
      %dma_start3A_82 = tpu.memref_slice %arg10[%add3A_74, %dma_start3A_81] : memref<40x128xi32, #tpu.memory_space<vmem>> -> memref<1x128xi32, #tpu.memory_space<vmem>>
      %dma_start3A_83 = tpu.memref_squeeze %dma_start3A_82 : memref<1x128xi32, #tpu.memory_space<vmem>> -> memref<128xi32, #tpu.memory_space<vmem>>
      %dma_start3A_84 = arith.constant 0 : i32
      %dma_start3A_85 = arith.constant 0 : i32
      %dma_start3A_86 = tpu.memref_slice %arg7[%dma_start3A_84, %dma_start3A_85] : memref<10240x128xf32, #tpu.memory_space<vmem_shared>> -> memref<10240x128xf32, #tpu.memory_space<vmem_shared>>
      tpu.enqueue_indirect_dma source(%arg11 : memref<128x128xf32, #tpu.memory_space<vmem>>) target(%dma_start3A_86 : memref<10240x128xf32, #tpu.memory_space<vmem_shared>>) offsets(%dma_start3A_83 : memref<128xi32, #tpu.memory_space<vmem>>) semaphore(%arg15 : memref<!tpu.dma_semaphore, #tpu.memory_space<semaphore_mem>>) {add = true}
      %dma_wait3A_87 = arith.constant 0 : i32
      %dma_wait3A_88 = arith.constant 0 : i32
      %dma_wait3A_89 = tpu.memref_slice %arg10[%dma_wait3A_87, %dma_wait3A_88] : memref<40x128xi32, #tpu.memory_space<vmem>> -> memref<1x128xi32, #tpu.memory_space<vmem>>
      %dma_wait3A_90 = tpu.memref_squeeze %dma_wait3A_89 : memref<1x128xi32, #tpu.memory_space<vmem>> -> memref<128xi32, #tpu.memory_space<vmem>>
      %dma_wait3A_91 = arith.constant 0 : i32
      %dma_wait3A_92 = arith.constant 0 : i32
      %dma_wait3A_93 = tpu.memref_slice %arg7[%dma_wait3A_91, %dma_wait3A_92] : memref<10240x128xf32, #tpu.memory_space<vmem_shared>> -> memref<10240x128xf32, #tpu.memory_space<vmem_shared>>
      tpu.wait_indirect_dma semaphore(%arg16 : memref<!tpu.dma_semaphore, #tpu.memory_space<semaphore_mem>>) src(%arg12 : memref<128x128xf32, #tpu.memory_space<vmem>>) dst(%dma_wait3A_93 : memref<10240x128xf32, #tpu.memory_space<vmem_shared>>)
      %add3A_94 = arith.constant 1 : i32
      %add3A_95 = arith.addi %add3A_74, %add3A_94 : i32
      %dma_start3A_96 = arith.constant 0 : i32
      %dma_start3A_97 = tpu.memref_slice %arg8[%add3A_95, %dma_start3A_96] : memref<40x128xi32, #tpu.memory_space<vmem>> -> memref<1x128xi32, #tpu.memory_space<vmem>>
      %dma_start3A_98 = tpu.memref_squeeze %dma_start3A_97 : memref<1x128xi32, #tpu.memory_space<vmem>> -> memref<128xi32, #tpu.memory_space<vmem>>
      %dma_start3A_99 = arith.constant 0 : i32
      %dma_start3A_100 = arith.constant 0 : i32
      %dma_start3A_101 = tpu.memref_slice %arg2[%dma_start3A_99, %dma_start3A_100] : memref<40960x128xf32, #tpu.memory_space<hbm>> -> memref<40960x128xf32, #tpu.memory_space<hbm>>
      tpu.enqueue_indirect_dma source(%dma_start3A_101 : memref<40960x128xf32, #tpu.memory_space<hbm>>) target(%arg12 : memref<128x128xf32, #tpu.memory_space<vmem>>) offsets(%dma_start3A_98 : memref<128xi32, #tpu.memory_space<vmem>>) semaphore(%arg14 : memref<!tpu.dma_semaphore, #tpu.memory_space<semaphore_mem>>)
      %add3A_102 = arith.constant 1 : i32
      %add3A_103 = arith.addi %add3A_74, %add3A_102 : i32
      %dma_wait3A_104 = arith.constant 0 : i32
      %dma_wait3A_105 = tpu.memref_slice %arg8[%add3A_103, %dma_wait3A_104] : memref<40x128xi32, #tpu.memory_space<vmem>> -> memref<1x128xi32, #tpu.memory_space<vmem>>
      %dma_wait3A_106 = tpu.memref_squeeze %dma_wait3A_105 : memref<1x128xi32, #tpu.memory_space<vmem>> -> memref<128xi32, #tpu.memory_space<vmem>>
      %dma_wait3A_107 = arith.constant 0 : i32
      %dma_wait3A_108 = arith.constant 0 : i32
      %dma_wait3A_109 = tpu.memref_slice %arg2[%dma_wait3A_107, %dma_wait3A_108] : memref<40960x128xf32, #tpu.memory_space<hbm>> -> memref<40960x128xf32, #tpu.memory_space<hbm>>
      tpu.wait_indirect_dma semaphore(%arg14 : memref<!tpu.dma_semaphore, #tpu.memory_space<semaphore_mem>>) src(%dma_wait3A_109 : memref<40960x128xf32, #tpu.memory_space<hbm>>) dst(%arg12 : memref<128x128xf32, #tpu.memory_space<vmem>>)
      %add3A_110 = arith.constant 1 : i32
      %add3A_111 = arith.addi %add3A_74, %add3A_110 : i32
      %dma_start3A_112 = arith.constant 0 : i32
      %dma_start3A_113 = tpu.memref_slice %arg10[%add3A_111, %dma_start3A_112] : memref<40x128xi32, #tpu.memory_space<vmem>> -> memref<1x128xi32, #tpu.memory_space<vmem>>
      %dma_start3A_114 = tpu.memref_squeeze %dma_start3A_113 : memref<1x128xi32, #tpu.memory_space<vmem>> -> memref<128xi32, #tpu.memory_space<vmem>>
      %dma_start3A_115 = arith.constant 0 : i32
      %dma_start3A_116 = arith.constant 0 : i32
      %dma_start3A_117 = tpu.memref_slice %arg7[%dma_start3A_115, %dma_start3A_116] : memref<10240x128xf32, #tpu.memory_space<vmem_shared>> -> memref<10240x128xf32, #tpu.memory_space<vmem_shared>>
      tpu.enqueue_indirect_dma source(%arg12 : memref<128x128xf32, #tpu.memory_space<vmem>>) target(%dma_start3A_117 : memref<10240x128xf32, #tpu.memory_space<vmem_shared>>) offsets(%dma_start3A_114 : memref<128xi32, #tpu.memory_space<vmem>>) semaphore(%arg16 : memref<!tpu.dma_semaphore, #tpu.memory_space<semaphore_mem>>) {add = true}
      %dma_wait3A_118 = arith.constant 0 : i32
      %dma_wait3A_119 = arith.constant 0 : i32
      %dma_wait3A_120 = tpu.memref_slice %arg10[%dma_wait3A_118, %dma_wait3A_119] : memref<40x128xi32, #tpu.memory_space<vmem>> -> memref<1x128xi32, #tpu.memory_space<vmem>>
      %dma_wait3A_121 = tpu.memref_squeeze %dma_wait3A_120 : memref<1x128xi32, #tpu.memory_space<vmem>> -> memref<128xi32, #tpu.memory_space<vmem>>
      %dma_wait3A_122 = arith.constant 0 : i32
      %dma_wait3A_123 = arith.constant 0 : i32
      %dma_wait3A_124 = tpu.memref_slice %arg7[%dma_wait3A_122, %dma_wait3A_123] : memref<10240x128xf32, #tpu.memory_space<vmem_shared>> -> memref<10240x128xf32, #tpu.memory_space<vmem_shared>>
      tpu.wait_indirect_dma semaphore(%arg15 : memref<!tpu.dma_semaphore, #tpu.memory_space<semaphore_mem>>) src(%arg11 : memref<128x128xf32, #tpu.memory_space<vmem>>) dst(%dma_wait3A_124 : memref<10240x128xf32, #tpu.memory_space<vmem_shared>>)
      %add3A_125 = arith.constant 2 : i32
      %add3A_126 = arith.addi %add3A_74, %add3A_125 : i32
      %lt3A = arith.constant 40 : i32
      %lt3A_127 = arith.cmpi slt, %add3A_126, %lt3A : i32
      %convert_element_type3A = arith.extui %lt3A_127 : i1 to i32
      %cond3A = arith.constant 0 : i32
      %cond3A_128 = arith.cmpi ne, %convert_element_type3A, %cond3A : i32
      scf.if %cond3A_128 {
        %add3A_129 = arith.constant 2 : i32
        %add3A_130 = arith.addi %add3A_74, %add3A_129 : i32
        %dma_start3A_131 = arith.constant 0 : i32
        %dma_start3A_132 = tpu.memref_slice %arg8[%add3A_130, %dma_start3A_131] : memref<40x128xi32, #tpu.memory_space<vmem>> -> memref<1x128xi32, #tpu.memory_space<vmem>>
        %dma_start3A_133 = tpu.memref_squeeze %dma_start3A_132 : memref<1x128xi32, #tpu.memory_space<vmem>> -> memref<128xi32, #tpu.memory_space<vmem>>
        %dma_start3A_134 = arith.constant 0 : i32
        %dma_start3A_135 = arith.constant 0 : i32
        %dma_start3A_136 = tpu.memref_slice %arg2[%dma_start3A_134, %dma_start3A_135] : memref<40960x128xf32, #tpu.memory_space<hbm>> -> memref<40960x128xf32, #tpu.memory_space<hbm>>
        tpu.enqueue_indirect_dma source(%dma_start3A_136 : memref<40960x128xf32, #tpu.memory_space<hbm>>) target(%arg11 : memref<128x128xf32, #tpu.memory_space<vmem>>) offsets(%dma_start3A_133 : memref<128xi32, #tpu.memory_space<vmem>>) semaphore(%arg13 : memref<!tpu.dma_semaphore, #tpu.memory_space<semaphore_mem>>)
      } else {
      }
    }
    %scan3A_57 = arith.constant 20 : i32
    %dma_wait3A_58 = arith.constant 0 : i32
    %dma_wait3A_59 = arith.constant 0 : i32
    %dma_wait3A_60 = tpu.memref_slice %arg10[%dma_wait3A_58, %dma_wait3A_59] : memref<40x128xi32, #tpu.memory_space<vmem>> -> memref<1x128xi32, #tpu.memory_space<vmem>>
    %dma_wait3A_61 = tpu.memref_squeeze %dma_wait3A_60 : memref<1x128xi32, #tpu.memory_space<vmem>> -> memref<128xi32, #tpu.memory_space<vmem>>
    %dma_wait3A_62 = arith.constant 0 : i32
    %dma_wait3A_63 = arith.constant 0 : i32
    %dma_wait3A_64 = tpu.memref_slice %arg7[%dma_wait3A_62, %dma_wait3A_63] : memref<10240x128xf32, #tpu.memory_space<vmem_shared>> -> memref<10240x128xf32, #tpu.memory_space<vmem_shared>>
    tpu.wait_indirect_dma semaphore(%arg16 : memref<!tpu.dma_semaphore, #tpu.memory_space<semaphore_mem>>) src(%arg12 : memref<128x128xf32, #tpu.memory_space<vmem>>) dst(%dma_wait3A_64 : memref<10240x128xf32, #tpu.memory_space<vmem_shared>>)
    %barrier3A_65 = arith.constant 0 : index
    tpu.barrier barrier_id(%barrier3A_65)
    %mul3A_66 = arith.constant 640 : i32
    %mul3A_67 = arith.muli %arg1, %mul3A_66 : i32
    %mul3A_68 = arith.constant 640 : i32
    %mul3A_69 = arith.muli %arg1, %mul3A_68 : i32
    "tpu.region"() ({
      %run_scoped3A = tpu.sem_alloc : memref<!tpu.dma_semaphore, #tpu.memory_space<semaphore_mem>>
      %dma_start3A_70 = arith.constant 0 : i32
      %dma_start3A_71 = tpu.memref_slice %arg6[%arg0, %mul3A_69, %dma_start3A_70] : memref<2x10240x128xf32, #tpu.memory_space<hbm>> -> memref<1x640x128xf32, #tpu.memory_space<hbm>>
      %dma_start3A_72 = tpu.memref_squeeze %dma_start3A_71 : memref<1x640x128xf32, #tpu.memory_space<hbm>> -> memref<640x128xf32, #tpu.memory_space<hbm>>
      %dma_start3A_73 = arith.constant 0 : i32
      %dma_start3A_74 = tpu.memref_slice %arg7[%mul3A_67, %dma_start3A_73] : memref<10240x128xf32, #tpu.memory_space<vmem_shared>> -> memref<640x128xf32, #tpu.memory_space<vmem_shared>>
      tpu.enqueue_dma source(%dma_start3A_74 : memref<640x128xf32, #tpu.memory_space<vmem_shared>>) target(%dma_start3A_72 : memref<640x128xf32, #tpu.memory_space<hbm>>) target_semaphore(%run_scoped3A : memref<!tpu.dma_semaphore, #tpu.memory_space<semaphore_mem>>)
      %dma_wait3A_75 = arith.constant 0 : i32
      %dma_wait3A_76 = tpu.memref_slice %arg6[%arg0, %mul3A_69, %dma_wait3A_75] : memref<2x10240x128xf32, #tpu.memory_space<hbm>> -> memref<1x640x128xf32, #tpu.memory_space<hbm>>
      %dma_wait3A_77 = tpu.memref_squeeze %dma_wait3A_76 : memref<1x640x128xf32, #tpu.memory_space<hbm>> -> memref<640x128xf32, #tpu.memory_space<hbm>>
      %dma_wait3A_78 = arith.constant 0 : i32
      %dma_wait3A_79 = tpu.memref_slice %arg7[%mul3A_67, %dma_wait3A_78] : memref<10240x128xf32, #tpu.memory_space<vmem_shared>> -> memref<640x128xf32, #tpu.memory_space<vmem_shared>>
      tpu.wait_dma2 semaphore(%run_scoped3A : memref<!tpu.dma_semaphore, #tpu.memory_space<semaphore_mem>>) src(%dma_wait3A_79 : memref<640x128xf32, #tpu.memory_space<vmem_shared>>) dst(%dma_wait3A_77 : memref<640x128xf32, #tpu.memory_space<hbm>>)
      tpu.yield
    }) : () -> ()
    return
  }
}

#map = affine_map<(d0, d1) -> (0, 0)>
#map1 = affine_map<(d0, d1) -> (0, 0, 0)>
module attributes {stable_mosaic.version = 14 : i64} {
  func.func @k(%arg0: i32, %arg1: i32, %arg2: memref<40960x128xf32, #tpu.memory_space<hbm>>, %arg3: memref<1280x128xi32, #tpu.memory_space<hbm>>, %arg4: memref<1280x128xi32, #tpu.memory_space<hbm>>, %arg5: memref<1280x128xi32, #tpu.memory_space<hbm>>, %arg6: memref<2x10240x128xf32, #tpu.memory_space<hbm>>, %arg7: memref<10240x128xf32, #tpu.memory_space<vmem_shared>>, %arg8: memref<40x128xi32, #tpu.memory_space<vmem>>, %arg9: memref<40x128xi32, #tpu.memory_space<vmem>>, %arg10: memref<40x128xi32, #tpu.memory_space<vmem>>, %arg11: memref<128x128xf32, #tpu.memory_space<vmem>>, %arg12: memref<128x128xf32, #tpu.memory_space<vmem>>, %arg13: memref<!tpu.dma_semaphore, #tpu.memory_space<semaphore_mem>>, %arg14: memref<!tpu.dma_semaphore, #tpu.memory_space<semaphore_mem>>, %arg15: memref<!tpu.dma_semaphore, #tpu.memory_space<semaphore_mem>>, %arg16: memref<!tpu.dma_semaphore, #tpu.memory_space<semaphore_mem>>) attributes {dimension_semantics = [#tpu.dimension_semantics<core_parallel>, #tpu.dimension_semantics<subcore_parallel>], iteration_bounds = array<i64: 2, 16>, scalar_prefetch = 0 : i64, scratch_operands = 10 : i64, tpu.core_type = #tpu.core_type<sc_vector_subcore>, window_params = [{transform_indices = #map}, {transform_indices = #map}, {transform_indices = #map}, {transform_indices = #map}, {transform_indices = #map1}]} {
    %mul3A = arith.constant 16 : i32
    %mul3A_0 = arith.muli %arg0, %mul3A : i32
    %add3A = arith.addi %mul3A_0, %arg1 : i32
    %mul3A_1 = arith.constant 40 : i32
    %mul3A_2 = arith.muli %add3A, %mul3A_1 : i32
    %dma_start3A = arith.constant 0 : i32
    %dma_start3A_3 = tpu.memref_slice %arg3[%mul3A_2, %dma_start3A] : memref<1280x128xi32, #tpu.memory_space<hbm>> -> memref<40x128xi32, #tpu.memory_space<hbm>>
    %dma_start3A_4 = arith.constant 0 : i32
    %dma_start3A_5 = tpu.memref_slice %arg3[%mul3A_2, %dma_start3A_4] : memref<1280x128xi32, #tpu.memory_space<hbm>> -> memref<40x128xi32, #tpu.memory_space<hbm>>
    tpu.enqueue_dma source(%dma_start3A_5 : memref<40x128xi32, #tpu.memory_space<hbm>>) target(%arg8 : memref<40x128xi32, #tpu.memory_space<vmem>>) target_semaphore(%arg14 : memref<!tpu.dma_semaphore, #tpu.memory_space<semaphore_mem>>)
    %dma_start3A_6 = arith.constant 0 : i32
    %dma_start3A_7 = tpu.memref_slice %arg4[%mul3A_2, %dma_start3A_6] : memref<1280x128xi32, #tpu.memory_space<hbm>> -> memref<40x128xi32, #tpu.memory_space<hbm>>
    %dma_start3A_8 = arith.constant 0 : i32
    %dma_start3A_9 = tpu.memref_slice %arg4[%mul3A_2, %dma_start3A_8] : memref<1280x128xi32, #tpu.memory_space<hbm>> -> memref<40x128xi32, #tpu.memory_space<hbm>>
    tpu.enqueue_dma source(%dma_start3A_9 : memref<40x128xi32, #tpu.memory_space<hbm>>) target(%arg9 : memref<40x128xi32, #tpu.memory_space<vmem>>) target_semaphore(%arg14 : memref<!tpu.dma_semaphore, #tpu.memory_space<semaphore_mem>>)
    %dma_start3A_10 = arith.constant 0 : i32
    %dma_start3A_11 = tpu.memref_slice %arg5[%mul3A_2, %dma_start3A_10] : memref<1280x128xi32, #tpu.memory_space<hbm>> -> memref<40x128xi32, #tpu.memory_space<hbm>>
    %dma_start3A_12 = arith.constant 0 : i32
    %dma_start3A_13 = tpu.memref_slice %arg5[%mul3A_2, %dma_start3A_12] : memref<1280x128xi32, #tpu.memory_space<hbm>> -> memref<40x128xi32, #tpu.memory_space<hbm>>
    tpu.enqueue_dma source(%dma_start3A_13 : memref<40x128xi32, #tpu.memory_space<hbm>>) target(%arg10 : memref<40x128xi32, #tpu.memory_space<vmem>>) target_semaphore(%arg14 : memref<!tpu.dma_semaphore, #tpu.memory_space<semaphore_mem>>)
    %scan3A = arith.constant 0 : i32
    %scan3A_14 = arith.constant 128 : i32
    %scan3A_15 = arith.addi %scan3A, %scan3A_14 : i32
    %scan3A_16 = arith.constant 1 : i32
    scf.for %scan3A_70 = %scan3A to %scan3A_15 step %scan3A_16  : i32 {
      %mul3A_71 = arith.constant 1 : i32
      %mul3A_72 = arith.muli %scan3A_70, %mul3A_71 : i32
      %add3A_73 = arith.constant 0 : i32
      %add3A_74 = arith.addi %add3A_73, %mul3A_72 : i32
      %broadcast_in_dim3A = arith.constant 0.000000e+00 : f32
      %broadcast_in_dim3A_75 = vector.broadcast %broadcast_in_dim3A : f32 to vector<16xf32>
      %swap3A = arith.index_cast %add3A_74 : i32 to index
      %swap3A_76 = arith.constant 0 : index
      %swap3A_77 = tpu.vector_load %arg11[%swap3A, %swap3A_76] {strides = array<i32>} : memref<128x128xf32, #tpu.memory_space<vmem>>, vector<1x16xf32>,
      %swap3A_78 = vector.shape_cast %swap3A_77 : vector<1x16xf32> to vector<16xf32>
      %swap3A_79 = vector.shape_cast %broadcast_in_dim3A_75 : vector<16xf32> to vector<1x16xf32>
      tpu.vector_store %arg11[%swap3A, %swap3A_76], %swap3A_79 {strides = array<i32>} : memref<128x128xf32, #tpu.memory_space<vmem>>, vector<1x16xf32>,
      %broadcast_in_dim3A_80 = arith.constant 0.000000e+00 : f32
      %broadcast_in_dim3A_81 = vector.broadcast %broadcast_in_dim3A_80 : f32 to vector<16xf32>
      %swap3A_82 = arith.index_cast %add3A_74 : i32 to index
      %swap3A_83 = arith.constant 0 : index
      %swap3A_84 = tpu.vector_load %arg12[%swap3A_82, %swap3A_83] {strides = array<i32>} : memref<128x128xf32, #tpu.memory_space<vmem>>, vector<1x16xf32>,
      %swap3A_85 = vector.shape_cast %swap3A_84 : vector<1x16xf32> to vector<16xf32>
      %swap3A_86 = vector.shape_cast %broadcast_in_dim3A_81 : vector<16xf32> to vector<1x16xf32>
      tpu.vector_store %arg12[%swap3A_82, %swap3A_83], %swap3A_86 {strides = array<i32>} : memref<128x128xf32, #tpu.memory_space<vmem>>, vector<1x16xf32>,
      %broadcast_in_dim3A_87 = arith.constant 0.000000e+00 : f32
      %broadcast_in_dim3A_88 = vector.broadcast %broadcast_in_dim3A_87 : f32 to vector<16xf32>
      %swap3A_89 = arith.index_cast %add3A_74 : i32 to index
      %swap3A_90 = arith.constant 16 : index
      %swap3A_91 = tpu.vector_load %arg11[%swap3A_89, %swap3A_90] {strides = array<i32>} : memref<128x128xf32, #tpu.memory_space<vmem>>, vector<1x16xf32>,
      %swap3A_92 = vector.shape_cast %swap3A_91 : vector<1x16xf32> to vector<16xf32>
      %swap3A_93 = vector.shape_cast %broadcast_in_dim3A_88 : vector<16xf32> to vector<1x16xf32>
      tpu.vector_store %arg11[%swap3A_89, %swap3A_90], %swap3A_93 {strides = array<i32>} : memref<128x128xf32, #tpu.memory_space<vmem>>, vector<1x16xf32>,
      %broadcast_in_dim3A_94 = arith.constant 0.000000e+00 : f32
      %broadcast_in_dim3A_95 = vector.broadcast %broadcast_in_dim3A_94 : f32 to vector<16xf32>
      %swap3A_96 = arith.index_cast %add3A_74 : i32 to index
      %swap3A_97 = arith.constant 16 : index
      %swap3A_98 = tpu.vector_load %arg12[%swap3A_96, %swap3A_97] {strides = array<i32>} : memref<128x128xf32, #tpu.memory_space<vmem>>, vector<1x16xf32>,
      %swap3A_99 = vector.shape_cast %swap3A_98 : vector<1x16xf32> to vector<16xf32>
      %swap3A_100 = vector.shape_cast %broadcast_in_dim3A_95 : vector<16xf32> to vector<1x16xf32>
      tpu.vector_store %arg12[%swap3A_96, %swap3A_97], %swap3A_100 {strides = array<i32>} : memref<128x128xf32, #tpu.memory_space<vmem>>, vector<1x16xf32>,
      %broadcast_in_dim3A_101 = arith.constant 0.000000e+00 : f32
      %broadcast_in_dim3A_102 = vector.broadcast %broadcast_in_dim3A_101 : f32 to vector<16xf32>
      %swap3A_103 = arith.index_cast %add3A_74 : i32 to index
      %swap3A_104 = arith.constant 32 : index
      %swap3A_105 = tpu.vector_load %arg11[%swap3A_103, %swap3A_104] {strides = array<i32>} : memref<128x128xf32, #tpu.memory_space<vmem>>, vector<1x16xf32>,
      %swap3A_106 = vector.shape_cast %swap3A_105 : vector<1x16xf32> to vector<16xf32>
      %swap3A_107 = vector.shape_cast %broadcast_in_dim3A_102 : vector<16xf32> to vector<1x16xf32>
      tpu.vector_store %arg11[%swap3A_103, %swap3A_104], %swap3A_107 {strides = array<i32>} : memref<128x128xf32, #tpu.memory_space<vmem>>, vector<1x16xf32>,
      %broadcast_in_dim3A_108 = arith.constant 0.000000e+00 : f32
      %broadcast_in_dim3A_109 = vector.broadcast %broadcast_in_dim3A_108 : f32 to vector<16xf32>
      %swap3A_110 = arith.index_cast %add3A_74 : i32 to index
      %swap3A_111 = arith.constant 32 : index
      %swap3A_112 = tpu.vector_load %arg12[%swap3A_110, %swap3A_111] {strides = array<i32>} : memref<128x128xf32, #tpu.memory_space<vmem>>, vector<1x16xf32>,
      %swap3A_113 = vector.shape_cast %swap3A_112 : vector<1x16xf32> to vector<16xf32>
      %swap3A_114 = vector.shape_cast %broadcast_in_dim3A_109 : vector<16xf32> to vector<1x16xf32>
      tpu.vector_store %arg12[%swap3A_110, %swap3A_111], %swap3A_114 {strides = array<i32>} : memref<128x128xf32, #tpu.memory_space<vmem>>, vector<1x16xf32>,
      %broadcast_in_dim3A_115 = arith.constant 0.000000e+00 : f32
      %broadcast_in_dim3A_116 = vector.broadcast %broadcast_in_dim3A_115 : f32 to vector<16xf32>
      %swap3A_117 = arith.index_cast %add3A_74 : i32 to index
      %swap3A_118 = arith.constant 48 : index
      %swap3A_119 = tpu.vector_load %arg11[%swap3A_117, %swap3A_118] {strides = array<i32>} : memref<128x128xf32, #tpu.memory_space<vmem>>, vector<1x16xf32>,
      %swap3A_120 = vector.shape_cast %swap3A_119 : vector<1x16xf32> to vector<16xf32>
      %swap3A_121 = vector.shape_cast %broadcast_in_dim3A_116 : vector<16xf32> to vector<1x16xf32>
      tpu.vector_store %arg11[%swap3A_117, %swap3A_118], %swap3A_121 {strides = array<i32>} : memref<128x128xf32, #tpu.memory_space<vmem>>, vector<1x16xf32>,
      %broadcast_in_dim3A_122 = arith.constant 0.000000e+00 : f32
      %broadcast_in_dim3A_123 = vector.broadcast %broadcast_in_dim3A_122 : f32 to vector<16xf32>
      %swap3A_124 = arith.index_cast %add3A_74 : i32 to index
      %swap3A_125 = arith.constant 48 : index
      %swap3A_126 = tpu.vector_load %arg12[%swap3A_124, %swap3A_125] {strides = array<i32>} : memref<128x128xf32, #tpu.memory_space<vmem>>, vector<1x16xf32>,
      %swap3A_127 = vector.shape_cast %swap3A_126 : vector<1x16xf32> to vector<16xf32>
      %swap3A_128 = vector.shape_cast %broadcast_in_dim3A_123 : vector<16xf32> to vector<1x16xf32>
      tpu.vector_store %arg12[%swap3A_124, %swap3A_125], %swap3A_128 {strides = array<i32>} : memref<128x128xf32, #tpu.memory_space<vmem>>, vector<1x16xf32>,
      %broadcast_in_dim3A_129 = arith.constant 0.000000e+00 : f32
      %broadcast_in_dim3A_130 = vector.broadcast %broadcast_in_dim3A_129 : f32 to vector<16xf32>
      %swap3A_131 = arith.index_cast %add3A_74 : i32 to index
      %swap3A_132 = arith.constant 64 : index
      %swap3A_133 = tpu.vector_load %arg11[%swap3A_131, %swap3A_132] {strides = array<i32>} : memref<128x128xf32, #tpu.memory_space<vmem>>, vector<1x16xf32>,
      %swap3A_134 = vector.shape_cast %swap3A_133 : vector<1x16xf32> to vector<16xf32>
      %swap3A_135 = vector.shape_cast %broadcast_in_dim3A_130 : vector<16xf32> to vector<1x16xf32>
      tpu.vector_store %arg11[%swap3A_131, %swap3A_132], %swap3A_135 {strides = array<i32>} : memref<128x128xf32, #tpu.memory_space<vmem>>, vector<1x16xf32>,
      %broadcast_in_dim3A_136 = arith.constant 0.000000e+00 : f32
      %broadcast_in_dim3A_137 = vector.broadcast %broadcast_in_dim3A_136 : f32 to vector<16xf32>
      %swap3A_138 = arith.index_cast %add3A_74 : i32 to index
      %swap3A_139 = arith.constant 64 : index
      %swap3A_140 = tpu.vector_load %arg12[%swap3A_138, %swap3A_139] {strides = array<i32>} : memref<128x128xf32, #tpu.memory_space<vmem>>, vector<1x16xf32>,
      %swap3A_141 = vector.shape_cast %swap3A_140 : vector<1x16xf32> to vector<16xf32>
      %swap3A_142 = vector.shape_cast %broadcast_in_dim3A_137 : vector<16xf32> to vector<1x16xf32>
      tpu.vector_store %arg12[%swap3A_138, %swap3A_139], %swap3A_142 {strides = array<i32>} : memref<128x128xf32, #tpu.memory_space<vmem>>, vector<1x16xf32>,
      %broadcast_in_dim3A_143 = arith.constant 0.000000e+00 : f32
      %broadcast_in_dim3A_144 = vector.broadcast %broadcast_in_dim3A_143 : f32 to vector<16xf32>
      %swap3A_145 = arith.index_cast %add3A_74 : i32 to index
      %swap3A_146 = arith.constant 80 : index
      %swap3A_147 = tpu.vector_load %arg11[%swap3A_145, %swap3A_146] {strides = array<i32>} : memref<128x128xf32, #tpu.memory_space<vmem>>, vector<1x16xf32>,
      %swap3A_148 = vector.shape_cast %swap3A_147 : vector<1x16xf32> to vector<16xf32>
      %swap3A_149 = vector.shape_cast %broadcast_in_dim3A_144 : vector<16xf32> to vector<1x16xf32>
      tpu.vector_store %arg11[%swap3A_145, %swap3A_146], %swap3A_149 {strides = array<i32>} : memref<128x128xf32, #tpu.memory_space<vmem>>, vector<1x16xf32>,
      %broadcast_in_dim3A_150 = arith.constant 0.000000e+00 : f32
      %broadcast_in_dim3A_151 = vector.broadcast %broadcast_in_dim3A_150 : f32 to vector<16xf32>
      %swap3A_152 = arith.index_cast %add3A_74 : i32 to index
      %swap3A_153 = arith.constant 80 : index
      %swap3A_154 = tpu.vector_load %arg12[%swap3A_152, %swap3A_153] {strides = array<i32>} : memref<128x128xf32, #tpu.memory_space<vmem>>, vector<1x16xf32>,
      %swap3A_155 = vector.shape_cast %swap3A_154 : vector<1x16xf32> to vector<16xf32>
      %swap3A_156 = vector.shape_cast %broadcast_in_dim3A_151 : vector<16xf32> to vector<1x16xf32>
      tpu.vector_store %arg12[%swap3A_152, %swap3A_153], %swap3A_156 {strides = array<i32>} : memref<128x128xf32, #tpu.memory_space<vmem>>, vector<1x16xf32>,
      %broadcast_in_dim3A_157 = arith.constant 0.000000e+00 : f32
      %broadcast_in_dim3A_158 = vector.broadcast %broadcast_in_dim3A_157 : f32 to vector<16xf32>
      %swap3A_159 = arith.index_cast %add3A_74 : i32 to index
      %swap3A_160 = arith.constant 96 : index
      %swap3A_161 = tpu.vector_load %arg11[%swap3A_159, %swap3A_160] {strides = array<i32>} : memref<128x128xf32, #tpu.memory_space<vmem>>, vector<1x16xf32>,
      %swap3A_162 = vector.shape_cast %swap3A_161 : vector<1x16xf32> to vector<16xf32>
      %swap3A_163 = vector.shape_cast %broadcast_in_dim3A_158 : vector<16xf32> to vector<1x16xf32>
      tpu.vector_store %arg11[%swap3A_159, %swap3A_160], %swap3A_163 {strides = array<i32>} : memref<128x128xf32, #tpu.memory_space<vmem>>, vector<1x16xf32>,
      %broadcast_in_dim3A_164 = arith.constant 0.000000e+00 : f32
      %broadcast_in_dim3A_165 = vector.broadcast %broadcast_in_dim3A_164 : f32 to vector<16xf32>
      %swap3A_166 = arith.index_cast %add3A_74 : i32 to index
      %swap3A_167 = arith.constant 96 : index
      %swap3A_168 = tpu.vector_load %arg12[%swap3A_166, %swap3A_167] {strides = array<i32>} : memref<128x128xf32, #tpu.memory_space<vmem>>, vector<1x16xf32>,
      %swap3A_169 = vector.shape_cast %swap3A_168 : vector<1x16xf32> to vector<16xf32>
      %swap3A_170 = vector.shape_cast %broadcast_in_dim3A_165 : vector<16xf32> to vector<1x16xf32>
      tpu.vector_store %arg12[%swap3A_166, %swap3A_167], %swap3A_170 {strides = array<i32>} : memref<128x128xf32, #tpu.memory_space<vmem>>, vector<1x16xf32>,
      %broadcast_in_dim3A_171 = arith.constant 0.000000e+00 : f32
      %broadcast_in_dim3A_172 = vector.broadcast %broadcast_in_dim3A_171 : f32 to vector<16xf32>
      %swap3A_173 = arith.index_cast %add3A_74 : i32 to index
      %swap3A_174 = arith.constant 112 : index
      %swap3A_175 = tpu.vector_load %arg11[%swap3A_173, %swap3A_174] {strides = array<i32>} : memref<128x128xf32, #tpu.memory_space<vmem>>, vector<1x16xf32>,
      %swap3A_176 = vector.shape_cast %swap3A_175 : vector<1x16xf32> to vector<16xf32>
      %swap3A_177 = vector.shape_cast %broadcast_in_dim3A_172 : vector<16xf32> to vector<1x16xf32>
      tpu.vector_store %arg11[%swap3A_173, %swap3A_174], %swap3A_177 {strides = array<i32>} : memref<128x128xf32, #tpu.memory_space<vmem>>, vector<1x16xf32>,
      %broadcast_in_dim3A_178 = arith.constant 0.000000e+00 : f32
      %broadcast_in_dim3A_179 = vector.broadcast %broadcast_in_dim3A_178 : f32 to vector<16xf32>
      %swap3A_180 = arith.index_cast %add3A_74 : i32 to index
      %swap3A_181 = arith.constant 112 : index
      %swap3A_182 = tpu.vector_load %arg12[%swap3A_180, %swap3A_181] {strides = array<i32>} : memref<128x128xf32, #tpu.memory_space<vmem>>, vector<1x16xf32>,
      %swap3A_183 = vector.shape_cast %swap3A_182 : vector<1x16xf32> to vector<16xf32>
      %swap3A_184 = vector.shape_cast %broadcast_in_dim3A_179 : vector<16xf32> to vector<1x16xf32>
      tpu.vector_store %arg12[%swap3A_180, %swap3A_181], %swap3A_184 {strides = array<i32>} : memref<128x128xf32, #tpu.memory_space<vmem>>, vector<1x16xf32>,
    }
    %scan3A_17 = arith.constant 128 : i32
    %scan3A_18 = arith.constant 0 : i32
    %scan3A_19 = arith.constant 5 : i32
    %scan3A_20 = arith.addi %scan3A_18, %scan3A_19 : i32
    %scan3A_21 = arith.constant 1 : i32
    scf.for %scan3A_70 = %scan3A_18 to %scan3A_20 step %scan3A_21  : i32 {
      %mul3A_71 = arith.constant 1 : i32
      %mul3A_72 = arith.muli %scan3A_70, %mul3A_71 : i32
      %add3A_73 = arith.constant 0 : i32
      %add3A_74 = arith.addi %add3A_73, %mul3A_72 : i32
      %mul3A_75 = arith.constant 640 : i32
      %mul3A_76 = arith.muli %arg1, %mul3A_75 : i32
      %mul3A_77 = arith.constant 128 : i32
      %mul3A_78 = arith.muli %add3A_74, %mul3A_77 : i32
      %add3A_79 = arith.addi %mul3A_76, %mul3A_78 : i32
      "tpu.region"() ({
        %run_scoped3A = tpu.sem_alloc : memref<!tpu.dma_semaphore, #tpu.memory_space<semaphore_mem>>
        %dma_start3A_80 = arith.constant 0 : i32
        %dma_start3A_81 = tpu.memref_slice %arg7[%add3A_79, %dma_start3A_80] : memref<10240x128xf32, #tpu.memory_space<vmem_shared>> -> memref<128x128xf32, #tpu.memory_space<vmem_shared>>
        %dma_start3A_82 = arith.constant 0 : i32
        %dma_start3A_83 = tpu.memref_slice %arg7[%add3A_79, %dma_start3A_82] : memref<10240x128xf32, #tpu.memory_space<vmem_shared>> -> memref<128x128xf32, #tpu.memory_space<vmem_shared>>
        tpu.enqueue_dma source(%arg11 : memref<128x128xf32, #tpu.memory_space<vmem>>) target(%dma_start3A_83 : memref<128x128xf32, #tpu.memory_space<vmem_shared>>) target_semaphore(%run_scoped3A : memref<!tpu.dma_semaphore, #tpu.memory_space<semaphore_mem>>)
        %dma_wait3A_84 = arith.constant 0 : i32
        %dma_wait3A_85 = tpu.memref_slice %arg7[%add3A_79, %dma_wait3A_84] : memref<10240x128xf32, #tpu.memory_space<vmem_shared>> -> memref<128x128xf32, #tpu.memory_space<vmem_shared>>
        %dma_wait3A_86 = arith.constant 0 : i32
        %dma_wait3A_87 = tpu.memref_slice %arg7[%add3A_79, %dma_wait3A_86] : memref<10240x128xf32, #tpu.memory_space<vmem_shared>> -> memref<128x128xf32, #tpu.memory_space<vmem_shared>>
        tpu.wait_dma2 semaphore(%run_scoped3A : memref<!tpu.dma_semaphore, #tpu.memory_space<semaphore_mem>>) src(%arg11 : memref<128x128xf32, #tpu.memory_space<vmem>>) dst(%dma_wait3A_87 : memref<128x128xf32, #tpu.memory_space<vmem_shared>>)
        tpu.yield
      }) : () -> ()
    }
    %scan3A_22 = arith.constant 5 : i32
    %dma_wait3A = arith.constant 0 : i32
    %dma_wait3A_23 = tpu.memref_slice %arg3[%mul3A_2, %dma_wait3A] : memref<1280x128xi32, #tpu.memory_space<hbm>> -> memref<40x128xi32, #tpu.memory_space<hbm>>
    %dma_wait3A_24 = arith.constant 0 : i32
    %dma_wait3A_25 = tpu.memref_slice %arg3[%mul3A_2, %dma_wait3A_24] : memref<1280x128xi32, #tpu.memory_space<hbm>> -> memref<40x128xi32, #tpu.memory_space<hbm>>
    tpu.wait_dma2 semaphore(%arg14 : memref<!tpu.dma_semaphore, #tpu.memory_space<semaphore_mem>>) src(%dma_wait3A_25 : memref<40x128xi32, #tpu.memory_space<hbm>>) dst(%arg8 : memref<40x128xi32, #tpu.memory_space<vmem>>)
    %dma_wait3A_26 = arith.constant 0 : i32
    %dma_wait3A_27 = tpu.memref_slice %arg4[%mul3A_2, %dma_wait3A_26] : memref<1280x128xi32, #tpu.memory_space<hbm>> -> memref<40x128xi32, #tpu.memory_space<hbm>>
    %dma_wait3A_28 = arith.constant 0 : i32
    %dma_wait3A_29 = tpu.memref_slice %arg4[%mul3A_2, %dma_wait3A_28] : memref<1280x128xi32, #tpu.memory_space<hbm>> -> memref<40x128xi32, #tpu.memory_space<hbm>>
    tpu.wait_dma2 semaphore(%arg14 : memref<!tpu.dma_semaphore, #tpu.memory_space<semaphore_mem>>) src(%dma_wait3A_29 : memref<40x128xi32, #tpu.memory_space<hbm>>) dst(%arg9 : memref<40x128xi32, #tpu.memory_space<vmem>>)
    %dma_wait3A_30 = arith.constant 0 : i32
    %dma_wait3A_31 = tpu.memref_slice %arg5[%mul3A_2, %dma_wait3A_30] : memref<1280x128xi32, #tpu.memory_space<hbm>> -> memref<40x128xi32, #tpu.memory_space<hbm>>
    %dma_wait3A_32 = arith.constant 0 : i32
    %dma_wait3A_33 = tpu.memref_slice %arg5[%mul3A_2, %dma_wait3A_32] : memref<1280x128xi32, #tpu.memory_space<hbm>> -> memref<40x128xi32, #tpu.memory_space<hbm>>
    tpu.wait_dma2 semaphore(%arg14 : memref<!tpu.dma_semaphore, #tpu.memory_space<semaphore_mem>>) src(%dma_wait3A_33 : memref<40x128xi32, #tpu.memory_space<hbm>>) dst(%arg10 : memref<40x128xi32, #tpu.memory_space<vmem>>)
    %scan3A_34 = arith.constant 0 : i32
    %scan3A_35 = arith.constant 40 : i32
    %scan3A_36 = arith.addi %scan3A_34, %scan3A_35 : i32
    %scan3A_37 = arith.constant 1 : i32
    scf.for %scan3A_70 = %scan3A_34 to %scan3A_36 step %scan3A_37  : i32 {
      %mul3A_71 = arith.constant 1 : i32
      %mul3A_72 = arith.muli %scan3A_70, %mul3A_71 : i32
      %add3A_73 = arith.constant 0 : i32
      %add3A_74 = arith.addi %add3A_73, %mul3A_72 : i32
      %get3A = arith.index_cast %add3A_74 : i32 to index
      %get3A_75 = arith.constant 0 : index
      %get3A_76 = tpu.vector_load %arg9[%get3A, %get3A_75] {strides = array<i32>} : memref<40x128xi32, #tpu.memory_space<vmem>>, vector<1x16xi32>,
      %get3A_77 = vector.shape_cast %get3A_76 : vector<1x16xi32> to vector<16xi32>
      %mul3A_78 = arith.constant 10240 : i32
      %mul3A_79 = vector.broadcast %mul3A_78 : i32 to vector<16xi32>
      %mul3A_80 = arith.muli %get3A_77, %mul3A_79 : vector<16xi32>
      %get3A_81 = arith.index_cast %add3A_74 : i32 to index
      %get3A_82 = arith.constant 0 : index
      %get3A_83 = tpu.vector_load %arg8[%get3A_81, %get3A_82] {strides = array<i32>} : memref<40x128xi32, #tpu.memory_space<vmem>>, vector<1x16xi32>,
      %get3A_84 = vector.shape_cast %get3A_83 : vector<1x16xi32> to vector<16xi32>
      %add3A_85 = arith.addi %mul3A_80, %get3A_84 : vector<16xi32>
      %swap3A = arith.index_cast %add3A_74 : i32 to index
      %swap3A_86 = arith.constant 0 : index
      %swap3A_87 = tpu.vector_load %arg8[%swap3A, %swap3A_86] {strides = array<i32>} : memref<40x128xi32, #tpu.memory_space<vmem>>, vector<1x16xi32>,
      %swap3A_88 = vector.shape_cast %swap3A_87 : vector<1x16xi32> to vector<16xi32>
      %swap3A_89 = vector.shape_cast %add3A_85 : vector<16xi32> to vector<1x16xi32>
      tpu.vector_store %arg8[%swap3A, %swap3A_86], %swap3A_89 {strides = array<i32>} : memref<40x128xi32, #tpu.memory_space<vmem>>, vector<1x16xi32>,
      %get3A_90 = arith.index_cast %add3A_74 : i32 to index
      %get3A_91 = arith.constant 16 : index
      %get3A_92 = tpu.vector_load %arg9[%get3A_90, %get3A_91] {strides = array<i32>} : memref<40x128xi32, #tpu.memory_space<vmem>>, vector<1x16xi32>,
      %get3A_93 = vector.shape_cast %get3A_92 : vector<1x16xi32> to vector<16xi32>
      %mul3A_94 = arith.constant 10240 : i32
      %mul3A_95 = vector.broadcast %mul3A_94 : i32 to vector<16xi32>
      %mul3A_96 = arith.muli %get3A_93, %mul3A_95 : vector<16xi32>
      %get3A_97 = arith.index_cast %add3A_74 : i32 to index
      %get3A_98 = arith.constant 16 : index
      %get3A_99 = tpu.vector_load %arg8[%get3A_97, %get3A_98] {strides = array<i32>} : memref<40x128xi32, #tpu.memory_space<vmem>>, vector<1x16xi32>,
      %get3A_100 = vector.shape_cast %get3A_99 : vector<1x16xi32> to vector<16xi32>
      %add3A_101 = arith.addi %mul3A_96, %get3A_100 : vector<16xi32>
      %swap3A_102 = arith.index_cast %add3A_74 : i32 to index
      %swap3A_103 = arith.constant 16 : index
      %swap3A_104 = tpu.vector_load %arg8[%swap3A_102, %swap3A_103] {strides = array<i32>} : memref<40x128xi32, #tpu.memory_space<vmem>>, vector<1x16xi32>,
      %swap3A_105 = vector.shape_cast %swap3A_104 : vector<1x16xi32> to vector<16xi32>
      %swap3A_106 = vector.shape_cast %add3A_101 : vector<16xi32> to vector<1x16xi32>
      tpu.vector_store %arg8[%swap3A_102, %swap3A_103], %swap3A_106 {strides = array<i32>} : memref<40x128xi32, #tpu.memory_space<vmem>>, vector<1x16xi32>,
      %get3A_107 = arith.index_cast %add3A_74 : i32 to index
      %get3A_108 = arith.constant 32 : index
      %get3A_109 = tpu.vector_load %arg9[%get3A_107, %get3A_108] {strides = array<i32>} : memref<40x128xi32, #tpu.memory_space<vmem>>, vector<1x16xi32>,
      %get3A_110 = vector.shape_cast %get3A_109 : vector<1x16xi32> to vector<16xi32>
      %mul3A_111 = arith.constant 10240 : i32
      %mul3A_112 = vector.broadcast %mul3A_111 : i32 to vector<16xi32>
      %mul3A_113 = arith.muli %get3A_110, %mul3A_112 : vector<16xi32>
      %get3A_114 = arith.index_cast %add3A_74 : i32 to index
      %get3A_115 = arith.constant 32 : index
      %get3A_116 = tpu.vector_load %arg8[%get3A_114, %get3A_115] {strides = array<i32>} : memref<40x128xi32, #tpu.memory_space<vmem>>, vector<1x16xi32>,
      %get3A_117 = vector.shape_cast %get3A_116 : vector<1x16xi32> to vector<16xi32>
      %add3A_118 = arith.addi %mul3A_113, %get3A_117 : vector<16xi32>
      %swap3A_119 = arith.index_cast %add3A_74 : i32 to index
      %swap3A_120 = arith.constant 32 : index
      %swap3A_121 = tpu.vector_load %arg8[%swap3A_119, %swap3A_120] {strides = array<i32>} : memref<40x128xi32, #tpu.memory_space<vmem>>, vector<1x16xi32>,
      %swap3A_122 = vector.shape_cast %swap3A_121 : vector<1x16xi32> to vector<16xi32>
      %swap3A_123 = vector.shape_cast %add3A_118 : vector<16xi32> to vector<1x16xi32>
      tpu.vector_store %arg8[%swap3A_119, %swap3A_120], %swap3A_123 {strides = array<i32>} : memref<40x128xi32, #tpu.memory_space<vmem>>, vector<1x16xi32>,
      %get3A_124 = arith.index_cast %add3A_74 : i32 to index
      %get3A_125 = arith.constant 48 : index
      %get3A_126 = tpu.vector_load %arg9[%get3A_124, %get3A_125] {strides = array<i32>} : memref<40x128xi32, #tpu.memory_space<vmem>>, vector<1x16xi32>,
      %get3A_127 = vector.shape_cast %get3A_126 : vector<1x16xi32> to vector<16xi32>
      %mul3A_128 = arith.constant 10240 : i32
      %mul3A_129 = vector.broadcast %mul3A_128 : i32 to vector<16xi32>
      %mul3A_130 = arith.muli %get3A_127, %mul3A_129 : vector<16xi32>
      %get3A_131 = arith.index_cast %add3A_74 : i32 to index
      %get3A_132 = arith.constant 48 : index
      %get3A_133 = tpu.vector_load %arg8[%get3A_131, %get3A_132] {strides = array<i32>} : memref<40x128xi32, #tpu.memory_space<vmem>>, vector<1x16xi32>,
      %get3A_134 = vector.shape_cast %get3A_133 : vector<1x16xi32> to vector<16xi32>
      %add3A_135 = arith.addi %mul3A_130, %get3A_134 : vector<16xi32>
      %swap3A_136 = arith.index_cast %add3A_74 : i32 to index
      %swap3A_137 = arith.constant 48 : index
      %swap3A_138 = tpu.vector_load %arg8[%swap3A_136, %swap3A_137] {strides = array<i32>} : memref<40x128xi32, #tpu.memory_space<vmem>>, vector<1x16xi32>,
      %swap3A_139 = vector.shape_cast %swap3A_138 : vector<1x16xi32> to vector<16xi32>
      %swap3A_140 = vector.shape_cast %add3A_135 : vector<16xi32> to vector<1x16xi32>
      tpu.vector_store %arg8[%swap3A_136, %swap3A_137], %swap3A_140 {strides = array<i32>} : memref<40x128xi32, #tpu.memory_space<vmem>>, vector<1x16xi32>,
      %get3A_141 = arith.index_cast %add3A_74 : i32 to index
      %get3A_142 = arith.constant 64 : index
      %get3A_143 = tpu.vector_load %arg9[%get3A_141, %get3A_142] {strides = array<i32>} : memref<40x128xi32, #tpu.memory_space<vmem>>, vector<1x16xi32>,
      %get3A_144 = vector.shape_cast %get3A_143 : vector<1x16xi32> to vector<16xi32>
      %mul3A_145 = arith.constant 10240 : i32
      %mul3A_146 = vector.broadcast %mul3A_145 : i32 to vector<16xi32>
      %mul3A_147 = arith.muli %get3A_144, %mul3A_146 : vector<16xi32>
      %get3A_148 = arith.index_cast %add3A_74 : i32 to index
      %get3A_149 = arith.constant 64 : index
      %get3A_150 = tpu.vector_load %arg8[%get3A_148, %get3A_149] {strides = array<i32>} : memref<40x128xi32, #tpu.memory_space<vmem>>, vector<1x16xi32>,
      %get3A_151 = vector.shape_cast %get3A_150 : vector<1x16xi32> to vector<16xi32>
      %add3A_152 = arith.addi %mul3A_147, %get3A_151 : vector<16xi32>
      %swap3A_153 = arith.index_cast %add3A_74 : i32 to index
      %swap3A_154 = arith.constant 64 : index
      %swap3A_155 = tpu.vector_load %arg8[%swap3A_153, %swap3A_154] {strides = array<i32>} : memref<40x128xi32, #tpu.memory_space<vmem>>, vector<1x16xi32>,
      %swap3A_156 = vector.shape_cast %swap3A_155 : vector<1x16xi32> to vector<16xi32>
      %swap3A_157 = vector.shape_cast %add3A_152 : vector<16xi32> to vector<1x16xi32>
      tpu.vector_store %arg8[%swap3A_153, %swap3A_154], %swap3A_157 {strides = array<i32>} : memref<40x128xi32, #tpu.memory_space<vmem>>, vector<1x16xi32>,
      %get3A_158 = arith.index_cast %add3A_74 : i32 to index
      %get3A_159 = arith.constant 80 : index
      %get3A_160 = tpu.vector_load %arg9[%get3A_158, %get3A_159] {strides = array<i32>} : memref<40x128xi32, #tpu.memory_space<vmem>>, vector<1x16xi32>,
      %get3A_161 = vector.shape_cast %get3A_160 : vector<1x16xi32> to vector<16xi32>
      %mul3A_162 = arith.constant 10240 : i32
      %mul3A_163 = vector.broadcast %mul3A_162 : i32 to vector<16xi32>
      %mul3A_164 = arith.muli %get3A_161, %mul3A_163 : vector<16xi32>
      %get3A_165 = arith.index_cast %add3A_74 : i32 to index
      %get3A_166 = arith.constant 80 : index
      %get3A_167 = tpu.vector_load %arg8[%get3A_165, %get3A_166] {strides = array<i32>} : memref<40x128xi32, #tpu.memory_space<vmem>>, vector<1x16xi32>,
      %get3A_168 = vector.shape_cast %get3A_167 : vector<1x16xi32> to vector<16xi32>
      %add3A_169 = arith.addi %mul3A_164, %get3A_168 : vector<16xi32>
      %swap3A_170 = arith.index_cast %add3A_74 : i32 to index
      %swap3A_171 = arith.constant 80 : index
      %swap3A_172 = tpu.vector_load %arg8[%swap3A_170, %swap3A_171] {strides = array<i32>} : memref<40x128xi32, #tpu.memory_space<vmem>>, vector<1x16xi32>,
      %swap3A_173 = vector.shape_cast %swap3A_172 : vector<1x16xi32> to vector<16xi32>
      %swap3A_174 = vector.shape_cast %add3A_169 : vector<16xi32> to vector<1x16xi32>
      tpu.vector_store %arg8[%swap3A_170, %swap3A_171], %swap3A_174 {strides = array<i32>} : memref<40x128xi32, #tpu.memory_space<vmem>>, vector<1x16xi32>,
      %get3A_175 = arith.index_cast %add3A_74 : i32 to index
      %get3A_176 = arith.constant 96 : index
      %get3A_177 = tpu.vector_load %arg9[%get3A_175, %get3A_176] {strides = array<i32>} : memref<40x128xi32, #tpu.memory_space<vmem>>, vector<1x16xi32>,
      %get3A_178 = vector.shape_cast %get3A_177 : vector<1x16xi32> to vector<16xi32>
      %mul3A_179 = arith.constant 10240 : i32
      %mul3A_180 = vector.broadcast %mul3A_179 : i32 to vector<16xi32>
      %mul3A_181 = arith.muli %get3A_178, %mul3A_180 : vector<16xi32>
      %get3A_182 = arith.index_cast %add3A_74 : i32 to index
      %get3A_183 = arith.constant 96 : index
      %get3A_184 = tpu.vector_load %arg8[%get3A_182, %get3A_183] {strides = array<i32>} : memref<40x128xi32, #tpu.memory_space<vmem>>, vector<1x16xi32>,
      %get3A_185 = vector.shape_cast %get3A_184 : vector<1x16xi32> to vector<16xi32>
      %add3A_186 = arith.addi %mul3A_181, %get3A_185 : vector<16xi32>
      %swap3A_187 = arith.index_cast %add3A_74 : i32 to index
      %swap3A_188 = arith.constant 96 : index
      %swap3A_189 = tpu.vector_load %arg8[%swap3A_187, %swap3A_188] {strides = array<i32>} : memref<40x128xi32, #tpu.memory_space<vmem>>, vector<1x16xi32>,
      %swap3A_190 = vector.shape_cast %swap3A_189 : vector<1x16xi32> to vector<16xi32>
      %swap3A_191 = vector.shape_cast %add3A_186 : vector<16xi32> to vector<1x16xi32>
      tpu.vector_store %arg8[%swap3A_187, %swap3A_188], %swap3A_191 {strides = array<i32>} : memref<40x128xi32, #tpu.memory_space<vmem>>, vector<1x16xi32>,
      %get3A_192 = arith.index_cast %add3A_74 : i32 to index
      %get3A_193 = arith.constant 112 : index
      %get3A_194 = tpu.vector_load %arg9[%get3A_192, %get3A_193] {strides = array<i32>} : memref<40x128xi32, #tpu.memory_space<vmem>>, vector<1x16xi32>,
      %get3A_195 = vector.shape_cast %get3A_194 : vector<1x16xi32> to vector<16xi32>
      %mul3A_196 = arith.constant 10240 : i32
      %mul3A_197 = vector.broadcast %mul3A_196 : i32 to vector<16xi32>
      %mul3A_198 = arith.muli %get3A_195, %mul3A_197 : vector<16xi32>
      %get3A_199 = arith.index_cast %add3A_74 : i32 to index
      %get3A_200 = arith.constant 112 : index
      %get3A_201 = tpu.vector_load %arg8[%get3A_199, %get3A_200] {strides = array<i32>} : memref<40x128xi32, #tpu.memory_space<vmem>>, vector<1x16xi32>,
      %get3A_202 = vector.shape_cast %get3A_201 : vector<1x16xi32> to vector<16xi32>
      %add3A_203 = arith.addi %mul3A_198, %get3A_202 : vector<16xi32>
      %swap3A_204 = arith.index_cast %add3A_74 : i32 to index
      %swap3A_205 = arith.constant 112 : index
      %swap3A_206 = tpu.vector_load %arg8[%swap3A_204, %swap3A_205] {strides = array<i32>} : memref<40x128xi32, #tpu.memory_space<vmem>>, vector<1x16xi32>,
      %swap3A_207 = vector.shape_cast %swap3A_206 : vector<1x16xi32> to vector<16xi32>
      %swap3A_208 = vector.shape_cast %add3A_203 : vector<16xi32> to vector<1x16xi32>
      tpu.vector_store %arg8[%swap3A_204, %swap3A_205], %swap3A_208 {strides = array<i32>} : memref<40x128xi32, #tpu.memory_space<vmem>>, vector<1x16xi32>,
    }
    %scan3A_38 = arith.constant 40 : i32
    %barrier3A = arith.constant 0 : index
    tpu.barrier barrier_id(%barrier3A)
    %dma_start3A_39 = arith.constant 0 : i32
    %dma_start3A_40 = arith.constant 0 : i32
    %dma_start3A_41 = tpu.memref_slice %arg10[%dma_start3A_39, %dma_start3A_40] : memref<40x128xi32, #tpu.memory_space<vmem>> -> memref<1x128xi32, #tpu.memory_space<vmem>>
    %dma_start3A_42 = tpu.memref_squeeze %dma_start3A_41 : memref<1x128xi32, #tpu.memory_space<vmem>> -> memref<128xi32, #tpu.memory_space<vmem>>
    %dma_start3A_43 = arith.constant 0 : i32
    %dma_start3A_44 = arith.constant 0 : i32
    %dma_start3A_45 = tpu.memref_slice %arg7[%dma_start3A_43, %dma_start3A_44] : memref<10240x128xf32, #tpu.memory_space<vmem_shared>> -> memref<10240x128xf32, #tpu.memory_space<vmem_shared>>
    tpu.enqueue_indirect_dma source(%arg12 : memref<128x128xf32, #tpu.memory_space<vmem>>) target(%dma_start3A_45 : memref<10240x128xf32, #tpu.memory_space<vmem_shared>>) offsets(%dma_start3A_42 : memref<128xi32, #tpu.memory_space<vmem>>) semaphore(%arg16 : memref<!tpu.dma_semaphore, #tpu.memory_space<semaphore_mem>>) {add = true}
    %dma_start3A_46 = arith.constant 0 : i32
    %dma_start3A_47 = arith.constant 0 : i32
    %dma_start3A_48 = tpu.memref_slice %arg8[%dma_start3A_46, %dma_start3A_47] : memref<40x128xi32, #tpu.memory_space<vmem>> -> memref<1x128xi32, #tpu.memory_space<vmem>>
    %dma_start3A_49 = tpu.memref_squeeze %dma_start3A_48 : memref<1x128xi32, #tpu.memory_space<vmem>> -> memref<128xi32, #tpu.memory_space<vmem>>
    %dma_start3A_50 = arith.constant 0 : i32
    %dma_start3A_51 = arith.constant 0 : i32
    %dma_start3A_52 = tpu.memref_slice %arg2[%dma_start3A_50, %dma_start3A_51] : memref<40960x128xf32, #tpu.memory_space<hbm>> -> memref<40960x128xf32, #tpu.memory_space<hbm>>
    tpu.enqueue_indirect_dma source(%dma_start3A_52 : memref<40960x128xf32, #tpu.memory_space<hbm>>) target(%arg11 : memref<128x128xf32, #tpu.memory_space<vmem>>) offsets(%dma_start3A_49 : memref<128xi32, #tpu.memory_space<vmem>>) semaphore(%arg13 : memref<!tpu.dma_semaphore, #tpu.memory_space<semaphore_mem>>)
    %scan3A_53 = arith.constant 0 : i32
    %scan3A_54 = arith.constant 20 : i32
    %scan3A_55 = arith.addi %scan3A_53, %scan3A_54 : i32
    %scan3A_56 = arith.constant 1 : i32
    scf.for %scan3A_70 = %scan3A_53 to %scan3A_55 step %scan3A_56  : i32 {
      %mul3A_71 = arith.constant 2 : i32
      %mul3A_72 = arith.muli %scan3A_70, %mul3A_71 : i32
      %add3A_73 = arith.constant 0 : i32
      %add3A_74 = arith.addi %add3A_73, %mul3A_72 : i32
      %dma_wait3A_75 = arith.constant 0 : i32
      %dma_wait3A_76 = tpu.memref_slice %arg8[%add3A_74, %dma_wait3A_75] : memref<40x128xi32, #tpu.memory_space<vmem>> -> memref<1x128xi32, #tpu.memory_space<vmem>>
      %dma_wait3A_77 = tpu.memref_squeeze %dma_wait3A_76 : memref<1x128xi32, #tpu.memory_space<vmem>> -> memref<128xi32, #tpu.memory_space<vmem>>
      %dma_wait3A_78 = arith.constant 0 : i32
      %dma_wait3A_79 = arith.constant 0 : i32
      %dma_wait3A_80 = tpu.memref_slice %arg2[%dma_wait3A_78, %dma_wait3A_79] : memref<40960x128xf32, #tpu.memory_space<hbm>> -> memref<40960x128xf32, #tpu.memory_space<hbm>>
      tpu.wait_indirect_dma semaphore(%arg13 : memref<!tpu.dma_semaphore, #tpu.memory_space<semaphore_mem>>) src(%dma_wait3A_80 : memref<40960x128xf32, #tpu.memory_space<hbm>>) dst(%arg11 : memref<128x128xf32, #tpu.memory_space<vmem>>)
      %dma_start3A_81 = arith.constant 0 : i32
      %dma_start3A_82 = tpu.memref_slice %arg10[%add3A_74, %dma_start3A_81] : memref<40x128xi32, #tpu.memory_space<vmem>> -> memref<1x128xi32, #tpu.memory_space<vmem>>
      %dma_start3A_83 = tpu.memref_squeeze %dma_start3A_82 : memref<1x128xi32, #tpu.memory_space<vmem>> -> memref<128xi32, #tpu.memory_space<vmem>>
      %dma_start3A_84 = arith.constant 0 : i32
      %dma_start3A_85 = arith.constant 0 : i32
      %dma_start3A_86 = tpu.memref_slice %arg7[%dma_start3A_84, %dma_start3A_85] : memref<10240x128xf32, #tpu.memory_space<vmem_shared>> -> memref<10240x128xf32, #tpu.memory_space<vmem_shared>>
      tpu.enqueue_indirect_dma source(%arg11 : memref<128x128xf32, #tpu.memory_space<vmem>>) target(%dma_start3A_86 : memref<10240x128xf32, #tpu.memory_space<vmem_shared>>) offsets(%dma_start3A_83 : memref<128xi32, #tpu.memory_space<vmem>>) semaphore(%arg15 : memref<!tpu.dma_semaphore, #tpu.memory_space<semaphore_mem>>) {add = true}
      %dma_wait3A_87 = arith.constant 0 : i32
      %dma_wait3A_88 = arith.constant 0 : i32
      %dma_wait3A_89 = tpu.memref_slice %arg10[%dma_wait3A_87, %dma_wait3A_88] : memref<40x128xi32, #tpu.memory_space<vmem>> -> memref<1x128xi32, #tpu.memory_space<vmem>>
      %dma_wait3A_90 = tpu.memref_squeeze %dma_wait3A_89 : memref<1x128xi32, #tpu.memory_space<vmem>> -> memref<128xi32, #tpu.memory_space<vmem>>
      %dma_wait3A_91 = arith.constant 0 : i32
      %dma_wait3A_92 = arith.constant 0 : i32
      %dma_wait3A_93 = tpu.memref_slice %arg7[%dma_wait3A_91, %dma_wait3A_92] : memref<10240x128xf32, #tpu.memory_space<vmem_shared>> -> memref<10240x128xf32, #tpu.memory_space<vmem_shared>>
      tpu.wait_indirect_dma semaphore(%arg16 : memref<!tpu.dma_semaphore, #tpu.memory_space<semaphore_mem>>) src(%arg12 : memref<128x128xf32, #tpu.memory_space<vmem>>) dst(%dma_wait3A_93 : memref<10240x128xf32, #tpu.memory_space<vmem_shared>>)
      %add3A_94 = arith.constant 1 : i32
      %add3A_95 = arith.addi %add3A_74, %add3A_94 : i32
      %dma_start3A_96 = arith.constant 0 : i32
      %dma_start3A_97 = tpu.memref_slice %arg8[%add3A_95, %dma_start3A_96] : memref<40x128xi32, #tpu.memory_space<vmem>> -> memref<1x128xi32, #tpu.memory_space<vmem>>
      %dma_start3A_98 = tpu.memref_squeeze %dma_start3A_97 : memref<1x128xi32, #tpu.memory_space<vmem>> -> memref<128xi32, #tpu.memory_space<vmem>>
      %dma_start3A_99 = arith.constant 0 : i32
      %dma_start3A_100 = arith.constant 0 : i32
      %dma_start3A_101 = tpu.memref_slice %arg2[%dma_start3A_99, %dma_start3A_100] : memref<40960x128xf32, #tpu.memory_space<hbm>> -> memref<40960x128xf32, #tpu.memory_space<hbm>>
      tpu.enqueue_indirect_dma source(%dma_start3A_101 : memref<40960x128xf32, #tpu.memory_space<hbm>>) target(%arg12 : memref<128x128xf32, #tpu.memory_space<vmem>>) offsets(%dma_start3A_98 : memref<128xi32, #tpu.memory_space<vmem>>) semaphore(%arg14 : memref<!tpu.dma_semaphore, #tpu.memory_space<semaphore_mem>>)
      %add3A_102 = arith.constant 1 : i32
      %add3A_103 = arith.addi %add3A_74, %add3A_102 : i32
      %dma_wait3A_104 = arith.constant 0 : i32
      %dma_wait3A_105 = tpu.memref_slice %arg8[%add3A_103, %dma_wait3A_104] : memref<40x128xi32, #tpu.memory_space<vmem>> -> memref<1x128xi32, #tpu.memory_space<vmem>>
      %dma_wait3A_106 = tpu.memref_squeeze %dma_wait3A_105 : memref<1x128xi32, #tpu.memory_space<vmem>> -> memref<128xi32, #tpu.memory_space<vmem>>
      %dma_wait3A_107 = arith.constant 0 : i32
      %dma_wait3A_108 = arith.constant 0 : i32
      %dma_wait3A_109 = tpu.memref_slice %arg2[%dma_wait3A_107, %dma_wait3A_108] : memref<40960x128xf32, #tpu.memory_space<hbm>> -> memref<40960x128xf32, #tpu.memory_space<hbm>>
      tpu.wait_indirect_dma semaphore(%arg14 : memref<!tpu.dma_semaphore, #tpu.memory_space<semaphore_mem>>) src(%dma_wait3A_109 : memref<40960x128xf32, #tpu.memory_space<hbm>>) dst(%arg12 : memref<128x128xf32, #tpu.memory_space<vmem>>)
      %add3A_110 = arith.constant 1 : i32
      %add3A_111 = arith.addi %add3A_74, %add3A_110 : i32
      %dma_start3A_112 = arith.constant 0 : i32
      %dma_start3A_113 = tpu.memref_slice %arg10[%add3A_111, %dma_start3A_112] : memref<40x128xi32, #tpu.memory_space<vmem>> -> memref<1x128xi32, #tpu.memory_space<vmem>>
      %dma_start3A_114 = tpu.memref_squeeze %dma_start3A_113 : memref<1x128xi32, #tpu.memory_space<vmem>> -> memref<128xi32, #tpu.memory_space<vmem>>
      %dma_start3A_115 = arith.constant 0 : i32
      %dma_start3A_116 = arith.constant 0 : i32
      %dma_start3A_117 = tpu.memref_slice %arg7[%dma_start3A_115, %dma_start3A_116] : memref<10240x128xf32, #tpu.memory_space<vmem_shared>> -> memref<10240x128xf32, #tpu.memory_space<vmem_shared>>
      tpu.enqueue_indirect_dma source(%arg12 : memref<128x128xf32, #tpu.memory_space<vmem>>) target(%dma_start3A_117 : memref<10240x128xf32, #tpu.memory_space<vmem_shared>>) offsets(%dma_start3A_114 : memref<128xi32, #tpu.memory_space<vmem>>) semaphore(%arg16 : memref<!tpu.dma_semaphore, #tpu.memory_space<semaphore_mem>>) {add = true}
      %dma_wait3A_118 = arith.constant 0 : i32
      %dma_wait3A_119 = arith.constant 0 : i32
      %dma_wait3A_120 = tpu.memref_slice %arg10[%dma_wait3A_118, %dma_wait3A_119] : memref<40x128xi32, #tpu.memory_space<vmem>> -> memref<1x128xi32, #tpu.memory_space<vmem>>
      %dma_wait3A_121 = tpu.memref_squeeze %dma_wait3A_120 : memref<1x128xi32, #tpu.memory_space<vmem>> -> memref<128xi32, #tpu.memory_space<vmem>>
      %dma_wait3A_122 = arith.constant 0 : i32
      %dma_wait3A_123 = arith.constant 0 : i32
      %dma_wait3A_124 = tpu.memref_slice %arg7[%dma_wait3A_122, %dma_wait3A_123] : memref<10240x128xf32, #tpu.memory_space<vmem_shared>> -> memref<10240x128xf32, #tpu.memory_space<vmem_shared>>
      tpu.wait_indirect_dma semaphore(%arg15 : memref<!tpu.dma_semaphore, #tpu.memory_space<semaphore_mem>>) src(%arg11 : memref<128x128xf32, #tpu.memory_space<vmem>>) dst(%dma_wait3A_124 : memref<10240x128xf32, #tpu.memory_space<vmem_shared>>)
      %add3A_125 = arith.constant 2 : i32
      %add3A_126 = arith.addi %add3A_74, %add3A_125 : i32
      %lt3A = arith.constant 40 : i32
      %lt3A_127 = arith.cmpi slt, %add3A_126, %lt3A : i32
      %convert_element_type3A = arith.extui %lt3A_127 : i1 to i32
      %cond3A = arith.constant 0 : i32
      %cond3A_128 = arith.cmpi ne, %convert_element_type3A, %cond3A : i32
      scf.if %cond3A_128 {
        %add3A_129 = arith.constant 2 : i32
        %add3A_130 = arith.addi %add3A_74, %add3A_129 : i32
        %dma_start3A_131 = arith.constant 0 : i32
        %dma_start3A_132 = tpu.memref_slice %arg8[%add3A_130, %dma_start3A_131] : memref<40x128xi32, #tpu.memory_space<vmem>> -> memref<1x128xi32, #tpu.memory_space<vmem>>
        %dma_start3A_133 = tpu.memref_squeeze %dma_start3A_132 : memref<1x128xi32, #tpu.memory_space<vmem>> -> memref<128xi32, #tpu.memory_space<vmem>>
        %dma_start3A_134 = arith.constant 0 : i32
        %dma_start3A_135 = arith.constant 0 : i32
        %dma_start3A_136 = tpu.memref_slice %arg2[%dma_start3A_134, %dma_start3A_135] : memref<40960x128xf32, #tpu.memory_space<hbm>> -> memref<40960x128xf32, #tpu.memory_space<hbm>>
        tpu.enqueue_indirect_dma source(%dma_start3A_136 : memref<40960x128xf32, #tpu.memory_space<hbm>>) target(%arg11 : memref<128x128xf32, #tpu.memory_space<vmem>>) offsets(%dma_start3A_133 : memref<128xi32, #tpu.memory_space<vmem>>) semaphore(%arg13 : memref<!tpu.dma_semaphore, #tpu.memory_space<semaphore_mem>>)
      } else {
      }
    }
    %scan3A_57 = arith.constant 20 : i32
    %dma_wait3A_58 = arith.constant 0 : i32
    %dma_wait3A_59 = arith.constant 0 : i32
    %dma_wait3A_60 = tpu.memref_slice %arg10[%dma_wait3A_58, %dma_wait3A_59] : memref<40x128xi32, #tpu.memory_space<vmem>> -> memref<1x128xi32, #tpu.memory_space<vmem>>
    %dma_wait3A_61 = tpu.memref_squeeze %dma_wait3A_60 : memref<1x128xi32, #tpu.memory_space<vmem>> -> memref<128xi32, #tpu.memory_space<vmem>>
    %dma_wait3A_62 = arith.constant 0 : i32
    %dma_wait3A_63 = arith.constant 0 : i32
    %dma_wait3A_64 = tpu.memref_slice %arg7[%dma_wait3A_62, %dma_wait3A_63] : memref<10240x128xf32, #tpu.memory_space<vmem_shared>> -> memref<10240x128xf32, #tpu.memory_space<vmem_shared>>
    tpu.wait_indirect_dma semaphore(%arg16 : memref<!tpu.dma_semaphore, #tpu.memory_space<semaphore_mem>>) src(%arg12 : memref<128x128xf32, #tpu.memory_space<vmem>>) dst(%dma_wait3A_64 : memref<10240x128xf32, #tpu.memory_space<vmem_shared>>)
    %barrier3A_65 = arith.constant 0 : index
    tpu.barrier barrier_id(%barrier3A_65)
    %mul3A_66 = arith.constant 640 : i32
    %mul3A_67 = arith.muli %arg1, %mul3A_66 : i32
    %mul3A_68 = arith.constant 640 : i32
    %mul3A_69 = arith.muli %arg1, %mul3A_68 : i32
    "tpu.region"() ({
      %run_scoped3A = tpu.sem_alloc : memref<!tpu.dma_semaphore, #tpu.memory_space<semaphore_mem>>
      %dma_start3A_70 = arith.constant 0 : i32
      %dma_start3A_71 = tpu.memref_slice %arg6[%arg0, %mul3A_69, %dma_start3A_70] : memref<2x10240x128xf32, #tpu.memory_space<hbm>> -> memref<1x640x128xf32, #tpu.memory_space<hbm>>
      %dma_start3A_72 = tpu.memref_squeeze %dma_start3A_71 : memref<1x640x128xf32, #tpu.memory_space<hbm>> -> memref<640x128xf32, #tpu.memory_space<hbm>>
      %dma_start3A_73 = arith.constant 0 : i32
      %dma_start3A_74 = tpu.memref_slice %arg7[%mul3A_67, %dma_start3A_73] : memref<10240x128xf32, #tpu.memory_space<vmem_shared>> -> memref<640x128xf32, #tpu.memory_space<vmem_shared>>
      tpu.enqueue_dma source(%dma_start3A_74 : memref<640x128xf32, #tpu.memory_space<vmem_shared>>) target(%dma_start3A_72 : memref<640x128xf32, #tpu.memory_space<hbm>>) target_semaphore(%run_scoped3A : memref<!tpu.dma_semaphore, #tpu.memory_space<semaphore_mem>>)
      %dma_wait3A_75 = arith.constant 0 : i32
      %dma_wait3A_76 = tpu.memref_slice %arg6[%arg0, %mul3A_69, %dma_wait3A_75] : memref<2x10240x128xf32, #tpu.memory_space<hbm>> -> memref<1x640x128xf32, #tpu.memory_space<hbm>>
      %dma_wait3A_77 = tpu.memref_squeeze %dma_wait3A_76 : memref<1x640x128xf32, #tpu.memory_space<hbm>> -> memref<640x128xf32, #tpu.memory_space<hbm>>
      %dma_wait3A_78 = arith.constant 0 : i32
      %dma_wait3A_79 = tpu.memref_slice %arg7[%mul3A_67, %dma_wait3A_78] : memref<10240x128xf32, #tpu.memory_space<vmem_shared>> -> memref<640x128xf32, #tpu.memory_space<vmem_shared>>
      tpu.wait_dma2 semaphore(%run_scoped3A : memref<!tpu.dma_semaphore, #tpu.memory_space<semaphore_mem>>) src(%dma_wait3A_79 : memref<640x128xf32, #tpu.memory_space<vmem_shared>>) dst(%dma_wait3A_77 : memref<640x128xf32, #tpu.memory_space<hbm>>)
      tpu.yield
    }) : () -> ()
    return
  }
}

#map = affine_map<(d0, d1) -> (0, 0)>
module attributes {stable_mosaic.version = 14 : i64} {
  func.func @k(%arg0: i32, %arg1: i32, %arg2: memref<640x128xi32, #tpu.memory_space<hbm>>, %arg3: memref<1000x128xf32, #tpu.memory_space<hbm>>, %arg4: memref<10240x128xf32, #tpu.memory_space<hbm>>, %arg5: memref<8x128xi32, #tpu.memory_space<vmem>>, %arg6: memref<128x128xf32, #tpu.memory_space<vmem>>, %arg7: memref<128x128xf32, #tpu.memory_space<vmem>>, %arg8: memref<128x128xf32, #tpu.memory_space<vmem>>, %arg9: memref<!tpu.dma_semaphore, #tpu.memory_space<semaphore_mem>>, %arg10: memref<!tpu.dma_semaphore, #tpu.memory_space<semaphore_mem>>, %arg11: memref<!tpu.dma_semaphore, #tpu.memory_space<semaphore_mem>>) attributes {dimension_semantics = [#tpu.dimension_semantics<core_parallel>, #tpu.dimension_semantics<subcore_parallel>], iteration_bounds = array<i64: 2, 16>, scalar_prefetch = 0 : i64, scratch_operands = 7 : i64, tpu.core_type = #tpu.core_type<sc_vector_subcore>, window_params = [{transform_indices = #map}, {transform_indices = #map}, {transform_indices = #map}]} {
    %mul3A = arith.constant 16 : i32
    %mul3A_0 = arith.muli %arg0, %mul3A : i32
    %add3A = arith.addi %mul3A_0, %arg1 : i32
    %sub3A = arith.constant 80 : i32
    %sub3A_1 = arith.subi %sub3A, %add3A : i32
    %sub3A_2 = arith.constant 32 : i32
    %sub3A_3 = arith.constant 1 : i32
    %sub3A_4 = arith.subi %sub3A_2, %sub3A_3 : i32
    %add3A_5 = arith.addi %sub3A_1, %sub3A_4 : i32
    %div3A = arith.constant 32 : i32
    %div3A_6 = arith.divsi %add3A_5, %div3A : i32
    %while3A = arith.constant 32 : i32
    %while3A_7 = arith.constant 0 : i32
    %while3A_8 = arith.subi %div3A_6, %while3A_7 : i32
    %while3A_9 = arith.addi %while3A_7, %while3A_8 : i32
    %while3A_10 = arith.constant 1 : i32
    %while3A_11 = arith.divsi %while3A_8, %while3A_10 : i32
    %while3A_12 = arith.muli %while3A_11, %while3A_10 : i32
    %while3A_13 = arith.addi %while3A_7, %while3A_12 : i32
    %while3A_14 = arith.constant 1 : i32
    scf.for %while3A_16 = %while3A_7 to %while3A_13 step %while3A_14  : i32 {
      %mul3A_17 = arith.muli %while3A_16, %while3A : i32
      %add3A_18 = arith.addi %add3A, %mul3A_17 : i32
      %mul3A_19 = arith.constant 128 : i32
      %mul3A_20 = arith.muli %add3A_18, %mul3A_19 : i32
      %mul3A_21 = arith.constant 8 : i32
      %mul3A_22 = arith.muli %mul3A_21, %add3A_18 : i32
      "tpu.region"() ({
        %run_scoped3A = tpu.sem_alloc : memref<!tpu.dma_semaphore, #tpu.memory_space<semaphore_mem>>
        %dma_start3A_67 = arith.constant 0 : i32
        %dma_start3A_68 = tpu.memref_slice %arg2[%mul3A_22, %dma_start3A_67] : memref<640x128xi32, #tpu.memory_space<hbm>> -> memref<8x128xi32, #tpu.memory_space<hbm>>
        %dma_start3A_69 = arith.constant 0 : i32
        %dma_start3A_70 = tpu.memref_slice %arg2[%mul3A_22, %dma_start3A_69] : memref<640x128xi32, #tpu.memory_space<hbm>> -> memref<8x128xi32, #tpu.memory_space<hbm>>
        tpu.enqueue_dma source(%dma_start3A_70 : memref<8x128xi32, #tpu.memory_space<hbm>>) target(%arg5 : memref<8x128xi32, #tpu.memory_space<vmem>>) target_semaphore(%run_scoped3A : memref<!tpu.dma_semaphore, #tpu.memory_space<semaphore_mem>>)
        %dma_wait3A_71 = arith.constant 0 : i32
        %dma_wait3A_72 = tpu.memref_slice %arg2[%mul3A_22, %dma_wait3A_71] : memref<640x128xi32, #tpu.memory_space<hbm>> -> memref<8x128xi32, #tpu.memory_space<hbm>>
        %dma_wait3A_73 = arith.constant 0 : i32
        %dma_wait3A_74 = tpu.memref_slice %arg2[%mul3A_22, %dma_wait3A_73] : memref<640x128xi32, #tpu.memory_space<hbm>> -> memref<8x128xi32, #tpu.memory_space<hbm>>
        tpu.wait_dma2 semaphore(%run_scoped3A : memref<!tpu.dma_semaphore, #tpu.memory_space<semaphore_mem>>) src(%dma_wait3A_74 : memref<8x128xi32, #tpu.memory_space<hbm>>) dst(%arg5 : memref<8x128xi32, #tpu.memory_space<vmem>>)
        tpu.yield
      }) : () -> ()
      %dma_start3A = arith.constant 0 : i32
      %dma_start3A_23 = arith.constant 0 : i32
      %dma_start3A_24 = tpu.memref_slice %arg5[%dma_start3A, %dma_start3A_23] : memref<8x128xi32, #tpu.memory_space<vmem>> -> memref<1x128xi32, #tpu.memory_space<vmem>>
      %dma_start3A_25 = tpu.memref_squeeze %dma_start3A_24 : memref<1x128xi32, #tpu.memory_space<vmem>> -> memref<128xi32, #tpu.memory_space<vmem>>
      %dma_start3A_26 = arith.constant 0 : i32
      %dma_start3A_27 = arith.constant 0 : i32
      %dma_start3A_28 = tpu.memref_slice %arg3[%dma_start3A_26, %dma_start3A_27] : memref<1000x128xf32, #tpu.memory_space<hbm>> -> memref<1000x128xf32, #tpu.memory_space<hbm>>
      tpu.enqueue_indirect_dma source(%dma_start3A_28 : memref<1000x128xf32, #tpu.memory_space<hbm>>) target(%arg6 : memref<128x128xf32, #tpu.memory_space<vmem>>) offsets(%dma_start3A_25 : memref<128xi32, #tpu.memory_space<vmem>>) semaphore(%arg9 : memref<!tpu.dma_semaphore, #tpu.memory_space<semaphore_mem>>)
      %dma_start3A_29 = arith.constant 1 : i32
      %dma_start3A_30 = arith.constant 0 : i32
      %dma_start3A_31 = tpu.memref_slice %arg5[%dma_start3A_29, %dma_start3A_30] : memref<8x128xi32, #tpu.memory_space<vmem>> -> memref<1x128xi32, #tpu.memory_space<vmem>>
      %dma_start3A_32 = tpu.memref_squeeze %dma_start3A_31 : memref<1x128xi32, #tpu.memory_space<vmem>> -> memref<128xi32, #tpu.memory_space<vmem>>
      %dma_start3A_33 = arith.constant 0 : i32
      %dma_start3A_34 = arith.constant 0 : i32
      %dma_start3A_35 = tpu.memref_slice %arg3[%dma_start3A_33, %dma_start3A_34] : memref<1000x128xf32, #tpu.memory_space<hbm>> -> memref<1000x128xf32, #tpu.memory_space<hbm>>
      tpu.enqueue_indirect_dma source(%dma_start3A_35 : memref<1000x128xf32, #tpu.memory_space<hbm>>) target(%arg7 : memref<128x128xf32, #tpu.memory_space<vmem>>) offsets(%dma_start3A_32 : memref<128xi32, #tpu.memory_space<vmem>>) semaphore(%arg10 : memref<!tpu.dma_semaphore, #tpu.memory_space<semaphore_mem>>)
      %dma_start3A_36 = arith.constant 2 : i32
      %dma_start3A_37 = arith.constant 0 : i32
      %dma_start3A_38 = tpu.memref_slice %arg5[%dma_start3A_36, %dma_start3A_37] : memref<8x128xi32, #tpu.memory_space<vmem>> -> memref<1x128xi32, #tpu.memory_space<vmem>>
      %dma_start3A_39 = tpu.memref_squeeze %dma_start3A_38 : memref<1x128xi32, #tpu.memory_space<vmem>> -> memref<128xi32, #tpu.memory_space<vmem>>
      %dma_start3A_40 = arith.constant 0 : i32
      %dma_start3A_41 = arith.constant 0 : i32
      %dma_start3A_42 = tpu.memref_slice %arg3[%dma_start3A_40, %dma_start3A_41] : memref<1000x128xf32, #tpu.memory_space<hbm>> -> memref<1000x128xf32, #tpu.memory_space<hbm>>
      tpu.enqueue_indirect_dma source(%dma_start3A_42 : memref<1000x128xf32, #tpu.memory_space<hbm>>) target(%arg8 : memref<128x128xf32, #tpu.memory_space<vmem>>) offsets(%dma_start3A_39 : memref<128xi32, #tpu.memory_space<vmem>>) semaphore(%arg11 : memref<!tpu.dma_semaphore, #tpu.memory_space<semaphore_mem>>)
      %dma_wait3A = arith.constant 0 : i32
      %dma_wait3A_43 = arith.constant 0 : i32
      %dma_wait3A_44 = tpu.memref_slice %arg5[%dma_wait3A, %dma_wait3A_43] : memref<8x128xi32, #tpu.memory_space<vmem>> -> memref<1x128xi32, #tpu.memory_space<vmem>>
      %dma_wait3A_45 = tpu.memref_squeeze %dma_wait3A_44 : memref<1x128xi32, #tpu.memory_space<vmem>> -> memref<128xi32, #tpu.memory_space<vmem>>
      %dma_wait3A_46 = arith.constant 0 : i32
      %dma_wait3A_47 = arith.constant 0 : i32
      %dma_wait3A_48 = tpu.memref_slice %arg3[%dma_wait3A_46, %dma_wait3A_47] : memref<1000x128xf32, #tpu.memory_space<hbm>> -> memref<1000x128xf32, #tpu.memory_space<hbm>>
      tpu.wait_indirect_dma semaphore(%arg9 : memref<!tpu.dma_semaphore, #tpu.memory_space<semaphore_mem>>) src(%dma_wait3A_48 : memref<1000x128xf32, #tpu.memory_space<hbm>>) dst(%arg6 : memref<128x128xf32, #tpu.memory_space<vmem>>)
      %dma_wait3A_49 = arith.constant 1 : i32
      %dma_wait3A_50 = arith.constant 0 : i32
      %dma_wait3A_51 = tpu.memref_slice %arg5[%dma_wait3A_49, %dma_wait3A_50] : memref<8x128xi32, #tpu.memory_space<vmem>> -> memref<1x128xi32, #tpu.memory_space<vmem>>
      %dma_wait3A_52 = tpu.memref_squeeze %dma_wait3A_51 : memref<1x128xi32, #tpu.memory_space<vmem>> -> memref<128xi32, #tpu.memory_space<vmem>>
      %dma_wait3A_53 = arith.constant 0 : i32
      %dma_wait3A_54 = arith.constant 0 : i32
      %dma_wait3A_55 = tpu.memref_slice %arg3[%dma_wait3A_53, %dma_wait3A_54] : memref<1000x128xf32, #tpu.memory_space<hbm>> -> memref<1000x128xf32, #tpu.memory_space<hbm>>
      tpu.wait_indirect_dma semaphore(%arg10 : memref<!tpu.dma_semaphore, #tpu.memory_space<semaphore_mem>>) src(%dma_wait3A_55 : memref<1000x128xf32, #tpu.memory_space<hbm>>) dst(%arg7 : memref<128x128xf32, #tpu.memory_space<vmem>>)
      %dma_wait3A_56 = arith.constant 2 : i32
      %dma_wait3A_57 = arith.constant 0 : i32
      %dma_wait3A_58 = tpu.memref_slice %arg5[%dma_wait3A_56, %dma_wait3A_57] : memref<8x128xi32, #tpu.memory_space<vmem>> -> memref<1x128xi32, #tpu.memory_space<vmem>>
      %dma_wait3A_59 = tpu.memref_squeeze %dma_wait3A_58 : memref<1x128xi32, #tpu.memory_space<vmem>> -> memref<128xi32, #tpu.memory_space<vmem>>
      %dma_wait3A_60 = arith.constant 0 : i32
      %dma_wait3A_61 = arith.constant 0 : i32
      %dma_wait3A_62 = tpu.memref_slice %arg3[%dma_wait3A_60, %dma_wait3A_61] : memref<1000x128xf32, #tpu.memory_space<hbm>> -> memref<1000x128xf32, #tpu.memory_space<hbm>>
      tpu.wait_indirect_dma semaphore(%arg11 : memref<!tpu.dma_semaphore, #tpu.memory_space<semaphore_mem>>) src(%dma_wait3A_62 : memref<1000x128xf32, #tpu.memory_space<hbm>>) dst(%arg8 : memref<128x128xf32, #tpu.memory_space<vmem>>)
      %scan3A = arith.constant 0 : i32
      %scan3A_63 = arith.constant 128 : i32
      %scan3A_64 = arith.addi %scan3A, %scan3A_63 : i32
      %scan3A_65 = arith.constant 1 : i32
      scf.for %scan3A_67 = %scan3A to %scan3A_64 step %scan3A_65  : i32 {
        %mul3A_68 = arith.constant 1 : i32
        %mul3A_69 = arith.muli %scan3A_67, %mul3A_68 : i32
        %add3A_70 = arith.constant 0 : i32
        %add3A_71 = arith.addi %add3A_70, %mul3A_69 : i32
        %get3A = arith.index_cast %add3A_71 : i32 to index
        %get3A_72 = arith.constant 0 : index
        %get3A_73 = tpu.vector_load %arg6[%get3A, %get3A_72] {strides = array<i32>} : memref<128x128xf32, #tpu.memory_space<vmem>>, vector<1x16xf32>,
        %get3A_74 = vector.shape_cast %get3A_73 : vector<1x16xf32> to vector<16xf32>
        %get3A_75 = arith.index_cast %add3A_71 : i32 to index
        %get3A_76 = arith.constant 0 : index
        %get3A_77 = tpu.vector_load %arg7[%get3A_75, %get3A_76] {strides = array<i32>} : memref<128x128xf32, #tpu.memory_space<vmem>>, vector<1x16xf32>,
        %get3A_78 = vector.shape_cast %get3A_77 : vector<1x16xf32> to vector<16xf32>
        %add3A_79 = arith.addf %get3A_74, %get3A_78 : vector<16xf32>
        %get3A_80 = arith.index_cast %add3A_71 : i32 to index
        %get3A_81 = arith.constant 0 : index
        %get3A_82 = tpu.vector_load %arg8[%get3A_80, %get3A_81] {strides = array<i32>} : memref<128x128xf32, #tpu.memory_space<vmem>>, vector<1x16xf32>,
        %get3A_83 = vector.shape_cast %get3A_82 : vector<1x16xf32> to vector<16xf32>
        %add3A_84 = arith.addf %add3A_79, %get3A_83 : vector<16xf32>
        %swap3A = arith.index_cast %add3A_71 : i32 to index
        %swap3A_85 = arith.constant 0 : index
        %swap3A_86 = tpu.vector_load %arg6[%swap3A, %swap3A_85] {strides = array<i32>} : memref<128x128xf32, #tpu.memory_space<vmem>>, vector<1x16xf32>,
        %swap3A_87 = vector.shape_cast %swap3A_86 : vector<1x16xf32> to vector<16xf32>
        %swap3A_88 = vector.shape_cast %add3A_84 : vector<16xf32> to vector<1x16xf32>
        tpu.vector_store %arg6[%swap3A, %swap3A_85], %swap3A_88 {strides = array<i32>} : memref<128x128xf32, #tpu.memory_space<vmem>>, vector<1x16xf32>,
        %get3A_89 = arith.index_cast %add3A_71 : i32 to index
        %get3A_90 = arith.constant 16 : index
        %get3A_91 = tpu.vector_load %arg6[%get3A_89, %get3A_90] {strides = array<i32>} : memref<128x128xf32, #tpu.memory_space<vmem>>, vector<1x16xf32>,
        %get3A_92 = vector.shape_cast %get3A_91 : vector<1x16xf32> to vector<16xf32>
        %get3A_93 = arith.index_cast %add3A_71 : i32 to index
        %get3A_94 = arith.constant 16 : index
        %get3A_95 = tpu.vector_load %arg7[%get3A_93, %get3A_94] {strides = array<i32>} : memref<128x128xf32, #tpu.memory_space<vmem>>, vector<1x16xf32>,
        %get3A_96 = vector.shape_cast %get3A_95 : vector<1x16xf32> to vector<16xf32>
        %add3A_97 = arith.addf %get3A_92, %get3A_96 : vector<16xf32>
        %get3A_98 = arith.index_cast %add3A_71 : i32 to index
        %get3A_99 = arith.constant 16 : index
        %get3A_100 = tpu.vector_load %arg8[%get3A_98, %get3A_99] {strides = array<i32>} : memref<128x128xf32, #tpu.memory_space<vmem>>, vector<1x16xf32>,
        %get3A_101 = vector.shape_cast %get3A_100 : vector<1x16xf32> to vector<16xf32>
        %add3A_102 = arith.addf %add3A_97, %get3A_101 : vector<16xf32>
        %swap3A_103 = arith.index_cast %add3A_71 : i32 to index
        %swap3A_104 = arith.constant 16 : index
        %swap3A_105 = tpu.vector_load %arg6[%swap3A_103, %swap3A_104] {strides = array<i32>} : memref<128x128xf32, #tpu.memory_space<vmem>>, vector<1x16xf32>,
        %swap3A_106 = vector.shape_cast %swap3A_105 : vector<1x16xf32> to vector<16xf32>
        %swap3A_107 = vector.shape_cast %add3A_102 : vector<16xf32> to vector<1x16xf32>
        tpu.vector_store %arg6[%swap3A_103, %swap3A_104], %swap3A_107 {strides = array<i32>} : memref<128x128xf32, #tpu.memory_space<vmem>>, vector<1x16xf32>,
        %get3A_108 = arith.index_cast %add3A_71 : i32 to index
        %get3A_109 = arith.constant 32 : index
        %get3A_110 = tpu.vector_load %arg6[%get3A_108, %get3A_109] {strides = array<i32>} : memref<128x128xf32, #tpu.memory_space<vmem>>, vector<1x16xf32>,
        %get3A_111 = vector.shape_cast %get3A_110 : vector<1x16xf32> to vector<16xf32>
        %get3A_112 = arith.index_cast %add3A_71 : i32 to index
        %get3A_113 = arith.constant 32 : index
        %get3A_114 = tpu.vector_load %arg7[%get3A_112, %get3A_113] {strides = array<i32>} : memref<128x128xf32, #tpu.memory_space<vmem>>, vector<1x16xf32>,
        %get3A_115 = vector.shape_cast %get3A_114 : vector<1x16xf32> to vector<16xf32>
        %add3A_116 = arith.addf %get3A_111, %get3A_115 : vector<16xf32>
        %get3A_117 = arith.index_cast %add3A_71 : i32 to index
        %get3A_118 = arith.constant 32 : index
        %get3A_119 = tpu.vector_load %arg8[%get3A_117, %get3A_118] {strides = array<i32>} : memref<128x128xf32, #tpu.memory_space<vmem>>, vector<1x16xf32>,
        %get3A_120 = vector.shape_cast %get3A_119 : vector<1x16xf32> to vector<16xf32>
        %add3A_121 = arith.addf %add3A_116, %get3A_120 : vector<16xf32>
        %swap3A_122 = arith.index_cast %add3A_71 : i32 to index
        %swap3A_123 = arith.constant 32 : index
        %swap3A_124 = tpu.vector_load %arg6[%swap3A_122, %swap3A_123] {strides = array<i32>} : memref<128x128xf32, #tpu.memory_space<vmem>>, vector<1x16xf32>,
        %swap3A_125 = vector.shape_cast %swap3A_124 : vector<1x16xf32> to vector<16xf32>
        %swap3A_126 = vector.shape_cast %add3A_121 : vector<16xf32> to vector<1x16xf32>
        tpu.vector_store %arg6[%swap3A_122, %swap3A_123], %swap3A_126 {strides = array<i32>} : memref<128x128xf32, #tpu.memory_space<vmem>>, vector<1x16xf32>,
        %get3A_127 = arith.index_cast %add3A_71 : i32 to index
        %get3A_128 = arith.constant 48 : index
        %get3A_129 = tpu.vector_load %arg6[%get3A_127, %get3A_128] {strides = array<i32>} : memref<128x128xf32, #tpu.memory_space<vmem>>, vector<1x16xf32>,
        %get3A_130 = vector.shape_cast %get3A_129 : vector<1x16xf32> to vector<16xf32>
        %get3A_131 = arith.index_cast %add3A_71 : i32 to index
        %get3A_132 = arith.constant 48 : index
        %get3A_133 = tpu.vector_load %arg7[%get3A_131, %get3A_132] {strides = array<i32>} : memref<128x128xf32, #tpu.memory_space<vmem>>, vector<1x16xf32>,
        %get3A_134 = vector.shape_cast %get3A_133 : vector<1x16xf32> to vector<16xf32>
        %add3A_135 = arith.addf %get3A_130, %get3A_134 : vector<16xf32>
        %get3A_136 = arith.index_cast %add3A_71 : i32 to index
        %get3A_137 = arith.constant 48 : index
        %get3A_138 = tpu.vector_load %arg8[%get3A_136, %get3A_137] {strides = array<i32>} : memref<128x128xf32, #tpu.memory_space<vmem>>, vector<1x16xf32>,
        %get3A_139 = vector.shape_cast %get3A_138 : vector<1x16xf32> to vector<16xf32>
        %add3A_140 = arith.addf %add3A_135, %get3A_139 : vector<16xf32>
        %swap3A_141 = arith.index_cast %add3A_71 : i32 to index
        %swap3A_142 = arith.constant 48 : index
        %swap3A_143 = tpu.vector_load %arg6[%swap3A_141, %swap3A_142] {strides = array<i32>} : memref<128x128xf32, #tpu.memory_space<vmem>>, vector<1x16xf32>,
        %swap3A_144 = vector.shape_cast %swap3A_143 : vector<1x16xf32> to vector<16xf32>
        %swap3A_145 = vector.shape_cast %add3A_140 : vector<16xf32> to vector<1x16xf32>
        tpu.vector_store %arg6[%swap3A_141, %swap3A_142], %swap3A_145 {strides = array<i32>} : memref<128x128xf32, #tpu.memory_space<vmem>>, vector<1x16xf32>,
        %get3A_146 = arith.index_cast %add3A_71 : i32 to index
        %get3A_147 = arith.constant 64 : index
        %get3A_148 = tpu.vector_load %arg6[%get3A_146, %get3A_147] {strides = array<i32>} : memref<128x128xf32, #tpu.memory_space<vmem>>, vector<1x16xf32>,
        %get3A_149 = vector.shape_cast %get3A_148 : vector<1x16xf32> to vector<16xf32>
        %get3A_150 = arith.index_cast %add3A_71 : i32 to index
        %get3A_151 = arith.constant 64 : index
        %get3A_152 = tpu.vector_load %arg7[%get3A_150, %get3A_151] {strides = array<i32>} : memref<128x128xf32, #tpu.memory_space<vmem>>, vector<1x16xf32>,
        %get3A_153 = vector.shape_cast %get3A_152 : vector<1x16xf32> to vector<16xf32>
        %add3A_154 = arith.addf %get3A_149, %get3A_153 : vector<16xf32>
        %get3A_155 = arith.index_cast %add3A_71 : i32 to index
        %get3A_156 = arith.constant 64 : index
        %get3A_157 = tpu.vector_load %arg8[%get3A_155, %get3A_156] {strides = array<i32>} : memref<128x128xf32, #tpu.memory_space<vmem>>, vector<1x16xf32>,
        %get3A_158 = vector.shape_cast %get3A_157 : vector<1x16xf32> to vector<16xf32>
        %add3A_159 = arith.addf %add3A_154, %get3A_158 : vector<16xf32>
        %swap3A_160 = arith.index_cast %add3A_71 : i32 to index
        %swap3A_161 = arith.constant 64 : index
        %swap3A_162 = tpu.vector_load %arg6[%swap3A_160, %swap3A_161] {strides = array<i32>} : memref<128x128xf32, #tpu.memory_space<vmem>>, vector<1x16xf32>,
        %swap3A_163 = vector.shape_cast %swap3A_162 : vector<1x16xf32> to vector<16xf32>
        %swap3A_164 = vector.shape_cast %add3A_159 : vector<16xf32> to vector<1x16xf32>
        tpu.vector_store %arg6[%swap3A_160, %swap3A_161], %swap3A_164 {strides = array<i32>} : memref<128x128xf32, #tpu.memory_space<vmem>>, vector<1x16xf32>,
        %get3A_165 = arith.index_cast %add3A_71 : i32 to index
        %get3A_166 = arith.constant 80 : index
        %get3A_167 = tpu.vector_load %arg6[%get3A_165, %get3A_166] {strides = array<i32>} : memref<128x128xf32, #tpu.memory_space<vmem>>, vector<1x16xf32>,
        %get3A_168 = vector.shape_cast %get3A_167 : vector<1x16xf32> to vector<16xf32>
        %get3A_169 = arith.index_cast %add3A_71 : i32 to index
        %get3A_170 = arith.constant 80 : index
        %get3A_171 = tpu.vector_load %arg7[%get3A_169, %get3A_170] {strides = array<i32>} : memref<128x128xf32, #tpu.memory_space<vmem>>, vector<1x16xf32>,
        %get3A_172 = vector.shape_cast %get3A_171 : vector<1x16xf32> to vector<16xf32>
        %add3A_173 = arith.addf %get3A_168, %get3A_172 : vector<16xf32>
        %get3A_174 = arith.index_cast %add3A_71 : i32 to index
        %get3A_175 = arith.constant 80 : index
        %get3A_176 = tpu.vector_load %arg8[%get3A_174, %get3A_175] {strides = array<i32>} : memref<128x128xf32, #tpu.memory_space<vmem>>, vector<1x16xf32>,
        %get3A_177 = vector.shape_cast %get3A_176 : vector<1x16xf32> to vector<16xf32>
        %add3A_178 = arith.addf %add3A_173, %get3A_177 : vector<16xf32>
        %swap3A_179 = arith.index_cast %add3A_71 : i32 to index
        %swap3A_180 = arith.constant 80 : index
        %swap3A_181 = tpu.vector_load %arg6[%swap3A_179, %swap3A_180] {strides = array<i32>} : memref<128x128xf32, #tpu.memory_space<vmem>>, vector<1x16xf32>,
        %swap3A_182 = vector.shape_cast %swap3A_181 : vector<1x16xf32> to vector<16xf32>
        %swap3A_183 = vector.shape_cast %add3A_178 : vector<16xf32> to vector<1x16xf32>
        tpu.vector_store %arg6[%swap3A_179, %swap3A_180], %swap3A_183 {strides = array<i32>} : memref<128x128xf32, #tpu.memory_space<vmem>>, vector<1x16xf32>,
        %get3A_184 = arith.index_cast %add3A_71 : i32 to index
        %get3A_185 = arith.constant 96 : index
        %get3A_186 = tpu.vector_load %arg6[%get3A_184, %get3A_185] {strides = array<i32>} : memref<128x128xf32, #tpu.memory_space<vmem>>, vector<1x16xf32>,
        %get3A_187 = vector.shape_cast %get3A_186 : vector<1x16xf32> to vector<16xf32>
        %get3A_188 = arith.index_cast %add3A_71 : i32 to index
        %get3A_189 = arith.constant 96 : index
        %get3A_190 = tpu.vector_load %arg7[%get3A_188, %get3A_189] {strides = array<i32>} : memref<128x128xf32, #tpu.memory_space<vmem>>, vector<1x16xf32>,
        %get3A_191 = vector.shape_cast %get3A_190 : vector<1x16xf32> to vector<16xf32>
        %add3A_192 = arith.addf %get3A_187, %get3A_191 : vector<16xf32>
        %get3A_193 = arith.index_cast %add3A_71 : i32 to index
        %get3A_194 = arith.constant 96 : index
        %get3A_195 = tpu.vector_load %arg8[%get3A_193, %get3A_194] {strides = array<i32>} : memref<128x128xf32, #tpu.memory_space<vmem>>, vector<1x16xf32>,
        %get3A_196 = vector.shape_cast %get3A_195 : vector<1x16xf32> to vector<16xf32>
        %add3A_197 = arith.addf %add3A_192, %get3A_196 : vector<16xf32>
        %swap3A_198 = arith.index_cast %add3A_71 : i32 to index
        %swap3A_199 = arith.constant 96 : index
        %swap3A_200 = tpu.vector_load %arg6[%swap3A_198, %swap3A_199] {strides = array<i32>} : memref<128x128xf32, #tpu.memory_space<vmem>>, vector<1x16xf32>,
        %swap3A_201 = vector.shape_cast %swap3A_200 : vector<1x16xf32> to vector<16xf32>
        %swap3A_202 = vector.shape_cast %add3A_197 : vector<16xf32> to vector<1x16xf32>
        tpu.vector_store %arg6[%swap3A_198, %swap3A_199], %swap3A_202 {strides = array<i32>} : memref<128x128xf32, #tpu.memory_space<vmem>>, vector<1x16xf32>,
        %get3A_203 = arith.index_cast %add3A_71 : i32 to index
        %get3A_204 = arith.constant 112 : index
        %get3A_205 = tpu.vector_load %arg6[%get3A_203, %get3A_204] {strides = array<i32>} : memref<128x128xf32, #tpu.memory_space<vmem>>, vector<1x16xf32>,
        %get3A_206 = vector.shape_cast %get3A_205 : vector<1x16xf32> to vector<16xf32>
        %get3A_207 = arith.index_cast %add3A_71 : i32 to index
        %get3A_208 = arith.constant 112 : index
        %get3A_209 = tpu.vector_load %arg7[%get3A_207, %get3A_208] {strides = array<i32>} : memref<128x128xf32, #tpu.memory_space<vmem>>, vector<1x16xf32>,
        %get3A_210 = vector.shape_cast %get3A_209 : vector<1x16xf32> to vector<16xf32>
        %add3A_211 = arith.addf %get3A_206, %get3A_210 : vector<16xf32>
        %get3A_212 = arith.index_cast %add3A_71 : i32 to index
        %get3A_213 = arith.constant 112 : index
        %get3A_214 = tpu.vector_load %arg8[%get3A_212, %get3A_213] {strides = array<i32>} : memref<128x128xf32, #tpu.memory_space<vmem>>, vector<1x16xf32>,
        %get3A_215 = vector.shape_cast %get3A_214 : vector<1x16xf32> to vector<16xf32>
        %add3A_216 = arith.addf %add3A_211, %get3A_215 : vector<16xf32>
        %swap3A_217 = arith.index_cast %add3A_71 : i32 to index
        %swap3A_218 = arith.constant 112 : index
        %swap3A_219 = tpu.vector_load %arg6[%swap3A_217, %swap3A_218] {strides = array<i32>} : memref<128x128xf32, #tpu.memory_space<vmem>>, vector<1x16xf32>,
        %swap3A_220 = vector.shape_cast %swap3A_219 : vector<1x16xf32> to vector<16xf32>
        %swap3A_221 = vector.shape_cast %add3A_216 : vector<16xf32> to vector<1x16xf32>
        tpu.vector_store %arg6[%swap3A_217, %swap3A_218], %swap3A_221 {strides = array<i32>} : memref<128x128xf32, #tpu.memory_space<vmem>>, vector<1x16xf32>,
      }
      %scan3A_66 = arith.constant 128 : i32
      "tpu.region"() ({
        %run_scoped3A = tpu.sem_alloc : memref<!tpu.dma_semaphore, #tpu.memory_space<semaphore_mem>>
        %dma_start3A_67 = arith.constant 0 : i32
        %dma_start3A_68 = tpu.memref_slice %arg4[%mul3A_20, %dma_start3A_67] : memref<10240x128xf32, #tpu.memory_space<hbm>> -> memref<128x128xf32, #tpu.memory_space<hbm>>
        %dma_start3A_69 = arith.constant 0 : i32
        %dma_start3A_70 = tpu.memref_slice %arg4[%mul3A_20, %dma_start3A_69] : memref<10240x128xf32, #tpu.memory_space<hbm>> -> memref<128x128xf32, #tpu.memory_space<hbm>>
        tpu.enqueue_dma source(%arg6 : memref<128x128xf32, #tpu.memory_space<vmem>>) target(%dma_start3A_70 : memref<128x128xf32, #tpu.memory_space<hbm>>) target_semaphore(%run_scoped3A : memref<!tpu.dma_semaphore, #tpu.memory_space<semaphore_mem>>)
        %dma_wait3A_71 = arith.constant 0 : i32
        %dma_wait3A_72 = tpu.memref_slice %arg4[%mul3A_20, %dma_wait3A_71] : memref<10240x128xf32, #tpu.memory_space<hbm>> -> memref<128x128xf32, #tpu.memory_space<hbm>>
        %dma_wait3A_73 = arith.constant 0 : i32
        %dma_wait3A_74 = tpu.memref_slice %arg4[%mul3A_20, %dma_wait3A_73] : memref<10240x128xf32, #tpu.memory_space<hbm>> -> memref<128x128xf32, #tpu.memory_space<hbm>>
        tpu.wait_dma2 semaphore(%run_scoped3A : memref<!tpu.dma_semaphore, #tpu.memory_space<semaphore_mem>>) src(%arg6 : memref<128x128xf32, #tpu.memory_space<vmem>>) dst(%dma_wait3A_74 : memref<128x128xf32, #tpu.memory_space<hbm>>)
        tpu.yield
      }) : () -> ()
    }
    %while3A_15 = arith.constant 1 : i32
    scf.for %while3A_16 = %while3A_13 to %while3A_9 step %while3A_15  : i32 {
      %mul3A_17 = arith.muli %while3A_16, %while3A : i32
      %add3A_18 = arith.addi %add3A, %mul3A_17 : i32
      %mul3A_19 = arith.constant 128 : i32
      %mul3A_20 = arith.muli %add3A_18, %mul3A_19 : i32
      %mul3A_21 = arith.constant 8 : i32
      %mul3A_22 = arith.muli %mul3A_21, %add3A_18 : i32
      "tpu.region"() ({
        %run_scoped3A = tpu.sem_alloc : memref<!tpu.dma_semaphore, #tpu.memory_space<semaphore_mem>>
        %dma_start3A_67 = arith.constant 0 : i32
        %dma_start3A_68 = tpu.memref_slice %arg2[%mul3A_22, %dma_start3A_67] : memref<640x128xi32, #tpu.memory_space<hbm>> -> memref<8x128xi32, #tpu.memory_space<hbm>>
        %dma_start3A_69 = arith.constant 0 : i32
        %dma_start3A_70 = tpu.memref_slice %arg2[%mul3A_22, %dma_start3A_69] : memref<640x128xi32, #tpu.memory_space<hbm>> -> memref<8x128xi32, #tpu.memory_space<hbm>>
        tpu.enqueue_dma source(%dma_start3A_70 : memref<8x128xi32, #tpu.memory_space<hbm>>) target(%arg5 : memref<8x128xi32, #tpu.memory_space<vmem>>) target_semaphore(%run_scoped3A : memref<!tpu.dma_semaphore, #tpu.memory_space<semaphore_mem>>)
        %dma_wait3A_71 = arith.constant 0 : i32
        %dma_wait3A_72 = tpu.memref_slice %arg2[%mul3A_22, %dma_wait3A_71] : memref<640x128xi32, #tpu.memory_space<hbm>> -> memref<8x128xi32, #tpu.memory_space<hbm>>
        %dma_wait3A_73 = arith.constant 0 : i32
        %dma_wait3A_74 = tpu.memref_slice %arg2[%mul3A_22, %dma_wait3A_73] : memref<640x128xi32, #tpu.memory_space<hbm>> -> memref<8x128xi32, #tpu.memory_space<hbm>>
        tpu.wait_dma2 semaphore(%run_scoped3A : memref<!tpu.dma_semaphore, #tpu.memory_space<semaphore_mem>>) src(%dma_wait3A_74 : memref<8x128xi32, #tpu.memory_space<hbm>>) dst(%arg5 : memref<8x128xi32, #tpu.memory_space<vmem>>)
        tpu.yield
      }) : () -> ()
      %dma_start3A = arith.constant 0 : i32
      %dma_start3A_23 = arith.constant 0 : i32
      %dma_start3A_24 = tpu.memref_slice %arg5[%dma_start3A, %dma_start3A_23] : memref<8x128xi32, #tpu.memory_space<vmem>> -> memref<1x128xi32, #tpu.memory_space<vmem>>
      %dma_start3A_25 = tpu.memref_squeeze %dma_start3A_24 : memref<1x128xi32, #tpu.memory_space<vmem>> -> memref<128xi32, #tpu.memory_space<vmem>>
      %dma_start3A_26 = arith.constant 0 : i32
      %dma_start3A_27 = arith.constant 0 : i32
      %dma_start3A_28 = tpu.memref_slice %arg3[%dma_start3A_26, %dma_start3A_27] : memref<1000x128xf32, #tpu.memory_space<hbm>> -> memref<1000x128xf32, #tpu.memory_space<hbm>>
      tpu.enqueue_indirect_dma source(%dma_start3A_28 : memref<1000x128xf32, #tpu.memory_space<hbm>>) target(%arg6 : memref<128x128xf32, #tpu.memory_space<vmem>>) offsets(%dma_start3A_25 : memref<128xi32, #tpu.memory_space<vmem>>) semaphore(%arg9 : memref<!tpu.dma_semaphore, #tpu.memory_space<semaphore_mem>>)
      %dma_start3A_29 = arith.constant 1 : i32
      %dma_start3A_30 = arith.constant 0 : i32
      %dma_start3A_31 = tpu.memref_slice %arg5[%dma_start3A_29, %dma_start3A_30] : memref<8x128xi32, #tpu.memory_space<vmem>> -> memref<1x128xi32, #tpu.memory_space<vmem>>
      %dma_start3A_32 = tpu.memref_squeeze %dma_start3A_31 : memref<1x128xi32, #tpu.memory_space<vmem>> -> memref<128xi32, #tpu.memory_space<vmem>>
      %dma_start3A_33 = arith.constant 0 : i32
      %dma_start3A_34 = arith.constant 0 : i32
      %dma_start3A_35 = tpu.memref_slice %arg3[%dma_start3A_33, %dma_start3A_34] : memref<1000x128xf32, #tpu.memory_space<hbm>> -> memref<1000x128xf32, #tpu.memory_space<hbm>>
      tpu.enqueue_indirect_dma source(%dma_start3A_35 : memref<1000x128xf32, #tpu.memory_space<hbm>>) target(%arg7 : memref<128x128xf32, #tpu.memory_space<vmem>>) offsets(%dma_start3A_32 : memref<128xi32, #tpu.memory_space<vmem>>) semaphore(%arg10 : memref<!tpu.dma_semaphore, #tpu.memory_space<semaphore_mem>>)
      %dma_start3A_36 = arith.constant 2 : i32
      %dma_start3A_37 = arith.constant 0 : i32
      %dma_start3A_38 = tpu.memref_slice %arg5[%dma_start3A_36, %dma_start3A_37] : memref<8x128xi32, #tpu.memory_space<vmem>> -> memref<1x128xi32, #tpu.memory_space<vmem>>
      %dma_start3A_39 = tpu.memref_squeeze %dma_start3A_38 : memref<1x128xi32, #tpu.memory_space<vmem>> -> memref<128xi32, #tpu.memory_space<vmem>>
      %dma_start3A_40 = arith.constant 0 : i32
      %dma_start3A_41 = arith.constant 0 : i32
      %dma_start3A_42 = tpu.memref_slice %arg3[%dma_start3A_40, %dma_start3A_41] : memref<1000x128xf32, #tpu.memory_space<hbm>> -> memref<1000x128xf32, #tpu.memory_space<hbm>>
      tpu.enqueue_indirect_dma source(%dma_start3A_42 : memref<1000x128xf32, #tpu.memory_space<hbm>>) target(%arg8 : memref<128x128xf32, #tpu.memory_space<vmem>>) offsets(%dma_start3A_39 : memref<128xi32, #tpu.memory_space<vmem>>) semaphore(%arg11 : memref<!tpu.dma_semaphore, #tpu.memory_space<semaphore_mem>>)
      %dma_wait3A = arith.constant 0 : i32
      %dma_wait3A_43 = arith.constant 0 : i32
      %dma_wait3A_44 = tpu.memref_slice %arg5[%dma_wait3A, %dma_wait3A_43] : memref<8x128xi32, #tpu.memory_space<vmem>> -> memref<1x128xi32, #tpu.memory_space<vmem>>
      %dma_wait3A_45 = tpu.memref_squeeze %dma_wait3A_44 : memref<1x128xi32, #tpu.memory_space<vmem>> -> memref<128xi32, #tpu.memory_space<vmem>>
      %dma_wait3A_46 = arith.constant 0 : i32
      %dma_wait3A_47 = arith.constant 0 : i32
      %dma_wait3A_48 = tpu.memref_slice %arg3[%dma_wait3A_46, %dma_wait3A_47] : memref<1000x128xf32, #tpu.memory_space<hbm>> -> memref<1000x128xf32, #tpu.memory_space<hbm>>
      tpu.wait_indirect_dma semaphore(%arg9 : memref<!tpu.dma_semaphore, #tpu.memory_space<semaphore_mem>>) src(%dma_wait3A_48 : memref<1000x128xf32, #tpu.memory_space<hbm>>) dst(%arg6 : memref<128x128xf32, #tpu.memory_space<vmem>>)
      %dma_wait3A_49 = arith.constant 1 : i32
      %dma_wait3A_50 = arith.constant 0 : i32
      %dma_wait3A_51 = tpu.memref_slice %arg5[%dma_wait3A_49, %dma_wait3A_50] : memref<8x128xi32, #tpu.memory_space<vmem>> -> memref<1x128xi32, #tpu.memory_space<vmem>>
      %dma_wait3A_52 = tpu.memref_squeeze %dma_wait3A_51 : memref<1x128xi32, #tpu.memory_space<vmem>> -> memref<128xi32, #tpu.memory_space<vmem>>
      %dma_wait3A_53 = arith.constant 0 : i32
      %dma_wait3A_54 = arith.constant 0 : i32
      %dma_wait3A_55 = tpu.memref_slice %arg3[%dma_wait3A_53, %dma_wait3A_54] : memref<1000x128xf32, #tpu.memory_space<hbm>> -> memref<1000x128xf32, #tpu.memory_space<hbm>>
      tpu.wait_indirect_dma semaphore(%arg10 : memref<!tpu.dma_semaphore, #tpu.memory_space<semaphore_mem>>) src(%dma_wait3A_55 : memref<1000x128xf32, #tpu.memory_space<hbm>>) dst(%arg7 : memref<128x128xf32, #tpu.memory_space<vmem>>)
      %dma_wait3A_56 = arith.constant 2 : i32
      %dma_wait3A_57 = arith.constant 0 : i32
      %dma_wait3A_58 = tpu.memref_slice %arg5[%dma_wait3A_56, %dma_wait3A_57] : memref<8x128xi32, #tpu.memory_space<vmem>> -> memref<1x128xi32, #tpu.memory_space<vmem>>
      %dma_wait3A_59 = tpu.memref_squeeze %dma_wait3A_58 : memref<1x128xi32, #tpu.memory_space<vmem>> -> memref<128xi32, #tpu.memory_space<vmem>>
      %dma_wait3A_60 = arith.constant 0 : i32
      %dma_wait3A_61 = arith.constant 0 : i32
      %dma_wait3A_62 = tpu.memref_slice %arg3[%dma_wait3A_60, %dma_wait3A_61] : memref<1000x128xf32, #tpu.memory_space<hbm>> -> memref<1000x128xf32, #tpu.memory_space<hbm>>
      tpu.wait_indirect_dma semaphore(%arg11 : memref<!tpu.dma_semaphore, #tpu.memory_space<semaphore_mem>>) src(%dma_wait3A_62 : memref<1000x128xf32, #tpu.memory_space<hbm>>) dst(%arg8 : memref<128x128xf32, #tpu.memory_space<vmem>>)
      %scan3A = arith.constant 0 : i32
      %scan3A_63 = arith.constant 128 : i32
      %scan3A_64 = arith.addi %scan3A, %scan3A_63 : i32
      %scan3A_65 = arith.constant 1 : i32
      scf.for %scan3A_67 = %scan3A to %scan3A_64 step %scan3A_65  : i32 {
        %mul3A_68 = arith.constant 1 : i32
        %mul3A_69 = arith.muli %scan3A_67, %mul3A_68 : i32
        %add3A_70 = arith.constant 0 : i32
        %add3A_71 = arith.addi %add3A_70, %mul3A_69 : i32
        %get3A = arith.index_cast %add3A_71 : i32 to index
        %get3A_72 = arith.constant 0 : index
        %get3A_73 = tpu.vector_load %arg6[%get3A, %get3A_72] {strides = array<i32>} : memref<128x128xf32, #tpu.memory_space<vmem>>, vector<1x16xf32>,
        %get3A_74 = vector.shape_cast %get3A_73 : vector<1x16xf32> to vector<16xf32>
        %get3A_75 = arith.index_cast %add3A_71 : i32 to index
        %get3A_76 = arith.constant 0 : index
        %get3A_77 = tpu.vector_load %arg7[%get3A_75, %get3A_76] {strides = array<i32>} : memref<128x128xf32, #tpu.memory_space<vmem>>, vector<1x16xf32>,
        %get3A_78 = vector.shape_cast %get3A_77 : vector<1x16xf32> to vector<16xf32>
        %add3A_79 = arith.addf %get3A_74, %get3A_78 : vector<16xf32>
        %get3A_80 = arith.index_cast %add3A_71 : i32 to index
        %get3A_81 = arith.constant 0 : index
        %get3A_82 = tpu.vector_load %arg8[%get3A_80, %get3A_81] {strides = array<i32>} : memref<128x128xf32, #tpu.memory_space<vmem>>, vector<1x16xf32>,
        %get3A_83 = vector.shape_cast %get3A_82 : vector<1x16xf32> to vector<16xf32>
        %add3A_84 = arith.addf %add3A_79, %get3A_83 : vector<16xf32>
        %swap3A = arith.index_cast %add3A_71 : i32 to index
        %swap3A_85 = arith.constant 0 : index
        %swap3A_86 = tpu.vector_load %arg6[%swap3A, %swap3A_85] {strides = array<i32>} : memref<128x128xf32, #tpu.memory_space<vmem>>, vector<1x16xf32>,
        %swap3A_87 = vector.shape_cast %swap3A_86 : vector<1x16xf32> to vector<16xf32>
        %swap3A_88 = vector.shape_cast %add3A_84 : vector<16xf32> to vector<1x16xf32>
        tpu.vector_store %arg6[%swap3A, %swap3A_85], %swap3A_88 {strides = array<i32>} : memref<128x128xf32, #tpu.memory_space<vmem>>, vector<1x16xf32>,
        %get3A_89 = arith.index_cast %add3A_71 : i32 to index
        %get3A_90 = arith.constant 16 : index
        %get3A_91 = tpu.vector_load %arg6[%get3A_89, %get3A_90] {strides = array<i32>} : memref<128x128xf32, #tpu.memory_space<vmem>>, vector<1x16xf32>,
        %get3A_92 = vector.shape_cast %get3A_91 : vector<1x16xf32> to vector<16xf32>
        %get3A_93 = arith.index_cast %add3A_71 : i32 to index
        %get3A_94 = arith.constant 16 : index
        %get3A_95 = tpu.vector_load %arg7[%get3A_93, %get3A_94] {strides = array<i32>} : memref<128x128xf32, #tpu.memory_space<vmem>>, vector<1x16xf32>,
        %get3A_96 = vector.shape_cast %get3A_95 : vector<1x16xf32> to vector<16xf32>
        %add3A_97 = arith.addf %get3A_92, %get3A_96 : vector<16xf32>
        %get3A_98 = arith.index_cast %add3A_71 : i32 to index
        %get3A_99 = arith.constant 16 : index
        %get3A_100 = tpu.vector_load %arg8[%get3A_98, %get3A_99] {strides = array<i32>} : memref<128x128xf32, #tpu.memory_space<vmem>>, vector<1x16xf32>,
        %get3A_101 = vector.shape_cast %get3A_100 : vector<1x16xf32> to vector<16xf32>
        %add3A_102 = arith.addf %add3A_97, %get3A_101 : vector<16xf32>
        %swap3A_103 = arith.index_cast %add3A_71 : i32 to index
        %swap3A_104 = arith.constant 16 : index
        %swap3A_105 = tpu.vector_load %arg6[%swap3A_103, %swap3A_104] {strides = array<i32>} : memref<128x128xf32, #tpu.memory_space<vmem>>, vector<1x16xf32>,
        %swap3A_106 = vector.shape_cast %swap3A_105 : vector<1x16xf32> to vector<16xf32>
        %swap3A_107 = vector.shape_cast %add3A_102 : vector<16xf32> to vector<1x16xf32>
        tpu.vector_store %arg6[%swap3A_103, %swap3A_104], %swap3A_107 {strides = array<i32>} : memref<128x128xf32, #tpu.memory_space<vmem>>, vector<1x16xf32>,
        %get3A_108 = arith.index_cast %add3A_71 : i32 to index
        %get3A_109 = arith.constant 32 : index
        %get3A_110 = tpu.vector_load %arg6[%get3A_108, %get3A_109] {strides = array<i32>} : memref<128x128xf32, #tpu.memory_space<vmem>>, vector<1x16xf32>,
        %get3A_111 = vector.shape_cast %get3A_110 : vector<1x16xf32> to vector<16xf32>
        %get3A_112 = arith.index_cast %add3A_71 : i32 to index
        %get3A_113 = arith.constant 32 : index
        %get3A_114 = tpu.vector_load %arg7[%get3A_112, %get3A_113] {strides = array<i32>} : memref<128x128xf32, #tpu.memory_space<vmem>>, vector<1x16xf32>,
        %get3A_115 = vector.shape_cast %get3A_114 : vector<1x16xf32> to vector<16xf32>
        %add3A_116 = arith.addf %get3A_111, %get3A_115 : vector<16xf32>
        %get3A_117 = arith.index_cast %add3A_71 : i32 to index
        %get3A_118 = arith.constant 32 : index
        %get3A_119 = tpu.vector_load %arg8[%get3A_117, %get3A_118] {strides = array<i32>} : memref<128x128xf32, #tpu.memory_space<vmem>>, vector<1x16xf32>,
        %get3A_120 = vector.shape_cast %get3A_119 : vector<1x16xf32> to vector<16xf32>
        %add3A_121 = arith.addf %add3A_116, %get3A_120 : vector<16xf32>
        %swap3A_122 = arith.index_cast %add3A_71 : i32 to index
        %swap3A_123 = arith.constant 32 : index
        %swap3A_124 = tpu.vector_load %arg6[%swap3A_122, %swap3A_123] {strides = array<i32>} : memref<128x128xf32, #tpu.memory_space<vmem>>, vector<1x16xf32>,
        %swap3A_125 = vector.shape_cast %swap3A_124 : vector<1x16xf32> to vector<16xf32>
        %swap3A_126 = vector.shape_cast %add3A_121 : vector<16xf32> to vector<1x16xf32>
        tpu.vector_store %arg6[%swap3A_122, %swap3A_123], %swap3A_126 {strides = array<i32>} : memref<128x128xf32, #tpu.memory_space<vmem>>, vector<1x16xf32>,
        %get3A_127 = arith.index_cast %add3A_71 : i32 to index
        %get3A_128 = arith.constant 48 : index
        %get3A_129 = tpu.vector_load %arg6[%get3A_127, %get3A_128] {strides = array<i32>} : memref<128x128xf32, #tpu.memory_space<vmem>>, vector<1x16xf32>,
        %get3A_130 = vector.shape_cast %get3A_129 : vector<1x16xf32> to vector<16xf32>
        %get3A_131 = arith.index_cast %add3A_71 : i32 to index
        %get3A_132 = arith.constant 48 : index
        %get3A_133 = tpu.vector_load %arg7[%get3A_131, %get3A_132] {strides = array<i32>} : memref<128x128xf32, #tpu.memory_space<vmem>>, vector<1x16xf32>,
        %get3A_134 = vector.shape_cast %get3A_133 : vector<1x16xf32> to vector<16xf32>
        %add3A_135 = arith.addf %get3A_130, %get3A_134 : vector<16xf32>
        %get3A_136 = arith.index_cast %add3A_71 : i32 to index
        %get3A_137 = arith.constant 48 : index
        %get3A_138 = tpu.vector_load %arg8[%get3A_136, %get3A_137] {strides = array<i32>} : memref<128x128xf32, #tpu.memory_space<vmem>>, vector<1x16xf32>,
        %get3A_139 = vector.shape_cast %get3A_138 : vector<1x16xf32> to vector<16xf32>
        %add3A_140 = arith.addf %add3A_135, %get3A_139 : vector<16xf32>
        %swap3A_141 = arith.index_cast %add3A_71 : i32 to index
        %swap3A_142 = arith.constant 48 : index
        %swap3A_143 = tpu.vector_load %arg6[%swap3A_141, %swap3A_142] {strides = array<i32>} : memref<128x128xf32, #tpu.memory_space<vmem>>, vector<1x16xf32>,
        %swap3A_144 = vector.shape_cast %swap3A_143 : vector<1x16xf32> to vector<16xf32>
        %swap3A_145 = vector.shape_cast %add3A_140 : vector<16xf32> to vector<1x16xf32>
        tpu.vector_store %arg6[%swap3A_141, %swap3A_142], %swap3A_145 {strides = array<i32>} : memref<128x128xf32, #tpu.memory_space<vmem>>, vector<1x16xf32>,
        %get3A_146 = arith.index_cast %add3A_71 : i32 to index
        %get3A_147 = arith.constant 64 : index
        %get3A_148 = tpu.vector_load %arg6[%get3A_146, %get3A_147] {strides = array<i32>} : memref<128x128xf32, #tpu.memory_space<vmem>>, vector<1x16xf32>,
        %get3A_149 = vector.shape_cast %get3A_148 : vector<1x16xf32> to vector<16xf32>
        %get3A_150 = arith.index_cast %add3A_71 : i32 to index
        %get3A_151 = arith.constant 64 : index
        %get3A_152 = tpu.vector_load %arg7[%get3A_150, %get3A_151] {strides = array<i32>} : memref<128x128xf32, #tpu.memory_space<vmem>>, vector<1x16xf32>,
        %get3A_153 = vector.shape_cast %get3A_152 : vector<1x16xf32> to vector<16xf32>
        %add3A_154 = arith.addf %get3A_149, %get3A_153 : vector<16xf32>
        %get3A_155 = arith.index_cast %add3A_71 : i32 to index
        %get3A_156 = arith.constant 64 : index
        %get3A_157 = tpu.vector_load %arg8[%get3A_155, %get3A_156] {strides = array<i32>} : memref<128x128xf32, #tpu.memory_space<vmem>>, vector<1x16xf32>,
        %get3A_158 = vector.shape_cast %get3A_157 : vector<1x16xf32> to vector<16xf32>
        %add3A_159 = arith.addf %add3A_154, %get3A_158 : vector<16xf32>
        %swap3A_160 = arith.index_cast %add3A_71 : i32 to index
        %swap3A_161 = arith.constant 64 : index
        %swap3A_162 = tpu.vector_load %arg6[%swap3A_160, %swap3A_161] {strides = array<i32>} : memref<128x128xf32, #tpu.memory_space<vmem>>, vector<1x16xf32>,
        %swap3A_163 = vector.shape_cast %swap3A_162 : vector<1x16xf32> to vector<16xf32>
        %swap3A_164 = vector.shape_cast %add3A_159 : vector<16xf32> to vector<1x16xf32>
        tpu.vector_store %arg6[%swap3A_160, %swap3A_161], %swap3A_164 {strides = array<i32>} : memref<128x128xf32, #tpu.memory_space<vmem>>, vector<1x16xf32>,
        %get3A_165 = arith.index_cast %add3A_71 : i32 to index
        %get3A_166 = arith.constant 80 : index
        %get3A_167 = tpu.vector_load %arg6[%get3A_165, %get3A_166] {strides = array<i32>} : memref<128x128xf32, #tpu.memory_space<vmem>>, vector<1x16xf32>,
        %get3A_168 = vector.shape_cast %get3A_167 : vector<1x16xf32> to vector<16xf32>
        %get3A_169 = arith.index_cast %add3A_71 : i32 to index
        %get3A_170 = arith.constant 80 : index
        %get3A_171 = tpu.vector_load %arg7[%get3A_169, %get3A_170] {strides = array<i32>} : memref<128x128xf32, #tpu.memory_space<vmem>>, vector<1x16xf32>,
        %get3A_172 = vector.shape_cast %get3A_171 : vector<1x16xf32> to vector<16xf32>
        %add3A_173 = arith.addf %get3A_168, %get3A_172 : vector<16xf32>
        %get3A_174 = arith.index_cast %add3A_71 : i32 to index
        %get3A_175 = arith.constant 80 : index
        %get3A_176 = tpu.vector_load %arg8[%get3A_174, %get3A_175] {strides = array<i32>} : memref<128x128xf32, #tpu.memory_space<vmem>>, vector<1x16xf32>,
        %get3A_177 = vector.shape_cast %get3A_176 : vector<1x16xf32> to vector<16xf32>
        %add3A_178 = arith.addf %add3A_173, %get3A_177 : vector<16xf32>
        %swap3A_179 = arith.index_cast %add3A_71 : i32 to index
        %swap3A_180 = arith.constant 80 : index
        %swap3A_181 = tpu.vector_load %arg6[%swap3A_179, %swap3A_180] {strides = array<i32>} : memref<128x128xf32, #tpu.memory_space<vmem>>, vector<1x16xf32>,
        %swap3A_182 = vector.shape_cast %swap3A_181 : vector<1x16xf32> to vector<16xf32>
        %swap3A_183 = vector.shape_cast %add3A_178 : vector<16xf32> to vector<1x16xf32>
        tpu.vector_store %arg6[%swap3A_179, %swap3A_180], %swap3A_183 {strides = array<i32>} : memref<128x128xf32, #tpu.memory_space<vmem>>, vector<1x16xf32>,
        %get3A_184 = arith.index_cast %add3A_71 : i32 to index
        %get3A_185 = arith.constant 96 : index
        %get3A_186 = tpu.vector_load %arg6[%get3A_184, %get3A_185] {strides = array<i32>} : memref<128x128xf32, #tpu.memory_space<vmem>>, vector<1x16xf32>,
        %get3A_187 = vector.shape_cast %get3A_186 : vector<1x16xf32> to vector<16xf32>
        %get3A_188 = arith.index_cast %add3A_71 : i32 to index
        %get3A_189 = arith.constant 96 : index
        %get3A_190 = tpu.vector_load %arg7[%get3A_188, %get3A_189] {strides = array<i32>} : memref<128x128xf32, #tpu.memory_space<vmem>>, vector<1x16xf32>,
        %get3A_191 = vector.shape_cast %get3A_190 : vector<1x16xf32> to vector<16xf32>
        %add3A_192 = arith.addf %get3A_187, %get3A_191 : vector<16xf32>
        %get3A_193 = arith.index_cast %add3A_71 : i32 to index
        %get3A_194 = arith.constant 96 : index
        %get3A_195 = tpu.vector_load %arg8[%get3A_193, %get3A_194] {strides = array<i32>} : memref<128x128xf32, #tpu.memory_space<vmem>>, vector<1x16xf32>,
        %get3A_196 = vector.shape_cast %get3A_195 : vector<1x16xf32> to vector<16xf32>
        %add3A_197 = arith.addf %add3A_192, %get3A_196 : vector<16xf32>
        %swap3A_198 = arith.index_cast %add3A_71 : i32 to index
        %swap3A_199 = arith.constant 96 : index
        %swap3A_200 = tpu.vector_load %arg6[%swap3A_198, %swap3A_199] {strides = array<i32>} : memref<128x128xf32, #tpu.memory_space<vmem>>, vector<1x16xf32>,
        %swap3A_201 = vector.shape_cast %swap3A_200 : vector<1x16xf32> to vector<16xf32>
        %swap3A_202 = vector.shape_cast %add3A_197 : vector<16xf32> to vector<1x16xf32>
        tpu.vector_store %arg6[%swap3A_198, %swap3A_199], %swap3A_202 {strides = array<i32>} : memref<128x128xf32, #tpu.memory_space<vmem>>, vector<1x16xf32>,
        %get3A_203 = arith.index_cast %add3A_71 : i32 to index
        %get3A_204 = arith.constant 112 : index
        %get3A_205 = tpu.vector_load %arg6[%get3A_203, %get3A_204] {strides = array<i32>} : memref<128x128xf32, #tpu.memory_space<vmem>>, vector<1x16xf32>,
        %get3A_206 = vector.shape_cast %get3A_205 : vector<1x16xf32> to vector<16xf32>
        %get3A_207 = arith.index_cast %add3A_71 : i32 to index
        %get3A_208 = arith.constant 112 : index
        %get3A_209 = tpu.vector_load %arg7[%get3A_207, %get3A_208] {strides = array<i32>} : memref<128x128xf32, #tpu.memory_space<vmem>>, vector<1x16xf32>,
        %get3A_210 = vector.shape_cast %get3A_209 : vector<1x16xf32> to vector<16xf32>
        %add3A_211 = arith.addf %get3A_206, %get3A_210 : vector<16xf32>
        %get3A_212 = arith.index_cast %add3A_71 : i32 to index
        %get3A_213 = arith.constant 112 : index
        %get3A_214 = tpu.vector_load %arg8[%get3A_212, %get3A_213] {strides = array<i32>} : memref<128x128xf32, #tpu.memory_space<vmem>>, vector<1x16xf32>,
        %get3A_215 = vector.shape_cast %get3A_214 : vector<1x16xf32> to vector<16xf32>
        %add3A_216 = arith.addf %add3A_211, %get3A_215 : vector<16xf32>
        %swap3A_217 = arith.index_cast %add3A_71 : i32 to index
        %swap3A_218 = arith.constant 112 : index
        %swap3A_219 = tpu.vector_load %arg6[%swap3A_217, %swap3A_218] {strides = array<i32>} : memref<128x128xf32, #tpu.memory_space<vmem>>, vector<1x16xf32>,
        %swap3A_220 = vector.shape_cast %swap3A_219 : vector<1x16xf32> to vector<16xf32>
        %swap3A_221 = vector.shape_cast %add3A_216 : vector<16xf32> to vector<1x16xf32>
        tpu.vector_store %arg6[%swap3A_217, %swap3A_218], %swap3A_221 {strides = array<i32>} : memref<128x128xf32, #tpu.memory_space<vmem>>, vector<1x16xf32>,
      }
      %scan3A_66 = arith.constant 128 : i32
      "tpu.region"() ({
        %run_scoped3A = tpu.sem_alloc : memref<!tpu.dma_semaphore, #tpu.memory_space<semaphore_mem>>
        %dma_start3A_67 = arith.constant 0 : i32
        %dma_start3A_68 = tpu.memref_slice %arg4[%mul3A_20, %dma_start3A_67] : memref<10240x128xf32, #tpu.memory_space<hbm>> -> memref<128x128xf32, #tpu.memory_space<hbm>>
        %dma_start3A_69 = arith.constant 0 : i32
        %dma_start3A_70 = tpu.memref_slice %arg4[%mul3A_20, %dma_start3A_69] : memref<10240x128xf32, #tpu.memory_space<hbm>> -> memref<128x128xf32, #tpu.memory_space<hbm>>
        tpu.enqueue_dma source(%arg6 : memref<128x128xf32, #tpu.memory_space<vmem>>) target(%dma_start3A_70 : memref<128x128xf32, #tpu.memory_space<hbm>>) target_semaphore(%run_scoped3A : memref<!tpu.dma_semaphore, #tpu.memory_space<semaphore_mem>>)
        %dma_wait3A_71 = arith.constant 0 : i32
        %dma_wait3A_72 = tpu.memref_slice %arg4[%mul3A_20, %dma_wait3A_71] : memref<10240x128xf32, #tpu.memory_space<hbm>> -> memref<128x128xf32, #tpu.memory_space<hbm>>
        %dma_wait3A_73 = arith.constant 0 : i32
        %dma_wait3A_74 = tpu.memref_slice %arg4[%mul3A_20, %dma_wait3A_73] : memref<10240x128xf32, #tpu.memory_space<hbm>> -> memref<128x128xf32, #tpu.memory_space<hbm>>
        tpu.wait_dma2 semaphore(%run_scoped3A : memref<!tpu.dma_semaphore, #tpu.memory_space<semaphore_mem>>) src(%arg6 : memref<128x128xf32, #tpu.memory_space<vmem>>) dst(%dma_wait3A_74 : memref<128x128xf32, #tpu.memory_space<hbm>>)
        tpu.yield
      }) : () -> ()
    }
    return
  }
}

#map = affine_map<(d0, d1) -> (0, 0)>
#map1 = affine_map<(d0, d1) -> (0, 0, 0)>
module attributes {stable_mosaic.version = 14 : i64} {
  func.func @k(%arg0: i32, %arg1: i32, %arg2: memref<40960x128xf32, #tpu.memory_space<hbm>>, %arg3: memref<1280x128xi32, #tpu.memory_space<hbm>>, %arg4: memref<1280x128xi32, #tpu.memory_space<hbm>>, %arg5: memref<1280x128xi32, #tpu.memory_space<hbm>>, %arg6: memref<2x10240x128xf32, #tpu.memory_space<hbm>>, %arg7: memref<10240x128xf32, #tpu.memory_space<vmem_shared>>, %arg8: memref<40x128xi32, #tpu.memory_space<vmem>>, %arg9: memref<40x128xi32, #tpu.memory_space<vmem>>, %arg10: memref<40x128xi32, #tpu.memory_space<vmem>>, %arg11: memref<128x128xf32, #tpu.memory_space<vmem>>, %arg12: memref<128x128xf32, #tpu.memory_space<vmem>>, %arg13: memref<!tpu.dma_semaphore, #tpu.memory_space<semaphore_mem>>, %arg14: memref<!tpu.dma_semaphore, #tpu.memory_space<semaphore_mem>>, %arg15: memref<!tpu.dma_semaphore, #tpu.memory_space<semaphore_mem>>, %arg16: memref<!tpu.dma_semaphore, #tpu.memory_space<semaphore_mem>>) attributes {dimension_semantics = [#tpu.dimension_semantics<core_parallel>, #tpu.dimension_semantics<subcore_parallel>], iteration_bounds = array<i64: 2, 16>, scalar_prefetch = 0 : i64, scratch_operands = 10 : i64, tpu.core_type = #tpu.core_type<sc_vector_subcore>, window_params = [{transform_indices = #map}, {transform_indices = #map}, {transform_indices = #map}, {transform_indices = #map}, {transform_indices = #map1}]} {
    %mul3A = arith.constant 16 : i32
    %mul3A_0 = arith.muli %arg0, %mul3A : i32
    %add3A = arith.addi %mul3A_0, %arg1 : i32
    %mul3A_1 = arith.constant 40 : i32
    %mul3A_2 = arith.muli %add3A, %mul3A_1 : i32
    %dma_start3A = arith.constant 0 : i32
    %dma_start3A_3 = tpu.memref_slice %arg3[%mul3A_2, %dma_start3A] : memref<1280x128xi32, #tpu.memory_space<hbm>> -> memref<40x128xi32, #tpu.memory_space<hbm>>
    %dma_start3A_4 = arith.constant 0 : i32
    %dma_start3A_5 = tpu.memref_slice %arg3[%mul3A_2, %dma_start3A_4] : memref<1280x128xi32, #tpu.memory_space<hbm>> -> memref<40x128xi32, #tpu.memory_space<hbm>>
    tpu.enqueue_dma source(%dma_start3A_5 : memref<40x128xi32, #tpu.memory_space<hbm>>) target(%arg8 : memref<40x128xi32, #tpu.memory_space<vmem>>) target_semaphore(%arg14 : memref<!tpu.dma_semaphore, #tpu.memory_space<semaphore_mem>>)
    %dma_start3A_6 = arith.constant 0 : i32
    %dma_start3A_7 = tpu.memref_slice %arg4[%mul3A_2, %dma_start3A_6] : memref<1280x128xi32, #tpu.memory_space<hbm>> -> memref<40x128xi32, #tpu.memory_space<hbm>>
    %dma_start3A_8 = arith.constant 0 : i32
    %dma_start3A_9 = tpu.memref_slice %arg4[%mul3A_2, %dma_start3A_8] : memref<1280x128xi32, #tpu.memory_space<hbm>> -> memref<40x128xi32, #tpu.memory_space<hbm>>
    tpu.enqueue_dma source(%dma_start3A_9 : memref<40x128xi32, #tpu.memory_space<hbm>>) target(%arg9 : memref<40x128xi32, #tpu.memory_space<vmem>>) target_semaphore(%arg14 : memref<!tpu.dma_semaphore, #tpu.memory_space<semaphore_mem>>)
    %dma_start3A_10 = arith.constant 0 : i32
    %dma_start3A_11 = tpu.memref_slice %arg5[%mul3A_2, %dma_start3A_10] : memref<1280x128xi32, #tpu.memory_space<hbm>> -> memref<40x128xi32, #tpu.memory_space<hbm>>
    %dma_start3A_12 = arith.constant 0 : i32
    %dma_start3A_13 = tpu.memref_slice %arg5[%mul3A_2, %dma_start3A_12] : memref<1280x128xi32, #tpu.memory_space<hbm>> -> memref<40x128xi32, #tpu.memory_space<hbm>>
    tpu.enqueue_dma source(%dma_start3A_13 : memref<40x128xi32, #tpu.memory_space<hbm>>) target(%arg10 : memref<40x128xi32, #tpu.memory_space<vmem>>) target_semaphore(%arg14 : memref<!tpu.dma_semaphore, #tpu.memory_space<semaphore_mem>>)
    %scan3A = arith.constant 0 : i32
    %scan3A_14 = arith.constant 128 : i32
    %scan3A_15 = arith.addi %scan3A, %scan3A_14 : i32
    %scan3A_16 = arith.constant 1 : i32
    scf.for %scan3A_70 = %scan3A to %scan3A_15 step %scan3A_16  : i32 {
      %mul3A_71 = arith.constant 1 : i32
      %mul3A_72 = arith.muli %scan3A_70, %mul3A_71 : i32
      %add3A_73 = arith.constant 0 : i32
      %add3A_74 = arith.addi %add3A_73, %mul3A_72 : i32
      %broadcast_in_dim3A = arith.constant 0.000000e+00 : f32
      %broadcast_in_dim3A_75 = vector.broadcast %broadcast_in_dim3A : f32 to vector<16xf32>
      %swap3A = arith.index_cast %add3A_74 : i32 to index
      %swap3A_76 = arith.constant 0 : index
      %swap3A_77 = tpu.vector_load %arg11[%swap3A, %swap3A_76] {strides = array<i32>} : memref<128x128xf32, #tpu.memory_space<vmem>>, vector<1x16xf32>,
      %swap3A_78 = vector.shape_cast %swap3A_77 : vector<1x16xf32> to vector<16xf32>
      %swap3A_79 = vector.shape_cast %broadcast_in_dim3A_75 : vector<16xf32> to vector<1x16xf32>
      tpu.vector_store %arg11[%swap3A, %swap3A_76], %swap3A_79 {strides = array<i32>} : memref<128x128xf32, #tpu.memory_space<vmem>>, vector<1x16xf32>,
      %broadcast_in_dim3A_80 = arith.constant 0.000000e+00 : f32
      %broadcast_in_dim3A_81 = vector.broadcast %broadcast_in_dim3A_80 : f32 to vector<16xf32>
      %swap3A_82 = arith.index_cast %add3A_74 : i32 to index
      %swap3A_83 = arith.constant 0 : index
      %swap3A_84 = tpu.vector_load %arg12[%swap3A_82, %swap3A_83] {strides = array<i32>} : memref<128x128xf32, #tpu.memory_space<vmem>>, vector<1x16xf32>,
      %swap3A_85 = vector.shape_cast %swap3A_84 : vector<1x16xf32> to vector<16xf32>
      %swap3A_86 = vector.shape_cast %broadcast_in_dim3A_81 : vector<16xf32> to vector<1x16xf32>
      tpu.vector_store %arg12[%swap3A_82, %swap3A_83], %swap3A_86 {strides = array<i32>} : memref<128x128xf32, #tpu.memory_space<vmem>>, vector<1x16xf32>,
      %broadcast_in_dim3A_87 = arith.constant 0.000000e+00 : f32
      %broadcast_in_dim3A_88 = vector.broadcast %broadcast_in_dim3A_87 : f32 to vector<16xf32>
      %swap3A_89 = arith.index_cast %add3A_74 : i32 to index
      %swap3A_90 = arith.constant 16 : index
      %swap3A_91 = tpu.vector_load %arg11[%swap3A_89, %swap3A_90] {strides = array<i32>} : memref<128x128xf32, #tpu.memory_space<vmem>>, vector<1x16xf32>,
      %swap3A_92 = vector.shape_cast %swap3A_91 : vector<1x16xf32> to vector<16xf32>
      %swap3A_93 = vector.shape_cast %broadcast_in_dim3A_88 : vector<16xf32> to vector<1x16xf32>
      tpu.vector_store %arg11[%swap3A_89, %swap3A_90], %swap3A_93 {strides = array<i32>} : memref<128x128xf32, #tpu.memory_space<vmem>>, vector<1x16xf32>,
      %broadcast_in_dim3A_94 = arith.constant 0.000000e+00 : f32
      %broadcast_in_dim3A_95 = vector.broadcast %broadcast_in_dim3A_94 : f32 to vector<16xf32>
      %swap3A_96 = arith.index_cast %add3A_74 : i32 to index
      %swap3A_97 = arith.constant 16 : index
      %swap3A_98 = tpu.vector_load %arg12[%swap3A_96, %swap3A_97] {strides = array<i32>} : memref<128x128xf32, #tpu.memory_space<vmem>>, vector<1x16xf32>,
      %swap3A_99 = vector.shape_cast %swap3A_98 : vector<1x16xf32> to vector<16xf32>
      %swap3A_100 = vector.shape_cast %broadcast_in_dim3A_95 : vector<16xf32> to vector<1x16xf32>
      tpu.vector_store %arg12[%swap3A_96, %swap3A_97], %swap3A_100 {strides = array<i32>} : memref<128x128xf32, #tpu.memory_space<vmem>>, vector<1x16xf32>,
      %broadcast_in_dim3A_101 = arith.constant 0.000000e+00 : f32
      %broadcast_in_dim3A_102 = vector.broadcast %broadcast_in_dim3A_101 : f32 to vector<16xf32>
      %swap3A_103 = arith.index_cast %add3A_74 : i32 to index
      %swap3A_104 = arith.constant 32 : index
      %swap3A_105 = tpu.vector_load %arg11[%swap3A_103, %swap3A_104] {strides = array<i32>} : memref<128x128xf32, #tpu.memory_space<vmem>>, vector<1x16xf32>,
      %swap3A_106 = vector.shape_cast %swap3A_105 : vector<1x16xf32> to vector<16xf32>
      %swap3A_107 = vector.shape_cast %broadcast_in_dim3A_102 : vector<16xf32> to vector<1x16xf32>
      tpu.vector_store %arg11[%swap3A_103, %swap3A_104], %swap3A_107 {strides = array<i32>} : memref<128x128xf32, #tpu.memory_space<vmem>>, vector<1x16xf32>,
      %broadcast_in_dim3A_108 = arith.constant 0.000000e+00 : f32
      %broadcast_in_dim3A_109 = vector.broadcast %broadcast_in_dim3A_108 : f32 to vector<16xf32>
      %swap3A_110 = arith.index_cast %add3A_74 : i32 to index
      %swap3A_111 = arith.constant 32 : index
      %swap3A_112 = tpu.vector_load %arg12[%swap3A_110, %swap3A_111] {strides = array<i32>} : memref<128x128xf32, #tpu.memory_space<vmem>>, vector<1x16xf32>,
      %swap3A_113 = vector.shape_cast %swap3A_112 : vector<1x16xf32> to vector<16xf32>
      %swap3A_114 = vector.shape_cast %broadcast_in_dim3A_109 : vector<16xf32> to vector<1x16xf32>
      tpu.vector_store %arg12[%swap3A_110, %swap3A_111], %swap3A_114 {strides = array<i32>} : memref<128x128xf32, #tpu.memory_space<vmem>>, vector<1x16xf32>,
      %broadcast_in_dim3A_115 = arith.constant 0.000000e+00 : f32
      %broadcast_in_dim3A_116 = vector.broadcast %broadcast_in_dim3A_115 : f32 to vector<16xf32>
      %swap3A_117 = arith.index_cast %add3A_74 : i32 to index
      %swap3A_118 = arith.constant 48 : index
      %swap3A_119 = tpu.vector_load %arg11[%swap3A_117, %swap3A_118] {strides = array<i32>} : memref<128x128xf32, #tpu.memory_space<vmem>>, vector<1x16xf32>,
      %swap3A_120 = vector.shape_cast %swap3A_119 : vector<1x16xf32> to vector<16xf32>
      %swap3A_121 = vector.shape_cast %broadcast_in_dim3A_116 : vector<16xf32> to vector<1x16xf32>
      tpu.vector_store %arg11[%swap3A_117, %swap3A_118], %swap3A_121 {strides = array<i32>} : memref<128x128xf32, #tpu.memory_space<vmem>>, vector<1x16xf32>,
      %broadcast_in_dim3A_122 = arith.constant 0.000000e+00 : f32
      %broadcast_in_dim3A_123 = vector.broadcast %broadcast_in_dim3A_122 : f32 to vector<16xf32>
      %swap3A_124 = arith.index_cast %add3A_74 : i32 to index
      %swap3A_125 = arith.constant 48 : index
      %swap3A_126 = tpu.vector_load %arg12[%swap3A_124, %swap3A_125] {strides = array<i32>} : memref<128x128xf32, #tpu.memory_space<vmem>>, vector<1x16xf32>,
      %swap3A_127 = vector.shape_cast %swap3A_126 : vector<1x16xf32> to vector<16xf32>
      %swap3A_128 = vector.shape_cast %broadcast_in_dim3A_123 : vector<16xf32> to vector<1x16xf32>
      tpu.vector_store %arg12[%swap3A_124, %swap3A_125], %swap3A_128 {strides = array<i32>} : memref<128x128xf32, #tpu.memory_space<vmem>>, vector<1x16xf32>,
      %broadcast_in_dim3A_129 = arith.constant 0.000000e+00 : f32
      %broadcast_in_dim3A_130 = vector.broadcast %broadcast_in_dim3A_129 : f32 to vector<16xf32>
      %swap3A_131 = arith.index_cast %add3A_74 : i32 to index
      %swap3A_132 = arith.constant 64 : index
      %swap3A_133 = tpu.vector_load %arg11[%swap3A_131, %swap3A_132] {strides = array<i32>} : memref<128x128xf32, #tpu.memory_space<vmem>>, vector<1x16xf32>,
      %swap3A_134 = vector.shape_cast %swap3A_133 : vector<1x16xf32> to vector<16xf32>
      %swap3A_135 = vector.shape_cast %broadcast_in_dim3A_130 : vector<16xf32> to vector<1x16xf32>
      tpu.vector_store %arg11[%swap3A_131, %swap3A_132], %swap3A_135 {strides = array<i32>} : memref<128x128xf32, #tpu.memory_space<vmem>>, vector<1x16xf32>,
      %broadcast_in_dim3A_136 = arith.constant 0.000000e+00 : f32
      %broadcast_in_dim3A_137 = vector.broadcast %broadcast_in_dim3A_136 : f32 to vector<16xf32>
      %swap3A_138 = arith.index_cast %add3A_74 : i32 to index
      %swap3A_139 = arith.constant 64 : index
      %swap3A_140 = tpu.vector_load %arg12[%swap3A_138, %swap3A_139] {strides = array<i32>} : memref<128x128xf32, #tpu.memory_space<vmem>>, vector<1x16xf32>,
      %swap3A_141 = vector.shape_cast %swap3A_140 : vector<1x16xf32> to vector<16xf32>
      %swap3A_142 = vector.shape_cast %broadcast_in_dim3A_137 : vector<16xf32> to vector<1x16xf32>
      tpu.vector_store %arg12[%swap3A_138, %swap3A_139], %swap3A_142 {strides = array<i32>} : memref<128x128xf32, #tpu.memory_space<vmem>>, vector<1x16xf32>,
      %broadcast_in_dim3A_143 = arith.constant 0.000000e+00 : f32
      %broadcast_in_dim3A_144 = vector.broadcast %broadcast_in_dim3A_143 : f32 to vector<16xf32>
      %swap3A_145 = arith.index_cast %add3A_74 : i32 to index
      %swap3A_146 = arith.constant 80 : index
      %swap3A_147 = tpu.vector_load %arg11[%swap3A_145, %swap3A_146] {strides = array<i32>} : memref<128x128xf32, #tpu.memory_space<vmem>>, vector<1x16xf32>,
      %swap3A_148 = vector.shape_cast %swap3A_147 : vector<1x16xf32> to vector<16xf32>
      %swap3A_149 = vector.shape_cast %broadcast_in_dim3A_144 : vector<16xf32> to vector<1x16xf32>
      tpu.vector_store %arg11[%swap3A_145, %swap3A_146], %swap3A_149 {strides = array<i32>} : memref<128x128xf32, #tpu.memory_space<vmem>>, vector<1x16xf32>,
      %broadcast_in_dim3A_150 = arith.constant 0.000000e+00 : f32
      %broadcast_in_dim3A_151 = vector.broadcast %broadcast_in_dim3A_150 : f32 to vector<16xf32>
      %swap3A_152 = arith.index_cast %add3A_74 : i32 to index
      %swap3A_153 = arith.constant 80 : index
      %swap3A_154 = tpu.vector_load %arg12[%swap3A_152, %swap3A_153] {strides = array<i32>} : memref<128x128xf32, #tpu.memory_space<vmem>>, vector<1x16xf32>,
      %swap3A_155 = vector.shape_cast %swap3A_154 : vector<1x16xf32> to vector<16xf32>
      %swap3A_156 = vector.shape_cast %broadcast_in_dim3A_151 : vector<16xf32> to vector<1x16xf32>
      tpu.vector_store %arg12[%swap3A_152, %swap3A_153], %swap3A_156 {strides = array<i32>} : memref<128x128xf32, #tpu.memory_space<vmem>>, vector<1x16xf32>,
      %broadcast_in_dim3A_157 = arith.constant 0.000000e+00 : f32
      %broadcast_in_dim3A_158 = vector.broadcast %broadcast_in_dim3A_157 : f32 to vector<16xf32>
      %swap3A_159 = arith.index_cast %add3A_74 : i32 to index
      %swap3A_160 = arith.constant 96 : index
      %swap3A_161 = tpu.vector_load %arg11[%swap3A_159, %swap3A_160] {strides = array<i32>} : memref<128x128xf32, #tpu.memory_space<vmem>>, vector<1x16xf32>,
      %swap3A_162 = vector.shape_cast %swap3A_161 : vector<1x16xf32> to vector<16xf32>
      %swap3A_163 = vector.shape_cast %broadcast_in_dim3A_158 : vector<16xf32> to vector<1x16xf32>
      tpu.vector_store %arg11[%swap3A_159, %swap3A_160], %swap3A_163 {strides = array<i32>} : memref<128x128xf32, #tpu.memory_space<vmem>>, vector<1x16xf32>,
      %broadcast_in_dim3A_164 = arith.constant 0.000000e+00 : f32
      %broadcast_in_dim3A_165 = vector.broadcast %broadcast_in_dim3A_164 : f32 to vector<16xf32>
      %swap3A_166 = arith.index_cast %add3A_74 : i32 to index
      %swap3A_167 = arith.constant 96 : index
      %swap3A_168 = tpu.vector_load %arg12[%swap3A_166, %swap3A_167] {strides = array<i32>} : memref<128x128xf32, #tpu.memory_space<vmem>>, vector<1x16xf32>,
      %swap3A_169 = vector.shape_cast %swap3A_168 : vector<1x16xf32> to vector<16xf32>
      %swap3A_170 = vector.shape_cast %broadcast_in_dim3A_165 : vector<16xf32> to vector<1x16xf32>
      tpu.vector_store %arg12[%swap3A_166, %swap3A_167], %swap3A_170 {strides = array<i32>} : memref<128x128xf32, #tpu.memory_space<vmem>>, vector<1x16xf32>,
      %broadcast_in_dim3A_171 = arith.constant 0.000000e+00 : f32
      %broadcast_in_dim3A_172 = vector.broadcast %broadcast_in_dim3A_171 : f32 to vector<16xf32>
      %swap3A_173 = arith.index_cast %add3A_74 : i32 to index
      %swap3A_174 = arith.constant 112 : index
      %swap3A_175 = tpu.vector_load %arg11[%swap3A_173, %swap3A_174] {strides = array<i32>} : memref<128x128xf32, #tpu.memory_space<vmem>>, vector<1x16xf32>,
      %swap3A_176 = vector.shape_cast %swap3A_175 : vector<1x16xf32> to vector<16xf32>
      %swap3A_177 = vector.shape_cast %broadcast_in_dim3A_172 : vector<16xf32> to vector<1x16xf32>
      tpu.vector_store %arg11[%swap3A_173, %swap3A_174], %swap3A_177 {strides = array<i32>} : memref<128x128xf32, #tpu.memory_space<vmem>>, vector<1x16xf32>,
      %broadcast_in_dim3A_178 = arith.constant 0.000000e+00 : f32
      %broadcast_in_dim3A_179 = vector.broadcast %broadcast_in_dim3A_178 : f32 to vector<16xf32>
      %swap3A_180 = arith.index_cast %add3A_74 : i32 to index
      %swap3A_181 = arith.constant 112 : index
      %swap3A_182 = tpu.vector_load %arg12[%swap3A_180, %swap3A_181] {strides = array<i32>} : memref<128x128xf32, #tpu.memory_space<vmem>>, vector<1x16xf32>,
      %swap3A_183 = vector.shape_cast %swap3A_182 : vector<1x16xf32> to vector<16xf32>
      %swap3A_184 = vector.shape_cast %broadcast_in_dim3A_179 : vector<16xf32> to vector<1x16xf32>
      tpu.vector_store %arg12[%swap3A_180, %swap3A_181], %swap3A_184 {strides = array<i32>} : memref<128x128xf32, #tpu.memory_space<vmem>>, vector<1x16xf32>,
    }
    %scan3A_17 = arith.constant 128 : i32
    %scan3A_18 = arith.constant 0 : i32
    %scan3A_19 = arith.constant 5 : i32
    %scan3A_20 = arith.addi %scan3A_18, %scan3A_19 : i32
    %scan3A_21 = arith.constant 1 : i32
    scf.for %scan3A_70 = %scan3A_18 to %scan3A_20 step %scan3A_21  : i32 {
      %mul3A_71 = arith.constant 1 : i32
      %mul3A_72 = arith.muli %scan3A_70, %mul3A_71 : i32
      %add3A_73 = arith.constant 0 : i32
      %add3A_74 = arith.addi %add3A_73, %mul3A_72 : i32
      %mul3A_75 = arith.constant 640 : i32
      %mul3A_76 = arith.muli %arg1, %mul3A_75 : i32
      %mul3A_77 = arith.constant 128 : i32
      %mul3A_78 = arith.muli %add3A_74, %mul3A_77 : i32
      %add3A_79 = arith.addi %mul3A_76, %mul3A_78 : i32
      "tpu.region"() ({
        %run_scoped3A = tpu.sem_alloc : memref<!tpu.dma_semaphore, #tpu.memory_space<semaphore_mem>>
        %dma_start3A_80 = arith.constant 0 : i32
        %dma_start3A_81 = tpu.memref_slice %arg7[%add3A_79, %dma_start3A_80] : memref<10240x128xf32, #tpu.memory_space<vmem_shared>> -> memref<128x128xf32, #tpu.memory_space<vmem_shared>>
        %dma_start3A_82 = arith.constant 0 : i32
        %dma_start3A_83 = tpu.memref_slice %arg7[%add3A_79, %dma_start3A_82] : memref<10240x128xf32, #tpu.memory_space<vmem_shared>> -> memref<128x128xf32, #tpu.memory_space<vmem_shared>>
        tpu.enqueue_dma source(%arg11 : memref<128x128xf32, #tpu.memory_space<vmem>>) target(%dma_start3A_83 : memref<128x128xf32, #tpu.memory_space<vmem_shared>>) target_semaphore(%run_scoped3A : memref<!tpu.dma_semaphore, #tpu.memory_space<semaphore_mem>>)
        %dma_wait3A_84 = arith.constant 0 : i32
        %dma_wait3A_85 = tpu.memref_slice %arg7[%add3A_79, %dma_wait3A_84] : memref<10240x128xf32, #tpu.memory_space<vmem_shared>> -> memref<128x128xf32, #tpu.memory_space<vmem_shared>>
        %dma_wait3A_86 = arith.constant 0 : i32
        %dma_wait3A_87 = tpu.memref_slice %arg7[%add3A_79, %dma_wait3A_86] : memref<10240x128xf32, #tpu.memory_space<vmem_shared>> -> memref<128x128xf32, #tpu.memory_space<vmem_shared>>
        tpu.wait_dma2 semaphore(%run_scoped3A : memref<!tpu.dma_semaphore, #tpu.memory_space<semaphore_mem>>) src(%arg11 : memref<128x128xf32, #tpu.memory_space<vmem>>) dst(%dma_wait3A_87 : memref<128x128xf32, #tpu.memory_space<vmem_shared>>)
        tpu.yield
      }) : () -> ()
    }
    %scan3A_22 = arith.constant 5 : i32
    %dma_wait3A = arith.constant 0 : i32
    %dma_wait3A_23 = tpu.memref_slice %arg3[%mul3A_2, %dma_wait3A] : memref<1280x128xi32, #tpu.memory_space<hbm>> -> memref<40x128xi32, #tpu.memory_space<hbm>>
    %dma_wait3A_24 = arith.constant 0 : i32
    %dma_wait3A_25 = tpu.memref_slice %arg3[%mul3A_2, %dma_wait3A_24] : memref<1280x128xi32, #tpu.memory_space<hbm>> -> memref<40x128xi32, #tpu.memory_space<hbm>>
    tpu.wait_dma2 semaphore(%arg14 : memref<!tpu.dma_semaphore, #tpu.memory_space<semaphore_mem>>) src(%dma_wait3A_25 : memref<40x128xi32, #tpu.memory_space<hbm>>) dst(%arg8 : memref<40x128xi32, #tpu.memory_space<vmem>>)
    %dma_wait3A_26 = arith.constant 0 : i32
    %dma_wait3A_27 = tpu.memref_slice %arg4[%mul3A_2, %dma_wait3A_26] : memref<1280x128xi32, #tpu.memory_space<hbm>> -> memref<40x128xi32, #tpu.memory_space<hbm>>
    %dma_wait3A_28 = arith.constant 0 : i32
    %dma_wait3A_29 = tpu.memref_slice %arg4[%mul3A_2, %dma_wait3A_28] : memref<1280x128xi32, #tpu.memory_space<hbm>> -> memref<40x128xi32, #tpu.memory_space<hbm>>
    tpu.wait_dma2 semaphore(%arg14 : memref<!tpu.dma_semaphore, #tpu.memory_space<semaphore_mem>>) src(%dma_wait3A_29 : memref<40x128xi32, #tpu.memory_space<hbm>>) dst(%arg9 : memref<40x128xi32, #tpu.memory_space<vmem>>)
    %dma_wait3A_30 = arith.constant 0 : i32
    %dma_wait3A_31 = tpu.memref_slice %arg5[%mul3A_2, %dma_wait3A_30] : memref<1280x128xi32, #tpu.memory_space<hbm>> -> memref<40x128xi32, #tpu.memory_space<hbm>>
    %dma_wait3A_32 = arith.constant 0 : i32
    %dma_wait3A_33 = tpu.memref_slice %arg5[%mul3A_2, %dma_wait3A_32] : memref<1280x128xi32, #tpu.memory_space<hbm>> -> memref<40x128xi32, #tpu.memory_space<hbm>>
    tpu.wait_dma2 semaphore(%arg14 : memref<!tpu.dma_semaphore, #tpu.memory_space<semaphore_mem>>) src(%dma_wait3A_33 : memref<40x128xi32, #tpu.memory_space<hbm>>) dst(%arg10 : memref<40x128xi32, #tpu.memory_space<vmem>>)
    %scan3A_34 = arith.constant 0 : i32
    %scan3A_35 = arith.constant 40 : i32
    %scan3A_36 = arith.addi %scan3A_34, %scan3A_35 : i32
    %scan3A_37 = arith.constant 1 : i32
    scf.for %scan3A_70 = %scan3A_34 to %scan3A_36 step %scan3A_37  : i32 {
      %mul3A_71 = arith.constant 1 : i32
      %mul3A_72 = arith.muli %scan3A_70, %mul3A_71 : i32
      %add3A_73 = arith.constant 0 : i32
      %add3A_74 = arith.addi %add3A_73, %mul3A_72 : i32
      %get3A = arith.index_cast %add3A_74 : i32 to index
      %get3A_75 = arith.constant 0 : index
      %get3A_76 = tpu.vector_load %arg9[%get3A, %get3A_75] {strides = array<i32>} : memref<40x128xi32, #tpu.memory_space<vmem>>, vector<1x16xi32>,
      %get3A_77 = vector.shape_cast %get3A_76 : vector<1x16xi32> to vector<16xi32>
      %mul3A_78 = arith.constant 10240 : i32
      %mul3A_79 = vector.broadcast %mul3A_78 : i32 to vector<16xi32>
      %mul3A_80 = arith.muli %get3A_77, %mul3A_79 : vector<16xi32>
      %get3A_81 = arith.index_cast %add3A_74 : i32 to index
      %get3A_82 = arith.constant 0 : index
      %get3A_83 = tpu.vector_load %arg8[%get3A_81, %get3A_82] {strides = array<i32>} : memref<40x128xi32, #tpu.memory_space<vmem>>, vector<1x16xi32>,
      %get3A_84 = vector.shape_cast %get3A_83 : vector<1x16xi32> to vector<16xi32>
      %add3A_85 = arith.addi %mul3A_80, %get3A_84 : vector<16xi32>
      %swap3A = arith.index_cast %add3A_74 : i32 to index
      %swap3A_86 = arith.constant 0 : index
      %swap3A_87 = tpu.vector_load %arg8[%swap3A, %swap3A_86] {strides = array<i32>} : memref<40x128xi32, #tpu.memory_space<vmem>>, vector<1x16xi32>,
      %swap3A_88 = vector.shape_cast %swap3A_87 : vector<1x16xi32> to vector<16xi32>
      %swap3A_89 = vector.shape_cast %add3A_85 : vector<16xi32> to vector<1x16xi32>
      tpu.vector_store %arg8[%swap3A, %swap3A_86], %swap3A_89 {strides = array<i32>} : memref<40x128xi32, #tpu.memory_space<vmem>>, vector<1x16xi32>,
      %get3A_90 = arith.index_cast %add3A_74 : i32 to index
      %get3A_91 = arith.constant 16 : index
      %get3A_92 = tpu.vector_load %arg9[%get3A_90, %get3A_91] {strides = array<i32>} : memref<40x128xi32, #tpu.memory_space<vmem>>, vector<1x16xi32>,
      %get3A_93 = vector.shape_cast %get3A_92 : vector<1x16xi32> to vector<16xi32>
      %mul3A_94 = arith.constant 10240 : i32
      %mul3A_95 = vector.broadcast %mul3A_94 : i32 to vector<16xi32>
      %mul3A_96 = arith.muli %get3A_93, %mul3A_95 : vector<16xi32>
      %get3A_97 = arith.index_cast %add3A_74 : i32 to index
      %get3A_98 = arith.constant 16 : index
      %get3A_99 = tpu.vector_load %arg8[%get3A_97, %get3A_98] {strides = array<i32>} : memref<40x128xi32, #tpu.memory_space<vmem>>, vector<1x16xi32>,
      %get3A_100 = vector.shape_cast %get3A_99 : vector<1x16xi32> to vector<16xi32>
      %add3A_101 = arith.addi %mul3A_96, %get3A_100 : vector<16xi32>
      %swap3A_102 = arith.index_cast %add3A_74 : i32 to index
      %swap3A_103 = arith.constant 16 : index
      %swap3A_104 = tpu.vector_load %arg8[%swap3A_102, %swap3A_103] {strides = array<i32>} : memref<40x128xi32, #tpu.memory_space<vmem>>, vector<1x16xi32>,
      %swap3A_105 = vector.shape_cast %swap3A_104 : vector<1x16xi32> to vector<16xi32>
      %swap3A_106 = vector.shape_cast %add3A_101 : vector<16xi32> to vector<1x16xi32>
      tpu.vector_store %arg8[%swap3A_102, %swap3A_103], %swap3A_106 {strides = array<i32>} : memref<40x128xi32, #tpu.memory_space<vmem>>, vector<1x16xi32>,
      %get3A_107 = arith.index_cast %add3A_74 : i32 to index
      %get3A_108 = arith.constant 32 : index
      %get3A_109 = tpu.vector_load %arg9[%get3A_107, %get3A_108] {strides = array<i32>} : memref<40x128xi32, #tpu.memory_space<vmem>>, vector<1x16xi32>,
      %get3A_110 = vector.shape_cast %get3A_109 : vector<1x16xi32> to vector<16xi32>
      %mul3A_111 = arith.constant 10240 : i32
      %mul3A_112 = vector.broadcast %mul3A_111 : i32 to vector<16xi32>
      %mul3A_113 = arith.muli %get3A_110, %mul3A_112 : vector<16xi32>
      %get3A_114 = arith.index_cast %add3A_74 : i32 to index
      %get3A_115 = arith.constant 32 : index
      %get3A_116 = tpu.vector_load %arg8[%get3A_114, %get3A_115] {strides = array<i32>} : memref<40x128xi32, #tpu.memory_space<vmem>>, vector<1x16xi32>,
      %get3A_117 = vector.shape_cast %get3A_116 : vector<1x16xi32> to vector<16xi32>
      %add3A_118 = arith.addi %mul3A_113, %get3A_117 : vector<16xi32>
      %swap3A_119 = arith.index_cast %add3A_74 : i32 to index
      %swap3A_120 = arith.constant 32 : index
      %swap3A_121 = tpu.vector_load %arg8[%swap3A_119, %swap3A_120] {strides = array<i32>} : memref<40x128xi32, #tpu.memory_space<vmem>>, vector<1x16xi32>,
      %swap3A_122 = vector.shape_cast %swap3A_121 : vector<1x16xi32> to vector<16xi32>
      %swap3A_123 = vector.shape_cast %add3A_118 : vector<16xi32> to vector<1x16xi32>
      tpu.vector_store %arg8[%swap3A_119, %swap3A_120], %swap3A_123 {strides = array<i32>} : memref<40x128xi32, #tpu.memory_space<vmem>>, vector<1x16xi32>,
      %get3A_124 = arith.index_cast %add3A_74 : i32 to index
      %get3A_125 = arith.constant 48 : index
      %get3A_126 = tpu.vector_load %arg9[%get3A_124, %get3A_125] {strides = array<i32>} : memref<40x128xi32, #tpu.memory_space<vmem>>, vector<1x16xi32>,
      %get3A_127 = vector.shape_cast %get3A_126 : vector<1x16xi32> to vector<16xi32>
      %mul3A_128 = arith.constant 10240 : i32
      %mul3A_129 = vector.broadcast %mul3A_128 : i32 to vector<16xi32>
      %mul3A_130 = arith.muli %get3A_127, %mul3A_129 : vector<16xi32>
      %get3A_131 = arith.index_cast %add3A_74 : i32 to index
      %get3A_132 = arith.constant 48 : index
      %get3A_133 = tpu.vector_load %arg8[%get3A_131, %get3A_132] {strides = array<i32>} : memref<40x128xi32, #tpu.memory_space<vmem>>, vector<1x16xi32>,
      %get3A_134 = vector.shape_cast %get3A_133 : vector<1x16xi32> to vector<16xi32>
      %add3A_135 = arith.addi %mul3A_130, %get3A_134 : vector<16xi32>
      %swap3A_136 = arith.index_cast %add3A_74 : i32 to index
      %swap3A_137 = arith.constant 48 : index
      %swap3A_138 = tpu.vector_load %arg8[%swap3A_136, %swap3A_137] {strides = array<i32>} : memref<40x128xi32, #tpu.memory_space<vmem>>, vector<1x16xi32>,
      %swap3A_139 = vector.shape_cast %swap3A_138 : vector<1x16xi32> to vector<16xi32>
      %swap3A_140 = vector.shape_cast %add3A_135 : vector<16xi32> to vector<1x16xi32>
      tpu.vector_store %arg8[%swap3A_136, %swap3A_137], %swap3A_140 {strides = array<i32>} : memref<40x128xi32, #tpu.memory_space<vmem>>, vector<1x16xi32>,
      %get3A_141 = arith.index_cast %add3A_74 : i32 to index
      %get3A_142 = arith.constant 64 : index
      %get3A_143 = tpu.vector_load %arg9[%get3A_141, %get3A_142] {strides = array<i32>} : memref<40x128xi32, #tpu.memory_space<vmem>>, vector<1x16xi32>,
      %get3A_144 = vector.shape_cast %get3A_143 : vector<1x16xi32> to vector<16xi32>
      %mul3A_145 = arith.constant 10240 : i32
      %mul3A_146 = vector.broadcast %mul3A_145 : i32 to vector<16xi32>
      %mul3A_147 = arith.muli %get3A_144, %mul3A_146 : vector<16xi32>
      %get3A_148 = arith.index_cast %add3A_74 : i32 to index
      %get3A_149 = arith.constant 64 : index
      %get3A_150 = tpu.vector_load %arg8[%get3A_148, %get3A_149] {strides = array<i32>} : memref<40x128xi32, #tpu.memory_space<vmem>>, vector<1x16xi32>,
      %get3A_151 = vector.shape_cast %get3A_150 : vector<1x16xi32> to vector<16xi32>
      %add3A_152 = arith.addi %mul3A_147, %get3A_151 : vector<16xi32>
      %swap3A_153 = arith.index_cast %add3A_74 : i32 to index
      %swap3A_154 = arith.constant 64 : index
      %swap3A_155 = tpu.vector_load %arg8[%swap3A_153, %swap3A_154] {strides = array<i32>} : memref<40x128xi32, #tpu.memory_space<vmem>>, vector<1x16xi32>,
      %swap3A_156 = vector.shape_cast %swap3A_155 : vector<1x16xi32> to vector<16xi32>
      %swap3A_157 = vector.shape_cast %add3A_152 : vector<16xi32> to vector<1x16xi32>
      tpu.vector_store %arg8[%swap3A_153, %swap3A_154], %swap3A_157 {strides = array<i32>} : memref<40x128xi32, #tpu.memory_space<vmem>>, vector<1x16xi32>,
      %get3A_158 = arith.index_cast %add3A_74 : i32 to index
      %get3A_159 = arith.constant 80 : index
      %get3A_160 = tpu.vector_load %arg9[%get3A_158, %get3A_159] {strides = array<i32>} : memref<40x128xi32, #tpu.memory_space<vmem>>, vector<1x16xi32>,
      %get3A_161 = vector.shape_cast %get3A_160 : vector<1x16xi32> to vector<16xi32>
      %mul3A_162 = arith.constant 10240 : i32
      %mul3A_163 = vector.broadcast %mul3A_162 : i32 to vector<16xi32>
      %mul3A_164 = arith.muli %get3A_161, %mul3A_163 : vector<16xi32>
      %get3A_165 = arith.index_cast %add3A_74 : i32 to index
      %get3A_166 = arith.constant 80 : index
      %get3A_167 = tpu.vector_load %arg8[%get3A_165, %get3A_166] {strides = array<i32>} : memref<40x128xi32, #tpu.memory_space<vmem>>, vector<1x16xi32>,
      %get3A_168 = vector.shape_cast %get3A_167 : vector<1x16xi32> to vector<16xi32>
      %add3A_169 = arith.addi %mul3A_164, %get3A_168 : vector<16xi32>
      %swap3A_170 = arith.index_cast %add3A_74 : i32 to index
      %swap3A_171 = arith.constant 80 : index
      %swap3A_172 = tpu.vector_load %arg8[%swap3A_170, %swap3A_171] {strides = array<i32>} : memref<40x128xi32, #tpu.memory_space<vmem>>, vector<1x16xi32>,
      %swap3A_173 = vector.shape_cast %swap3A_172 : vector<1x16xi32> to vector<16xi32>
      %swap3A_174 = vector.shape_cast %add3A_169 : vector<16xi32> to vector<1x16xi32>
      tpu.vector_store %arg8[%swap3A_170, %swap3A_171], %swap3A_174 {strides = array<i32>} : memref<40x128xi32, #tpu.memory_space<vmem>>, vector<1x16xi32>,
      %get3A_175 = arith.index_cast %add3A_74 : i32 to index
      %get3A_176 = arith.constant 96 : index
      %get3A_177 = tpu.vector_load %arg9[%get3A_175, %get3A_176] {strides = array<i32>} : memref<40x128xi32, #tpu.memory_space<vmem>>, vector<1x16xi32>,
      %get3A_178 = vector.shape_cast %get3A_177 : vector<1x16xi32> to vector<16xi32>
      %mul3A_179 = arith.constant 10240 : i32
      %mul3A_180 = vector.broadcast %mul3A_179 : i32 to vector<16xi32>
      %mul3A_181 = arith.muli %get3A_178, %mul3A_180 : vector<16xi32>
      %get3A_182 = arith.index_cast %add3A_74 : i32 to index
      %get3A_183 = arith.constant 96 : index
      %get3A_184 = tpu.vector_load %arg8[%get3A_182, %get3A_183] {strides = array<i32>} : memref<40x128xi32, #tpu.memory_space<vmem>>, vector<1x16xi32>,
      %get3A_185 = vector.shape_cast %get3A_184 : vector<1x16xi32> to vector<16xi32>
      %add3A_186 = arith.addi %mul3A_181, %get3A_185 : vector<16xi32>
      %swap3A_187 = arith.index_cast %add3A_74 : i32 to index
      %swap3A_188 = arith.constant 96 : index
      %swap3A_189 = tpu.vector_load %arg8[%swap3A_187, %swap3A_188] {strides = array<i32>} : memref<40x128xi32, #tpu.memory_space<vmem>>, vector<1x16xi32>,
      %swap3A_190 = vector.shape_cast %swap3A_189 : vector<1x16xi32> to vector<16xi32>
      %swap3A_191 = vector.shape_cast %add3A_186 : vector<16xi32> to vector<1x16xi32>
      tpu.vector_store %arg8[%swap3A_187, %swap3A_188], %swap3A_191 {strides = array<i32>} : memref<40x128xi32, #tpu.memory_space<vmem>>, vector<1x16xi32>,
      %get3A_192 = arith.index_cast %add3A_74 : i32 to index
      %get3A_193 = arith.constant 112 : index
      %get3A_194 = tpu.vector_load %arg9[%get3A_192, %get3A_193] {strides = array<i32>} : memref<40x128xi32, #tpu.memory_space<vmem>>, vector<1x16xi32>,
      %get3A_195 = vector.shape_cast %get3A_194 : vector<1x16xi32> to vector<16xi32>
      %mul3A_196 = arith.constant 10240 : i32
      %mul3A_197 = vector.broadcast %mul3A_196 : i32 to vector<16xi32>
      %mul3A_198 = arith.muli %get3A_195, %mul3A_197 : vector<16xi32>
      %get3A_199 = arith.index_cast %add3A_74 : i32 to index
      %get3A_200 = arith.constant 112 : index
      %get3A_201 = tpu.vector_load %arg8[%get3A_199, %get3A_200] {strides = array<i32>} : memref<40x128xi32, #tpu.memory_space<vmem>>, vector<1x16xi32>,
      %get3A_202 = vector.shape_cast %get3A_201 : vector<1x16xi32> to vector<16xi32>
      %add3A_203 = arith.addi %mul3A_198, %get3A_202 : vector<16xi32>
      %swap3A_204 = arith.index_cast %add3A_74 : i32 to index
      %swap3A_205 = arith.constant 112 : index
      %swap3A_206 = tpu.vector_load %arg8[%swap3A_204, %swap3A_205] {strides = array<i32>} : memref<40x128xi32, #tpu.memory_space<vmem>>, vector<1x16xi32>,
      %swap3A_207 = vector.shape_cast %swap3A_206 : vector<1x16xi32> to vector<16xi32>
      %swap3A_208 = vector.shape_cast %add3A_203 : vector<16xi32> to vector<1x16xi32>
      tpu.vector_store %arg8[%swap3A_204, %swap3A_205], %swap3A_208 {strides = array<i32>} : memref<40x128xi32, #tpu.memory_space<vmem>>, vector<1x16xi32>,
    }
    %scan3A_38 = arith.constant 40 : i32
    %barrier3A = arith.constant 0 : index
    tpu.barrier barrier_id(%barrier3A)
    %dma_start3A_39 = arith.constant 0 : i32
    %dma_start3A_40 = arith.constant 0 : i32
    %dma_start3A_41 = tpu.memref_slice %arg10[%dma_start3A_39, %dma_start3A_40] : memref<40x128xi32, #tpu.memory_space<vmem>> -> memref<1x128xi32, #tpu.memory_space<vmem>>
    %dma_start3A_42 = tpu.memref_squeeze %dma_start3A_41 : memref<1x128xi32, #tpu.memory_space<vmem>> -> memref<128xi32, #tpu.memory_space<vmem>>
    %dma_start3A_43 = arith.constant 0 : i32
    %dma_start3A_44 = arith.constant 0 : i32
    %dma_start3A_45 = tpu.memref_slice %arg7[%dma_start3A_43, %dma_start3A_44] : memref<10240x128xf32, #tpu.memory_space<vmem_shared>> -> memref<10240x128xf32, #tpu.memory_space<vmem_shared>>
    tpu.enqueue_indirect_dma source(%arg12 : memref<128x128xf32, #tpu.memory_space<vmem>>) target(%dma_start3A_45 : memref<10240x128xf32, #tpu.memory_space<vmem_shared>>) offsets(%dma_start3A_42 : memref<128xi32, #tpu.memory_space<vmem>>) semaphore(%arg16 : memref<!tpu.dma_semaphore, #tpu.memory_space<semaphore_mem>>) {add = true}
    %dma_start3A_46 = arith.constant 0 : i32
    %dma_start3A_47 = arith.constant 0 : i32
    %dma_start3A_48 = tpu.memref_slice %arg8[%dma_start3A_46, %dma_start3A_47] : memref<40x128xi32, #tpu.memory_space<vmem>> -> memref<1x128xi32, #tpu.memory_space<vmem>>
    %dma_start3A_49 = tpu.memref_squeeze %dma_start3A_48 : memref<1x128xi32, #tpu.memory_space<vmem>> -> memref<128xi32, #tpu.memory_space<vmem>>
    %dma_start3A_50 = arith.constant 0 : i32
    %dma_start3A_51 = arith.constant 0 : i32
    %dma_start3A_52 = tpu.memref_slice %arg2[%dma_start3A_50, %dma_start3A_51] : memref<40960x128xf32, #tpu.memory_space<hbm>> -> memref<40960x128xf32, #tpu.memory_space<hbm>>
    tpu.enqueue_indirect_dma source(%dma_start3A_52 : memref<40960x128xf32, #tpu.memory_space<hbm>>) target(%arg11 : memref<128x128xf32, #tpu.memory_space<vmem>>) offsets(%dma_start3A_49 : memref<128xi32, #tpu.memory_space<vmem>>) semaphore(%arg13 : memref<!tpu.dma_semaphore, #tpu.memory_space<semaphore_mem>>)
    %scan3A_53 = arith.constant 0 : i32
    %scan3A_54 = arith.constant 20 : i32
    %scan3A_55 = arith.addi %scan3A_53, %scan3A_54 : i32
    %scan3A_56 = arith.constant 1 : i32
    scf.for %scan3A_70 = %scan3A_53 to %scan3A_55 step %scan3A_56  : i32 {
      %mul3A_71 = arith.constant 2 : i32
      %mul3A_72 = arith.muli %scan3A_70, %mul3A_71 : i32
      %add3A_73 = arith.constant 0 : i32
      %add3A_74 = arith.addi %add3A_73, %mul3A_72 : i32
      %dma_wait3A_75 = arith.constant 0 : i32
      %dma_wait3A_76 = tpu.memref_slice %arg8[%add3A_74, %dma_wait3A_75] : memref<40x128xi32, #tpu.memory_space<vmem>> -> memref<1x128xi32, #tpu.memory_space<vmem>>
      %dma_wait3A_77 = tpu.memref_squeeze %dma_wait3A_76 : memref<1x128xi32, #tpu.memory_space<vmem>> -> memref<128xi32, #tpu.memory_space<vmem>>
      %dma_wait3A_78 = arith.constant 0 : i32
      %dma_wait3A_79 = arith.constant 0 : i32
      %dma_wait3A_80 = tpu.memref_slice %arg2[%dma_wait3A_78, %dma_wait3A_79] : memref<40960x128xf32, #tpu.memory_space<hbm>> -> memref<40960x128xf32, #tpu.memory_space<hbm>>
      tpu.wait_indirect_dma semaphore(%arg13 : memref<!tpu.dma_semaphore, #tpu.memory_space<semaphore_mem>>) src(%dma_wait3A_80 : memref<40960x128xf32, #tpu.memory_space<hbm>>) dst(%arg11 : memref<128x128xf32, #tpu.memory_space<vmem>>)
      %dma_start3A_81 = arith.constant 0 : i32
      %dma_start3A_82 = tpu.memref_slice %arg10[%add3A_74, %dma_start3A_81] : memref<40x128xi32, #tpu.memory_space<vmem>> -> memref<1x128xi32, #tpu.memory_space<vmem>>
      %dma_start3A_83 = tpu.memref_squeeze %dma_start3A_82 : memref<1x128xi32, #tpu.memory_space<vmem>> -> memref<128xi32, #tpu.memory_space<vmem>>
      %dma_start3A_84 = arith.constant 0 : i32
      %dma_start3A_85 = arith.constant 0 : i32
      %dma_start3A_86 = tpu.memref_slice %arg7[%dma_start3A_84, %dma_start3A_85] : memref<10240x128xf32, #tpu.memory_space<vmem_shared>> -> memref<10240x128xf32, #tpu.memory_space<vmem_shared>>
      tpu.enqueue_indirect_dma source(%arg11 : memref<128x128xf32, #tpu.memory_space<vmem>>) target(%dma_start3A_86 : memref<10240x128xf32, #tpu.memory_space<vmem_shared>>) offsets(%dma_start3A_83 : memref<128xi32, #tpu.memory_space<vmem>>) semaphore(%arg15 : memref<!tpu.dma_semaphore, #tpu.memory_space<semaphore_mem>>) {add = true}
      %dma_wait3A_87 = arith.constant 0 : i32
      %dma_wait3A_88 = arith.constant 0 : i32
      %dma_wait3A_89 = tpu.memref_slice %arg10[%dma_wait3A_87, %dma_wait3A_88] : memref<40x128xi32, #tpu.memory_space<vmem>> -> memref<1x128xi32, #tpu.memory_space<vmem>>
      %dma_wait3A_90 = tpu.memref_squeeze %dma_wait3A_89 : memref<1x128xi32, #tpu.memory_space<vmem>> -> memref<128xi32, #tpu.memory_space<vmem>>
      %dma_wait3A_91 = arith.constant 0 : i32
      %dma_wait3A_92 = arith.constant 0 : i32
      %dma_wait3A_93 = tpu.memref_slice %arg7[%dma_wait3A_91, %dma_wait3A_92] : memref<10240x128xf32, #tpu.memory_space<vmem_shared>> -> memref<10240x128xf32, #tpu.memory_space<vmem_shared>>
      tpu.wait_indirect_dma semaphore(%arg16 : memref<!tpu.dma_semaphore, #tpu.memory_space<semaphore_mem>>) src(%arg12 : memref<128x128xf32, #tpu.memory_space<vmem>>) dst(%dma_wait3A_93 : memref<10240x128xf32, #tpu.memory_space<vmem_shared>>)
      %add3A_94 = arith.constant 1 : i32
      %add3A_95 = arith.addi %add3A_74, %add3A_94 : i32
      %dma_start3A_96 = arith.constant 0 : i32
      %dma_start3A_97 = tpu.memref_slice %arg8[%add3A_95, %dma_start3A_96] : memref<40x128xi32, #tpu.memory_space<vmem>> -> memref<1x128xi32, #tpu.memory_space<vmem>>
      %dma_start3A_98 = tpu.memref_squeeze %dma_start3A_97 : memref<1x128xi32, #tpu.memory_space<vmem>> -> memref<128xi32, #tpu.memory_space<vmem>>
      %dma_start3A_99 = arith.constant 0 : i32
      %dma_start3A_100 = arith.constant 0 : i32
      %dma_start3A_101 = tpu.memref_slice %arg2[%dma_start3A_99, %dma_start3A_100] : memref<40960x128xf32, #tpu.memory_space<hbm>> -> memref<40960x128xf32, #tpu.memory_space<hbm>>
      tpu.enqueue_indirect_dma source(%dma_start3A_101 : memref<40960x128xf32, #tpu.memory_space<hbm>>) target(%arg12 : memref<128x128xf32, #tpu.memory_space<vmem>>) offsets(%dma_start3A_98 : memref<128xi32, #tpu.memory_space<vmem>>) semaphore(%arg14 : memref<!tpu.dma_semaphore, #tpu.memory_space<semaphore_mem>>)
      %add3A_102 = arith.constant 1 : i32
      %add3A_103 = arith.addi %add3A_74, %add3A_102 : i32
      %dma_wait3A_104 = arith.constant 0 : i32
      %dma_wait3A_105 = tpu.memref_slice %arg8[%add3A_103, %dma_wait3A_104] : memref<40x128xi32, #tpu.memory_space<vmem>> -> memref<1x128xi32, #tpu.memory_space<vmem>>
      %dma_wait3A_106 = tpu.memref_squeeze %dma_wait3A_105 : memref<1x128xi32, #tpu.memory_space<vmem>> -> memref<128xi32, #tpu.memory_space<vmem>>
      %dma_wait3A_107 = arith.constant 0 : i32
      %dma_wait3A_108 = arith.constant 0 : i32
      %dma_wait3A_109 = tpu.memref_slice %arg2[%dma_wait3A_107, %dma_wait3A_108] : memref<40960x128xf32, #tpu.memory_space<hbm>> -> memref<40960x128xf32, #tpu.memory_space<hbm>>
      tpu.wait_indirect_dma semaphore(%arg14 : memref<!tpu.dma_semaphore, #tpu.memory_space<semaphore_mem>>) src(%dma_wait3A_109 : memref<40960x128xf32, #tpu.memory_space<hbm>>) dst(%arg12 : memref<128x128xf32, #tpu.memory_space<vmem>>)
      %add3A_110 = arith.constant 1 : i32
      %add3A_111 = arith.addi %add3A_74, %add3A_110 : i32
      %dma_start3A_112 = arith.constant 0 : i32
      %dma_start3A_113 = tpu.memref_slice %arg10[%add3A_111, %dma_start3A_112] : memref<40x128xi32, #tpu.memory_space<vmem>> -> memref<1x128xi32, #tpu.memory_space<vmem>>
      %dma_start3A_114 = tpu.memref_squeeze %dma_start3A_113 : memref<1x128xi32, #tpu.memory_space<vmem>> -> memref<128xi32, #tpu.memory_space<vmem>>
      %dma_start3A_115 = arith.constant 0 : i32
      %dma_start3A_116 = arith.constant 0 : i32
      %dma_start3A_117 = tpu.memref_slice %arg7[%dma_start3A_115, %dma_start3A_116] : memref<10240x128xf32, #tpu.memory_space<vmem_shared>> -> memref<10240x128xf32, #tpu.memory_space<vmem_shared>>
      tpu.enqueue_indirect_dma source(%arg12 : memref<128x128xf32, #tpu.memory_space<vmem>>) target(%dma_start3A_117 : memref<10240x128xf32, #tpu.memory_space<vmem_shared>>) offsets(%dma_start3A_114 : memref<128xi32, #tpu.memory_space<vmem>>) semaphore(%arg16 : memref<!tpu.dma_semaphore, #tpu.memory_space<semaphore_mem>>) {add = true}
      %dma_wait3A_118 = arith.constant 0 : i32
      %dma_wait3A_119 = arith.constant 0 : i32
      %dma_wait3A_120 = tpu.memref_slice %arg10[%dma_wait3A_118, %dma_wait3A_119] : memref<40x128xi32, #tpu.memory_space<vmem>> -> memref<1x128xi32, #tpu.memory_space<vmem>>
      %dma_wait3A_121 = tpu.memref_squeeze %dma_wait3A_120 : memref<1x128xi32, #tpu.memory_space<vmem>> -> memref<128xi32, #tpu.memory_space<vmem>>
      %dma_wait3A_122 = arith.constant 0 : i32
      %dma_wait3A_123 = arith.constant 0 : i32
      %dma_wait3A_124 = tpu.memref_slice %arg7[%dma_wait3A_122, %dma_wait3A_123] : memref<10240x128xf32, #tpu.memory_space<vmem_shared>> -> memref<10240x128xf32, #tpu.memory_space<vmem_shared>>
      tpu.wait_indirect_dma semaphore(%arg15 : memref<!tpu.dma_semaphore, #tpu.memory_space<semaphore_mem>>) src(%arg11 : memref<128x128xf32, #tpu.memory_space<vmem>>) dst(%dma_wait3A_124 : memref<10240x128xf32, #tpu.memory_space<vmem_shared>>)
      %add3A_125 = arith.constant 2 : i32
      %add3A_126 = arith.addi %add3A_74, %add3A_125 : i32
      %lt3A = arith.constant 40 : i32
      %lt3A_127 = arith.cmpi slt, %add3A_126, %lt3A : i32
      %convert_element_type3A = arith.extui %lt3A_127 : i1 to i32
      %cond3A = arith.constant 0 : i32
      %cond3A_128 = arith.cmpi ne, %convert_element_type3A, %cond3A : i32
      scf.if %cond3A_128 {
        %add3A_129 = arith.constant 2 : i32
        %add3A_130 = arith.addi %add3A_74, %add3A_129 : i32
        %dma_start3A_131 = arith.constant 0 : i32
        %dma_start3A_132 = tpu.memref_slice %arg8[%add3A_130, %dma_start3A_131] : memref<40x128xi32, #tpu.memory_space<vmem>> -> memref<1x128xi32, #tpu.memory_space<vmem>>
        %dma_start3A_133 = tpu.memref_squeeze %dma_start3A_132 : memref<1x128xi32, #tpu.memory_space<vmem>> -> memref<128xi32, #tpu.memory_space<vmem>>
        %dma_start3A_134 = arith.constant 0 : i32
        %dma_start3A_135 = arith.constant 0 : i32
        %dma_start3A_136 = tpu.memref_slice %arg2[%dma_start3A_134, %dma_start3A_135] : memref<40960x128xf32, #tpu.memory_space<hbm>> -> memref<40960x128xf32, #tpu.memory_space<hbm>>
        tpu.enqueue_indirect_dma source(%dma_start3A_136 : memref<40960x128xf32, #tpu.memory_space<hbm>>) target(%arg11 : memref<128x128xf32, #tpu.memory_space<vmem>>) offsets(%dma_start3A_133 : memref<128xi32, #tpu.memory_space<vmem>>) semaphore(%arg13 : memref<!tpu.dma_semaphore, #tpu.memory_space<semaphore_mem>>)
      } else {
      }
    }
    %scan3A_57 = arith.constant 20 : i32
    %dma_wait3A_58 = arith.constant 0 : i32
    %dma_wait3A_59 = arith.constant 0 : i32
    %dma_wait3A_60 = tpu.memref_slice %arg10[%dma_wait3A_58, %dma_wait3A_59] : memref<40x128xi32, #tpu.memory_space<vmem>> -> memref<1x128xi32, #tpu.memory_space<vmem>>
    %dma_wait3A_61 = tpu.memref_squeeze %dma_wait3A_60 : memref<1x128xi32, #tpu.memory_space<vmem>> -> memref<128xi32, #tpu.memory_space<vmem>>
    %dma_wait3A_62 = arith.constant 0 : i32
    %dma_wait3A_63 = arith.constant 0 : i32
    %dma_wait3A_64 = tpu.memref_slice %arg7[%dma_wait3A_62, %dma_wait3A_63] : memref<10240x128xf32, #tpu.memory_space<vmem_shared>> -> memref<10240x128xf32, #tpu.memory_space<vmem_shared>>
    tpu.wait_indirect_dma semaphore(%arg16 : memref<!tpu.dma_semaphore, #tpu.memory_space<semaphore_mem>>) src(%arg12 : memref<128x128xf32, #tpu.memory_space<vmem>>) dst(%dma_wait3A_64 : memref<10240x128xf32, #tpu.memory_space<vmem_shared>>)
    %barrier3A_65 = arith.constant 0 : index
    tpu.barrier barrier_id(%barrier3A_65)
    %mul3A_66 = arith.constant 640 : i32
    %mul3A_67 = arith.muli %arg1, %mul3A_66 : i32
    %mul3A_68 = arith.constant 640 : i32
    %mul3A_69 = arith.muli %arg1, %mul3A_68 : i32
    "tpu.region"() ({
      %run_scoped3A = tpu.sem_alloc : memref<!tpu.dma_semaphore, #tpu.memory_space<semaphore_mem>>
      %dma_start3A_70 = arith.constant 0 : i32
      %dma_start3A_71 = tpu.memref_slice %arg6[%arg0, %mul3A_69, %dma_start3A_70] : memref<2x10240x128xf32, #tpu.memory_space<hbm>> -> memref<1x640x128xf32, #tpu.memory_space<hbm>>
      %dma_start3A_72 = tpu.memref_squeeze %dma_start3A_71 : memref<1x640x128xf32, #tpu.memory_space<hbm>> -> memref<640x128xf32, #tpu.memory_space<hbm>>
      %dma_start3A_73 = arith.constant 0 : i32
      %dma_start3A_74 = tpu.memref_slice %arg7[%mul3A_67, %dma_start3A_73] : memref<10240x128xf32, #tpu.memory_space<vmem_shared>> -> memref<640x128xf32, #tpu.memory_space<vmem_shared>>
      tpu.enqueue_dma source(%dma_start3A_74 : memref<640x128xf32, #tpu.memory_space<vmem_shared>>) target(%dma_start3A_72 : memref<640x128xf32, #tpu.memory_space<hbm>>) target_semaphore(%run_scoped3A : memref<!tpu.dma_semaphore, #tpu.memory_space<semaphore_mem>>)
      %dma_wait3A_75 = arith.constant 0 : i32
      %dma_wait3A_76 = tpu.memref_slice %arg6[%arg0, %mul3A_69, %dma_wait3A_75] : memref<2x10240x128xf32, #tpu.memory_space<hbm>> -> memref<1x640x128xf32, #tpu.memory_space<hbm>>
      %dma_wait3A_77 = tpu.memref_squeeze %dma_wait3A_76 : memref<1x640x128xf32, #tpu.memory_space<hbm>> -> memref<640x128xf32, #tpu.memory_space<hbm>>
      %dma_wait3A_78 = arith.constant 0 : i32
      %dma_wait3A_79 = tpu.memref_slice %arg7[%mul3A_67, %dma_wait3A_78] : memref<10240x128xf32, #tpu.memory_space<vmem_shared>> -> memref<640x128xf32, #tpu.memory_space<vmem_shared>>
      tpu.wait_dma2 semaphore(%run_scoped3A : memref<!tpu.dma_semaphore, #tpu.memory_space<semaphore_mem>>) src(%dma_wait3A_79 : memref<640x128xf32, #tpu.memory_space<vmem_shared>>) dst(%dma_wait3A_77 : memref<640x128xf32, #tpu.memory_space<hbm>>)
      tpu.yield
    }) : () -> ()
    return
  }
}

#map = affine_map<(d0, d1) -> (0, 0)>
module attributes {stable_mosaic.version = 14 : i64} {
  func.func @k(%arg0: i32, %arg1: i32, %arg2: memref<10240x16xf32, #tpu.memory_space<hbm>>, %arg3: memref<10240x16xf32, #tpu.memory_space<hbm>>, %arg4: memref<1280x128xi32, #tpu.memory_space<hbm>>, %arg5: memref<1280x128xi32, #tpu.memory_space<hbm>>, %arg6: memref<20480x128xf32, #tpu.memory_space<hbm>>, %arg7: memref<40x128xi32, #tpu.memory_space<vmem>>, %arg8: memref<40x128xi32, #tpu.memory_space<vmem>>, %arg9: memref<128x16xf32, #tpu.memory_space<vmem>>, %arg10: memref<128x16xf32, #tpu.memory_space<vmem>>, %arg11: memref<128x16xf32, #tpu.memory_space<vmem>>, %arg12: memref<128x16xf32, #tpu.memory_space<vmem>>, %arg13: memref<16x128xf32, #tpu.memory_space<vmem>>, %arg14: memref<16x128xf32, #tpu.memory_space<vmem>>, %arg15: memref<!tpu.dma_semaphore, #tpu.memory_space<semaphore_mem>>, %arg16: memref<!tpu.dma_semaphore, #tpu.memory_space<semaphore_mem>>, %arg17: memref<!tpu.dma_semaphore, #tpu.memory_space<semaphore_mem>>, %arg18: memref<!tpu.dma_semaphore, #tpu.memory_space<semaphore_mem>>, %arg19: memref<!tpu.dma_semaphore, #tpu.memory_space<semaphore_mem>>, %arg20: memref<!tpu.dma_semaphore, #tpu.memory_space<semaphore_mem>>) attributes {dimension_semantics = [#tpu.dimension_semantics<core_parallel>, #tpu.dimension_semantics<subcore_parallel>], iteration_bounds = array<i64: 2, 16>, scalar_prefetch = 0 : i64, scratch_operands = 14 : i64, tpu.core_type = #tpu.core_type<sc_vector_subcore>, window_params = [{transform_indices = #map}, {transform_indices = #map}, {transform_indices = #map}, {transform_indices = #map}, {transform_indices = #map}]} {
    %mul3A = arith.constant 16 : i32
    %mul3A_0 = arith.muli %arg0, %mul3A : i32
    %add3A = arith.addi %mul3A_0, %arg1 : i32
    %mul3A_1 = arith.constant 40 : i32
    %mul3A_2 = arith.muli %add3A, %mul3A_1 : i32
    %dma_start3A = arith.constant 0 : i32
    %dma_start3A_3 = tpu.memref_slice %arg4[%mul3A_2, %dma_start3A] : memref<1280x128xi32, #tpu.memory_space<hbm>> -> memref<40x128xi32, #tpu.memory_space<hbm>>
    %dma_start3A_4 = arith.constant 0 : i32
    %dma_start3A_5 = tpu.memref_slice %arg4[%mul3A_2, %dma_start3A_4] : memref<1280x128xi32, #tpu.memory_space<hbm>> -> memref<40x128xi32, #tpu.memory_space<hbm>>
    tpu.enqueue_dma source(%dma_start3A_5 : memref<40x128xi32, #tpu.memory_space<hbm>>) target(%arg7 : memref<40x128xi32, #tpu.memory_space<vmem>>) target_semaphore(%arg15 : memref<!tpu.dma_semaphore, #tpu.memory_space<semaphore_mem>>)
    %dma_start3A_6 = arith.constant 0 : i32
    %dma_start3A_7 = tpu.memref_slice %arg5[%mul3A_2, %dma_start3A_6] : memref<1280x128xi32, #tpu.memory_space<hbm>> -> memref<40x128xi32, #tpu.memory_space<hbm>>
    %dma_start3A_8 = arith.constant 0 : i32
    %dma_start3A_9 = tpu.memref_slice %arg5[%mul3A_2, %dma_start3A_8] : memref<1280x128xi32, #tpu.memory_space<hbm>> -> memref<40x128xi32, #tpu.memory_space<hbm>>
    tpu.enqueue_dma source(%dma_start3A_9 : memref<40x128xi32, #tpu.memory_space<hbm>>) target(%arg8 : memref<40x128xi32, #tpu.memory_space<vmem>>) target_semaphore(%arg16 : memref<!tpu.dma_semaphore, #tpu.memory_space<semaphore_mem>>)
    %dma_wait3A = arith.constant 0 : i32
    %dma_wait3A_10 = tpu.memref_slice %arg4[%mul3A_2, %dma_wait3A] : memref<1280x128xi32, #tpu.memory_space<hbm>> -> memref<40x128xi32, #tpu.memory_space<hbm>>
    %dma_wait3A_11 = arith.constant 0 : i32
    %dma_wait3A_12 = tpu.memref_slice %arg4[%mul3A_2, %dma_wait3A_11] : memref<1280x128xi32, #tpu.memory_space<hbm>> -> memref<40x128xi32, #tpu.memory_space<hbm>>
    tpu.wait_dma2 semaphore(%arg15 : memref<!tpu.dma_semaphore, #tpu.memory_space<semaphore_mem>>) src(%dma_wait3A_12 : memref<40x128xi32, #tpu.memory_space<hbm>>) dst(%arg7 : memref<40x128xi32, #tpu.memory_space<vmem>>)
    %dma_wait3A_13 = arith.constant 0 : i32
    %dma_wait3A_14 = tpu.memref_slice %arg5[%mul3A_2, %dma_wait3A_13] : memref<1280x128xi32, #tpu.memory_space<hbm>> -> memref<40x128xi32, #tpu.memory_space<hbm>>
    %dma_wait3A_15 = arith.constant 0 : i32
    %dma_wait3A_16 = tpu.memref_slice %arg5[%mul3A_2, %dma_wait3A_15] : memref<1280x128xi32, #tpu.memory_space<hbm>> -> memref<40x128xi32, #tpu.memory_space<hbm>>
    tpu.wait_dma2 semaphore(%arg16 : memref<!tpu.dma_semaphore, #tpu.memory_space<semaphore_mem>>) src(%dma_wait3A_16 : memref<40x128xi32, #tpu.memory_space<hbm>>) dst(%arg8 : memref<40x128xi32, #tpu.memory_space<vmem>>)
    %dma_start3A_17 = arith.constant 0 : i32
    %dma_start3A_18 = arith.constant 0 : i32
    %dma_start3A_19 = tpu.memref_slice %arg7[%dma_start3A_17, %dma_start3A_18] : memref<40x128xi32, #tpu.memory_space<vmem>> -> memref<1x128xi32, #tpu.memory_space<vmem>>
    %dma_start3A_20 = tpu.memref_squeeze %dma_start3A_19 : memref<1x128xi32, #tpu.memory_space<vmem>> -> memref<128xi32, #tpu.memory_space<vmem>>
    %dma_start3A_21 = arith.constant 0 : i32
    %dma_start3A_22 = arith.constant 0 : i32
    %dma_start3A_23 = tpu.memref_slice %arg2[%dma_start3A_21, %dma_start3A_22] : memref<10240x16xf32, #tpu.memory_space<hbm>> -> memref<10240x16xf32, #tpu.memory_space<hbm>>
    tpu.enqueue_indirect_dma source(%dma_start3A_23 : memref<10240x16xf32, #tpu.memory_space<hbm>>) target(%arg9 : memref<128x16xf32, #tpu.memory_space<vmem>>) offsets(%dma_start3A_20 : memref<128xi32, #tpu.memory_space<vmem>>) semaphore(%arg15 : memref<!tpu.dma_semaphore, #tpu.memory_space<semaphore_mem>>)
    %dma_start3A_24 = arith.constant 0 : i32
    %dma_start3A_25 = arith.constant 0 : i32
    %dma_start3A_26 = tpu.memref_slice %arg8[%dma_start3A_24, %dma_start3A_25] : memref<40x128xi32, #tpu.memory_space<vmem>> -> memref<1x128xi32, #tpu.memory_space<vmem>>
    %dma_start3A_27 = tpu.memref_squeeze %dma_start3A_26 : memref<1x128xi32, #tpu.memory_space<vmem>> -> memref<128xi32, #tpu.memory_space<vmem>>
    %dma_start3A_28 = arith.constant 0 : i32
    %dma_start3A_29 = arith.constant 0 : i32
    %dma_start3A_30 = tpu.memref_slice %arg3[%dma_start3A_28, %dma_start3A_29] : memref<10240x16xf32, #tpu.memory_space<hbm>> -> memref<10240x16xf32, #tpu.memory_space<hbm>>
    tpu.enqueue_indirect_dma source(%dma_start3A_30 : memref<10240x16xf32, #tpu.memory_space<hbm>>) target(%arg10 : memref<128x16xf32, #tpu.memory_space<vmem>>) offsets(%dma_start3A_27 : memref<128xi32, #tpu.memory_space<vmem>>) semaphore(%arg16 : memref<!tpu.dma_semaphore, #tpu.memory_space<semaphore_mem>>)
    %mul3A_31 = arith.constant 16 : i32
    %mul3A_32 = arith.muli %mul3A_2, %mul3A_31 : i32
    %dma_start3A_33 = arith.constant 0 : i32
    %dma_start3A_34 = tpu.memref_slice %arg6[%mul3A_32, %dma_start3A_33] : memref<20480x128xf32, #tpu.memory_space<hbm>> -> memref<16x128xf32, #tpu.memory_space<hbm>>
    %dma_start3A_35 = arith.constant 0 : i32
    %dma_start3A_36 = tpu.memref_slice %arg6[%mul3A_32, %dma_start3A_35] : memref<20480x128xf32, #tpu.memory_space<hbm>> -> memref<16x128xf32, #tpu.memory_space<hbm>>
    tpu.enqueue_dma source(%arg13 : memref<16x128xf32, #tpu.memory_space<vmem>>) target(%dma_start3A_36 : memref<16x128xf32, #tpu.memory_space<hbm>>) target_semaphore(%arg19 : memref<!tpu.dma_semaphore, #tpu.memory_space<semaphore_mem>>)
    %mul3A_37 = arith.constant 16 : i32
    %mul3A_38 = arith.muli %mul3A_2, %mul3A_37 : i32
    %dma_start3A_39 = arith.constant 0 : i32
    %dma_start3A_40 = tpu.memref_slice %arg6[%mul3A_38, %dma_start3A_39] : memref<20480x128xf32, #tpu.memory_space<hbm>> -> memref<16x128xf32, #tpu.memory_space<hbm>>
    %dma_start3A_41 = arith.constant 0 : i32
    %dma_start3A_42 = tpu.memref_slice %arg6[%mul3A_38, %dma_start3A_41] : memref<20480x128xf32, #tpu.memory_space<hbm>> -> memref<16x128xf32, #tpu.memory_space<hbm>>
    tpu.enqueue_dma source(%arg14 : memref<16x128xf32, #tpu.memory_space<vmem>>) target(%dma_start3A_42 : memref<16x128xf32, #tpu.memory_space<hbm>>) target_semaphore(%arg20 : memref<!tpu.dma_semaphore, #tpu.memory_space<semaphore_mem>>)
    %scan3A = arith.constant 0 : i32
    %scan3A_43 = arith.constant 20 : i32
    %scan3A_44 = arith.addi %scan3A, %scan3A_43 : i32
    %scan3A_45 = arith.constant 1 : i32
    scf.for %scan3A_59 = %scan3A to %scan3A_44 step %scan3A_45  : i32 {
      %mul3A_60 = arith.constant 2 : i32
      %mul3A_61 = arith.muli %scan3A_59, %mul3A_60 : i32
      %add3A_62 = arith.constant 0 : i32
      %add3A_63 = arith.addi %add3A_62, %mul3A_61 : i32
      %add3A_64 = arith.constant 1 : i32
      %add3A_65 = arith.addi %add3A_63, %add3A_64 : i32
      %dma_start3A_66 = arith.constant 0 : i32
      %dma_start3A_67 = tpu.memref_slice %arg7[%add3A_65, %dma_start3A_66] : memref<40x128xi32, #tpu.memory_space<vmem>> -> memref<1x128xi32, #tpu.memory_space<vmem>>
      %dma_start3A_68 = tpu.memref_squeeze %dma_start3A_67 : memref<1x128xi32, #tpu.memory_space<vmem>> -> memref<128xi32, #tpu.memory_space<vmem>>
      %dma_start3A_69 = arith.constant 0 : i32
      %dma_start3A_70 = arith.constant 0 : i32
      %dma_start3A_71 = tpu.memref_slice %arg2[%dma_start3A_69, %dma_start3A_70] : memref<10240x16xf32, #tpu.memory_space<hbm>> -> memref<10240x16xf32, #tpu.memory_space<hbm>>
      tpu.enqueue_indirect_dma source(%dma_start3A_71 : memref<10240x16xf32, #tpu.memory_space<hbm>>) target(%arg11 : memref<128x16xf32, #tpu.memory_space<vmem>>) offsets(%dma_start3A_68 : memref<128xi32, #tpu.memory_space<vmem>>) semaphore(%arg17 : memref<!tpu.dma_semaphore, #tpu.memory_space<semaphore_mem>>)
      %add3A_72 = arith.constant 1 : i32
      %add3A_73 = arith.addi %add3A_63, %add3A_72 : i32
      %dma_start3A_74 = arith.constant 0 : i32
      %dma_start3A_75 = tpu.memref_slice %arg8[%add3A_73, %dma_start3A_74] : memref<40x128xi32, #tpu.memory_space<vmem>> -> memref<1x128xi32, #tpu.memory_space<vmem>>
      %dma_start3A_76 = tpu.memref_squeeze %dma_start3A_75 : memref<1x128xi32, #tpu.memory_space<vmem>> -> memref<128xi32, #tpu.memory_space<vmem>>
      %dma_start3A_77 = arith.constant 0 : i32
      %dma_start3A_78 = arith.constant 0 : i32
      %dma_start3A_79 = tpu.memref_slice %arg3[%dma_start3A_77, %dma_start3A_78] : memref<10240x16xf32, #tpu.memory_space<hbm>> -> memref<10240x16xf32, #tpu.memory_space<hbm>>
      tpu.enqueue_indirect_dma source(%dma_start3A_79 : memref<10240x16xf32, #tpu.memory_space<hbm>>) target(%arg12 : memref<128x16xf32, #tpu.memory_space<vmem>>) offsets(%dma_start3A_76 : memref<128xi32, #tpu.memory_space<vmem>>) semaphore(%arg18 : memref<!tpu.dma_semaphore, #tpu.memory_space<semaphore_mem>>)
      %dma_wait3A_80 = arith.constant 0 : i32
      %dma_wait3A_81 = tpu.memref_slice %arg7[%add3A_63, %dma_wait3A_80] : memref<40x128xi32, #tpu.memory_space<vmem>> -> memref<1x128xi32, #tpu.memory_space<vmem>>
      %dma_wait3A_82 = tpu.memref_squeeze %dma_wait3A_81 : memref<1x128xi32, #tpu.memory_space<vmem>> -> memref<128xi32, #tpu.memory_space<vmem>>
      %dma_wait3A_83 = arith.constant 0 : i32
      %dma_wait3A_84 = arith.constant 0 : i32
      %dma_wait3A_85 = tpu.memref_slice %arg2[%dma_wait3A_83, %dma_wait3A_84] : memref<10240x16xf32, #tpu.memory_space<hbm>> -> memref<10240x16xf32, #tpu.memory_space<hbm>>
      tpu.wait_indirect_dma semaphore(%arg15 : memref<!tpu.dma_semaphore, #tpu.memory_space<semaphore_mem>>) src(%dma_wait3A_85 : memref<10240x16xf32, #tpu.memory_space<hbm>>) dst(%arg9 : memref<128x16xf32, #tpu.memory_space<vmem>>)
      %dma_wait3A_86 = arith.constant 0 : i32
      %dma_wait3A_87 = tpu.memref_slice %arg8[%add3A_63, %dma_wait3A_86] : memref<40x128xi32, #tpu.memory_space<vmem>> -> memref<1x128xi32, #tpu.memory_space<vmem>>
      %dma_wait3A_88 = tpu.memref_squeeze %dma_wait3A_87 : memref<1x128xi32, #tpu.memory_space<vmem>> -> memref<128xi32, #tpu.memory_space<vmem>>
      %dma_wait3A_89 = arith.constant 0 : i32
      %dma_wait3A_90 = arith.constant 0 : i32
      %dma_wait3A_91 = tpu.memref_slice %arg3[%dma_wait3A_89, %dma_wait3A_90] : memref<10240x16xf32, #tpu.memory_space<hbm>> -> memref<10240x16xf32, #tpu.memory_space<hbm>>
      tpu.wait_indirect_dma semaphore(%arg16 : memref<!tpu.dma_semaphore, #tpu.memory_space<semaphore_mem>>) src(%dma_wait3A_91 : memref<10240x16xf32, #tpu.memory_space<hbm>>) dst(%arg10 : memref<128x16xf32, #tpu.memory_space<vmem>>)
      %mul3A_92 = arith.constant 16 : i32
      %mul3A_93 = arith.muli %mul3A_2, %mul3A_92 : i32
      %dma_wait3A_94 = arith.constant 0 : i32
      %dma_wait3A_95 = tpu.memref_slice %arg6[%mul3A_93, %dma_wait3A_94] : memref<20480x128xf32, #tpu.memory_space<hbm>> -> memref<16x128xf32, #tpu.memory_space<hbm>>
      %dma_wait3A_96 = arith.constant 0 : i32
      %dma_wait3A_97 = tpu.memref_slice %arg6[%mul3A_93, %dma_wait3A_96] : memref<20480x128xf32, #tpu.memory_space<hbm>> -> memref<16x128xf32, #tpu.memory_space<hbm>>
      tpu.wait_dma2 semaphore(%arg19 : memref<!tpu.dma_semaphore, #tpu.memory_space<semaphore_mem>>) src(%arg13 : memref<16x128xf32, #tpu.memory_space<vmem>>) dst(%dma_wait3A_97 : memref<16x128xf32, #tpu.memory_space<hbm>>)
      %scan3A_98 = arith.constant 0 : i32
      %scan3A_99 = arith.constant 16 : i32
      %scan3A_100 = arith.addi %scan3A_98, %scan3A_99 : i32
      %scan3A_101 = arith.constant 1 : i32
      scf.for %scan3A_150 = %scan3A_98 to %scan3A_100 step %scan3A_101  : i32 {
        %mul3A_151 = arith.constant 1 : i32
        %mul3A_152 = arith.muli %scan3A_150, %mul3A_151 : i32
        %add3A_153 = arith.constant 0 : i32
        %add3A_154 = arith.addi %add3A_153, %mul3A_152 : i32
        %mul3A_155 = arith.constant 8 : i32
        %mul3A_156 = arith.muli %add3A_154, %mul3A_155 : i32
        %add3A_157 = arith.constant 0 : i32
        %add3A_158 = arith.addi %mul3A_156, %add3A_157 : i32
        %get3A = arith.index_cast %add3A_158 : i32 to index
        %get3A_159 = arith.constant 0 : index
        %get3A_160 = tpu.vector_load %arg9[%get3A, %get3A_159] {strides = array<i32>} : memref<128x16xf32, #tpu.memory_space<vmem>>, vector<1x16xf32>,
        %get3A_161 = vector.shape_cast %get3A_160 : vector<1x16xf32> to vector<16xf32>
        %mul3A_162 = arith.constant 8 : i32
        %mul3A_163 = arith.muli %add3A_154, %mul3A_162 : i32
        %add3A_164 = arith.constant 0 : i32
        %add3A_165 = arith.addi %mul3A_163, %add3A_164 : i32
        %get3A_166 = arith.index_cast %add3A_165 : i32 to index
        %get3A_167 = arith.constant 0 : index
        %get3A_168 = tpu.vector_load %arg10[%get3A_166, %get3A_167] {strides = array<i32>} : memref<128x16xf32, #tpu.memory_space<vmem>>, vector<1x16xf32>,
        %get3A_169 = vector.shape_cast %get3A_168 : vector<1x16xf32> to vector<16xf32>
        %add3A_170 = arith.addf %get3A_161, %get3A_169 : vector<16xf32>
        %swap3A = arith.index_cast %add3A_154 : i32 to index
        %swap3A_171 = arith.constant 0 : index
        %swap3A_172 = tpu.vector_load %arg13[%swap3A, %swap3A_171] {strides = array<i32>} : memref<16x128xf32, #tpu.memory_space<vmem>>, vector<1x16xf32>,
        %swap3A_173 = vector.shape_cast %swap3A_172 : vector<1x16xf32> to vector<16xf32>
        %swap3A_174 = vector.shape_cast %add3A_170 : vector<16xf32> to vector<1x16xf32>
        tpu.vector_store %arg13[%swap3A, %swap3A_171], %swap3A_174 {strides = array<i32>} : memref<16x128xf32, #tpu.memory_space<vmem>>, vector<1x16xf32>,
        %mul3A_175 = arith.constant 8 : i32
        %mul3A_176 = arith.muli %add3A_154, %mul3A_175 : i32
        %add3A_177 = arith.constant 1 : i32
        %add3A_178 = arith.addi %mul3A_176, %add3A_177 : i32
        %get3A_179 = arith.index_cast %add3A_178 : i32 to index
        %get3A_180 = arith.constant 0 : index
        %get3A_181 = tpu.vector_load %arg9[%get3A_179, %get3A_180] {strides = array<i32>} : memref<128x16xf32, #tpu.memory_space<vmem>>, vector<1x16xf32>,
        %get3A_182 = vector.shape_cast %get3A_181 : vector<1x16xf32> to vector<16xf32>
        %mul3A_183 = arith.constant 8 : i32
        %mul3A_184 = arith.muli %add3A_154, %mul3A_183 : i32
        %add3A_185 = arith.constant 1 : i32
        %add3A_186 = arith.addi %mul3A_184, %add3A_185 : i32
        %get3A_187 = arith.index_cast %add3A_186 : i32 to index
        %get3A_188 = arith.constant 0 : index
        %get3A_189 = tpu.vector_load %arg10[%get3A_187, %get3A_188] {strides = array<i32>} : memref<128x16xf32, #tpu.memory_space<vmem>>, vector<1x16xf32>,
        %get3A_190 = vector.shape_cast %get3A_189 : vector<1x16xf32> to vector<16xf32>
        %add3A_191 = arith.addf %get3A_182, %get3A_190 : vector<16xf32>
        %swap3A_192 = arith.index_cast %add3A_154 : i32 to index
        %swap3A_193 = arith.constant 16 : index
        %swap3A_194 = tpu.vector_load %arg13[%swap3A_192, %swap3A_193] {strides = array<i32>} : memref<16x128xf32, #tpu.memory_space<vmem>>, vector<1x16xf32>,
        %swap3A_195 = vector.shape_cast %swap3A_194 : vector<1x16xf32> to vector<16xf32>
        %swap3A_196 = vector.shape_cast %add3A_191 : vector<16xf32> to vector<1x16xf32>
        tpu.vector_store %arg13[%swap3A_192, %swap3A_193], %swap3A_196 {strides = array<i32>} : memref<16x128xf32, #tpu.memory_space<vmem>>, vector<1x16xf32>,
        %mul3A_197 = arith.constant 8 : i32
        %mul3A_198 = arith.muli %add3A_154, %mul3A_197 : i32
        %add3A_199 = arith.constant 2 : i32
        %add3A_200 = arith.addi %mul3A_198, %add3A_199 : i32
        %get3A_201 = arith.index_cast %add3A_200 : i32 to index
        %get3A_202 = arith.constant 0 : index
        %get3A_203 = tpu.vector_load %arg9[%get3A_201, %get3A_202] {strides = array<i32>} : memref<128x16xf32, #tpu.memory_space<vmem>>, vector<1x16xf32>,
        %get3A_204 = vector.shape_cast %get3A_203 : vector<1x16xf32> to vector<16xf32>
        %mul3A_205 = arith.constant 8 : i32
        %mul3A_206 = arith.muli %add3A_154, %mul3A_205 : i32
        %add3A_207 = arith.constant 2 : i32
        %add3A_208 = arith.addi %mul3A_206, %add3A_207 : i32
        %get3A_209 = arith.index_cast %add3A_208 : i32 to index
        %get3A_210 = arith.constant 0 : index
        %get3A_211 = tpu.vector_load %arg10[%get3A_209, %get3A_210] {strides = array<i32>} : memref<128x16xf32, #tpu.memory_space<vmem>>, vector<1x16xf32>,
        %get3A_212 = vector.shape_cast %get3A_211 : vector<1x16xf32> to vector<16xf32>
        %add3A_213 = arith.addf %get3A_204, %get3A_212 : vector<16xf32>
        %swap3A_214 = arith.index_cast %add3A_154 : i32 to index
        %swap3A_215 = arith.constant 32 : index
        %swap3A_216 = tpu.vector_load %arg13[%swap3A_214, %swap3A_215] {strides = array<i32>} : memref<16x128xf32, #tpu.memory_space<vmem>>, vector<1x16xf32>,
        %swap3A_217 = vector.shape_cast %swap3A_216 : vector<1x16xf32> to vector<16xf32>
        %swap3A_218 = vector.shape_cast %add3A_213 : vector<16xf32> to vector<1x16xf32>
        tpu.vector_store %arg13[%swap3A_214, %swap3A_215], %swap3A_218 {strides = array<i32>} : memref<16x128xf32, #tpu.memory_space<vmem>>, vector<1x16xf32>,
        %mul3A_219 = arith.constant 8 : i32
        %mul3A_220 = arith.muli %add3A_154, %mul3A_219 : i32
        %add3A_221 = arith.constant 3 : i32
        %add3A_222 = arith.addi %mul3A_220, %add3A_221 : i32
        %get3A_223 = arith.index_cast %add3A_222 : i32 to index
        %get3A_224 = arith.constant 0 : index
        %get3A_225 = tpu.vector_load %arg9[%get3A_223, %get3A_224] {strides = array<i32>} : memref<128x16xf32, #tpu.memory_space<vmem>>, vector<1x16xf32>,
        %get3A_226 = vector.shape_cast %get3A_225 : vector<1x16xf32> to vector<16xf32>
        %mul3A_227 = arith.constant 8 : i32
        %mul3A_228 = arith.muli %add3A_154, %mul3A_227 : i32
        %add3A_229 = arith.constant 3 : i32
        %add3A_230 = arith.addi %mul3A_228, %add3A_229 : i32
        %get3A_231 = arith.index_cast %add3A_230 : i32 to index
        %get3A_232 = arith.constant 0 : index
        %get3A_233 = tpu.vector_load %arg10[%get3A_231, %get3A_232] {strides = array<i32>} : memref<128x16xf32, #tpu.memory_space<vmem>>, vector<1x16xf32>,
        %get3A_234 = vector.shape_cast %get3A_233 : vector<1x16xf32> to vector<16xf32>
        %add3A_235 = arith.addf %get3A_226, %get3A_234 : vector<16xf32>
        %swap3A_236 = arith.index_cast %add3A_154 : i32 to index
        %swap3A_237 = arith.constant 48 : index
        %swap3A_238 = tpu.vector_load %arg13[%swap3A_236, %swap3A_237] {strides = array<i32>} : memref<16x128xf32, #tpu.memory_space<vmem>>, vector<1x16xf32>,
        %swap3A_239 = vector.shape_cast %swap3A_238 : vector<1x16xf32> to vector<16xf32>
        %swap3A_240 = vector.shape_cast %add3A_235 : vector<16xf32> to vector<1x16xf32>
        tpu.vector_store %arg13[%swap3A_236, %swap3A_237], %swap3A_240 {strides = array<i32>} : memref<16x128xf32, #tpu.memory_space<vmem>>, vector<1x16xf32>,
        %mul3A_241 = arith.constant 8 : i32
        %mul3A_242 = arith.muli %add3A_154, %mul3A_241 : i32
        %add3A_243 = arith.constant 4 : i32
        %add3A_244 = arith.addi %mul3A_242, %add3A_243 : i32
        %get3A_245 = arith.index_cast %add3A_244 : i32 to index
        %get3A_246 = arith.constant 0 : index
        %get3A_247 = tpu.vector_load %arg9[%get3A_245, %get3A_246] {strides = array<i32>} : memref<128x16xf32, #tpu.memory_space<vmem>>, vector<1x16xf32>,
        %get3A_248 = vector.shape_cast %get3A_247 : vector<1x16xf32> to vector<16xf32>
        %mul3A_249 = arith.constant 8 : i32
        %mul3A_250 = arith.muli %add3A_154, %mul3A_249 : i32
        %add3A_251 = arith.constant 4 : i32
        %add3A_252 = arith.addi %mul3A_250, %add3A_251 : i32
        %get3A_253 = arith.index_cast %add3A_252 : i32 to index
        %get3A_254 = arith.constant 0 : index
        %get3A_255 = tpu.vector_load %arg10[%get3A_253, %get3A_254] {strides = array<i32>} : memref<128x16xf32, #tpu.memory_space<vmem>>, vector<1x16xf32>,
        %get3A_256 = vector.shape_cast %get3A_255 : vector<1x16xf32> to vector<16xf32>
        %add3A_257 = arith.addf %get3A_248, %get3A_256 : vector<16xf32>
        %swap3A_258 = arith.index_cast %add3A_154 : i32 to index
        %swap3A_259 = arith.constant 64 : index
        %swap3A_260 = tpu.vector_load %arg13[%swap3A_258, %swap3A_259] {strides = array<i32>} : memref<16x128xf32, #tpu.memory_space<vmem>>, vector<1x16xf32>,
        %swap3A_261 = vector.shape_cast %swap3A_260 : vector<1x16xf32> to vector<16xf32>
        %swap3A_262 = vector.shape_cast %add3A_257 : vector<16xf32> to vector<1x16xf32>
        tpu.vector_store %arg13[%swap3A_258, %swap3A_259], %swap3A_262 {strides = array<i32>} : memref<16x128xf32, #tpu.memory_space<vmem>>, vector<1x16xf32>,
        %mul3A_263 = arith.constant 8 : i32
        %mul3A_264 = arith.muli %add3A_154, %mul3A_263 : i32
        %add3A_265 = arith.constant 5 : i32
        %add3A_266 = arith.addi %mul3A_264, %add3A_265 : i32
        %get3A_267 = arith.index_cast %add3A_266 : i32 to index
        %get3A_268 = arith.constant 0 : index
        %get3A_269 = tpu.vector_load %arg9[%get3A_267, %get3A_268] {strides = array<i32>} : memref<128x16xf32, #tpu.memory_space<vmem>>, vector<1x16xf32>,
        %get3A_270 = vector.shape_cast %get3A_269 : vector<1x16xf32> to vector<16xf32>
        %mul3A_271 = arith.constant 8 : i32
        %mul3A_272 = arith.muli %add3A_154, %mul3A_271 : i32
        %add3A_273 = arith.constant 5 : i32
        %add3A_274 = arith.addi %mul3A_272, %add3A_273 : i32
        %get3A_275 = arith.index_cast %add3A_274 : i32 to index
        %get3A_276 = arith.constant 0 : index
        %get3A_277 = tpu.vector_load %arg10[%get3A_275, %get3A_276] {strides = array<i32>} : memref<128x16xf32, #tpu.memory_space<vmem>>, vector<1x16xf32>,
        %get3A_278 = vector.shape_cast %get3A_277 : vector<1x16xf32> to vector<16xf32>
        %add3A_279 = arith.addf %get3A_270, %get3A_278 : vector<16xf32>
        %swap3A_280 = arith.index_cast %add3A_154 : i32 to index
        %swap3A_281 = arith.constant 80 : index
        %swap3A_282 = tpu.vector_load %arg13[%swap3A_280, %swap3A_281] {strides = array<i32>} : memref<16x128xf32, #tpu.memory_space<vmem>>, vector<1x16xf32>,
        %swap3A_283 = vector.shape_cast %swap3A_282 : vector<1x16xf32> to vector<16xf32>
        %swap3A_284 = vector.shape_cast %add3A_279 : vector<16xf32> to vector<1x16xf32>
        tpu.vector_store %arg13[%swap3A_280, %swap3A_281], %swap3A_284 {strides = array<i32>} : memref<16x128xf32, #tpu.memory_space<vmem>>, vector<1x16xf32>,
        %mul3A_285 = arith.constant 8 : i32
        %mul3A_286 = arith.muli %add3A_154, %mul3A_285 : i32
        %add3A_287 = arith.constant 6 : i32
        %add3A_288 = arith.addi %mul3A_286, %add3A_287 : i32
        %get3A_289 = arith.index_cast %add3A_288 : i32 to index
        %get3A_290 = arith.constant 0 : index
        %get3A_291 = tpu.vector_load %arg9[%get3A_289, %get3A_290] {strides = array<i32>} : memref<128x16xf32, #tpu.memory_space<vmem>>, vector<1x16xf32>,
        %get3A_292 = vector.shape_cast %get3A_291 : vector<1x16xf32> to vector<16xf32>
        %mul3A_293 = arith.constant 8 : i32
        %mul3A_294 = arith.muli %add3A_154, %mul3A_293 : i32
        %add3A_295 = arith.constant 6 : i32
        %add3A_296 = arith.addi %mul3A_294, %add3A_295 : i32
        %get3A_297 = arith.index_cast %add3A_296 : i32 to index
        %get3A_298 = arith.constant 0 : index
        %get3A_299 = tpu.vector_load %arg10[%get3A_297, %get3A_298] {strides = array<i32>} : memref<128x16xf32, #tpu.memory_space<vmem>>, vector<1x16xf32>,
        %get3A_300 = vector.shape_cast %get3A_299 : vector<1x16xf32> to vector<16xf32>
        %add3A_301 = arith.addf %get3A_292, %get3A_300 : vector<16xf32>
        %swap3A_302 = arith.index_cast %add3A_154 : i32 to index
        %swap3A_303 = arith.constant 96 : index
        %swap3A_304 = tpu.vector_load %arg13[%swap3A_302, %swap3A_303] {strides = array<i32>} : memref<16x128xf32, #tpu.memory_space<vmem>>, vector<1x16xf32>,
        %swap3A_305 = vector.shape_cast %swap3A_304 : vector<1x16xf32> to vector<16xf32>
        %swap3A_306 = vector.shape_cast %add3A_301 : vector<16xf32> to vector<1x16xf32>
        tpu.vector_store %arg13[%swap3A_302, %swap3A_303], %swap3A_306 {strides = array<i32>} : memref<16x128xf32, #tpu.memory_space<vmem>>, vector<1x16xf32>,
        %mul3A_307 = arith.constant 8 : i32
        %mul3A_308 = arith.muli %add3A_154, %mul3A_307 : i32
        %add3A_309 = arith.constant 7 : i32
        %add3A_310 = arith.addi %mul3A_308, %add3A_309 : i32
        %get3A_311 = arith.index_cast %add3A_310 : i32 to index
        %get3A_312 = arith.constant 0 : index
        %get3A_313 = tpu.vector_load %arg9[%get3A_311, %get3A_312] {strides = array<i32>} : memref<128x16xf32, #tpu.memory_space<vmem>>, vector<1x16xf32>,
        %get3A_314 = vector.shape_cast %get3A_313 : vector<1x16xf32> to vector<16xf32>
        %mul3A_315 = arith.constant 8 : i32
        %mul3A_316 = arith.muli %add3A_154, %mul3A_315 : i32
        %add3A_317 = arith.constant 7 : i32
        %add3A_318 = arith.addi %mul3A_316, %add3A_317 : i32
        %get3A_319 = arith.index_cast %add3A_318 : i32 to index
        %get3A_320 = arith.constant 0 : index
        %get3A_321 = tpu.vector_load %arg10[%get3A_319, %get3A_320] {strides = array<i32>} : memref<128x16xf32, #tpu.memory_space<vmem>>, vector<1x16xf32>,
        %get3A_322 = vector.shape_cast %get3A_321 : vector<1x16xf32> to vector<16xf32>
        %add3A_323 = arith.addf %get3A_314, %get3A_322 : vector<16xf32>
        %swap3A_324 = arith.index_cast %add3A_154 : i32 to index
        %swap3A_325 = arith.constant 112 : index
        %swap3A_326 = tpu.vector_load %arg13[%swap3A_324, %swap3A_325] {strides = array<i32>} : memref<16x128xf32, #tpu.memory_space<vmem>>, vector<1x16xf32>,
        %swap3A_327 = vector.shape_cast %swap3A_326 : vector<1x16xf32> to vector<16xf32>
        %swap3A_328 = vector.shape_cast %add3A_323 : vector<16xf32> to vector<1x16xf32>
        tpu.vector_store %arg13[%swap3A_324, %swap3A_325], %swap3A_328 {strides = array<i32>} : memref<16x128xf32, #tpu.memory_space<vmem>>, vector<1x16xf32>,
      }
      %scan3A_102 = arith.constant 16 : i32
      %add3A_103 = arith.addi %mul3A_2, %add3A_63 : i32
      %mul3A_104 = arith.constant 16 : i32
      %mul3A_105 = arith.muli %add3A_103, %mul3A_104 : i32
      %dma_start3A_106 = arith.constant 0 : i32
      %dma_start3A_107 = tpu.memref_slice %arg6[%mul3A_105, %dma_start3A_106] : memref<20480x128xf32, #tpu.memory_space<hbm>> -> memref<16x128xf32, #tpu.memory_space<hbm>>
      %dma_start3A_108 = arith.constant 0 : i32
      %dma_start3A_109 = tpu.memref_slice %arg6[%mul3A_105, %dma_start3A_108] : memref<20480x128xf32, #tpu.memory_space<hbm>> -> memref<16x128xf32, #tpu.memory_space<hbm>>
      tpu.enqueue_dma source(%arg13 : memref<16x128xf32, #tpu.memory_space<vmem>>) target(%dma_start3A_109 : memref<16x128xf32, #tpu.memory_space<hbm>>) target_semaphore(%arg19 : memref<!tpu.dma_semaphore, #tpu.memory_space<semaphore_mem>>)
      %add3A_110 = arith.constant 2 : i32
      %add3A_111 = arith.addi %add3A_63, %add3A_110 : i32
      %lt3A = arith.constant 40 : i32
      %lt3A_112 = arith.cmpi slt, %add3A_111, %lt3A : i32
      %convert_element_type3A = arith.extui %lt3A_112 : i1 to i32
      %cond3A = arith.constant 0 : i32
      %cond3A_113 = arith.cmpi ne, %convert_element_type3A, %cond3A : i32
      scf.if %cond3A_113 {
        %add3A_150 = arith.constant 2 : i32
        %add3A_151 = arith.addi %add3A_63, %add3A_150 : i32
        %dma_start3A_152 = arith.constant 0 : i32
        %dma_start3A_153 = tpu.memref_slice %arg7[%add3A_151, %dma_start3A_152] : memref<40x128xi32, #tpu.memory_space<vmem>> -> memref<1x128xi32, #tpu.memory_space<vmem>>
        %dma_start3A_154 = tpu.memref_squeeze %dma_start3A_153 : memref<1x128xi32, #tpu.memory_space<vmem>> -> memref<128xi32, #tpu.memory_space<vmem>>
        %dma_start3A_155 = arith.constant 0 : i32
        %dma_start3A_156 = arith.constant 0 : i32
        %dma_start3A_157 = tpu.memref_slice %arg2[%dma_start3A_155, %dma_start3A_156] : memref<10240x16xf32, #tpu.memory_space<hbm>> -> memref<10240x16xf32, #tpu.memory_space<hbm>>
        tpu.enqueue_indirect_dma source(%dma_start3A_157 : memref<10240x16xf32, #tpu.memory_space<hbm>>) target(%arg9 : memref<128x16xf32, #tpu.memory_space<vmem>>) offsets(%dma_start3A_154 : memref<128xi32, #tpu.memory_space<vmem>>) semaphore(%arg15 : memref<!tpu.dma_semaphore, #tpu.memory_space<semaphore_mem>>)
        %add3A_158 = arith.constant 2 : i32
        %add3A_159 = arith.addi %add3A_63, %add3A_158 : i32
        %dma_start3A_160 = arith.constant 0 : i32
        %dma_start3A_161 = tpu.memref_slice %arg8[%add3A_159, %dma_start3A_160] : memref<40x128xi32, #tpu.memory_space<vmem>> -> memref<1x128xi32, #tpu.memory_space<vmem>>
        %dma_start3A_162 = tpu.memref_squeeze %dma_start3A_161 : memref<1x128xi32, #tpu.memory_space<vmem>> -> memref<128xi32, #tpu.memory_space<vmem>>
        %dma_start3A_163 = arith.constant 0 : i32
        %dma_start3A_164 = arith.constant 0 : i32
        %dma_start3A_165 = tpu.memref_slice %arg3[%dma_start3A_163, %dma_start3A_164] : memref<10240x16xf32, #tpu.memory_space<hbm>> -> memref<10240x16xf32, #tpu.memory_space<hbm>>
        tpu.enqueue_indirect_dma source(%dma_start3A_165 : memref<10240x16xf32, #tpu.memory_space<hbm>>) target(%arg10 : memref<128x16xf32, #tpu.memory_space<vmem>>) offsets(%dma_start3A_162 : memref<128xi32, #tpu.memory_space<vmem>>) semaphore(%arg16 : memref<!tpu.dma_semaphore, #tpu.memory_space<semaphore_mem>>)
      } else {
      }
      %add3A_114 = arith.constant 1 : i32
      %add3A_115 = arith.addi %add3A_63, %add3A_114 : i32
      %dma_wait3A_116 = arith.constant 0 : i32
      %dma_wait3A_117 = tpu.memref_slice %arg7[%add3A_115, %dma_wait3A_116] : memref<40x128xi32, #tpu.memory_space<vmem>> -> memref<1x128xi32, #tpu.memory_space<vmem>>
      %dma_wait3A_118 = tpu.memref_squeeze %dma_wait3A_117 : memref<1x128xi32, #tpu.memory_space<vmem>> -> memref<128xi32, #tpu.memory_space<vmem>>
      %dma_wait3A_119 = arith.constant 0 : i32
      %dma_wait3A_120 = arith.constant 0 : i32
      %dma_wait3A_121 = tpu.memref_slice %arg2[%dma_wait3A_119, %dma_wait3A_120] : memref<10240x16xf32, #tpu.memory_space<hbm>> -> memref<10240x16xf32, #tpu.memory_space<hbm>>
      tpu.wait_indirect_dma semaphore(%arg17 : memref<!tpu.dma_semaphore, #tpu.memory_space<semaphore_mem>>) src(%dma_wait3A_121 : memref<10240x16xf32, #tpu.memory_space<hbm>>) dst(%arg11 : memref<128x16xf32, #tpu.memory_space<vmem>>)
      %add3A_122 = arith.constant 1 : i32
      %add3A_123 = arith.addi %add3A_63, %add3A_122 : i32
      %dma_wait3A_124 = arith.constant 0 : i32
      %dma_wait3A_125 = tpu.memref_slice %arg8[%add3A_123, %dma_wait3A_124] : memref<40x128xi32, #tpu.memory_space<vmem>> -> memref<1x128xi32, #tpu.memory_space<vmem>>
      %dma_wait3A_126 = tpu.memref_squeeze %dma_wait3A_125 : memref<1x128xi32, #tpu.memory_space<vmem>> -> memref<128xi32, #tpu.memory_space<vmem>>
      %dma_wait3A_127 = arith.constant 0 : i32
      %dma_wait3A_128 = arith.constant 0 : i32
      %dma_wait3A_129 = tpu.memref_slice %arg3[%dma_wait3A_127, %dma_wait3A_128] : memref<10240x16xf32, #tpu.memory_space<hbm>> -> memref<10240x16xf32, #tpu.memory_space<hbm>>
      tpu.wait_indirect_dma semaphore(%arg18 : memref<!tpu.dma_semaphore, #tpu.memory_space<semaphore_mem>>) src(%dma_wait3A_129 : memref<10240x16xf32, #tpu.memory_space<hbm>>) dst(%arg12 : memref<128x16xf32, #tpu.memory_space<vmem>>)
      %mul3A_130 = arith.constant 16 : i32
      %mul3A_131 = arith.muli %mul3A_2, %mul3A_130 : i32
      %dma_wait3A_132 = arith.constant 0 : i32
      %dma_wait3A_133 = tpu.memref_slice %arg6[%mul3A_131, %dma_wait3A_132] : memref<20480x128xf32, #tpu.memory_space<hbm>> -> memref<16x128xf32, #tpu.memory_space<hbm>>
      %dma_wait3A_134 = arith.constant 0 : i32
      %dma_wait3A_135 = tpu.memref_slice %arg6[%mul3A_131, %dma_wait3A_134] : memref<20480x128xf32, #tpu.memory_space<hbm>> -> memref<16x128xf32, #tpu.memory_space<hbm>>
      tpu.wait_dma2 semaphore(%arg20 : memref<!tpu.dma_semaphore, #tpu.memory_space<semaphore_mem>>) src(%arg14 : memref<16x128xf32, #tpu.memory_space<vmem>>) dst(%dma_wait3A_135 : memref<16x128xf32, #tpu.memory_space<hbm>>)
      %scan3A_136 = arith.constant 0 : i32
      %scan3A_137 = arith.constant 16 : i32
      %scan3A_138 = arith.addi %scan3A_136, %scan3A_137 : i32
      %scan3A_139 = arith.constant 1 : i32
      scf.for %scan3A_150 = %scan3A_136 to %scan3A_138 step %scan3A_139  : i32 {
        %mul3A_151 = arith.constant 1 : i32
        %mul3A_152 = arith.muli %scan3A_150, %mul3A_151 : i32
        %add3A_153 = arith.constant 0 : i32
        %add3A_154 = arith.addi %add3A_153, %mul3A_152 : i32
        %mul3A_155 = arith.constant 8 : i32
        %mul3A_156 = arith.muli %add3A_154, %mul3A_155 : i32
        %add3A_157 = arith.constant 0 : i32
        %add3A_158 = arith.addi %mul3A_156, %add3A_157 : i32
        %get3A = arith.index_cast %add3A_158 : i32 to index
        %get3A_159 = arith.constant 0 : index
        %get3A_160 = tpu.vector_load %arg11[%get3A, %get3A_159] {strides = array<i32>} : memref<128x16xf32, #tpu.memory_space<vmem>>, vector<1x16xf32>,
        %get3A_161 = vector.shape_cast %get3A_160 : vector<1x16xf32> to vector<16xf32>
        %mul3A_162 = arith.constant 8 : i32
        %mul3A_163 = arith.muli %add3A_154, %mul3A_162 : i32
        %add3A_164 = arith.constant 0 : i32
        %add3A_165 = arith.addi %mul3A_163, %add3A_164 : i32
        %get3A_166 = arith.index_cast %add3A_165 : i32 to index
        %get3A_167 = arith.constant 0 : index
        %get3A_168 = tpu.vector_load %arg12[%get3A_166, %get3A_167] {strides = array<i32>} : memref<128x16xf32, #tpu.memory_space<vmem>>, vector<1x16xf32>,
        %get3A_169 = vector.shape_cast %get3A_168 : vector<1x16xf32> to vector<16xf32>
        %add3A_170 = arith.addf %get3A_161, %get3A_169 : vector<16xf32>
        %swap3A = arith.index_cast %add3A_154 : i32 to index
        %swap3A_171 = arith.constant 0 : index
        %swap3A_172 = tpu.vector_load %arg14[%swap3A, %swap3A_171] {strides = array<i32>} : memref<16x128xf32, #tpu.memory_space<vmem>>, vector<1x16xf32>,
        %swap3A_173 = vector.shape_cast %swap3A_172 : vector<1x16xf32> to vector<16xf32>
        %swap3A_174 = vector.shape_cast %add3A_170 : vector<16xf32> to vector<1x16xf32>
        tpu.vector_store %arg14[%swap3A, %swap3A_171], %swap3A_174 {strides = array<i32>} : memref<16x128xf32, #tpu.memory_space<vmem>>, vector<1x16xf32>,
        %mul3A_175 = arith.constant 8 : i32
        %mul3A_176 = arith.muli %add3A_154, %mul3A_175 : i32
        %add3A_177 = arith.constant 1 : i32
        %add3A_178 = arith.addi %mul3A_176, %add3A_177 : i32
        %get3A_179 = arith.index_cast %add3A_178 : i32 to index
        %get3A_180 = arith.constant 0 : index
        %get3A_181 = tpu.vector_load %arg11[%get3A_179, %get3A_180] {strides = array<i32>} : memref<128x16xf32, #tpu.memory_space<vmem>>, vector<1x16xf32>,
        %get3A_182 = vector.shape_cast %get3A_181 : vector<1x16xf32> to vector<16xf32>
        %mul3A_183 = arith.constant 8 : i32
        %mul3A_184 = arith.muli %add3A_154, %mul3A_183 : i32
        %add3A_185 = arith.constant 1 : i32
        %add3A_186 = arith.addi %mul3A_184, %add3A_185 : i32
        %get3A_187 = arith.index_cast %add3A_186 : i32 to index
        %get3A_188 = arith.constant 0 : index
        %get3A_189 = tpu.vector_load %arg12[%get3A_187, %get3A_188] {strides = array<i32>} : memref<128x16xf32, #tpu.memory_space<vmem>>, vector<1x16xf32>,
        %get3A_190 = vector.shape_cast %get3A_189 : vector<1x16xf32> to vector<16xf32>
        %add3A_191 = arith.addf %get3A_182, %get3A_190 : vector<16xf32>
        %swap3A_192 = arith.index_cast %add3A_154 : i32 to index
        %swap3A_193 = arith.constant 16 : index
        %swap3A_194 = tpu.vector_load %arg14[%swap3A_192, %swap3A_193] {strides = array<i32>} : memref<16x128xf32, #tpu.memory_space<vmem>>, vector<1x16xf32>,
        %swap3A_195 = vector.shape_cast %swap3A_194 : vector<1x16xf32> to vector<16xf32>
        %swap3A_196 = vector.shape_cast %add3A_191 : vector<16xf32> to vector<1x16xf32>
        tpu.vector_store %arg14[%swap3A_192, %swap3A_193], %swap3A_196 {strides = array<i32>} : memref<16x128xf32, #tpu.memory_space<vmem>>, vector<1x16xf32>,
        %mul3A_197 = arith.constant 8 : i32
        %mul3A_198 = arith.muli %add3A_154, %mul3A_197 : i32
        %add3A_199 = arith.constant 2 : i32
        %add3A_200 = arith.addi %mul3A_198, %add3A_199 : i32
        %get3A_201 = arith.index_cast %add3A_200 : i32 to index
        %get3A_202 = arith.constant 0 : index
        %get3A_203 = tpu.vector_load %arg11[%get3A_201, %get3A_202] {strides = array<i32>} : memref<128x16xf32, #tpu.memory_space<vmem>>, vector<1x16xf32>,
        %get3A_204 = vector.shape_cast %get3A_203 : vector<1x16xf32> to vector<16xf32>
        %mul3A_205 = arith.constant 8 : i32
        %mul3A_206 = arith.muli %add3A_154, %mul3A_205 : i32
        %add3A_207 = arith.constant 2 : i32
        %add3A_208 = arith.addi %mul3A_206, %add3A_207 : i32
        %get3A_209 = arith.index_cast %add3A_208 : i32 to index
        %get3A_210 = arith.constant 0 : index
        %get3A_211 = tpu.vector_load %arg12[%get3A_209, %get3A_210] {strides = array<i32>} : memref<128x16xf32, #tpu.memory_space<vmem>>, vector<1x16xf32>,
        %get3A_212 = vector.shape_cast %get3A_211 : vector<1x16xf32> to vector<16xf32>
        %add3A_213 = arith.addf %get3A_204, %get3A_212 : vector<16xf32>
        %swap3A_214 = arith.index_cast %add3A_154 : i32 to index
        %swap3A_215 = arith.constant 32 : index
        %swap3A_216 = tpu.vector_load %arg14[%swap3A_214, %swap3A_215] {strides = array<i32>} : memref<16x128xf32, #tpu.memory_space<vmem>>, vector<1x16xf32>,
        %swap3A_217 = vector.shape_cast %swap3A_216 : vector<1x16xf32> to vector<16xf32>
        %swap3A_218 = vector.shape_cast %add3A_213 : vector<16xf32> to vector<1x16xf32>
        tpu.vector_store %arg14[%swap3A_214, %swap3A_215], %swap3A_218 {strides = array<i32>} : memref<16x128xf32, #tpu.memory_space<vmem>>, vector<1x16xf32>,
        %mul3A_219 = arith.constant 8 : i32
        %mul3A_220 = arith.muli %add3A_154, %mul3A_219 : i32
        %add3A_221 = arith.constant 3 : i32
        %add3A_222 = arith.addi %mul3A_220, %add3A_221 : i32
        %get3A_223 = arith.index_cast %add3A_222 : i32 to index
        %get3A_224 = arith.constant 0 : index
        %get3A_225 = tpu.vector_load %arg11[%get3A_223, %get3A_224] {strides = array<i32>} : memref<128x16xf32, #tpu.memory_space<vmem>>, vector<1x16xf32>,
        %get3A_226 = vector.shape_cast %get3A_225 : vector<1x16xf32> to vector<16xf32>
        %mul3A_227 = arith.constant 8 : i32
        %mul3A_228 = arith.muli %add3A_154, %mul3A_227 : i32
        %add3A_229 = arith.constant 3 : i32
        %add3A_230 = arith.addi %mul3A_228, %add3A_229 : i32
        %get3A_231 = arith.index_cast %add3A_230 : i32 to index
        %get3A_232 = arith.constant 0 : index
        %get3A_233 = tpu.vector_load %arg12[%get3A_231, %get3A_232] {strides = array<i32>} : memref<128x16xf32, #tpu.memory_space<vmem>>, vector<1x16xf32>,
        %get3A_234 = vector.shape_cast %get3A_233 : vector<1x16xf32> to vector<16xf32>
        %add3A_235 = arith.addf %get3A_226, %get3A_234 : vector<16xf32>
        %swap3A_236 = arith.index_cast %add3A_154 : i32 to index
        %swap3A_237 = arith.constant 48 : index
        %swap3A_238 = tpu.vector_load %arg14[%swap3A_236, %swap3A_237] {strides = array<i32>} : memref<16x128xf32, #tpu.memory_space<vmem>>, vector<1x16xf32>,
        %swap3A_239 = vector.shape_cast %swap3A_238 : vector<1x16xf32> to vector<16xf32>
        %swap3A_240 = vector.shape_cast %add3A_235 : vector<16xf32> to vector<1x16xf32>
        tpu.vector_store %arg14[%swap3A_236, %swap3A_237], %swap3A_240 {strides = array<i32>} : memref<16x128xf32, #tpu.memory_space<vmem>>, vector<1x16xf32>,
        %mul3A_241 = arith.constant 8 : i32
        %mul3A_242 = arith.muli %add3A_154, %mul3A_241 : i32
        %add3A_243 = arith.constant 4 : i32
        %add3A_244 = arith.addi %mul3A_242, %add3A_243 : i32
        %get3A_245 = arith.index_cast %add3A_244 : i32 to index
        %get3A_246 = arith.constant 0 : index
        %get3A_247 = tpu.vector_load %arg11[%get3A_245, %get3A_246] {strides = array<i32>} : memref<128x16xf32, #tpu.memory_space<vmem>>, vector<1x16xf32>,
        %get3A_248 = vector.shape_cast %get3A_247 : vector<1x16xf32> to vector<16xf32>
        %mul3A_249 = arith.constant 8 : i32
        %mul3A_250 = arith.muli %add3A_154, %mul3A_249 : i32
        %add3A_251 = arith.constant 4 : i32
        %add3A_252 = arith.addi %mul3A_250, %add3A_251 : i32
        %get3A_253 = arith.index_cast %add3A_252 : i32 to index
        %get3A_254 = arith.constant 0 : index
        %get3A_255 = tpu.vector_load %arg12[%get3A_253, %get3A_254] {strides = array<i32>} : memref<128x16xf32, #tpu.memory_space<vmem>>, vector<1x16xf32>,
        %get3A_256 = vector.shape_cast %get3A_255 : vector<1x16xf32> to vector<16xf32>
        %add3A_257 = arith.addf %get3A_248, %get3A_256 : vector<16xf32>
        %swap3A_258 = arith.index_cast %add3A_154 : i32 to index
        %swap3A_259 = arith.constant 64 : index
        %swap3A_260 = tpu.vector_load %arg14[%swap3A_258, %swap3A_259] {strides = array<i32>} : memref<16x128xf32, #tpu.memory_space<vmem>>, vector<1x16xf32>,
        %swap3A_261 = vector.shape_cast %swap3A_260 : vector<1x16xf32> to vector<16xf32>
        %swap3A_262 = vector.shape_cast %add3A_257 : vector<16xf32> to vector<1x16xf32>
        tpu.vector_store %arg14[%swap3A_258, %swap3A_259], %swap3A_262 {strides = array<i32>} : memref<16x128xf32, #tpu.memory_space<vmem>>, vector<1x16xf32>,
        %mul3A_263 = arith.constant 8 : i32
        %mul3A_264 = arith.muli %add3A_154, %mul3A_263 : i32
        %add3A_265 = arith.constant 5 : i32
        %add3A_266 = arith.addi %mul3A_264, %add3A_265 : i32
        %get3A_267 = arith.index_cast %add3A_266 : i32 to index
        %get3A_268 = arith.constant 0 : index
        %get3A_269 = tpu.vector_load %arg11[%get3A_267, %get3A_268] {strides = array<i32>} : memref<128x16xf32, #tpu.memory_space<vmem>>, vector<1x16xf32>,
        %get3A_270 = vector.shape_cast %get3A_269 : vector<1x16xf32> to vector<16xf32>
        %mul3A_271 = arith.constant 8 : i32
        %mul3A_272 = arith.muli %add3A_154, %mul3A_271 : i32
        %add3A_273 = arith.constant 5 : i32
        %add3A_274 = arith.addi %mul3A_272, %add3A_273 : i32
        %get3A_275 = arith.index_cast %add3A_274 : i32 to index
        %get3A_276 = arith.constant 0 : index
        %get3A_277 = tpu.vector_load %arg12[%get3A_275, %get3A_276] {strides = array<i32>} : memref<128x16xf32, #tpu.memory_space<vmem>>, vector<1x16xf32>,
        %get3A_278 = vector.shape_cast %get3A_277 : vector<1x16xf32> to vector<16xf32>
        %add3A_279 = arith.addf %get3A_270, %get3A_278 : vector<16xf32>
        %swap3A_280 = arith.index_cast %add3A_154 : i32 to index
        %swap3A_281 = arith.constant 80 : index
        %swap3A_282 = tpu.vector_load %arg14[%swap3A_280, %swap3A_281] {strides = array<i32>} : memref<16x128xf32, #tpu.memory_space<vmem>>, vector<1x16xf32>,
        %swap3A_283 = vector.shape_cast %swap3A_282 : vector<1x16xf32> to vector<16xf32>
        %swap3A_284 = vector.shape_cast %add3A_279 : vector<16xf32> to vector<1x16xf32>
        tpu.vector_store %arg14[%swap3A_280, %swap3A_281], %swap3A_284 {strides = array<i32>} : memref<16x128xf32, #tpu.memory_space<vmem>>, vector<1x16xf32>,
        %mul3A_285 = arith.constant 8 : i32
        %mul3A_286 = arith.muli %add3A_154, %mul3A_285 : i32
        %add3A_287 = arith.constant 6 : i32
        %add3A_288 = arith.addi %mul3A_286, %add3A_287 : i32
        %get3A_289 = arith.index_cast %add3A_288 : i32 to index
        %get3A_290 = arith.constant 0 : index
        %get3A_291 = tpu.vector_load %arg11[%get3A_289, %get3A_290] {strides = array<i32>} : memref<128x16xf32, #tpu.memory_space<vmem>>, vector<1x16xf32>,
        %get3A_292 = vector.shape_cast %get3A_291 : vector<1x16xf32> to vector<16xf32>
        %mul3A_293 = arith.constant 8 : i32
        %mul3A_294 = arith.muli %add3A_154, %mul3A_293 : i32
        %add3A_295 = arith.constant 6 : i32
        %add3A_296 = arith.addi %mul3A_294, %add3A_295 : i32
        %get3A_297 = arith.index_cast %add3A_296 : i32 to index
        %get3A_298 = arith.constant 0 : index
        %get3A_299 = tpu.vector_load %arg12[%get3A_297, %get3A_298] {strides = array<i32>} : memref<128x16xf32, #tpu.memory_space<vmem>>, vector<1x16xf32>,
        %get3A_300 = vector.shape_cast %get3A_299 : vector<1x16xf32> to vector<16xf32>
        %add3A_301 = arith.addf %get3A_292, %get3A_300 : vector<16xf32>
        %swap3A_302 = arith.index_cast %add3A_154 : i32 to index
        %swap3A_303 = arith.constant 96 : index
        %swap3A_304 = tpu.vector_load %arg14[%swap3A_302, %swap3A_303] {strides = array<i32>} : memref<16x128xf32, #tpu.memory_space<vmem>>, vector<1x16xf32>,
        %swap3A_305 = vector.shape_cast %swap3A_304 : vector<1x16xf32> to vector<16xf32>
        %swap3A_306 = vector.shape_cast %add3A_301 : vector<16xf32> to vector<1x16xf32>
        tpu.vector_store %arg14[%swap3A_302, %swap3A_303], %swap3A_306 {strides = array<i32>} : memref<16x128xf32, #tpu.memory_space<vmem>>, vector<1x16xf32>,
        %mul3A_307 = arith.constant 8 : i32
        %mul3A_308 = arith.muli %add3A_154, %mul3A_307 : i32
        %add3A_309 = arith.constant 7 : i32
        %add3A_310 = arith.addi %mul3A_308, %add3A_309 : i32
        %get3A_311 = arith.index_cast %add3A_310 : i32 to index
        %get3A_312 = arith.constant 0 : index
        %get3A_313 = tpu.vector_load %arg11[%get3A_311, %get3A_312] {strides = array<i32>} : memref<128x16xf32, #tpu.memory_space<vmem>>, vector<1x16xf32>,
        %get3A_314 = vector.shape_cast %get3A_313 : vector<1x16xf32> to vector<16xf32>
        %mul3A_315 = arith.constant 8 : i32
        %mul3A_316 = arith.muli %add3A_154, %mul3A_315 : i32
        %add3A_317 = arith.constant 7 : i32
        %add3A_318 = arith.addi %mul3A_316, %add3A_317 : i32
        %get3A_319 = arith.index_cast %add3A_318 : i32 to index
        %get3A_320 = arith.constant 0 : index
        %get3A_321 = tpu.vector_load %arg12[%get3A_319, %get3A_320] {strides = array<i32>} : memref<128x16xf32, #tpu.memory_space<vmem>>, vector<1x16xf32>,
        %get3A_322 = vector.shape_cast %get3A_321 : vector<1x16xf32> to vector<16xf32>
        %add3A_323 = arith.addf %get3A_314, %get3A_322 : vector<16xf32>
        %swap3A_324 = arith.index_cast %add3A_154 : i32 to index
        %swap3A_325 = arith.constant 112 : index
        %swap3A_326 = tpu.vector_load %arg14[%swap3A_324, %swap3A_325] {strides = array<i32>} : memref<16x128xf32, #tpu.memory_space<vmem>>, vector<1x16xf32>,
        %swap3A_327 = vector.shape_cast %swap3A_326 : vector<1x16xf32> to vector<16xf32>
        %swap3A_328 = vector.shape_cast %add3A_323 : vector<16xf32> to vector<1x16xf32>
        tpu.vector_store %arg14[%swap3A_324, %swap3A_325], %swap3A_328 {strides = array<i32>} : memref<16x128xf32, #tpu.memory_space<vmem>>, vector<1x16xf32>,
      }
      %scan3A_140 = arith.constant 16 : i32
      %add3A_141 = arith.addi %mul3A_2, %add3A_63 : i32
      %add3A_142 = arith.constant 1 : i32
      %add3A_143 = arith.addi %add3A_141, %add3A_142 : i32
      %mul3A_144 = arith.constant 16 : i32
      %mul3A_145 = arith.muli %add3A_143, %mul3A_144 : i32
      %dma_start3A_146 = arith.constant 0 : i32
      %dma_start3A_147 = tpu.memref_slice %arg6[%mul3A_145, %dma_start3A_146] : memref<20480x128xf32, #tpu.memory_space<hbm>> -> memref<16x128xf32, #tpu.memory_space<hbm>>
      %dma_start3A_148 = arith.constant 0 : i32
      %dma_start3A_149 = tpu.memref_slice %arg6[%mul3A_145, %dma_start3A_148] : memref<20480x128xf32, #tpu.memory_space<hbm>> -> memref<16x128xf32, #tpu.memory_space<hbm>>
      tpu.enqueue_dma source(%arg14 : memref<16x128xf32, #tpu.memory_space<vmem>>) target(%dma_start3A_149 : memref<16x128xf32, #tpu.memory_space<hbm>>) target_semaphore(%arg20 : memref<!tpu.dma_semaphore, #tpu.memory_space<semaphore_mem>>)
    }
    %scan3A_46 = arith.constant 20 : i32
    %mul3A_47 = arith.constant 16 : i32
    %mul3A_48 = arith.muli %mul3A_2, %mul3A_47 : i32
    %dma_wait3A_49 = arith.constant 0 : i32
    %dma_wait3A_50 = tpu.memref_slice %arg6[%mul3A_48, %dma_wait3A_49] : memref<20480x128xf32, #tpu.memory_space<hbm>> -> memref<16x128xf32, #tpu.memory_space<hbm>>
    %dma_wait3A_51 = arith.constant 0 : i32
    %dma_wait3A_52 = tpu.memref_slice %arg6[%mul3A_48, %dma_wait3A_51] : memref<20480x128xf32, #tpu.memory_space<hbm>> -> memref<16x128xf32, #tpu.memory_space<hbm>>
    tpu.wait_dma2 semaphore(%arg19 : memref<!tpu.dma_semaphore, #tpu.memory_space<semaphore_mem>>) src(%arg13 : memref<16x128xf32, #tpu.memory_space<vmem>>) dst(%dma_wait3A_52 : memref<16x128xf32, #tpu.memory_space<hbm>>)
    %mul3A_53 = arith.constant 16 : i32
    %mul3A_54 = arith.muli %mul3A_2, %mul3A_53 : i32
    %dma_wait3A_55 = arith.constant 0 : i32
    %dma_wait3A_56 = tpu.memref_slice %arg6[%mul3A_54, %dma_wait3A_55] : memref<20480x128xf32, #tpu.memory_space<hbm>> -> memref<16x128xf32, #tpu.memory_space<hbm>>
    %dma_wait3A_57 = arith.constant 0 : i32
    %dma_wait3A_58 = tpu.memref_slice %arg6[%mul3A_54, %dma_wait3A_57] : memref<20480x128xf32, #tpu.memory_space<hbm>> -> memref<16x128xf32, #tpu.memory_space<hbm>>
    tpu.wait_dma2 semaphore(%arg20 : memref<!tpu.dma_semaphore, #tpu.memory_space<semaphore_mem>>) src(%arg14 : memref<16x128xf32, #tpu.memory_space<vmem>>) dst(%dma_wait3A_58 : memref<16x128xf32, #tpu.memory_space<hbm>>)
    return
  }
}

module attributes {stable_mosaic.version = 14 : i64} {
  func.func @body(%arg0: i32, %arg1: memref<256x128xf32, #tpu.memory_space<vmem>>, %arg2: memref<128x512xf32, #tpu.memory_space<vmem>>, %arg3: memref<4x256x128xf32, #tpu.memory_space<vmem>>) attributes {dimension_semantics = [#tpu.dimension_semantics<arbitrary>], iteration_bounds = array<i64: 40>, scalar_prefetch = 0 : i64, scratch_operands = 0 : i64, tpu.core_type = #tpu.core_type<tc>, window_params = [{transform_indices = @transform_0, window_bounds = array<i64: 256, 128>}, {pipeline_mode = #tpu.pipeline_mode<synchronous>, transform_indices = @transform_1, window_bounds = array<i64: 128, 512>}, {transform_indices = @transform_2, window_bounds = array<i64: 4, 256, 128>}]} {
    %get3A = arith.constant 0 : index
    %get3A_0 = arith.constant 0 : index
    %get3A_1 = vector.load %arg1[%get3A, %get3A_0] : memref<256x128xf32, #tpu.memory_space<vmem>>, vector<256x128xf32>
    %get3A_2 = arith.constant 0 : index
    %get3A_3 = arith.constant 0 : index
    %get3A_4 = vector.load %arg2[%get3A_2, %get3A_3] : memref<128x512xf32, #tpu.memory_space<vmem>>, vector<128x512xf32>
    %dot_general3A = arith.constant dense<0.000000e+00> : vector<256x512xf32>
    %dot_general3A_5 = tpu.matmul %get3A_1, %get3A_4, %dot_general3A {dimension_numbers = #tpu.dot_dimension_numbers<[1], [0], [0], [1], [0, 0, 1, 1], [], []>, transpose_lhs_hint = false} : vector<256x128xf32>, vector<128x512xf32>, vector<256x512xf32> -> vector<256x512xf32>
    %slice3A = vector.extract_strided_slice %dot_general3A_5 {offsets = [0, 0], sizes = [256, 128], strides = [1, 1]} : vector<256x512xf32> to vector<256x128xf32>
    %swap3A = arith.constant 0 : index
    %swap3A_6 = arith.constant 0 : index
    %swap3A_7 = arith.constant 0 : index
    %swap3A_8 = vector.load %arg3[%swap3A, %swap3A_6, %swap3A_7] : memref<4x256x128xf32, #tpu.memory_space<vmem>>, vector<1x256x128xf32>
    %swap3A_9 = vector.shape_cast %swap3A_8 : vector<1x256x128xf32> to vector<256x128xf32>
    %swap3A_10 = vector.shape_cast %slice3A : vector<256x128xf32> to vector<1x256x128xf32>
    tpu.vector_store %arg3[%swap3A, %swap3A_6, %swap3A_7], %swap3A_10 {strides = array<i32>} : memref<4x256x128xf32, #tpu.memory_space<vmem>>, vector<1x256x128xf32>,
    %slice3A_11 = vector.extract_strided_slice %dot_general3A_5 {offsets = [0, 128], sizes = [256, 128], strides = [1, 1]} : vector<256x512xf32> to vector<256x128xf32>
    %swap3A_12 = arith.constant 1 : index
    %swap3A_13 = arith.constant 0 : index
    %swap3A_14 = arith.constant 0 : index
    %swap3A_15 = vector.load %arg3[%swap3A_12, %swap3A_13, %swap3A_14] : memref<4x256x128xf32, #tpu.memory_space<vmem>>, vector<1x256x128xf32>
    %swap3A_16 = vector.shape_cast %swap3A_15 : vector<1x256x128xf32> to vector<256x128xf32>
    %swap3A_17 = vector.shape_cast %slice3A_11 : vector<256x128xf32> to vector<1x256x128xf32>
    tpu.vector_store %arg3[%swap3A_12, %swap3A_13, %swap3A_14], %swap3A_17 {strides = array<i32>} : memref<4x256x128xf32, #tpu.memory_space<vmem>>, vector<1x256x128xf32>,
    %slice3A_18 = vector.extract_strided_slice %dot_general3A_5 {offsets = [0, 256], sizes = [256, 128], strides = [1, 1]} : vector<256x512xf32> to vector<256x128xf32>
    %swap3A_19 = arith.constant 2 : index
    %swap3A_20 = arith.constant 0 : index
    %swap3A_21 = arith.constant 0 : index
    %swap3A_22 = vector.load %arg3[%swap3A_19, %swap3A_20, %swap3A_21] : memref<4x256x128xf32, #tpu.memory_space<vmem>>, vector<1x256x128xf32>
    %swap3A_23 = vector.shape_cast %swap3A_22 : vector<1x256x128xf32> to vector<256x128xf32>
    %swap3A_24 = vector.shape_cast %slice3A_18 : vector<256x128xf32> to vector<1x256x128xf32>
    tpu.vector_store %arg3[%swap3A_19, %swap3A_20, %swap3A_21], %swap3A_24 {strides = array<i32>} : memref<4x256x128xf32, #tpu.memory_space<vmem>>, vector<1x256x128xf32>,
    %slice3A_25 = vector.extract_strided_slice %dot_general3A_5 {offsets = [0, 384], sizes = [256, 128], strides = [1, 1]} : vector<256x512xf32> to vector<256x128xf32>
    %swap3A_26 = arith.constant 3 : index
    %swap3A_27 = arith.constant 0 : index
    %swap3A_28 = arith.constant 0 : index
    %swap3A_29 = vector.load %arg3[%swap3A_26, %swap3A_27, %swap3A_28] : memref<4x256x128xf32, #tpu.memory_space<vmem>>, vector<1x256x128xf32>
    %swap3A_30 = vector.shape_cast %swap3A_29 : vector<1x256x128xf32> to vector<256x128xf32>
    %swap3A_31 = vector.shape_cast %slice3A_25 : vector<256x128xf32> to vector<1x256x128xf32>
    tpu.vector_store %arg3[%swap3A_26, %swap3A_27, %swap3A_28], %swap3A_31 {strides = array<i32>} : memref<4x256x128xf32, #tpu.memory_space<vmem>>, vector<1x256x128xf32>,
    return
  }
  func.func @transform_0(%arg0: i32) -> (i32, i32) {
    %c0_i32 = arith.constant 0 : i32
    %c0_i32_0 = arith.constant 0 : i32
    return %arg0, %c0_i32 : i32, i32
  }
  func.func @transform_1(%arg0: i32) -> (i32, i32) {
    %c0_i32 = arith.constant 0 : i32
    %c0_i32_0 = arith.constant 0 : i32
    %c0_i32_1 = arith.constant 0 : i32
    return %c0_i32, %c0_i32_0 : i32, i32
  }
  func.func @transform_2(%arg0: i32) -> (i32, i32, i32) {
    %c0_i32 = arith.constant 0 : i32
    %c0_i32_0 = arith.constant 0 : i32
    %c0_i32_1 = arith.constant 0 : i32
    return %c0_i32, %arg0, %c0_i32_0 : i32, i32, i32
  }
}

module attributes {stable_mosaic.version = 14 : i64} {
  func.func @body(%arg0: i32, %arg1: memref<1000x256xf32, #tpu.memory_space<vmem>>, %arg2: memref<256x128xf32, #tpu.memory_space<vmem>>, %arg3: memref<256x128xf32, #tpu.memory_space<vmem>>, %arg4: memref<1x128xf32, #tpu.memory_space<vmem>>, %arg5: memref<1x128xf32, #tpu.memory_space<vmem>>, %arg6: memref<8x256xf32, #tpu.memory_space<vmem>>) attributes {dimension_semantics = [#tpu.dimension_semantics<arbitrary>], iteration_bounds = array<i64: 10>, scalar_prefetch = 0 : i64, scratch_operands = 1 : i64, tpu.core_type = #tpu.core_type<tc>, window_params = [{transform_indices = @transform_0, window_bounds = array<i64: 1000, 256>}, {pipeline_mode = #tpu.pipeline_mode<synchronous>, transform_indices = @transform_1, window_bounds = array<i64: 256, 128>}, {pipeline_mode = #tpu.pipeline_mode<synchronous>, transform_indices = @transform_2, window_bounds = array<i64: 256, 128>}, {pipeline_mode = #tpu.pipeline_mode<synchronous>, transform_indices = @transform_3, window_bounds = array<i64: 1, 128>}, {pipeline_mode = #tpu.pipeline_mode<synchronous>, transform_indices = @transform_4, window_bounds = array<i64: 1, 128>}]} {
    %eq3A = arith.constant 0 : i32
    %eq3A_0 = arith.cmpi eq, %arg0, %eq3A : i32
    %convert_element_type3A = arith.extui %eq3A_0 : i1 to i32
    %cond3A = arith.constant 0 : i32
    %cond3A_1 = arith.cmpi ne, %convert_element_type3A, %cond3A : i32
    scf.if %cond3A_1 {
      %broadcast_in_dim3A = arith.constant 0.000000e+00 : f32
      %broadcast_in_dim3A_15 = vector.broadcast %broadcast_in_dim3A : f32 to vector<8x256xf32>
      %swap3A_16 = arith.constant 0 : index
      %swap3A_17 = arith.constant 0 : index
      %swap3A_18 = vector.load %arg6[%swap3A_16, %swap3A_17] : memref<8x256xf32, #tpu.memory_space<vmem>>, vector<8x256xf32>
      tpu.vector_store %arg6[%swap3A_16, %swap3A_17], %broadcast_in_dim3A_15 {strides = array<i32>} : memref<8x256xf32, #tpu.memory_space<vmem>>, vector<8x256xf32>,
    } else {
    }
    %get3A = arith.constant 0 : index
    %get3A_2 = arith.constant 0 : index
    %get3A_3 = vector.load %arg1[%get3A, %get3A_2] : memref<1000x256xf32, #tpu.memory_space<vmem>>, vector<1000x256xf32>
    %get3A_4 = arith.constant 0 : index
    %get3A_5 = arith.constant 0 : index
    %get3A_6 = vector.load %arg6[%get3A_4, %get3A_5] : memref<8x256xf32, #tpu.memory_space<vmem>>, vector<8x256xf32>
    %reshape3A = vector.shape_cast %get3A_3 : vector<1000x256xf32> to vector<125x8x256xf32>
    %reduce_sum3A = arith.constant dense<0.000000e+00> : vector<8x256xf32>
    %reduce_sum3A_7 = vector.multi_reduction <add>, %reshape3A, %reduce_sum3A [0] : vector<125x8x256xf32> to vector<8x256xf32>
    %add3A = arith.addf %get3A_6, %reduce_sum3A_7 : vector<8x256xf32>
    %swap3A = arith.constant 0 : index
    %swap3A_8 = arith.constant 0 : index
    %swap3A_9 = vector.load %arg6[%swap3A, %swap3A_8] : memref<8x256xf32, #tpu.memory_space<vmem>>, vector<8x256xf32>
    tpu.vector_store %arg6[%swap3A, %swap3A_8], %add3A {strides = array<i32>} : memref<8x256xf32, #tpu.memory_space<vmem>>, vector<8x256xf32>,
    %eq3A_10 = arith.constant 9 : i32
    %eq3A_11 = arith.cmpi eq, %arg0, %eq3A_10 : i32
    %convert_element_type3A_12 = arith.extui %eq3A_11 : i1 to i32
    %cond3A_13 = arith.constant 0 : i32
    %cond3A_14 = arith.cmpi ne, %convert_element_type3A_12, %cond3A_13 : i32
    scf.if %cond3A_14 {
      %get3A_15 = arith.constant 0 : index
      %get3A_16 = arith.constant 0 : index
      %get3A_17 = vector.load %arg6[%get3A_15, %get3A_16] : memref<8x256xf32, #tpu.memory_space<vmem>>, vector<8x256xf32>
      %reduce_sum3A_18 = arith.constant dense<0.000000e+00> : vector<256xf32>
      %reduce_sum3A_19 = vector.multi_reduction <add>, %get3A_17, %reduce_sum3A_18 [0] : vector<8x256xf32> to vector<256xf32>
      %broadcast_in_dim3A = vector.shape_cast %reduce_sum3A_19 : vector<256xf32> to vector<1x256xf32>
      %mul3A = arith.constant 9.99999974E-5 : f32
      %mul3A_20 = vector.broadcast %mul3A : f32 to vector<1x256xf32>
      %mul3A_21 = arith.mulf %broadcast_in_dim3A, %mul3A_20 : vector<1x256xf32>
      %get3A_22 = arith.constant 0 : index
      %get3A_23 = arith.constant 0 : index
      %get3A_24 = vector.load %arg2[%get3A_22, %get3A_23] : memref<256x128xf32, #tpu.memory_space<vmem>>, vector<256x128xf32>
      %dot_general3A = arith.constant dense<0.000000e+00> : vector<1x128xf32>
      %dot_general3A_25 = tpu.matmul %mul3A_21, %get3A_24, %dot_general3A {dimension_numbers = #tpu.dot_dimension_numbers<[1], [0], [0], [1], [0, 0, 1, 1], [], []>, transpose_lhs_hint = false} : vector<1x256xf32>, vector<256x128xf32>, vector<1x128xf32> -> vector<1x128xf32>
      %swap3A_26 = arith.constant 0 : index
      %swap3A_27 = arith.constant 0 : index
      %swap3A_28 = vector.load %arg4[%swap3A_26, %swap3A_27] : memref<1x128xf32, #tpu.memory_space<vmem>>, vector<1x128xf32>
      tpu.vector_store %arg4[%swap3A_26, %swap3A_27], %dot_general3A_25 {strides = array<i32>} : memref<1x128xf32, #tpu.memory_space<vmem>>, vector<1x128xf32>,
      %get3A_29 = arith.constant 0 : index
      %get3A_30 = arith.constant 0 : index
      %get3A_31 = vector.load %arg3[%get3A_29, %get3A_30] : memref<256x128xf32, #tpu.memory_space<vmem>>, vector<256x128xf32>
      %dot_general3A_32 = arith.constant dense<0.000000e+00> : vector<1x128xf32>
      %dot_general3A_33 = tpu.matmul %mul3A_21, %get3A_31, %dot_general3A_32 {dimension_numbers = #tpu.dot_dimension_numbers<[1], [0], [0], [1], [0, 0, 1, 1], [], []>, transpose_lhs_hint = false} : vector<1x256xf32>, vector<256x128xf32>, vector<1x128xf32> -> vector<1x128xf32>
      %swap3A_34 = arith.constant 0 : index
      %swap3A_35 = arith.constant 0 : index
      %swap3A_36 = vector.load %arg5[%swap3A_34, %swap3A_35] : memref<1x128xf32, #tpu.memory_space<vmem>>, vector<1x128xf32>
      tpu.vector_store %arg5[%swap3A_34, %swap3A_35], %dot_general3A_33 {strides = array<i32>} : memref<1x128xf32, #tpu.memory_space<vmem>>, vector<1x128xf32>,
    } else {
    }
    return
  }
  func.func @transform_0(%arg0: i32) -> (i32, i32) {
    %c0_i32 = arith.constant 0 : i32
    %c0_i32_0 = arith.constant 0 : i32
    return %arg0, %c0_i32 : i32, i32
  }
  func.func @transform_1(%arg0: i32) -> (i32, i32) {
    %c0_i32 = arith.constant 0 : i32
    %c0_i32_0 = arith.constant 0 : i32
    %c0_i32_1 = arith.constant 0 : i32
    return %c0_i32, %c0_i32_0 : i32, i32
  }
  func.func @transform_2(%arg0: i32) -> (i32, i32) {
    %c0_i32 = arith.constant 0 : i32
    %c0_i32_0 = arith.constant 0 : i32
    %c0_i32_1 = arith.constant 0 : i32
    return %c0_i32, %c0_i32_0 : i32, i32
  }
  func.func @transform_3(%arg0: i32) -> (i32, i32) {
    %c0_i32 = arith.constant 0 : i32
    %c0_i32_0 = arith.constant 0 : i32
    %c0_i32_1 = arith.constant 0 : i32
    return %c0_i32, %c0_i32_0 : i32, i32
  }
  func.func @transform_4(%arg0: i32) -> (i32, i32) {
    %c0_i32 = arith.constant 0 : i32
    %c0_i32_0 = arith.constant 0 : i32
    %c0_i32_1 = arith.constant 0 : i32
    return %c0_i32, %c0_i32_0 : i32, i32
  }
}

module attributes {stable_mosaic.version = 14 : i64} {
  func.func @body(%arg0: i32, %arg1: memref<2x256x128xf32, #tpu.memory_space<vmem>>, %arg2: memref<2x256x16xf32, #tpu.memory_space<vmem>>, %arg3: memref<1x128xf32, #tpu.memory_space<vmem>>, %arg4: memref<1x128xf32, #tpu.memory_space<vmem>>, %arg5: memref<128x512xf32, #tpu.memory_space<vmem>>, %arg6: memref<4x256x128xf32, #tpu.memory_space<vmem>>) attributes {dimension_semantics = [#tpu.dimension_semantics<arbitrary>], iteration_bounds = array<i64: 40>, scalar_prefetch = 0 : i64, scratch_operands = 0 : i64, tpu.core_type = #tpu.core_type<tc>, window_params = [{transform_indices = @transform_0, window_bounds = array<i64: 2, 256, 128>}, {transform_indices = @transform_1, window_bounds = array<i64: 2, 256, 16>}, {pipeline_mode = #tpu.pipeline_mode<synchronous>, transform_indices = @transform_2, window_bounds = array<i64: 1, 128>}, {pipeline_mode = #tpu.pipeline_mode<synchronous>, transform_indices = @transform_3, window_bounds = array<i64: 1, 128>}, {pipeline_mode = #tpu.pipeline_mode<synchronous>, transform_indices = @transform_4, window_bounds = array<i64: 128, 512>}, {transform_indices = @transform_5, window_bounds = array<i64: 4, 256, 128>}]} {
    %get3A = arith.constant 0 : index
    %get3A_0 = arith.constant 0 : index
    %get3A_1 = arith.constant 0 : index
    %get3A_2 = vector.load %arg1[%get3A, %get3A_0, %get3A_1] : memref<2x256x128xf32, #tpu.memory_space<vmem>>, vector<1x256x128xf32>
    %get3A_3 = vector.shape_cast %get3A_2 : vector<1x256x128xf32> to vector<256x128xf32>
    %get3A_4 = arith.constant 1 : index
    %get3A_5 = arith.constant 0 : index
    %get3A_6 = arith.constant 0 : index
    %get3A_7 = vector.load %arg1[%get3A_4, %get3A_5, %get3A_6] : memref<2x256x128xf32, #tpu.memory_space<vmem>>, vector<1x256x128xf32>
    %get3A_8 = vector.shape_cast %get3A_7 : vector<1x256x128xf32> to vector<256x128xf32>
    %add3A = arith.addf %get3A_3, %get3A_8 : vector<256x128xf32>
    %get3A_9 = arith.constant 0 : index
    %get3A_10 = arith.constant 0 : index
    %get3A_11 = arith.constant 0 : index
    %get3A_12 = vector.load %arg2[%get3A_9, %get3A_10, %get3A_11] : memref<2x256x16xf32, #tpu.memory_space<vmem>>, vector<1x256x1xf32>
    %get3A_13 = vector.shape_cast %get3A_12 : vector<1x256x1xf32> to vector<256xf32>
    %get3A_14 = arith.constant 1 : index
    %get3A_15 = arith.constant 0 : index
    %get3A_16 = arith.constant 0 : index
    %get3A_17 = vector.load %arg2[%get3A_14, %get3A_15, %get3A_16] : memref<2x256x16xf32, #tpu.memory_space<vmem>>, vector<1x256x1xf32>
    %get3A_18 = vector.shape_cast %get3A_17 : vector<1x256x1xf32> to vector<256xf32>
    %add3A_19 = arith.addf %get3A_13, %get3A_18 : vector<256xf32>
    %max3A = arith.constant 1.000000e+00 : f32
    %max3A_20 = vector.broadcast %max3A : f32 to vector<256xf32>
    %max3A_21 = arith.maximumf %add3A_19, %max3A_20 : vector<256xf32>
    %div3A = arith.constant 1.000000e+00 : f32
    %div3A_22 = vector.broadcast %div3A : f32 to vector<256xf32>
    %div3A_23 = arith.divf %div3A_22, %max3A_21 : vector<256xf32>
    %broadcast_in_dim3A = vector.shape_cast %div3A_23 : vector<256xf32> to vector<256x1xf32>
    %mul3A = vector.broadcast %broadcast_in_dim3A : vector<256x1xf32> to vector<256x128xf32>
    %mul3A_24 = arith.mulf %add3A, %mul3A : vector<256x128xf32>
    %get3A_25 = arith.constant 0 : index
    %get3A_26 = arith.constant 0 : index
    %get3A_27 = vector.load %arg3[%get3A_25, %get3A_26] : memref<1x128xf32, #tpu.memory_space<vmem>>, vector<1x128xf32>
    %add3A_28 = vector.broadcast %get3A_27 : vector<1x128xf32> to vector<256x128xf32>
    %add3A_29 = arith.addf %mul3A_24, %add3A_28 : vector<256x128xf32>
    %get3A_30 = arith.constant 0 : index
    %get3A_31 = arith.constant 0 : index
    %get3A_32 = vector.load %arg4[%get3A_30, %get3A_31] : memref<1x128xf32, #tpu.memory_space<vmem>>, vector<1x128xf32>
    %add3A_33 = vector.broadcast %get3A_32 : vector<1x128xf32> to vector<256x128xf32>
    %add3A_34 = arith.addf %add3A_29, %add3A_33 : vector<256x128xf32>
    %max3A_35 = arith.constant 0.000000e+00 : f32
    %max3A_36 = vector.broadcast %max3A_35 : f32 to vector<256x128xf32>
    %max3A_37 = arith.maximumf %add3A_34, %max3A_36 : vector<256x128xf32>
    %get3A_38 = arith.constant 0 : index
    %get3A_39 = arith.constant 0 : index
    %get3A_40 = vector.load %arg5[%get3A_38, %get3A_39] : memref<128x512xf32, #tpu.memory_space<vmem>>, vector<128x512xf32>
    %dot_general3A = arith.constant dense<0.000000e+00> : vector<256x512xf32>
    %dot_general3A_41 = tpu.matmul %max3A_37, %get3A_40, %dot_general3A {dimension_numbers = #tpu.dot_dimension_numbers<[1], [0], [0], [1], [0, 0, 1, 1], [], []>, transpose_lhs_hint = false} : vector<256x128xf32>, vector<128x512xf32>, vector<256x512xf32> -> vector<256x512xf32>
    %slice3A = vector.extract_strided_slice %dot_general3A_41 {offsets = [0, 0], sizes = [256, 128], strides = [1, 1]} : vector<256x512xf32> to vector<256x128xf32>
    %swap3A = arith.constant 0 : index
    %swap3A_42 = arith.constant 0 : index
    %swap3A_43 = arith.constant 0 : index
    %swap3A_44 = vector.load %arg6[%swap3A, %swap3A_42, %swap3A_43] : memref<4x256x128xf32, #tpu.memory_space<vmem>>, vector<1x256x128xf32>
    %swap3A_45 = vector.shape_cast %swap3A_44 : vector<1x256x128xf32> to vector<256x128xf32>
    %swap3A_46 = vector.shape_cast %slice3A : vector<256x128xf32> to vector<1x256x128xf32>
    tpu.vector_store %arg6[%swap3A, %swap3A_42, %swap3A_43], %swap3A_46 {strides = array<i32>} : memref<4x256x128xf32, #tpu.memory_space<vmem>>, vector<1x256x128xf32>,
    %slice3A_47 = vector.extract_strided_slice %dot_general3A_41 {offsets = [0, 128], sizes = [256, 128], strides = [1, 1]} : vector<256x512xf32> to vector<256x128xf32>
    %swap3A_48 = arith.constant 1 : index
    %swap3A_49 = arith.constant 0 : index
    %swap3A_50 = arith.constant 0 : index
    %swap3A_51 = vector.load %arg6[%swap3A_48, %swap3A_49, %swap3A_50] : memref<4x256x128xf32, #tpu.memory_space<vmem>>, vector<1x256x128xf32>
    %swap3A_52 = vector.shape_cast %swap3A_51 : vector<1x256x128xf32> to vector<256x128xf32>
    %swap3A_53 = vector.shape_cast %slice3A_47 : vector<256x128xf32> to vector<1x256x128xf32>
    tpu.vector_store %arg6[%swap3A_48, %swap3A_49, %swap3A_50], %swap3A_53 {strides = array<i32>} : memref<4x256x128xf32, #tpu.memory_space<vmem>>, vector<1x256x128xf32>,
    %slice3A_54 = vector.extract_strided_slice %dot_general3A_41 {offsets = [0, 256], sizes = [256, 128], strides = [1, 1]} : vector<256x512xf32> to vector<256x128xf32>
    %swap3A_55 = arith.constant 2 : index
    %swap3A_56 = arith.constant 0 : index
    %swap3A_57 = arith.constant 0 : index
    %swap3A_58 = vector.load %arg6[%swap3A_55, %swap3A_56, %swap3A_57] : memref<4x256x128xf32, #tpu.memory_space<vmem>>, vector<1x256x128xf32>
    %swap3A_59 = vector.shape_cast %swap3A_58 : vector<1x256x128xf32> to vector<256x128xf32>
    %swap3A_60 = vector.shape_cast %slice3A_54 : vector<256x128xf32> to vector<1x256x128xf32>
    tpu.vector_store %arg6[%swap3A_55, %swap3A_56, %swap3A_57], %swap3A_60 {strides = array<i32>} : memref<4x256x128xf32, #tpu.memory_space<vmem>>, vector<1x256x128xf32>,
    %slice3A_61 = vector.extract_strided_slice %dot_general3A_41 {offsets = [0, 384], sizes = [256, 128], strides = [1, 1]} : vector<256x512xf32> to vector<256x128xf32>
    %swap3A_62 = arith.constant 3 : index
    %swap3A_63 = arith.constant 0 : index
    %swap3A_64 = arith.constant 0 : index
    %swap3A_65 = vector.load %arg6[%swap3A_62, %swap3A_63, %swap3A_64] : memref<4x256x128xf32, #tpu.memory_space<vmem>>, vector<1x256x128xf32>
    %swap3A_66 = vector.shape_cast %swap3A_65 : vector<1x256x128xf32> to vector<256x128xf32>
    %swap3A_67 = vector.shape_cast %slice3A_61 : vector<256x128xf32> to vector<1x256x128xf32>
    tpu.vector_store %arg6[%swap3A_62, %swap3A_63, %swap3A_64], %swap3A_67 {strides = array<i32>} : memref<4x256x128xf32, #tpu.memory_space<vmem>>, vector<1x256x128xf32>,
    return
  }
  func.func @transform_0(%arg0: i32) -> (i32, i32, i32) {
    %c0_i32 = arith.constant 0 : i32
    %c0_i32_0 = arith.constant 0 : i32
    %c0_i32_1 = arith.constant 0 : i32
    return %c0_i32, %arg0, %c0_i32_0 : i32, i32, i32
  }
  func.func @transform_1(%arg0: i32) -> (i32, i32, i32) {
    %c0_i32 = arith.constant 0 : i32
    %c0_i32_0 = arith.constant 0 : i32
    %c0_i32_1 = arith.constant 0 : i32
    return %c0_i32, %arg0, %c0_i32_0 : i32, i32, i32
  }
  func.func @transform_2(%arg0: i32) -> (i32, i32) {
    %c0_i32 = arith.constant 0 : i32
    %c0_i32_0 = arith.constant 0 : i32
    %c0_i32_1 = arith.constant 0 : i32
    return %c0_i32, %c0_i32_0 : i32, i32
  }
  func.func @transform_3(%arg0: i32) -> (i32, i32) {
    %c0_i32 = arith.constant 0 : i32
    %c0_i32_0 = arith.constant 0 : i32
    %c0_i32_1 = arith.constant 0 : i32
    return %c0_i32, %c0_i32_0 : i32, i32
  }
  func.func @transform_4(%arg0: i32) -> (i32, i32) {
    %c0_i32 = arith.constant 0 : i32
    %c0_i32_0 = arith.constant 0 : i32
    %c0_i32_1 = arith.constant 0 : i32
    return %c0_i32, %c0_i32_0 : i32, i32
  }
  func.func @transform_5(%arg0: i32) -> (i32, i32, i32) {
    %c0_i32 = arith.constant 0 : i32
    %c0_i32_0 = arith.constant 0 : i32
    %c0_i32_1 = arith.constant 0 : i32
    return %c0_i32, %arg0, %c0_i32_0 : i32, i32, i32
  }
}

module attributes {stable_mosaic.version = 14 : i64} {
  func.func @body(%arg0: i32, %arg1: memref<2x256x128xf32, #tpu.memory_space<vmem>>, %arg2: memref<2x256x16xf32, #tpu.memory_space<vmem>>, %arg3: memref<1x128xf32, #tpu.memory_space<vmem>>, %arg4: memref<1x128xf32, #tpu.memory_space<vmem>>, %arg5: memref<128x16xf32, #tpu.memory_space<vmem>>, %arg6: memref<128x16xf32, #tpu.memory_space<vmem>>, %arg7: memref<256x128xf32, #tpu.memory_space<vmem>>, %arg8: memref<256x16xf32, #tpu.memory_space<vmem>>, %arg9: memref<256x16xf32, #tpu.memory_space<vmem>>) attributes {dimension_semantics = [#tpu.dimension_semantics<arbitrary>], iteration_bounds = array<i64: 40>, scalar_prefetch = 0 : i64, scratch_operands = 0 : i64, tpu.core_type = #tpu.core_type<tc>, window_params = [{transform_indices = @transform_0, window_bounds = array<i64: 2, 256, 128>}, {transform_indices = @transform_1, window_bounds = array<i64: 2, 256, 16>}, {pipeline_mode = #tpu.pipeline_mode<synchronous>, transform_indices = @transform_2, window_bounds = array<i64: 1, 128>}, {pipeline_mode = #tpu.pipeline_mode<synchronous>, transform_indices = @transform_3, window_bounds = array<i64: 1, 128>}, {pipeline_mode = #tpu.pipeline_mode<synchronous>, transform_indices = @transform_4, window_bounds = array<i64: 128, 16>}, {pipeline_mode = #tpu.pipeline_mode<synchronous>, transform_indices = @transform_5, window_bounds = array<i64: 128, 16>}, {transform_indices = @transform_6, window_bounds = array<i64: 256, 128>}, {transform_indices = @transform_7, window_bounds = array<i64: 256, 16>}, {transform_indices = @transform_8, window_bounds = array<i64: 256, 16>}]} {
    %get3A = arith.constant 0 : index
    %get3A_0 = arith.constant 0 : index
    %get3A_1 = arith.constant 0 : index
    %get3A_2 = vector.load %arg1[%get3A, %get3A_0, %get3A_1] : memref<2x256x128xf32, #tpu.memory_space<vmem>>, vector<1x256x128xf32>
    %get3A_3 = vector.shape_cast %get3A_2 : vector<1x256x128xf32> to vector<256x128xf32>
    %get3A_4 = arith.constant 1 : index
    %get3A_5 = arith.constant 0 : index
    %get3A_6 = arith.constant 0 : index
    %get3A_7 = vector.load %arg1[%get3A_4, %get3A_5, %get3A_6] : memref<2x256x128xf32, #tpu.memory_space<vmem>>, vector<1x256x128xf32>
    %get3A_8 = vector.shape_cast %get3A_7 : vector<1x256x128xf32> to vector<256x128xf32>
    %add3A = arith.addf %get3A_3, %get3A_8 : vector<256x128xf32>
    %get3A_9 = arith.constant 0 : index
    %get3A_10 = arith.constant 0 : index
    %get3A_11 = arith.constant 0 : index
    %get3A_12 = vector.load %arg2[%get3A_9, %get3A_10, %get3A_11] : memref<2x256x16xf32, #tpu.memory_space<vmem>>, vector<1x256x1xf32>
    %get3A_13 = vector.shape_cast %get3A_12 : vector<1x256x1xf32> to vector<256xf32>
    %get3A_14 = arith.constant 1 : index
    %get3A_15 = arith.constant 0 : index
    %get3A_16 = arith.constant 0 : index
    %get3A_17 = vector.load %arg2[%get3A_14, %get3A_15, %get3A_16] : memref<2x256x16xf32, #tpu.memory_space<vmem>>, vector<1x256x1xf32>
    %get3A_18 = vector.shape_cast %get3A_17 : vector<1x256x1xf32> to vector<256xf32>
    %add3A_19 = arith.addf %get3A_13, %get3A_18 : vector<256xf32>
    %max3A = arith.constant 1.000000e+00 : f32
    %max3A_20 = vector.broadcast %max3A : f32 to vector<256xf32>
    %max3A_21 = arith.maximumf %add3A_19, %max3A_20 : vector<256xf32>
    %div3A = arith.constant 1.000000e+00 : f32
    %div3A_22 = vector.broadcast %div3A : f32 to vector<256xf32>
    %div3A_23 = arith.divf %div3A_22, %max3A_21 : vector<256xf32>
    %broadcast_in_dim3A = vector.shape_cast %div3A_23 : vector<256xf32> to vector<256x1xf32>
    %mul3A = vector.broadcast %broadcast_in_dim3A : vector<256x1xf32> to vector<256x128xf32>
    %mul3A_24 = arith.mulf %add3A, %mul3A : vector<256x128xf32>
    %get3A_25 = arith.constant 0 : index
    %get3A_26 = arith.constant 0 : index
    %get3A_27 = vector.load %arg3[%get3A_25, %get3A_26] : memref<1x128xf32, #tpu.memory_space<vmem>>, vector<1x128xf32>
    %add3A_28 = vector.broadcast %get3A_27 : vector<1x128xf32> to vector<256x128xf32>
    %add3A_29 = arith.addf %mul3A_24, %add3A_28 : vector<256x128xf32>
    %get3A_30 = arith.constant 0 : index
    %get3A_31 = arith.constant 0 : index
    %get3A_32 = vector.load %arg4[%get3A_30, %get3A_31] : memref<1x128xf32, #tpu.memory_space<vmem>>, vector<1x128xf32>
    %add3A_33 = vector.broadcast %get3A_32 : vector<1x128xf32> to vector<256x128xf32>
    %add3A_34 = arith.addf %add3A_29, %add3A_33 : vector<256x128xf32>
    %max3A_35 = arith.constant 0.000000e+00 : f32
    %max3A_36 = vector.broadcast %max3A_35 : f32 to vector<256x128xf32>
    %max3A_37 = arith.maximumf %add3A_34, %max3A_36 : vector<256x128xf32>
    %swap3A = arith.constant 0 : index
    %swap3A_38 = arith.constant 0 : index
    %swap3A_39 = vector.load %arg7[%swap3A, %swap3A_38] : memref<256x128xf32, #tpu.memory_space<vmem>>, vector<256x128xf32>
    tpu.vector_store %arg7[%swap3A, %swap3A_38], %max3A_37 {strides = array<i32>} : memref<256x128xf32, #tpu.memory_space<vmem>>, vector<256x128xf32>,
    %get3A_40 = arith.constant 0 : index
    %get3A_41 = arith.constant 0 : index
    %get3A_42 = vector.load %arg5[%get3A_40, %get3A_41] : memref<128x16xf32, #tpu.memory_space<vmem>>, vector<128x16xf32>
    %dot_general3A = arith.constant dense<0.000000e+00> : vector<256x16xf32>
    %dot_general3A_43 = tpu.matmul %max3A_37, %get3A_42, %dot_general3A {dimension_numbers = #tpu.dot_dimension_numbers<[1], [0], [0], [1], [0, 0, 1, 1], [], []>, transpose_lhs_hint = false} : vector<256x128xf32>, vector<128x16xf32>, vector<256x16xf32> -> vector<256x16xf32>
    %swap3A_44 = arith.constant 0 : index
    %swap3A_45 = arith.constant 0 : index
    %swap3A_46 = vector.load %arg8[%swap3A_44, %swap3A_45] : memref<256x16xf32, #tpu.memory_space<vmem>>, vector<256x16xf32>
    tpu.vector_store %arg8[%swap3A_44, %swap3A_45], %dot_general3A_43 {strides = array<i32>} : memref<256x16xf32, #tpu.memory_space<vmem>>, vector<256x16xf32>,
    %get3A_47 = arith.constant 0 : index
    %get3A_48 = arith.constant 0 : index
    %get3A_49 = vector.load %arg6[%get3A_47, %get3A_48] : memref<128x16xf32, #tpu.memory_space<vmem>>, vector<128x16xf32>
    %dot_general3A_50 = arith.constant dense<0.000000e+00> : vector<256x16xf32>
    %dot_general3A_51 = tpu.matmul %max3A_37, %get3A_49, %dot_general3A_50 {dimension_numbers = #tpu.dot_dimension_numbers<[1], [0], [0], [1], [0, 0, 1, 1], [], []>, transpose_lhs_hint = false} : vector<256x128xf32>, vector<128x16xf32>, vector<256x16xf32> -> vector<256x16xf32>
    %swap3A_52 = arith.constant 0 : index
    %swap3A_53 = arith.constant 0 : index
    %swap3A_54 = vector.load %arg9[%swap3A_52, %swap3A_53] : memref<256x16xf32, #tpu.memory_space<vmem>>, vector<256x16xf32>
    tpu.vector_store %arg9[%swap3A_52, %swap3A_53], %dot_general3A_51 {strides = array<i32>} : memref<256x16xf32, #tpu.memory_space<vmem>>, vector<256x16xf32>,
    return
  }
  func.func @transform_0(%arg0: i32) -> (i32, i32, i32) {
    %c0_i32 = arith.constant 0 : i32
    %c0_i32_0 = arith.constant 0 : i32
    %c0_i32_1 = arith.constant 0 : i32
    return %c0_i32, %arg0, %c0_i32_0 : i32, i32, i32
  }
  func.func @transform_1(%arg0: i32) -> (i32, i32, i32) {
    %c0_i32 = arith.constant 0 : i32
    %c0_i32_0 = arith.constant 0 : i32
    %c0_i32_1 = arith.constant 0 : i32
    return %c0_i32, %arg0, %c0_i32_0 : i32, i32, i32
  }
  func.func @transform_2(%arg0: i32) -> (i32, i32) {
    %c0_i32 = arith.constant 0 : i32
    %c0_i32_0 = arith.constant 0 : i32
    %c0_i32_1 = arith.constant 0 : i32
    return %c0_i32, %c0_i32_0 : i32, i32
  }
  func.func @transform_3(%arg0: i32) -> (i32, i32) {
    %c0_i32 = arith.constant 0 : i32
    %c0_i32_0 = arith.constant 0 : i32
    %c0_i32_1 = arith.constant 0 : i32
    return %c0_i32, %c0_i32_0 : i32, i32
  }
  func.func @transform_4(%arg0: i32) -> (i32, i32) {
    %c0_i32 = arith.constant 0 : i32
    %c0_i32_0 = arith.constant 0 : i32
    %c0_i32_1 = arith.constant 0 : i32
    return %c0_i32, %c0_i32_0 : i32, i32
  }
  func.func @transform_5(%arg0: i32) -> (i32, i32) {
    %c0_i32 = arith.constant 0 : i32
    %c0_i32_0 = arith.constant 0 : i32
    %c0_i32_1 = arith.constant 0 : i32
    return %c0_i32, %c0_i32_0 : i32, i32
  }
  func.func @transform_6(%arg0: i32) -> (i32, i32) {
    %c0_i32 = arith.constant 0 : i32
    %c0_i32_0 = arith.constant 0 : i32
    return %arg0, %c0_i32 : i32, i32
  }
  func.func @transform_7(%arg0: i32) -> (i32, i32) {
    %c0_i32 = arith.constant 0 : i32
    %c0_i32_0 = arith.constant 0 : i32
    return %arg0, %c0_i32 : i32, i32
  }
  func.func @transform_8(%arg0: i32) -> (i32, i32) {
    %c0_i32 = arith.constant 0 : i32
    %c0_i32_0 = arith.constant 0 : i32
    return %arg0, %c0_i32 : i32, i32
  }
}

module attributes {stable_mosaic.version = 14 : i64} {
  func.func @body(%arg0: i32, %arg1: memref<200x128xf32, #tpu.memory_space<vmem>>, %arg2: memref<128x1000xf32, #tpu.memory_space<vmem>>, %arg3: memref<1x1000xf32, #tpu.memory_space<vmem>>, %arg4: memref<200x1000xf32, #tpu.memory_space<vmem>>) attributes {dimension_semantics = [#tpu.dimension_semantics<arbitrary>], iteration_bounds = array<i64: 50>, scalar_prefetch = 0 : i64, scratch_operands = 0 : i64, tpu.core_type = #tpu.core_type<tc>, window_params = [{transform_indices = @transform_0, window_bounds = array<i64: 200, 128>}, {pipeline_mode = #tpu.pipeline_mode<synchronous>, transform_indices = @transform_1, window_bounds = array<i64: 128, 1000>}, {pipeline_mode = #tpu.pipeline_mode<synchronous>, transform_indices = @transform_2, window_bounds = array<i64: 1, 1000>}, {transform_indices = @transform_3, window_bounds = array<i64: 200, 1000>}]} {
    %get3A = arith.constant 0 : index
    %get3A_0 = arith.constant 0 : index
    %get3A_1 = vector.load %arg1[%get3A, %get3A_0] : memref<200x128xf32, #tpu.memory_space<vmem>>, vector<200x128xf32>
    %get3A_2 = arith.constant 0 : index
    %get3A_3 = arith.constant 0 : index
    %get3A_4 = vector.load %arg2[%get3A_2, %get3A_3] : memref<128x1000xf32, #tpu.memory_space<vmem>>, vector<128x1000xf32>
    %dot_general3A = arith.constant dense<0.000000e+00> : vector<200x1000xf32>
    %dot_general3A_5 = tpu.matmul %get3A_1, %get3A_4, %dot_general3A {dimension_numbers = #tpu.dot_dimension_numbers<[1], [0], [0], [1], [0, 0, 1, 1], [], []>, transpose_lhs_hint = false} : vector<200x128xf32>, vector<128x1000xf32>, vector<200x1000xf32> -> vector<200x1000xf32>
    %get3A_6 = arith.constant 0 : index
    %get3A_7 = arith.constant 0 : index
    %get3A_8 = vector.load %arg3[%get3A_6, %get3A_7] : memref<1x1000xf32, #tpu.memory_space<vmem>>, vector<1x1000xf32>
    %add3A = vector.broadcast %get3A_8 : vector<1x1000xf32> to vector<200x1000xf32>
    %add3A_9 = arith.addf %dot_general3A_5, %add3A : vector<200x1000xf32>
    %reduce_max3A = arith.constant dense<0xFF800000> : vector<200xf32>
    %reduce_max3A_10 = vector.multi_reduction <maximumf>, %add3A_9, %reduce_max3A [1] : vector<200x1000xf32> to vector<200xf32>
    %broadcast_in_dim3A = vector.shape_cast %reduce_max3A_10 : vector<200xf32> to vector<200x1xf32>
    %sub3A = vector.broadcast %broadcast_in_dim3A : vector<200x1xf32> to vector<200x1000xf32>
    %sub3A_11 = arith.subf %add3A_9, %sub3A : vector<200x1000xf32>
    %exp3A = math.exp %sub3A_11 : vector<200x1000xf32>
    %reduce_sum3A = arith.constant dense<0.000000e+00> : vector<200xf32>
    %reduce_sum3A_12 = vector.multi_reduction <add>, %exp3A, %reduce_sum3A [1] : vector<200x1000xf32> to vector<200xf32>
    %broadcast_in_dim3A_13 = vector.shape_cast %reduce_sum3A_12 : vector<200xf32> to vector<200x1xf32>
    %log3A = math.log %broadcast_in_dim3A_13 : vector<200x1xf32>
    %sub3A_14 = vector.broadcast %log3A : vector<200x1xf32> to vector<200x1000xf32>
    %sub3A_15 = arith.subf %sub3A_11, %sub3A_14 : vector<200x1000xf32>
    %swap3A = arith.constant 0 : index
    %swap3A_16 = arith.constant 0 : index
    %swap3A_17 = vector.load %arg4[%swap3A, %swap3A_16] : memref<200x1000xf32, #tpu.memory_space<vmem>>, vector<200x1000xf32>
    tpu.vector_store %arg4[%swap3A, %swap3A_16], %sub3A_15 {strides = array<i32>} : memref<200x1000xf32, #tpu.memory_space<vmem>>, vector<200x1000xf32>,
    return
  }
  func.func @transform_0(%arg0: i32) -> (i32, i32) {
    %c0_i32 = arith.constant 0 : i32
    %c0_i32_0 = arith.constant 0 : i32
    return %arg0, %c0_i32 : i32, i32
  }
  func.func @transform_1(%arg0: i32) -> (i32, i32) {
    %c0_i32 = arith.constant 0 : i32
    %c0_i32_0 = arith.constant 0 : i32
    %c0_i32_1 = arith.constant 0 : i32
    return %c0_i32, %c0_i32_0 : i32, i32
  }
  func.func @transform_2(%arg0: i32) -> (i32, i32) {
    %c0_i32 = arith.constant 0 : i32
    %c0_i32_0 = arith.constant 0 : i32
    %c0_i32_1 = arith.constant 0 : i32
    return %c0_i32, %c0_i32_0 : i32, i32
  }
  func.func @transform_3(%arg0: i32) -> (i32, i32) {
    %c0_i32 = arith.constant 0 : i32
    %c0_i32_0 = arith.constant 0 : i32
    return %arg0, %c0_i32 : i32, i32
  }
}

module attributes {stable_mosaic.version = 14 : i64} {
  func.func @body(%arg0: i32, %arg1: memref<400x128xf32, #tpu.memory_space<vmem>>, %arg2: memref<1x128xf32, #tpu.memory_space<vmem>>, %arg3: memref<3200x7xf32, #tpu.memory_space<vmem>>) attributes {dimension_semantics = [#tpu.dimension_semantics<arbitrary>], iteration_bounds = array<i64: 50>, scalar_prefetch = 0 : i64, scratch_operands = 0 : i64, tpu.core_type = #tpu.core_type<tc>, window_params = [{transform_indices = @transform_0, window_bounds = array<i64: 400, 128>}, {pipeline_mode = #tpu.pipeline_mode<synchronous>, transform_indices = @transform_1, window_bounds = array<i64: 1, 128>}, {transform_indices = @transform_2, window_bounds = array<i64: 3200, 7>}]} {
    %get3A = arith.constant 0 : index
    %get3A_0 = arith.constant 0 : index
    %get3A_1 = vector.load %arg1[%get3A, %get3A_0] : memref<400x128xf32, #tpu.memory_space<vmem>>, vector<400x128xf32>
    %get3A_2 = arith.constant 0 : index
    %get3A_3 = arith.constant 0 : index
    %get3A_4 = vector.load %arg2[%get3A_2, %get3A_3] : memref<1x128xf32, #tpu.memory_space<vmem>>, vector<1x128xf32>
    %add3A = vector.broadcast %get3A_4 : vector<1x128xf32> to vector<400x128xf32>
    %add3A_5 = arith.addf %get3A_1, %add3A : vector<400x128xf32>
    %iota3A = tpu.iota {dimensions = array<i32: 1>} : vector<400x128xi32>
    %jit3A = arith.constant 16 : i32
    %eq3A = arith.constant 0 : i32
    %eq3A_6 = arith.cmpi eq, %jit3A, %eq3A : i32
    %jit3A_7 = arith.constant 1 : i32
    %select_n3A = arith.select %eq3A_6, %jit3A_7, %jit3A : i32
    %rem3A = vector.broadcast %select_n3A : i32 to vector<400x128xi32>
    %rem3A_8 = arith.remsi %iota3A, %rem3A : vector<400x128xi32>
    %ne3A = arith.constant 0 : i32
    %ne3A_9 = vector.broadcast %ne3A : i32 to vector<400x128xi32>
    %ne3A_10 = arith.cmpi ne, %rem3A_8, %ne3A_9 : vector<400x128xi32>
    %lt3A = arith.constant 0 : i32
    %lt3A_11 = vector.broadcast %lt3A : i32 to vector<400x128xi32>
    %lt3A_12 = arith.cmpi slt, %rem3A_8, %lt3A_11 : vector<400x128xi32>
    %lt3A_13 = arith.constant 0 : i32
    %lt3A_14 = arith.cmpi slt, %select_n3A, %lt3A_13 : i32
    %ne3A_15 = vector.broadcast %lt3A_14 : i1 to vector<400x128xi1>
    %ne3A_16 = vector.broadcast %ne3A_15 : vector<400x128xi1> to vector<400x128xi1>
    %ne3A_17 = arith.xori %lt3A_12, %ne3A_16 : vector<400x128xi1>
    %and3A = arith.andi %ne3A_17, %ne3A_10 : vector<400x128xi1>
    %add3A_18 = vector.broadcast %select_n3A : i32 to vector<400x128xi32>
    %add3A_19 = arith.addi %rem3A_8, %add3A_18 : vector<400x128xi32>
    %select_n3A_20 = arith.select %and3A, %add3A_19, %rem3A_8 : vector<400x128xi1>, vector<400x128xi32>
    %lt3A_21 = arith.constant 7 : i32
    %lt3A_22 = vector.broadcast %lt3A_21 : i32 to vector<400x128xi32>
    %lt3A_23 = arith.cmpi slt, %select_n3A_20, %lt3A_22 : vector<400x128xi32>
    %jit3A_24 = arith.constant -1.000000e+30 : f32
    %broadcast_in_dim3A = vector.broadcast %jit3A_24 : f32 to vector<400x128xf32>
    %select_n3A_25 = arith.select %lt3A_23, %add3A_5, %broadcast_in_dim3A : vector<400x128xi1>, vector<400x128xf32>
    %reduce_max3A = arith.constant dense<0xFF800000> : vector<400xf32>
    %reduce_max3A_26 = vector.multi_reduction <maximumf>, %select_n3A_25, %reduce_max3A [1] : vector<400x128xf32> to vector<400xf32>
    %broadcast_in_dim3A_27 = vector.shape_cast %reduce_max3A_26 : vector<400xf32> to vector<400x1xf32>
    %sub3A = vector.broadcast %broadcast_in_dim3A_27 : vector<400x1xf32> to vector<400x128xf32>
    %sub3A_28 = arith.subf %add3A_5, %sub3A : vector<400x128xf32>
    %exp3A = math.exp %sub3A_28 : vector<400x128xf32>
    %jit3A_29 = arith.constant 0.000000e+00 : f32
    %broadcast_in_dim3A_30 = vector.broadcast %jit3A_29 : f32 to vector<400x128xf32>
    %select_n3A_31 = arith.select %lt3A_23, %exp3A, %broadcast_in_dim3A_30 : vector<400x128xi1>, vector<400x128xf32>
    %iota3A_32 = tpu.iota {dimensions = array<i32: 0>} : vector<128x128xi32>
    %jit3A_33 = arith.constant 16 : i32
    %div3A = vector.broadcast %jit3A_33 : i32 to vector<128x128xi32>
    %div3A_34 = arith.divsi %iota3A_32, %div3A : vector<128x128xi32>
    %sign3A = arith.constant 0 : i32
    %sign3A_35 = vector.broadcast %sign3A : i32 to vector<128x128xi32>
    %sign3A_36 = arith.cmpi sgt, %iota3A_32, %sign3A_35 : vector<128x128xi32>
    %sign3A_37 = arith.extui %sign3A_36 : vector<128x128xi1> to vector<128x128xi32>
    %sign3A_38 = arith.constant 0 : i32
    %sign3A_39 = vector.broadcast %sign3A_38 : i32 to vector<128x128xi32>
    %sign3A_40 = arith.cmpi slt, %iota3A_32, %sign3A_39 : vector<128x128xi32>
    %sign3A_41 = arith.extui %sign3A_40 : vector<128x128xi1> to vector<128x128xi32>
    %sign3A_42 = arith.subi %sign3A_37, %sign3A_41 : vector<128x128xi32>
    %sign3A_43 = arith.constant 0 : i32
    %sign3A_44 = arith.cmpi sgt, %jit3A_33, %sign3A_43 : i32
    %sign3A_45 = arith.extui %sign3A_44 : i1 to i32
    %sign3A_46 = arith.constant 0 : i32
    %sign3A_47 = arith.cmpi slt, %jit3A_33, %sign3A_46 : i32
    %sign3A_48 = arith.extui %sign3A_47 : i1 to i32
    %sign3A_49 = arith.subi %sign3A_45, %sign3A_48 : i32
    %ne3A_50 = vector.broadcast %sign3A_49 : i32 to vector<128x128xi32>
    %ne3A_51 = arith.cmpi ne, %sign3A_42, %ne3A_50 : vector<128x128xi32>
    %rem3A_52 = vector.broadcast %jit3A_33 : i32 to vector<128x128xi32>
    %rem3A_53 = arith.remsi %iota3A_32, %rem3A_52 : vector<128x128xi32>
    %ne3A_54 = arith.constant 0 : i32
    %ne3A_55 = vector.broadcast %ne3A_54 : i32 to vector<128x128xi32>
    %ne3A_56 = arith.cmpi ne, %rem3A_53, %ne3A_55 : vector<128x128xi32>
    %and3A_57 = arith.andi %ne3A_51, %ne3A_56 : vector<128x128xi1>
    %sub3A_58 = arith.constant 1 : i32
    %sub3A_59 = vector.broadcast %sub3A_58 : i32 to vector<128x128xi32>
    %sub3A_60 = arith.subi %div3A_34, %sub3A_59 : vector<128x128xi32>
    %select_n3A_61 = arith.select %and3A_57, %sub3A_60, %div3A_34 : vector<128x128xi1>, vector<128x128xi32>
    %iota3A_62 = tpu.iota {dimensions = array<i32: 1>} : vector<128x128xi32>
    %jit3A_63 = arith.constant 16 : i32
    %div3A_64 = vector.broadcast %jit3A_63 : i32 to vector<128x128xi32>
    %div3A_65 = arith.divsi %iota3A_62, %div3A_64 : vector<128x128xi32>
    %sign3A_66 = arith.constant 0 : i32
    %sign3A_67 = vector.broadcast %sign3A_66 : i32 to vector<128x128xi32>
    %sign3A_68 = arith.cmpi sgt, %iota3A_62, %sign3A_67 : vector<128x128xi32>
    %sign3A_69 = arith.extui %sign3A_68 : vector<128x128xi1> to vector<128x128xi32>
    %sign3A_70 = arith.constant 0 : i32
    %sign3A_71 = vector.broadcast %sign3A_70 : i32 to vector<128x128xi32>
    %sign3A_72 = arith.cmpi slt, %iota3A_62, %sign3A_71 : vector<128x128xi32>
    %sign3A_73 = arith.extui %sign3A_72 : vector<128x128xi1> to vector<128x128xi32>
    %sign3A_74 = arith.subi %sign3A_69, %sign3A_73 : vector<128x128xi32>
    %sign3A_75 = arith.constant 0 : i32
    %sign3A_76 = arith.cmpi sgt, %jit3A_63, %sign3A_75 : i32
    %sign3A_77 = arith.extui %sign3A_76 : i1 to i32
    %sign3A_78 = arith.constant 0 : i32
    %sign3A_79 = arith.cmpi slt, %jit3A_63, %sign3A_78 : i32
    %sign3A_80 = arith.extui %sign3A_79 : i1 to i32
    %sign3A_81 = arith.subi %sign3A_77, %sign3A_80 : i32
    %ne3A_82 = vector.broadcast %sign3A_81 : i32 to vector<128x128xi32>
    %ne3A_83 = arith.cmpi ne, %sign3A_74, %ne3A_82 : vector<128x128xi32>
    %rem3A_84 = vector.broadcast %jit3A_63 : i32 to vector<128x128xi32>
    %rem3A_85 = arith.remsi %iota3A_62, %rem3A_84 : vector<128x128xi32>
    %ne3A_86 = arith.constant 0 : i32
    %ne3A_87 = vector.broadcast %ne3A_86 : i32 to vector<128x128xi32>
    %ne3A_88 = arith.cmpi ne, %rem3A_85, %ne3A_87 : vector<128x128xi32>
    %and3A_89 = arith.andi %ne3A_83, %ne3A_88 : vector<128x128xi1>
    %sub3A_90 = arith.constant 1 : i32
    %sub3A_91 = vector.broadcast %sub3A_90 : i32 to vector<128x128xi32>
    %sub3A_92 = arith.subi %div3A_65, %sub3A_91 : vector<128x128xi32>
    %select_n3A_93 = arith.select %and3A_89, %sub3A_92, %div3A_65 : vector<128x128xi1>, vector<128x128xi32>
    %eq3A_94 = arith.cmpi eq, %select_n3A_61, %select_n3A_93 : vector<128x128xi32>
    %convert_element_type3A = arith.extui %eq3A_94 : vector<128x128xi1> to vector<128x128xi32>
    %convert_element_type3A_95 = arith.sitofp %convert_element_type3A : vector<128x128xi32> to vector<128x128xf32>
    %dot_general3A = arith.constant dense<0.000000e+00> : vector<400x128xf32>
    %dot_general3A_96 = tpu.matmul %select_n3A_31, %convert_element_type3A_95, %dot_general3A {dimension_numbers = #tpu.dot_dimension_numbers<[1], [0], [0], [1], [0, 0, 1, 1], [], []>, transpose_lhs_hint = false} : vector<400x128xf32>, vector<128x128xf32>, vector<400x128xf32> -> vector<400x128xf32>
    %sub3A_97 = vector.broadcast %broadcast_in_dim3A_27 : vector<400x1xf32> to vector<400x128xf32>
    %sub3A_98 = arith.subf %add3A_5, %sub3A_97 : vector<400x128xf32>
    %log3A = math.log %dot_general3A_96 : vector<400x128xf32>
    %sub3A_99 = arith.subf %sub3A_98, %log3A : vector<400x128xf32>
    %slice3A = vector.extract_strided_slice %sub3A_99 {offsets = [0, 0], sizes = [400, 7], strides = [1, 1]} : vector<400x128xf32> to vector<400x7xf32>
    %slice3A_100 = vector.extract_strided_slice %sub3A_99 {offsets = [0, 16], sizes = [400, 7], strides = [1, 1]} : vector<400x128xf32> to vector<400x7xf32>
    %slice3A_101 = vector.extract_strided_slice %sub3A_99 {offsets = [0, 32], sizes = [400, 7], strides = [1, 1]} : vector<400x128xf32> to vector<400x7xf32>
    %slice3A_102 = vector.extract_strided_slice %sub3A_99 {offsets = [0, 48], sizes = [400, 7], strides = [1, 1]} : vector<400x128xf32> to vector<400x7xf32>
    %slice3A_103 = vector.extract_strided_slice %sub3A_99 {offsets = [0, 64], sizes = [400, 7], strides = [1, 1]} : vector<400x128xf32> to vector<400x7xf32>
    %slice3A_104 = vector.extract_strided_slice %sub3A_99 {offsets = [0, 80], sizes = [400, 7], strides = [1, 1]} : vector<400x128xf32> to vector<400x7xf32>
    %slice3A_105 = vector.extract_strided_slice %sub3A_99 {offsets = [0, 96], sizes = [400, 7], strides = [1, 1]} : vector<400x128xf32> to vector<400x7xf32>
    %slice3A_106 = vector.extract_strided_slice %sub3A_99 {offsets = [0, 112], sizes = [400, 7], strides = [1, 1]} : vector<400x128xf32> to vector<400x7xf32>
    %stack3A = vector.shape_cast %slice3A : vector<400x7xf32> to vector<400x1x7xf32>
    %stack3A_107 = vector.shape_cast %slice3A_100 : vector<400x7xf32> to vector<400x1x7xf32>
    %stack3A_108 = vector.shape_cast %slice3A_101 : vector<400x7xf32> to vector<400x1x7xf32>
    %stack3A_109 = vector.shape_cast %slice3A_102 : vector<400x7xf32> to vector<400x1x7xf32>
    %stack3A_110 = vector.shape_cast %slice3A_103 : vector<400x7xf32> to vector<400x1x7xf32>
    %stack3A_111 = vector.shape_cast %slice3A_104 : vector<400x7xf32> to vector<400x1x7xf32>
    %stack3A_112 = vector.shape_cast %slice3A_105 : vector<400x7xf32> to vector<400x1x7xf32>
    %stack3A_113 = vector.shape_cast %slice3A_106 : vector<400x7xf32> to vector<400x1x7xf32>
    %stack3A_114 = tpu.concatenate %stack3A, %stack3A_107, %stack3A_108, %stack3A_109, %stack3A_110, %stack3A_111, %stack3A_112, %stack3A_113 in 1 : vector<400x1x7xf32>, vector<400x1x7xf32>, vector<400x1x7xf32>, vector<400x1x7xf32>, vector<400x1x7xf32>, vector<400x1x7xf32>, vector<400x1x7xf32>, vector<400x1x7xf32> -> vector<400x8x7xf32>
    %reshape3A = vector.shape_cast %stack3A_114 : vector<400x8x7xf32> to vector<3200x7xf32>
    %swap3A = arith.constant 0 : index
    %swap3A_115 = arith.constant 0 : index
    %swap3A_116 = vector.load %arg3[%swap3A, %swap3A_115] : memref<3200x7xf32, #tpu.memory_space<vmem>>, vector<3200x7xf32>
    tpu.vector_store %arg3[%swap3A, %swap3A_115], %reshape3A {strides = array<i32>} : memref<3200x7xf32, #tpu.memory_space<vmem>>, vector<3200x7xf32>,
    return
  }
  func.func @transform_0(%arg0: i32) -> (i32, i32) {
    %c0_i32 = arith.constant 0 : i32
    %c0_i32_0 = arith.constant 0 : i32
    return %arg0, %c0_i32 : i32, i32
  }
  func.func @transform_1(%arg0: i32) -> (i32, i32) {
    %c0_i32 = arith.constant 0 : i32
    %c0_i32_0 = arith.constant 0 : i32
    %c0_i32_1 = arith.constant 0 : i32
    return %c0_i32, %c0_i32_0 : i32, i32
  }
  func.func @transform_2(%arg0: i32) -> (i32, i32) {
    %c0_i32 = arith.constant 0 : i32
    %c0_i32_0 = arith.constant 0 : i32
    return %arg0, %c0_i32 : i32, i32
  }
}

</mosaic_0001>

<sc_bundles>
// kernel: kernel.15.cloned.1.call-start
scs
__scs_entry_jumppad:
0x0: {  	(pc) =	sbr.rel $0x88, $3  }
0x1: {  	(tag) =	ssettag $0x0;
	lr =	simm.s32 $0x1  }
0x2: {  	[smem:$0x3F92] =	sst lr;
	_ =	strace $0xD0000000  }
0x3: {  	_ = 	snop  }
0x4: {  	_ = 	snop  }
0x5: {  	_ = 	snop  }
0x6: {  	_ = 	snop  }
0x7: {  	_ = 	snop  }
__scs_overlays_trampoline_lowered:
0x8: {  	[smem:$0x3FA1] =	sst s0  }
0x9: {  	[smem:$0x3FA2] =	sst s1  }
0xa: {  	[smem:$0x3FA3] =	sst s2  }
0xb: {  	[smem:$0x3FA4] =	sst s3  }
0xc: {  	[smem:$0x3FA5] =	sst s4  }
0xd: {  	[smem:$0x3FA6] =	sst s5  }
0xe: {  	[smem:$0x3FA7] =	sst s6  }
0xf: {  	[smem:$0x3FA8] =	sst s7  }
0x10: {  	[smem:$0x3FA9] =	sst s8  }
0x11: {  	[smem:$0x3FAA] =	sst s9;
	s0 =	simm.s32 @!p0 $0x0  }
0x12: {  	s1 =	sld [smem:$0x3F90];
	s0 =	simm.s32 @p0 $0x1  }
0x13: {  	[smem:$0x3FAB] =	sst s0;
	s0 =	simm.s32 @!p1 $0x0  }
0x14: {  	s2 =	sld [smem:$0x3F8F];
	s0 =	simm.s32 @p1 $0x1  }
0x15: {  	[smem:$0x3FAC] =	sst s0;
	s0 =	simm.s32 @!p2 $0x0  }
0x16: {  	s3 =	sld [smem:$0x3FDB];
	s0 =	simm.s32 @p2 $0x1  }
0x17: {  	s4 =	simm.s32 $0x1BF5;
	[smem:$0x3FAE] =	sst s0  }
0x18: {  	s0 =	sld [smem:$0x3F91];
	_ =	swait.ge [sflag:s4], $0x0  }
0x19: {  	s7 =	sld [smem:$0x3F92]  }
0x1a: {  	s8 =	sadd.s32 $0xFFFFE003, lr  }
0x1b: {  	s9 =	sadd.s32 $0xFFFFFEF7, lr;
	s5 =	simm.s32 $0xFFFFFFFF;
	p2 =	slt.u32 s8, $0xFFFFF086  }
0x1c: {  	p1 =	slt.u32 s9, $0xF7A;
	s5 =	simm.s32 @!p2 $0x0  }
0x1d: {  	s5 =	simm.s32 @p1 $0x1;
	p0 =	seq.s32 s7, s2  }
0x1e: {  	s7 =	smul.u32 @!p0 $0xF7A, s2;
	p2 =	seq.s32 @!p0 s5, $0x0  }
0x1f: {  	s9 =	smul.u32 $0xF7A, s1;
	s8 =	simm.s32 @!p0 $0x1BF5;
	p2 =	por !p2, p0  }
0x20: {  	[sflag:s8] =	ssyncset.s32 @!p0 $0xFFFFF086;
	s6 =	sadd.s32 @!p0 s3, s7;
	s7 =	simm.s32 @!p0 $0x108  }
0x21: {  	s3 =	sadd.s32 s3, s9;
	s6 =	sadd.s32 @!p0 $0x88, s6;
	s7 =	simm.s32 @p2 $0x1082  }
0x22: {  	[simem:s7], [sflag:s8] =	dma.local @!p0 [hbm:s6], $0xF7A  }
0x23: {  	s9 =	sor.u32 $0xD0000000, s2;
	s6 =	simm.s32 $0x108;
	_ =	swait.ge @!p0 [sflag:s8], $0x0  }
0x24: {  	s3 =	sadd.s32 $0x88, s3;
	s6 =	simm.s32 @!p1 $0x1082;
	[sflag:s4] =	ssyncset.s32 $0xFFFFF086  }
0x25: {  	[simem:s6], [sflag:s4] =	dma.local [hbm:s3], $0xF7A  }
0x26: {  	[smem:$0x3F92] =	sst s1;
	(tag) =	ssettag s2;
	_ =	strace s9  }
0x27: {  	s1 =	sld [smem:$0x3FA2]  }
0x28: {  	s2 =	sld [smem:$0x3FA3]  }
0x29: {  	s4 =	sld [smem:$0x3FA5]  }
0x2a: {  	p0 =	seq.s32 s5, $0x0;
	s5 =	sld [smem:$0x3FA6]  }
0x2b: {  	s6 =	sld [smem:$0x3FA7]  }
0x2c: {  	s7 =	sld [smem:$0x3FA8]  }
0x2d: {  	s3 =	simm.s32 $0x108;
	s8 =	sld [smem:$0x3FA9]  }
0x2e: {  	s3 =	simm.s32 @!p0 $0x1082;
	s9 =	sld [smem:$0x3FAA]  }
0x2f: {  	lr =	sadd.s32 s0, s3;
	s0 =	sld [smem:$0x3FA1]  }
0x30: {  	s3 =	sld [smem:$0x3FA4]  }
0x31: {  	[smem:$0x3FAD] =	sst s10  }
0x32: {  	s10 =	sld [smem:$0x3FAB];
	_ =	sdelay $0x3  }
0x33: {  	p0 =	seq.s32 s10, $0x1;
	s10 =	sld [smem:$0x3FAD];
	_ =	sdelay $0x3  }
0x34: {  	[smem:$0x3FAD] =	sst s10  }
0x35: {  	s10 =	sld [smem:$0x3FAC];
	_ =	sdelay $0x3  }
0x36: {  	p1 =	seq.s32 s10, $0x1;
	s10 =	sld [smem:$0x3FAD];
	_ =	sdelay $0x3  }
0x37: {  	[smem:$0x3FAD] =	sst s10  }
0x38: {  	s10 =	sld [smem:$0x3FAE]  }
0x39: {  	_ = 	snop;
	(pc) =	sbr.ind lr, $3  }
0x3a: {  	_ = 	snop  }
0x3b: {  	_ = 	snop  }
0x3c: {  	p2 =	seq.s32 s10, $0x1;
	s10 =	sld [smem:$0x3FAD]  }
0x3d: {  	_ =	shalt  }
0x3e: {  	_ =	shalt  }
0x3f: {  	_ =	shalt  }
0x40: {  	_ =	shalt  }
0x41: {  	_ =	shalt  }
0x42: {  	_ =	shalt  }
0x43: {  	_ =	shalt  }
0x44: {  	_ =	shalt  }
0x45: {  	_ =	shalt  }
0x46: {  	_ =	shalt  }
0x47: {  	_ =	shalt  }
0x48: {  	_ =	shalt  }
0x49: {  	_ =	shalt  }
0x4a: {  	_ =	shalt  }
0x4b: {  	_ =	shalt  }
0x4c: {  	_ =	shalt  }
0x4d: {  	_ =	shalt  }
0x4e: {  	_ =	shalt  }
0x4f: {  	_ =	shalt  }
0x50: {  	_ =	shalt  }
0x51: {  	_ =	shalt  }
0x52: {  	_ =	shalt  }
0x53: {  	_ =	shalt  }
0x54: {  	_ =	shalt  }
0x55: {  	_ =	shalt  }
0x56: {  	_ =	shalt  }
0x57: {  	_ =	shalt  }
0x58: {  	_ =	shalt  }
0x59: {  	_ =	shalt  }
0x5a: {  	_ =	shalt  }
0x5b: {  	_ =	shalt  }
0x5c: {  	_ =	shalt  }
0x5d: {  	_ =	shalt  }
0x5e: {  	_ =	shalt  }
0x5f: {  	_ =	shalt  }
0x60: {  	_ =	shalt  }
0x61: {  	_ =	shalt  }
0x62: {  	_ =	shalt  }
0x63: {  	_ =	shalt  }
0x64: {  	_ =	shalt  }
0x65: {  	_ =	shalt  }
0x66: {  	_ =	shalt  }
0x67: {  	_ =	shalt  }
0x68: {  	_ =	shalt  }
0x69: {  	_ =	shalt  }
0x6a: {  	_ =	shalt  }
0x6b: {  	_ =	shalt  }
0x6c: {  	_ =	shalt  }
0x6d: {  	_ =	shalt  }
0x6e: {  	_ =	shalt  }
0x6f: {  	_ =	shalt  }
0x70: {  	_ =	shalt  }
0x71: {  	_ =	shalt  }
0x72: {  	_ =	shalt  }
0x73: {  	_ =	shalt  }
0x74: {  	_ =	shalt  }
0x75: {  	_ =	shalt  }
0x76: {  	_ =	shalt  }
0x77: {  	_ =	shalt  }
0x78: {  	_ =	shalt  }
0x79: {  	_ =	shalt  }
0x7a: {  	_ =	shalt  }
0x7b: {  	_ =	shalt  }
0x7c: {  	_ =	shalt  }
0x7d: {  	_ =	shalt  }
0x7e: {  	_ =	shalt  }
0x7f: {  	_ =	shalt  }
0x80: {  	_ =	shalt  }
0x81: {  	_ =	shalt  }
0x82: {  	_ =	shalt  }
0x83: {  	_ =	shalt  }
0x84: {  	_ =	shalt  }
0x85: {  	_ =	shalt  }
0x86: {  	_ =	shalt  }
0x87: {  	_ =	shalt  }
.Lfunc_end0:
.L_simem_size_0:
called_computation_lowered:
.L_overlay_start_0:
0x88: {  	s2 =	sld [smem:$0x3FD9]  }
0x89: {  	s3 =	sld [smem:$0x3FFE];
	_ =	sdelay $0x1  }
0x8a: {  	s1 =	srdreg.scid  }
0x8b: {  	s0 =	sand.u32 $0x1, s1  }
0x8c: {  	s14 =	sshll.u32 s0, $0xA;
	s2 =	sadd.s32 s3, s2  }
0x8d: {  	s2 =	sadd.s32 s2, s14  }
0x8e: {  	[smem:$0x3FB9] =	sst s2  }
0x8f: {  	_ = 	snop  }
0x90: {  	s2 =	sld [smem:$0x3FD0];
	_ =	sdelay $0x2  }
0x91: {  	s4 =	simm.s32 $0xB;
	s5 =	simm.s32 $0x10;
	s15 =	sld [smem:$0x3FC5]  }
0x92: {  	[smem:s5], [sflag:s4] =	dma.local [hbm:s2], $0x1  }
0x93: {  	_ =	swait.eq [sflag:s4], $0x1  }
0x94: {  	[sflag:s4] =	ssyncset.done $0x0  }
0x95: {  	[sflag:s4] =	ssyncadd.s32 $0xFFFFFFFF  }
0x96: {  	s16 =	sld [smem:$0x10];
	(tm) =	ssettm $0x1  }
0x97: {  	s17 =	sld [smem:$0x3FFB];
	_ =	sdelay $0x3  }
0x98: {  	_ =	strace s17  }
0x99: {  	s4 =	sld [smem:$0x3FFC];
	_ =	sdelay $0x3  }
0x9a: {  	_ =	strace s4  }
0x9b: {  	s4 =	sld [smem:$0x3FFD];
	_ =	sdelay $0x3  }
0x9c: {  	_ =	strace s4  }
0x9d: {  	_ =	strace $0x8FFFFFFF  }
0x9e: {  	s18 =	sld [smem:$0x3FDB];
	_ =	sdelay $0x1  }
0x9f: {  	s19 =	simm.s32 $_scs_section_size  }
0xa0: {  	s6 =	simm.s32 $_size__tile_overlayer_lowered;
	s7 =	simm.s32 $_tile_overlayer_lowered  }
0xa1: {  	s22 =	simm.s32 $0x1BFF;
	s21 =	sshll.u32 s7, $0x1;
	s4 =	sadd.s32 s19, s18  }
0xa2: {  	s8 =	simm.s32 $0x0;
	s20 =	sshll.u32 s6, $0x1;
	s6 =	sadd.s32 s21, s4  }
0xa3: {  	[timem:s8], [sflag:s22] =	dma.local [hbm:s6], s20  }
0xa4: {  	_ =	swait.ge [sflag:s22], s20  }
0xa5: {  	s5 =	ssub.s32 $0x0, s20;
	[sflag:s22] =	ssyncset.done $0x0  }
0xa6: {  	[sflag:s22] =	ssyncadd.s32 s5;
	_ =	sdelay $0x1  }
0xa7: {  	s23 =	simm.s32 $0x1B8B  }
0xa8: {  	_ =	swait.ge [sflag:s23], $0x1  }
0xa9: {  	[sflag:s23] =	ssyncset.done $0x0  }
0xaa: {  	s25 =	simm.s32 $0x1B8E;
	s24 =	sld [smem:$0x3FFE];
	[sflag:s23] =	ssyncadd.s32 $0xFFFFFFFF  }
0xab: {  	s26 =	simm.s32 $execute0_lowered;
	[smem:$0x3FD2] =	sst s25  }
0xac: {  	s6 =	sshll.u32 s26, $0x1;
	_ =	strace $0x80000046;
	[dreg:$0x1] =	wrdreg $0xFFFFFFFF  }
0xad: {  	s28 =	simm.s32 $_size_execute0_lowered;
	s4 =	sadd.s32 s4, s6;
	[dreg:$0x0] =	wrdreg $0x0  }
0xae: {  	s6 =	sshll.u32 s28, $0x1;
	[dreg:$0x2] =	wrdreg s4  }
0xaf: {  	[dreg:$0x3] =	wrdreg s6  }
0xb0: {  	[dreg:$0x4] =	wrdreg $0xC0  }
0xb1: {  	_ =	task [dreg:s8], $0x5FFFF  }
0xb2: {  	[dreg:$0x1] =	wrdreg $0xFFFFFFFF  }
0xb3: {  	[dreg:$0x0] =	wrdreg $0x60  }
0xb4: {  	[dreg:$0x2] =	wrdreg s24  }
0xb5: {  	[dreg:$0x3] =	wrdreg s15  }
0xb6: {  	[dreg:$0x4] =	wrdreg s16  }
0xb7: {  	[dreg:$0x5] =	wrdreg $0xA  }
0xb8: {  	_ =	task.clear_ibuf [dreg:s8], $0x6FFFF;
	_ =	strace $0x90000046  }
0xb9: {  	s29 =	simm.s32 $0xA;
	_ =	strace $0x80000048  }
0xba: {  	_ =	swait.ge [sflag:s29], $0x1  }
0xbb: {  	[sflag:s29] =	ssyncadd.s32 $0xFFFFFFFF  }
0xbc: {  	_ =	strace $0x90000048  }
0xbd: {  	_ =	sfence  }
0xbe: {  	s30 =	sld [smem:$0x0];
	_ =	sdelay $0x2  }
0xbf: {  	s31 =	sshll.u32 s1, $0xD;
	s1 =	sshrl.u32 s1, $0x2  }
0xc0: {  	s3 =	sand.u32 $0x4000, s31;
	s1 =	sadd.s32 s1, s30  }
0xc1: {  	s0 =	sor.u32 s3, s0;
	s1 =	sshll.u32 s1, $0x11  }
0xc2: {  	s0 =	sor.u32 s1, s0  }
0xc3: {  	s0 =	sadd.s32 $0x8F2B, s0  }
0xc4: {  	[sflag:s0] =	ssyncadd.remote.s32 $0x1  }
0xc5: {  	_ =	sfence.sel $0xFFFF  }
0xc6: {  	[dreg:$0x0] =	wrdreg $0xFFFFFFFF;
	(pc) =	sbr.abs _section_cstart, $3  }
0xc7: {  	[dreg:$0x1] =	wrdreg $0xFFFFFFFF  }
0xc8: {  	_ =	task.clear_ibuf [dreg:s8], $0x2FFFF;
	_ =	strace $0x9FFFFFFF  }
0xc9: {  	(tm) =	ssettm $0x7FFFFFFF  }
tec
execute0_lowered:
.L_overlay_start_1:
0x0: {  	(tag) =	ssettag $0x1  }
0x1: {  	s6 =	rddreg [dreg:$0x0]  }
0x2: {  	s1 =	rddreg [dreg:$0x1]  }
0x3: {  	s2 =	rddreg [dreg:$0x2]  }
0x4: {  	s0 =	rddreg [dreg:$0x3];
	s4 =	simm.s32 $0x0  }
0x5: {  	s3 =	srdreg.scid;
	s9 =	simm.s32 $0x4;
	s10 =	simm.s32 $0x80  }
0x6: {  	s11 =	simm.s32 $0x400;
	s12 =	simm.s32 $0x4400;
	s13 =	simm.s32 $0x100  }
0x7: {  	s14 =	simm.s32 $0x8400;
	s15 =	simm.s32 $0x1;
	s16 =	simm.s32 $0x2  }
0x8: {  	s17 =	simm.s32 $0x3;
	s18 =	simm.s32 $0x0;
	s5 =	sand.u32 $0x1, s3  }
0x9: {  	s3 =	stileid.u32;
	s7 =	ssub.s32 $0x2, s5;
	s5 =	sshll.u32 s5, $0x4  }
0xa: {  	[smem:$0x7FF] =	sst s4;
	s8 =	sshrl.u32 s7, $0x1;
	s5 =	sor.u32 s5, s3  }
0xb: {  	s6 =	sadd.s32 $0x4800, s6;
	s8 =	ssub.s32 s7, s8;
	s31 =	ssub.s32 $0x6F, s5  }
0xc: {  	_ =	strace $0x80000047;
	s7 =	sshrl.u32 s31, $0x5;
	s8 =	smax.u32 s8, $0x1  }
.LBB2_1:
0xd: {  	s19 =	simm.s32 $0x0  }
.LBB2_2:
0xe: {  	s20 =	sshll.u32 s19, $0x5  }
0xf: {  	s20 =	sor.u32 s5, s20  }
0x10: {  	s21 =	sshll.u32 s20, $0x7  }
0x11: {  	s21 =	sand.u32 $0x1FFFFF80, s21  }
0x12: {  	s22 =	simm.s32 $0x0;
	s21 =	sadd.s32 s6, s21  }
0x13: {  	[tilespmem:s22], [sflag:$0x4] =	stream.linear.gather [hbm4b:s21+s22], $0x400, $0x38;
	[tilespmem:$0xC400] =	vst v63  }
0x14: {  	_ =	swait.ge [sflag:s9], $0x400  }
0x15: {  	[sflag:s9] =	ssyncset.done $0x0  }
0x16: {  	[sflag:s9] =	ssyncadd.s32 $0xFFFFFC00  }
0x17: {  	[tilespmem:s11], [sflag:$0x1] =	stream.indirect.gather [hbm4b:s1+s10], $0x80, s22, s10, $0xb8;
	[tilespmem:$0xC400] =	vst v63  }
0x18: {  	_ = 	snop  }
0x19: {  	[tilespmem:s12], [sflag:$0x2] =	stream.indirect.gather [hbm4b:s1+s10], $0x80, s10, s10, $0xb8;
	[tilespmem:$0xC400] =	vst v63  }
0x1a: {  	_ = 	snop  }
0x1b: {  	[tilespmem:s14], [sflag:$0x3] =	stream.indirect.gather [hbm4b:s1+s10], $0x80, s13, s10, $0xb8;
	[tilespmem:$0xC400] =	vst v63  }
0x1c: {  	_ =	swait.ge [sflag:s15], $0x4000  }
0x1d: {  	[sflag:s15] =	ssyncset.done $0x0  }
0x1e: {  	[sflag:s15] =	ssyncadd.s32 $0xFFFFC000  }
0x1f: {  	_ =	swait.ge [sflag:s16], $0x4000  }
0x20: {  	[sflag:s16] =	ssyncset.done $0x0  }
0x21: {  	[sflag:s16] =	ssyncadd.s32 $0xFFFFC000  }
0x22: {  	_ =	swait.ge [sflag:s17], $0x4000  }
0x23: {  	[sflag:s17] =	ssyncset.done $0x0  }
0x24: {  	s21 =	simm.s32 $0x0;
	[sflag:s17] =	ssyncadd.s32 $0xFFFFC000  }
0x25: {  	v5 =	vld [tilespmem:s21+$0x8400]  }
0x26: {  	v4 =	vld [tilespmem:s21+$0x8410]  }
0x27: {  	v3 =	vld [tilespmem:s21+$0x8420]  }
0x28: {  	v2 =	vld [tilespmem:s21+$0x8430]  }
0x29: {  	v1 =	vld [tilespmem:s21+$0x8440]  }
0x2a: {  	v0 =	vld [tilespmem:s21+$0x8450]  }
0x2b: {  	v12 =	vld [tilespmem:s21+$0x4400]  }
0x2c: {  	v17 =	vld [tilespmem:s21+$0x4410]  }
0x2d: {  	v11 =	vld [tilespmem:s21+$0x4420]  }
0x2e: {  	v10 =	vld [tilespmem:s21+$0x4430]  }
0x2f: {  	v9 =	vld [tilespmem:s21+$0x4440]  }
0x30: {  	v8 =	vld [tilespmem:s21+$0x4450]  }
0x31: {  	v7 =	vld [tilespmem:s21+$0x4460]  }
0x32: {  	v6 =	vld [tilespmem:s21+$0x4470]  }
0x33: {  	v18 =	vld [tilespmem:s21+$0x400]  }
0x34: {  	v19 =	vld [tilespmem:s21+$0x410]  }
0x35: {  	v16 =	vld [tilespmem:s21+$0x420]  }
0x36: {  	v15 =	vld [tilespmem:s21+$0x430]  }
0x37: {  	v14 =	vld [tilespmem:s21+$0x440]  }
0x38: {  	v13 =	vld [tilespmem:s21+$0x450];
	v18 =	vadd.f32 v12, v18  }
0x39: {  	s22 =	simm.s32 $0x200;
	v17 =	vadd.f32 v17, v19;
	v12 =	vld [tilespmem:s21+$0x460]  }
.LBB2_3:
0x3a: {  	p0 =	sne.s32 s22, $0xFE00;
	v5 =	vadd.f32 v5, v18;
	v11 =	vadd.f32 v11, v16;
	v16 =	vld [tilespmem:s21+$0x470]  }
0x3b: {  	v4 =	vadd.f32 v4, v17;
	v10 =	vadd.f32 v10, v15;
	v15 =	vld [tilespmem:s21+$0x8460]  }
0x3c: {  	s23 =	sshra.s32 s22, $0x2;
	[tilespmem:s21+$0x400] =	vst v5;
	v3 =	vadd.f32 v3, v11;
	v9 =	vadd.f32 v9, v14;
	v11 =	vld [tilespmem:s21+$0x8470]  }
0x3d: {  	v5 =	vld [tilespmem:s23+$0x8400];
	[tilespmem:s21+$0x410] =	vst v4;
	v2 =	vadd.f32 v2, v10;
	v8 =	vadd.f32 v8, v13  }
0x3e: {  	v4 =	vld [tilespmem:s23+$0x8410];
	[tilespmem:s21+$0x420] =	vst v3;
	v1 =	vadd.f32 v1, v9;
	v7 =	vadd.f32 v7, v12  }
0x3f: {  	v3 =	vld [tilespmem:s23+$0x8420];
	[tilespmem:s21+$0x430] =	vst v2;
	v0 =	vadd.f32 v0, v8;
	v6 =	vadd.f32 v6, v16  }
0x40: {  	v2 =	vld [tilespmem:s23+$0x8430];
	[tilespmem:s21+$0x440] =	vst v1;
	v7 =	vadd.f32 v15, v7  }
0x41: {  	v1 =	vld [tilespmem:s23+$0x8440];
	[tilespmem:s21+$0x450] =	vst v0;
	v6 =	vadd.f32 v11, v6  }
0x42: {  	v0 =	vld [tilespmem:s23+$0x8450];
	[tilespmem:s21+$0x460] =	vst v7  }
0x43: {  	v12 =	vld [tilespmem:s23+$0x4400];
	[tilespmem:s21+$0x470] =	vst v6;
	s21 =	smov.u32 s23  }
0x44: {  	v17 =	vld [tilespmem:s21+$0x4410]  }
0x45: {  	v11 =	vld [tilespmem:s21+$0x4420]  }
0x46: {  	v10 =	vld [tilespmem:s21+$0x4430]  }
0x47: {  	v9 =	vld [tilespmem:s21+$0x4440]  }
0x48: {  	v8 =	vld [tilespmem:s21+$0x4450]  }
0x49: {  	v7 =	vld [tilespmem:s21+$0x4460]  }
0x4a: {  	v6 =	vld [tilespmem:s21+$0x4470]  }
0x4b: {  	v13 =	vld [tilespmem:s21+$0x400]  }
0x4c: {  	v19 =	vld [tilespmem:s21+$0x410]  }
.Ltmp0:
0x4d: {  	v16 =	vld [tilespmem:s21+$0x420];
	(pc) =	sbr.rel @p0 .LBB2_3-.Ltmp0, $4  }
0x4e: {  	v15 =	vld [tilespmem:s21+$0x430]  }
0x4f: {  	v14 =	vld [tilespmem:s21+$0x440]  }
0x50: {  	v18 =	vadd.f32 v12, v13;
	v13 =	vld [tilespmem:s21+$0x450]  }
0x51: {  	s22 =	sadd.s32 $0x200, s22;
	v17 =	vadd.f32 v17, v19;
	v12 =	vld [tilespmem:s21+$0x460]  }
0x52: {  	v5 =	vadd.f32 v5, v18;
	v55 =	vld [tilespmem:s21+$0x470];
	v11 =	vadd.f32 v11, v16  }
0x53: {  	v56 =	vld [tilespmem:s21+$0x8460];
	v4 =	vadd.f32 v4, v17;
	v10 =	vadd.f32 v10, v15  }
0x54: {  	v58 =	vld [tilespmem:s21+$0x8470];
	[tilespmem:s21+$0x400] =	vst v5;
	v3 =	vadd.f32 v3, v11;
	v57 =	vadd.f32 v9, v14  }
0x55: {  	[tilespmem:s21+$0x410] =	vst v4;
	v2 =	vadd.f32 v2, v10;
	v59 =	vadd.f32 v8, v13  }
0x56: {  	[tilespmem:s21+$0x420] =	vst v3;
	v1 =	vadd.f32 v1, v57;
	v60 =	vadd.f32 v7, v12  }
0x57: {  	[tilespmem:s21+$0x430] =	vst v2;
	v0 =	vadd.f32 v0, v59;
	v61 =	vadd.f32 v6, v55  }
0x58: {  	[tilespmem:s21+$0x440] =	vst v1;
	v62 =	vadd.f32 v56, v60  }
0x59: {  	s20 =	sshll.u32 s20, $0xB;
	s19 =	sadd.s32 $0x1, s19;
	[tilespmem:s21+$0x450] =	vst v0;
	v63 =	vadd.f32 v58, v61  }
0x5a: {  	s20 =	sand.u32 $0x1FFFF800, s20;
	p0 =	sne.s32 s19, s7;
	[tilespmem:s21+$0x460] =	vst v62  }
.Ltmp1:
0x5b: {  	s20 =	sadd.s32 s2, s20;
	[tilespmem:s21+$0x470] =	vst v63;
	(pc) =	sbr.rel @p0 .LBB2_2-.Ltmp1, $4  }
0x5c: {  	[hbm4b:s20+s4] =	stream.linear.scatter [tilespmem:s11], [sflag:$0x4], $0x4000, $0x38;
	[tilespmem:$0xC400] =	vst v63  }
0x5d: {  	_ =	swait.ge [sflag:s9], $0x4000  }
0x5e: {  	[sflag:s9] =	ssyncset.done $0x0  }
0x5f: {  	[sflag:s9] =	ssyncadd.s32 $0xFFFFC000  }
0x60: {  	s18 =	sadd.s32 $0x1, s18  }
0x61: {  	p0 =	sne.s32 s18, s8  }
.Ltmp2:
0x62: {  	_ = 	snop;
	(pc) =	sbr.rel @p0 .LBB2_1-.Ltmp2, $1  }
0x63: {  	_ =	sdelay $0x3  }
0x64: {  	_ =	sfence.sel $0x180000  }
0x65: {  	[bflag:$0x0] =	sbarrier.arrive $0xFFFF  }
0x66: {  	p0 =	sne.s32 s3, $0x0;
	_ =	strace $0x90000047  }
0x67: {  	s0 =	sadd.s32 @!p0 $0x100000, s0;
	[bflag:$0x2] =	sbarrier.arrive $0xFFFF  }
0x68: {  	[sflag:s0] =	ssyncadd.tile.s32 @!p0 $0x1;
	_ =	shalt  }
.Lfunc_end2:
_tile_overlayer_lowered:
.L_overlay_start_2:
0x69: {  	(tag) =	ssettag $0x2  }
0x6a: {  	s0 =	rddreg [dreg:$0x0];
	s2 =	stileid.u32  }
0x6b: {  	s1 =	rddreg [dreg:$0x1];
	p0 =	sne.s32 s2, $0x0  }
0x6c: {  	s3 =	rddreg [dreg:$0x2];
	[bflag:$0x3] =	sbarrier.arrive $0xFFFF;
	s2 =	simm.s32 @!p0 $0x1C04  }
0x6d: {  	[timem:s3], [sflag:s2] =	dma.local @!p0 [hbm:s0], s1  }
0x6e: {  	s0 =	simm.s32 @!p0 $0x4  }
0x6f: {  	_ =	swait.ge @!p0 [sflag:s0], s1  }
0x70: {  	s1 =	ssub.s32 @!p0 $0x0, s1;
	[sflag:s0] =	ssyncset.done @!p0 $0x0  }
0x71: {  	[sflag:s0] =	ssyncadd.s32 @!p0 s1  }
0x72: {  	[bflag:$0x3] =	sbarrier.arrive $0xFFFF  }
0x73: {  	_ =	shalt  }

// kernel: kernel.18.cloned.1.call-start
scs
__scs_entry_jumppad:
0x0: {  	(pc) =	sbr.rel $0x88, $3  }
0x1: {  	(tag) =	ssettag $0x0;
	lr =	simm.s32 $0x1  }
0x2: {  	[smem:$0x3F92] =	sst lr;
	_ =	strace $0xD0000000  }
0x3: {  	_ = 	snop  }
0x4: {  	_ = 	snop  }
0x5: {  	_ = 	snop  }
0x6: {  	_ = 	snop  }
0x7: {  	_ = 	snop  }
__scs_overlays_trampoline_lowered:
0x8: {  	[smem:$0x3FA1] =	sst s0  }
0x9: {  	[smem:$0x3FA2] =	sst s1  }
0xa: {  	[smem:$0x3FA3] =	sst s2  }
0xb: {  	[smem:$0x3FA4] =	sst s3  }
0xc: {  	[smem:$0x3FA5] =	sst s4  }
0xd: {  	[smem:$0x3FA6] =	sst s5  }
0xe: {  	[smem:$0x3FA7] =	sst s6  }
0xf: {  	[smem:$0x3FA8] =	sst s7  }
0x10: {  	[smem:$0x3FA9] =	sst s8  }
0x11: {  	[smem:$0x3FAA] =	sst s9;
	s0 =	simm.s32 @!p0 $0x0  }
0x12: {  	s1 =	sld [smem:$0x3F90];
	s0 =	simm.s32 @p0 $0x1  }
0x13: {  	[smem:$0x3FAB] =	sst s0;
	s0 =	simm.s32 @!p1 $0x0  }
0x14: {  	s2 =	sld [smem:$0x3F8F];
	s0 =	simm.s32 @p1 $0x1  }
0x15: {  	[smem:$0x3FAC] =	sst s0;
	s0 =	simm.s32 @!p2 $0x0  }
0x16: {  	s3 =	sld [smem:$0x3FDB];
	s0 =	simm.s32 @p2 $0x1  }
0x17: {  	s4 =	simm.s32 $0x1BF5;
	[smem:$0x3FAE] =	sst s0  }
0x18: {  	s0 =	sld [smem:$0x3F91];
	_ =	swait.ge [sflag:s4], $0x0  }
0x19: {  	s7 =	sld [smem:$0x3F92]  }
0x1a: {  	s8 =	sadd.s32 $0xFFFFE003, lr  }
0x1b: {  	s9 =	sadd.s32 $0xFFFFFEF7, lr;
	s5 =	simm.s32 $0xFFFFFFFF;
	p2 =	slt.u32 s8, $0xFFFFF086  }
0x1c: {  	p1 =	slt.u32 s9, $0xF7A;
	s5 =	simm.s32 @!p2 $0x0  }
0x1d: {  	s5 =	simm.s32 @p1 $0x1;
	p0 =	seq.s32 s7, s2  }
0x1e: {  	s7 =	smul.u32 @!p0 $0xF7A, s2;
	p2 =	seq.s32 @!p0 s5, $0x0  }
0x1f: {  	s9 =	smul.u32 $0xF7A, s1;
	s8 =	simm.s32 @!p0 $0x1BF5;
	p2 =	por !p2, p0  }
0x20: {  	[sflag:s8] =	ssyncset.s32 @!p0 $0xFFFFF086;
	s6 =	sadd.s32 @!p0 s3, s7;
	s7 =	simm.s32 @!p0 $0x108  }
0x21: {  	s3 =	sadd.s32 s3, s9;
	s6 =	sadd.s32 @!p0 $0x88, s6;
	s7 =	simm.s32 @p2 $0x1082  }
0x22: {  	[simem:s7], [sflag:s8] =	dma.local @!p0 [hbm:s6], $0xF7A  }
0x23: {  	s9 =	sor.u32 $0xD0000000, s2;
	s6 =	simm.s32 $0x108;
	_ =	swait.ge @!p0 [sflag:s8], $0x0  }
0x24: {  	s3 =	sadd.s32 $0x88, s3;
	s6 =	simm.s32 @!p1 $0x1082;
	[sflag:s4] =	ssyncset.s32 $0xFFFFF086  }
0x25: {  	[simem:s6], [sflag:s4] =	dma.local [hbm:s3], $0xF7A  }
0x26: {  	[smem:$0x3F92] =	sst s1;
	(tag) =	ssettag s2;
	_ =	strace s9  }
0x27: {  	s1 =	sld [smem:$0x3FA2]  }
0x28: {  	s2 =	sld [smem:$0x3FA3]  }
0x29: {  	s4 =	sld [smem:$0x3FA5]  }
0x2a: {  	p0 =	seq.s32 s5, $0x0;
	s5 =	sld [smem:$0x3FA6]  }
0x2b: {  	s6 =	sld [smem:$0x3FA7]  }
0x2c: {  	s7 =	sld [smem:$0x3FA8]  }
0x2d: {  	s3 =	simm.s32 $0x108;
	s8 =	sld [smem:$0x3FA9]  }
0x2e: {  	s3 =	simm.s32 @!p0 $0x1082;
	s9 =	sld [smem:$0x3FAA]  }
0x2f: {  	lr =	sadd.s32 s0, s3;
	s0 =	sld [smem:$0x3FA1]  }
0x30: {  	s3 =	sld [smem:$0x3FA4]  }
0x31: {  	[smem:$0x3FAD] =	sst s10  }
0x32: {  	s10 =	sld [smem:$0x3FAB];
	_ =	sdelay $0x3  }
0x33: {  	p0 =	seq.s32 s10, $0x1;
	s10 =	sld [smem:$0x3FAD];
	_ =	sdelay $0x3  }
0x34: {  	[smem:$0x3FAD] =	sst s10  }
0x35: {  	s10 =	sld [smem:$0x3FAC];
	_ =	sdelay $0x3  }
0x36: {  	p1 =	seq.s32 s10, $0x1;
	s10 =	sld [smem:$0x3FAD];
	_ =	sdelay $0x3  }
0x37: {  	[smem:$0x3FAD] =	sst s10  }
0x38: {  	s10 =	sld [smem:$0x3FAE]  }
0x39: {  	_ = 	snop;
	(pc) =	sbr.ind lr, $3  }
0x3a: {  	_ = 	snop  }
0x3b: {  	_ = 	snop  }
0x3c: {  	p2 =	seq.s32 s10, $0x1;
	s10 =	sld [smem:$0x3FAD]  }
0x3d: {  	_ =	shalt  }
0x3e: {  	_ =	shalt  }
0x3f: {  	_ =	shalt  }
0x40: {  	_ =	shalt  }
0x41: {  	_ =	shalt  }
0x42: {  	_ =	shalt  }
0x43: {  	_ =	shalt  }
0x44: {  	_ =	shalt  }
0x45: {  	_ =	shalt  }
0x46: {  	_ =	shalt  }
0x47: {  	_ =	shalt  }
0x48: {  	_ =	shalt  }
0x49: {  	_ =	shalt  }
0x4a: {  	_ =	shalt  }
0x4b: {  	_ =	shalt  }
0x4c: {  	_ =	shalt  }
0x4d: {  	_ =	shalt  }
0x4e: {  	_ =	shalt  }
0x4f: {  	_ =	shalt  }
0x50: {  	_ =	shalt  }
0x51: {  	_ =	shalt  }
0x52: {  	_ =	shalt  }
0x53: {  	_ =	shalt  }
0x54: {  	_ =	shalt  }
0x55: {  	_ =	shalt  }
0x56: {  	_ =	shalt  }
0x57: {  	_ =	shalt  }
0x58: {  	_ =	shalt  }
0x59: {  	_ =	shalt  }
0x5a: {  	_ =	shalt  }
0x5b: {  	_ =	shalt  }
0x5c: {  	_ =	shalt  }
0x5d: {  	_ =	shalt  }
0x5e: {  	_ =	shalt  }
0x5f: {  	_ =	shalt  }
0x60: {  	_ =	shalt  }
0x61: {  	_ =	shalt  }
0x62: {  	_ =	shalt  }
0x63: {  	_ =	shalt  }
0x64: {  	_ =	shalt  }
0x65: {  	_ =	shalt  }
0x66: {  	_ =	shalt  }
0x67: {  	_ =	shalt  }
0x68: {  	_ =	shalt  }
0x69: {  	_ =	shalt  }
0x6a: {  	_ =	shalt  }
0x6b: {  	_ =	shalt  }
0x6c: {  	_ =	shalt  }
0x6d: {  	_ =	shalt  }
0x6e: {  	_ =	shalt  }
0x6f: {  	_ =	shalt  }
0x70: {  	_ =	shalt  }
0x71: {  	_ =	shalt  }
0x72: {  	_ =	shalt  }
0x73: {  	_ =	shalt  }
0x74: {  	_ =	shalt  }
0x75: {  	_ =	shalt  }
0x76: {  	_ =	shalt  }
0x77: {  	_ =	shalt  }
0x78: {  	_ =	shalt  }
0x79: {  	_ =	shalt  }
0x7a: {  	_ =	shalt  }
0x7b: {  	_ =	shalt  }
0x7c: {  	_ =	shalt  }
0x7d: {  	_ =	shalt  }
0x7e: {  	_ =	shalt  }
0x7f: {  	_ =	shalt  }
0x80: {  	_ =	shalt  }
0x81: {  	_ =	shalt  }
0x82: {  	_ =	shalt  }
0x83: {  	_ =	shalt  }
0x84: {  	_ =	shalt  }
0x85: {  	_ =	shalt  }
0x86: {  	_ =	shalt  }
0x87: {  	_ =	shalt  }
.Lfunc_end0:
.L_simem_size_0:
called_computation.1_lowered:
.L_overlay_start_0:
0x88: {  	s2 =	sld [smem:$0x3FD9]  }
0x89: {  	s3 =	sld [smem:$0x3FFE];
	_ =	sdelay $0x1  }
0x8a: {  	s1 =	srdreg.scid  }
0x8b: {  	s0 =	sand.u32 $0x1, s1  }
0x8c: {  	s15 =	sshll.u32 s0, $0xA;
	s2 =	sadd.s32 s3, s2  }
0x8d: {  	s2 =	sadd.s32 s2, s15  }
0x8e: {  	[smem:$0x3FB9] =	sst s2  }
0x8f: {  	_ = 	snop  }
0x90: {  	s2 =	sld [smem:$0x3FD0];
	_ =	sdelay $0x2  }
0x91: {  	s16 =	simm.s32 $0xB;
	s4 =	simm.s32 $0x10  }
0x92: {  	[smem:s4], [sflag:s16] =	dma.local [hbm:s2], $0x1  }
0x93: {  	_ =	swait.eq [sflag:s16], $0x1  }
0x94: {  	[sflag:s16] =	ssyncset.done $0x0  }
0x95: {  	[sflag:s16] =	ssyncadd.s32 $0xFFFFFFFF  }
0x96: {  	s17 =	sld [smem:$0x11];
	(tm) =	ssettm $0x1  }
0x97: {  	s18 =	sld [smem:$0x3FFB];
	_ =	sdelay $0x3  }
0x98: {  	_ =	strace s18  }
0x99: {  	s2 =	sld [smem:$0x3FFC];
	_ =	sdelay $0x3  }
0x9a: {  	_ =	strace s2  }
0x9b: {  	s2 =	sld [smem:$0x3FFD];
	_ =	sdelay $0x3  }
0x9c: {  	_ =	strace s2  }
0x9d: {  	_ =	strace $0x8FFFFFFF  }
0x9e: {  	s19 =	sld [smem:$0x3FDB];
	_ =	sdelay $0x1  }
0x9f: {  	s20 =	simm.s32 $_scs_section_size  }
0xa0: {  	s5 =	simm.s32 $_size__tile_overlayer_lowered;
	s6 =	simm.s32 $_tile_overlayer_lowered  }
0xa1: {  	s7 =	simm.s32 $0x1BFF;
	s21 =	sshll.u32 s6, $0x1;
	s4 =	sadd.s32 s20, s19  }
0xa2: {  	s22 =	simm.s32 $0x0;
	s5 =	sshll.u32 s5, $0x1;
	s6 =	sadd.s32 s21, s4  }
0xa3: {  	[timem:s22], [sflag:s7] =	dma.local [hbm:s6], s5  }
0xa4: {  	_ =	swait.ge [sflag:s7], s5  }
0xa5: {  	s5 =	ssub.s32 $0x0, s5;
	[sflag:s7] =	ssyncset.done $0x0  }
0xa6: {  	[sflag:s7] =	ssyncadd.s32 s5;
	_ =	sdelay $0x1  }
0xa7: {  	s23 =	simm.s32 $0x1B8B  }
0xa8: {  	_ =	swait.ge [sflag:s23], $0x1  }
0xa9: {  	[sflag:s23] =	ssyncset.done $0x0  }
0xaa: {  	[sflag:s23] =	ssyncadd.s32 $0xFFFFFFFF  }
0xab: {  	s5 =	sld [smem:$0x0]  }
0xac: {  	s6 =	sand.u32 $0xFFFFFFFE, s1  }
0xad: {  	p0 =	sne.s32 s1, s6  }
0xae: {  	s6 =	sshll.u32 @p0 s6, $0xE  }
0xaf: {  	s6 =	sadd.s32 @p0 $0x11B8D, s6;
	s7 =	sshll.u32 @p0 s5, $0x11  }
0xb0: {  	s6 =	sor.u32 @p0 s7, s6  }
0xb1: {  	[sflag:s6] =	ssyncadd.remote.s32 @p0 $0x1;
	_ =	sdelay $0x1  }
0xb2: {  	s6 =	simm.s32 @p0 $0x1B8D  }
0xb3: {  	_ =	swait.eq @p0 [sflag:s6], $0x1  }
0xb4: {  	[sflag:s6] =	ssyncadd.s32 @p0 $0xFFFFFFFF  }
0xb5: {  	s7 =	sshll.u32 @!p0 s1, $0xE  }
0xb6: {  	s7 =	sor.u32 @!p0 $0x4000, s7;
	s6 =	simm.s32 @!p0 $0x1B8D  }
0xb7: {  	s5 =	sshll.u32 @!p0 s5, $0x11;
	s7 =	sadd.s32 @!p0 $0x11B8D, s7;
	_ =	swait.eq @!p0 [sflag:s6], $0x1  }
0xb8: {  	s5 =	sor.u32 @!p0 s5, s7;
	[sflag:s6] =	ssyncadd.s32 @!p0 $0xFFFFFFFF  }
0xb9: {  	s25 =	simm.s32 $0x1B8E;
	s24 =	sld [smem:$0x3FFE];
	[sflag:s5] =	ssyncadd.remote.s32 @!p0 $0x1  }
0xba: {  	s26 =	simm.s32 $execute0_lowered;
	[smem:$0x3FD2] =	sst s25  }
0xbb: {  	s6 =	sshll.u32 s26, $0x1;
	_ =	strace $0x80000049;
	[dreg:$0x1] =	wrdreg $0xFFFFFFFF  }
0xbc: {  	s28 =	simm.s32 $_size_execute0_lowered;
	s4 =	sadd.s32 s4, s6;
	[dreg:$0x0] =	wrdreg $0x0  }
0xbd: {  	s6 =	sshll.u32 s28, $0x1;
	[dreg:$0x2] =	wrdreg s4  }
0xbe: {  	[dreg:$0x3] =	wrdreg s6  }
0xbf: {  	[dreg:$0x4] =	wrdreg $0xC0  }
0xc0: {  	_ =	task [dreg:s22], $0x5FFFF  }
0xc1: {  	[dreg:$0x1] =	wrdreg $0xFFFFFFFF  }
0xc2: {  	[dreg:$0x0] =	wrdreg $0x60  }
0xc3: {  	[dreg:$0x2] =	wrdreg s24  }
0xc4: {  	[dreg:$0x3] =	wrdreg s17  }
0xc5: {  	[dreg:$0x4] =	wrdreg $0x0  }
0xc6: {  	[dreg:$0x5] =	wrdreg $0x9  }
0xc7: {  	_ =	task.clear_ibuf [dreg:s22], $0x6FFFF;
	_ =	strace $0x90000049  }
0xc8: {  	s29 =	simm.s32 $0x9;
	_ =	strace $0x8000004B  }
0xc9: {  	_ =	swait.ge [sflag:s29], $0x1  }
0xca: {  	[sflag:s29] =	ssyncadd.s32 $0xFFFFFFFF  }
0xcb: {  	_ =	strace $0x9000004B  }
0xcc: {  	_ =	sfence  }
0xcd: {  	s30 =	sld [smem:$0x0];
	_ =	sdelay $0x2  }
0xce: {  	s31 =	sshll.u32 s1, $0xD;
	s1 =	sshrl.u32 s1, $0x2  }
0xcf: {  	s4 =	sand.u32 $0x4000, s31;
	s1 =	sadd.s32 s1, s30  }
0xd0: {  	s0 =	sor.u32 s4, s0;
	s1 =	sshll.u32 s1, $0x11  }
0xd1: {  	s0 =	sor.u32 s1, s0  }
0xd2: {  	s0 =	sadd.s32 $0x8F2B, s0  }
0xd3: {  	[sflag:s0] =	ssyncadd.remote.s32 $0x1  }
0xd4: {  	_ =	sfence.sel $0xFFFF  }
0xd5: {  	[dreg:$0x0] =	wrdreg $0xFFFFFFFF;
	(pc) =	sbr.abs _section_cstart, $3  }
0xd6: {  	[dreg:$0x1] =	wrdreg $0xFFFFFFFF  }
0xd7: {  	_ =	task.clear_ibuf [dreg:s22], $0x2FFFF;
	_ =	strace $0x9FFFFFFF  }
0xd8: {  	(tm) =	ssettm $0x7FFFFFFF  }
0xd9: {  	_ =	shalt  }
tec
execute0_lowered:
.L_overlay_start_1:
0x0: {  	(tag) =	ssettag $0x1  }
0x1: {  	s0 =	srdreg.scid  }
0x2: {  	s1 =	rddreg [dreg:$0x0];
	s8 =	stileid.u32  }
0x3: {  	s3 =	rddreg [dreg:$0x1];
	s6 =	simm.s32 $0x0;
	s12 =	simm.s32 $0x2800  }
0x4: {  	s13 =	simm.s32 $0x3C00;
	s14 =	simm.s32 $0x2;
	s15 =	simm.s32 $0x1  }
0x5: {  	s16 =	simm.s32 $0x80;
	s29 =	simm.s32 $0x3580;
	s30 =	simm.s32 $0x3600  }
0x6: {  	s31 =	simm.s32 $0x3680;
	s17 =	simm.s32 $0x3880;
	s18 =	simm.s32 $0x3900  }
0x7: {  	s19 =	simm.s32 $0x3980;
	s20 =	simm.s32 $0x3A00;
	s21 =	simm.s32 $0x3A80  }
0x8: {  	s22 =	simm.s32 $0x3B00;
	s23 =	simm.s32 $0x3B80;
	s0 =	sand.u32 $0x1, s0  }
0x9: {  	[smem:$0x7FF] =	sst s6;
	s7 =	smul.u32 $0x2800, s8;
	s2 =	sshll.u32 s0, $0x4  }
0xa: {  	s5 =	smul.u32 $0x28000, s0;
	s0 =	ssub.s32 $0x2, s0;
	s4 =	sor.u32 s8, s2  }
0xb: {  	s2 =	rddreg [dreg:$0x2];
	s24 =	sshrl.u32 s0, $0x1;
	s8 =	smul.u32 $0xA000, s8  }
0xc: {  	_ =	strace $0x8000004A;
	s4 =	smul.u32 $0x280, s4;
	s0 =	ssub.s32 s0, s24  }
0xd: {  	s5 =	sadd.s32 s7, s5;
	s28 =	sadd.s32 s7, s2;
	s24 =	simm.s32 $0x0  }
0xe: {  	s25 =	sshrl.u32 s8, $0x2;
	s26 =	sshrl.u32 s5, $0x3;
	s7 =	smax.u32 s0, $0x1  }
0xf: {  	s0 =	simm.s32 $0x3800;
	s1 =	sadd.s32 s4, s1;
	s5 =	sadd.s32 s25, s2  }
0x10: {  	s6 =	sadd.s32 s3, s26;
	s25 =	sshrl.u32 s28, $0x3;
	s3 =	simm.s32 $0x3780  }
0x11: {  	s4 =	sadd.s32 $0x11000, s1;
	s8 =	sadd.s32 $0x800, s5;
	s9 =	sadd.s32 $0x1000, s5  }
0x12: {  	v0 =	vimm.f32 $0.0e+00;
	v1 =	vimm.f32 $1.000000000e+00;
	s10 =	sadd.s32 $0x1800, s5;
	s11 =	sadd.s32 $0x2000, s5;
	s1 =	simm.s32 $0x3700  }
.LBB2_1:
0x13: {  	s26 =	simm.s32 $0x0  }
0x14: {  	[tilespmem:s12], [sflag:$0x1] =	stream.linear.gather [hbm4b:s4+s26], $0x1400, $0x38;
	[tilespmem:$0x4400] =	vst v63  }
0x15: {  	s28 =	simm.s32 $0x0;
	s26 =	simm.s32 $0x40  }
.LBB2_2:
0x16: {  	p0 =	sne.s32 s26, $0x1FC0;
	[tilespmem:s28+$0x3C00] =	vst v0;
	s28 =	smov.u32 s26;
	s26 =	sadd.s32 $0x40, s26  }
.Ltmp0:
0x17: {  	(pc) =	sbr.rel @p0 .LBB2_2-.Ltmp0, $2  }
0x18: {  	_ =	sdelay $0x2  }
0x19: {  	s28 =	sshra.s32 s28, $0x2  }
0x1a: {  	[tilespmem:s28+$0x3C00] =	vst v0  }
0x1b: {  	[spmem:s5] =	stream.linear.scatter [tilespmem:s13], [sflag:$0x2], $0x800, $0x38;
	[tilespmem:$0x4400] =	vst v63  }
0x1c: {  	_ =	swait.ge [sflag:s14], $0x800  }
0x1d: {  	[sflag:s14] =	ssyncset.done $0x0  }
0x1e: {  	[sflag:s14] =	ssyncadd.s32 $0xFFFFF800  }
0x1f: {  	[spmem:s8] =	stream.linear.scatter [tilespmem:s13], [sflag:$0x2], $0x800, $0x38;
	[tilespmem:$0x4400] =	vst v63  }
0x20: {  	_ =	swait.ge [sflag:s14], $0x800  }
0x21: {  	[sflag:s14] =	ssyncset.done $0x0  }
0x22: {  	[sflag:s14] =	ssyncadd.s32 $0xFFFFF800  }
0x23: {  	[spmem:s9] =	stream.linear.scatter [tilespmem:s13], [sflag:$0x2], $0x800, $0x38;
	[tilespmem:$0x4400] =	vst v63  }
0x24: {  	_ =	swait.ge [sflag:s14], $0x800  }
0x25: {  	[sflag:s14] =	ssyncset.done $0x0  }
0x26: {  	[sflag:s14] =	ssyncadd.s32 $0xFFFFF800  }
0x27: {  	[spmem:s10] =	stream.linear.scatter [tilespmem:s13], [sflag:$0x2], $0x800, $0x38;
	[tilespmem:$0x4400] =	vst v63  }
0x28: {  	_ =	swait.ge [sflag:s14], $0x800  }
0x29: {  	[sflag:s14] =	ssyncset.done $0x0  }
0x2a: {  	[sflag:s14] =	ssyncadd.s32 $0xFFFFF800  }
0x2b: {  	[spmem:s11] =	stream.linear.scatter [tilespmem:s13], [sflag:$0x2], $0x800, $0x38;
	[tilespmem:$0x4400] =	vst v63  }
0x2c: {  	_ =	swait.ge [sflag:s14], $0x800  }
0x2d: {  	[sflag:s14] =	ssyncset.done $0x0  }
0x2e: {  	s26 =	simm.s32 $0x40;
	s28 =	simm.s32 $0x0;
	[sflag:s14] =	ssyncadd.s32 $0xFFFFF800  }
.LBB2_4:
0x2f: {  	p0 =	sne.s32 s26, $0x1FC0;
	[tilespmem:s28+$0x3C00] =	vst v1;
	s28 =	smov.u32 s26;
	s26 =	sadd.s32 $0x40, s26  }
.Ltmp1:
0x30: {  	(pc) =	sbr.rel @p0 .LBB2_4-.Ltmp1, $2  }
0x31: {  	_ =	sdelay $0x2  }
0x32: {  	s28 =	sshra.s32 s28, $0x2  }
0x33: {  	[tilespmem:s28+$0x3C00] =	vst v1  }
0x34: {  	_ =	swait.ge [sflag:s15], $0x1400  }
0x35: {  	[sflag:s15] =	ssyncset.done $0x0  }
0x36: {  	[sflag:s15] =	ssyncadd.s32 $0xFFFFEC00  }
0x37: {  	[bflag:$0x0] =	sbarrier.arrive $0xFFFF  }
0x38: {  	[spmem:s2] =	stream.indirect.scatter.add.f32 [tilespmem:s13], [sflag:$0x1], $0x10, s12, s16, $0xb8;
	[tilespmem:$0x4400] =	vst v63  }
0x39: {  	s26 =	simm.s32 $0x2880  }
0x3a: {  	[spmem:s2] =	stream.indirect.scatter.add.f32 [tilespmem:s13], [sflag:$0x1], $0x10, s26, s16, $0xb8;
	[tilespmem:$0x4400] =	vst v63  }
0x3b: {  	s28 =	simm.s32 $0x2900  }
0x3c: {  	[spmem:s2] =	stream.indirect.scatter.add.f32 [tilespmem:s13], [sflag:$0x1], $0x10, s28, s16, $0xb8;
	[tilespmem:$0x4400] =	vst v63  }
0x3d: {  	s28 =	simm.s32 $0x2980  }
0x3e: {  	[spmem:s2] =	stream.indirect.scatter.add.f32 [tilespmem:s13], [sflag:$0x1], $0x10, s28, s16, $0xb8;
	[tilespmem:$0x4400] =	vst v63  }
0x3f: {  	_ =	swait.ge [sflag:s15], $0x800  }
0x40: {  	[sflag:s15] =	ssyncset.done $0x0  }
0x41: {  	[sflag:s15] =	ssyncadd.s32 $0xFFFFF800  }
0x42: {  	_ =	swait.ge [sflag:s15], $0x800  }
0x43: {  	[sflag:s15] =	ssyncset.done $0x0  }
0x44: {  	[sflag:s15] =	ssyncadd.s32 $0xFFFFF800  }
0x45: {  	_ =	swait.ge [sflag:s15], $0x800  }
0x46: {  	[sflag:s15] =	ssyncset.done $0x0  }
0x47: {  	[sflag:s15] =	ssyncadd.s32 $0xFFFFF800  }
0x48: {  	_ =	swait.ge [sflag:s15], $0x800  }
0x49: {  	[sflag:s15] =	ssyncset.done $0x0  }
0x4a: {  	s28 =	simm.s32 $0x2A00;
	[sflag:s15] =	ssyncadd.s32 $0xFFFFF800  }
0x4b: {  	[spmem:s2] =	stream.indirect.scatter.add.f32 [tilespmem:s13], [sflag:$0x1], $0x10, s28, s16, $0xb8;
	[tilespmem:$0x4400] =	vst v63  }
0x4c: {  	s28 =	simm.s32 $0x2A80  }
0x4d: {  	[spmem:s2] =	stream.indirect.scatter.add.f32 [tilespmem:s13], [sflag:$0x1], $0x10, s28, s16, $0xb8;
	[tilespmem:$0x4400] =	vst v63  }
0x4e: {  	s28 =	simm.s32 $0x2B00  }
0x4f: {  	[spmem:s2] =	stream.indirect.scatter.add.f32 [tilespmem:s13], [sflag:$0x1], $0x10, s28, s16, $0xb8;
	[tilespmem:$0x4400] =	vst v63  }
0x50: {  	s28 =	simm.s32 $0x2B80  }
0x51: {  	[spmem:s2] =	stream.indirect.scatter.add.f32 [tilespmem:s13], [sflag:$0x1], $0x10, s28, s16, $0xb8;
	[tilespmem:$0x4400] =	vst v63  }
0x52: {  	_ =	swait.ge [sflag:s15], $0x800  }
0x53: {  	[sflag:s15] =	ssyncset.done $0x0  }
0x54: {  	[sflag:s15] =	ssyncadd.s32 $0xFFFFF800  }
0x55: {  	_ =	swait.ge [sflag:s15], $0x800  }
0x56: {  	[sflag:s15] =	ssyncset.done $0x0  }
0x57: {  	[sflag:s15] =	ssyncadd.s32 $0xFFFFF800  }
0x58: {  	_ =	swait.ge [sflag:s15], $0x800  }
0x59: {  	[sflag:s15] =	ssyncset.done $0x0  }
0x5a: {  	[sflag:s15] =	ssyncadd.s32 $0xFFFFF800  }
0x5b: {  	_ =	swait.ge [sflag:s15], $0x800  }
0x5c: {  	[sflag:s15] =	ssyncset.done $0x0  }
0x5d: {  	s28 =	simm.s32 $0x2C00;
	[sflag:s15] =	ssyncadd.s32 $0xFFFFF800  }
0x5e: {  	[spmem:s2] =	stream.indirect.scatter.add.f32 [tilespmem:s13], [sflag:$0x1], $0x10, s28, s16, $0xb8;
	[tilespmem:$0x4400] =	vst v63  }
0x5f: {  	s28 =	simm.s32 $0x2C80  }
0x60: {  	[spmem:s2] =	stream.indirect.scatter.add.f32 [tilespmem:s13], [sflag:$0x1], $0x10, s28, s16, $0xb8;
	[tilespmem:$0x4400] =	vst v63  }
0x61: {  	s28 =	simm.s32 $0x2D00  }
0x62: {  	[spmem:s2] =	stream.indirect.scatter.add.f32 [tilespmem:s13], [sflag:$0x1], $0x10, s28, s16, $0xb8;
	[tilespmem:$0x4400] =	vst v63  }
0x63: {  	s28 =	simm.s32 $0x2D80  }
0x64: {  	[spmem:s2] =	stream.indirect.scatter.add.f32 [tilespmem:s13], [sflag:$0x1], $0x10, s28, s16, $0xb8;
	[tilespmem:$0x4400] =	vst v63  }
0x65: {  	_ =	swait.ge [sflag:s15], $0x800  }
0x66: {  	[sflag:s15] =	ssyncset.done $0x0  }
0x67: {  	[sflag:s15] =	ssyncadd.s32 $0xFFFFF800  }
0x68: {  	_ =	swait.ge [sflag:s15], $0x800  }
0x69: {  	[sflag:s15] =	ssyncset.done $0x0  }
0x6a: {  	[sflag:s15] =	ssyncadd.s32 $0xFFFFF800  }
0x6b: {  	_ =	swait.ge [sflag:s15], $0x800  }
0x6c: {  	[sflag:s15] =	ssyncset.done $0x0  }
0x6d: {  	[sflag:s15] =	ssyncadd.s32 $0xFFFFF800  }
0x6e: {  	_ =	swait.ge [sflag:s15], $0x800  }
0x6f: {  	[sflag:s15] =	ssyncset.done $0x0  }
0x70: {  	s28 =	simm.s32 $0x2E00;
	[sflag:s15] =	ssyncadd.s32 $0xFFFFF800  }
0x71: {  	[spmem:s2] =	stream.indirect.scatter.add.f32 [tilespmem:s13], [sflag:$0x1], $0x10, s28, s16, $0xb8;
	[tilespmem:$0x4400] =	vst v63  }
0x72: {  	s28 =	simm.s32 $0x2E80  }
0x73: {  	[spmem:s2] =	stream.indirect.scatter.add.f32 [tilespmem:s13], [sflag:$0x1], $0x10, s28, s16, $0xb8;
	[tilespmem:$0x4400] =	vst v63  }
0x74: {  	s28 =	simm.s32 $0x2F00  }
0x75: {  	[spmem:s2] =	stream.indirect.scatter.add.f32 [tilespmem:s13], [sflag:$0x1], $0x10, s28, s16, $0xb8;
	[tilespmem:$0x4400] =	vst v63  }
0x76: {  	s28 =	simm.s32 $0x2F80  }
0x77: {  	[spmem:s2] =	stream.indirect.scatter.add.f32 [tilespmem:s13], [sflag:$0x1], $0x10, s28, s16, $0xb8;
	[tilespmem:$0x4400] =	vst v63  }
0x78: {  	_ =	swait.ge [sflag:s15], $0x800  }
0x79: {  	[sflag:s15] =	ssyncset.done $0x0  }
0x7a: {  	[sflag:s15] =	ssyncadd.s32 $0xFFFFF800  }
0x7b: {  	_ =	swait.ge [sflag:s15], $0x800  }
0x7c: {  	[sflag:s15] =	ssyncset.done $0x0  }
0x7d: {  	[sflag:s15] =	ssyncadd.s32 $0xFFFFF800  }
0x7e: {  	_ =	swait.ge [sflag:s15], $0x800  }
0x7f: {  	[sflag:s15] =	ssyncset.done $0x0  }
0x80: {  	[sflag:s15] =	ssyncadd.s32 $0xFFFFF800  }
0x81: {  	_ =	swait.ge [sflag:s15], $0x800  }
0x82: {  	[sflag:s15] =	ssyncset.done $0x0  }
0x83: {  	s28 =	simm.s32 $0x3000;
	[sflag:s15] =	ssyncadd.s32 $0xFFFFF800  }
0x84: {  	[spmem:s2] =	stream.indirect.scatter.add.f32 [tilespmem:s13], [sflag:$0x1], $0x10, s28, s16, $0xb8;
	[tilespmem:$0x4400] =	vst v63  }
0x85: {  	s28 =	simm.s32 $0x3080  }
0x86: {  	[spmem:s2] =	stream.indirect.scatter.add.f32 [tilespmem:s13], [sflag:$0x1], $0x10, s28, s16, $0xb8;
	[tilespmem:$0x4400] =	vst v63  }
0x87: {  	s28 =	simm.s32 $0x3100  }
0x88: {  	[spmem:s2] =	stream.indirect.scatter.add.f32 [tilespmem:s13], [sflag:$0x1], $0x10, s28, s16, $0xb8;
	[tilespmem:$0x4400] =	vst v63  }
0x89: {  	s28 =	simm.s32 $0x3180  }
0x8a: {  	[spmem:s2] =	stream.indirect.scatter.add.f32 [tilespmem:s13], [sflag:$0x1], $0x10, s28, s16, $0xb8;
	[tilespmem:$0x4400] =	vst v63  }
0x8b: {  	_ =	swait.ge [sflag:s15], $0x800  }
0x8c: {  	[sflag:s15] =	ssyncset.done $0x0  }
0x8d: {  	[sflag:s15] =	ssyncadd.s32 $0xFFFFF800  }
0x8e: {  	_ =	swait.ge [sflag:s15], $0x800  }
0x8f: {  	[sflag:s15] =	ssyncset.done $0x0  }
0x90: {  	[sflag:s15] =	ssyncadd.s32 $0xFFFFF800  }
0x91: {  	_ =	swait.ge [sflag:s15], $0x800  }
0x92: {  	[sflag:s15] =	ssyncset.done $0x0  }
0x93: {  	[sflag:s15] =	ssyncadd.s32 $0xFFFFF800  }
0x94: {  	_ =	swait.ge [sflag:s15], $0x800  }
0x95: {  	[sflag:s15] =	ssyncset.done $0x0  }
0x96: {  	s28 =	simm.s32 $0x3200;
	[sflag:s15] =	ssyncadd.s32 $0xFFFFF800  }
0x97: {  	[spmem:s2] =	stream.indirect.scatter.add.f32 [tilespmem:s13], [sflag:$0x1], $0x10, s28, s16, $0xb8;
	[tilespmem:$0x4400] =	vst v63  }
0x98: {  	s28 =	simm.s32 $0x3280  }
0x99: {  	[spmem:s2] =	stream.indirect.scatter.add.f32 [tilespmem:s13], [sflag:$0x1], $0x10, s28, s16, $0xb8;
	[tilespmem:$0x4400] =	vst v63  }
0x9a: {  	s28 =	simm.s32 $0x3300  }
0x9b: {  	[spmem:s2] =	stream.indirect.scatter.add.f32 [tilespmem:s13], [sflag:$0x1], $0x10, s28, s16, $0xb8;
	[tilespmem:$0x4400] =	vst v63  }
0x9c: {  	s28 =	simm.s32 $0x3380  }
0x9d: {  	[spmem:s2] =	stream.indirect.scatter.add.f32 [tilespmem:s13], [sflag:$0x1], $0x10, s28, s16, $0xb8;
	[tilespmem:$0x4400] =	vst v63  }
0x9e: {  	_ =	swait.ge [sflag:s15], $0x800  }
0x9f: {  	[sflag:s15] =	ssyncset.done $0x0  }
0xa0: {  	[sflag:s15] =	ssyncadd.s32 $0xFFFFF800  }
0xa1: {  	_ =	swait.ge [sflag:s15], $0x800  }
0xa2: {  	[sflag:s15] =	ssyncset.done $0x0  }
0xa3: {  	[sflag:s15] =	ssyncadd.s32 $0xFFFFF800  }
0xa4: {  	_ =	swait.ge [sflag:s15], $0x800  }
0xa5: {  	[sflag:s15] =	ssyncset.done $0x0  }
0xa6: {  	[sflag:s15] =	ssyncadd.s32 $0xFFFFF800  }
0xa7: {  	_ =	swait.ge [sflag:s15], $0x800  }
0xa8: {  	[sflag:s15] =	ssyncset.done $0x0  }
0xa9: {  	s28 =	simm.s32 $0x3400;
	[sflag:s15] =	ssyncadd.s32 $0xFFFFF800  }
0xaa: {  	[spmem:s2] =	stream.indirect.scatter.add.f32 [tilespmem:s13], [sflag:$0x1], $0x10, s28, s16, $0xb8;
	[tilespmem:$0x4400] =	vst v63  }
0xab: {  	s28 =	simm.s32 $0x3480  }
0xac: {  	[spmem:s2] =	stream.indirect.scatter.add.f32 [tilespmem:s13], [sflag:$0x1], $0x10, s28, s16, $0xb8;
	[tilespmem:$0x4400] =	vst v63  }
0xad: {  	s28 =	simm.s32 $0x3500  }
0xae: {  	[spmem:s2] =	stream.indirect.scatter.add.f32 [tilespmem:s13], [sflag:$0x1], $0x10, s28, s16, $0xb8;
	[tilespmem:$0x4400] =	vst v63  }
0xaf: {  	_ = 	snop  }
0xb0: {  	[spmem:s2] =	stream.indirect.scatter.add.f32 [tilespmem:s13], [sflag:$0x1], $0x10, s29, s16, $0xb8;
	[tilespmem:$0x4400] =	vst v63  }
0xb1: {  	_ =	swait.ge [sflag:s15], $0x800  }
0xb2: {  	[sflag:s15] =	ssyncset.done $0x0  }
0xb3: {  	[sflag:s15] =	ssyncadd.s32 $0xFFFFF800  }
0xb4: {  	_ =	swait.ge [sflag:s15], $0x800  }
0xb5: {  	[sflag:s15] =	ssyncset.done $0x0  }
0xb6: {  	[sflag:s15] =	ssyncadd.s32 $0xFFFFF800  }
0xb7: {  	_ =	swait.ge [sflag:s15], $0x800  }
0xb8: {  	[sflag:s15] =	ssyncset.done $0x0  }
0xb9: {  	[sflag:s15] =	ssyncadd.s32 $0xFFFFF800  }
0xba: {  	_ =	swait.ge [sflag:s15], $0x800  }
0xbb: {  	[sflag:s15] =	ssyncset.done $0x0  }
0xbc: {  	[sflag:s15] =	ssyncadd.s32 $0xFFFFF800  }
0xbd: {  	[spmem:s2] =	stream.indirect.scatter.add.f32 [tilespmem:s13], [sflag:$0x1], $0x10, s30, s16, $0xb8;
	[tilespmem:$0x4400] =	vst v63  }
0xbe: {  	_ = 	snop  }
0xbf: {  	[spmem:s2] =	stream.indirect.scatter.add.f32 [tilespmem:s13], [sflag:$0x1], $0x10, s31, s16, $0xb8;
	[tilespmem:$0x4400] =	vst v63  }
0xc0: {  	_ = 	snop  }
0xc1: {  	[spmem:s2] =	stream.indirect.scatter.add.f32 [tilespmem:s13], [sflag:$0x1], $0x10, s1, s16, $0xb8;
	[tilespmem:$0x4400] =	vst v63  }
0xc2: {  	_ = 	snop  }
0xc3: {  	[spmem:s2] =	stream.indirect.scatter.add.f32 [tilespmem:s13], [sflag:$0x1], $0x10, s3, s16, $0xb8;
	[tilespmem:$0x4400] =	vst v63  }
0xc4: {  	_ =	swait.ge [sflag:s15], $0x800  }
0xc5: {  	[sflag:s15] =	ssyncset.done $0x0  }
0xc6: {  	[sflag:s15] =	ssyncadd.s32 $0xFFFFF800  }
0xc7: {  	_ =	swait.ge [sflag:s15], $0x800  }
0xc8: {  	[sflag:s15] =	ssyncset.done $0x0  }
0xc9: {  	[sflag:s15] =	ssyncadd.s32 $0xFFFFF800  }
0xca: {  	_ =	swait.ge [sflag:s15], $0x800  }
0xcb: {  	[sflag:s15] =	ssyncset.done $0x0  }
0xcc: {  	[sflag:s15] =	ssyncadd.s32 $0xFFFFF800  }
0xcd: {  	_ =	swait.ge [sflag:s15], $0x800  }
0xce: {  	[sflag:s15] =	ssyncset.done $0x0  }
0xcf: {  	[sflag:s15] =	ssyncadd.s32 $0xFFFFF800  }
0xd0: {  	[spmem:s2] =	stream.indirect.scatter.add.f32 [tilespmem:s13], [sflag:$0x1], $0x10, s0, s16, $0xb8;
	[tilespmem:$0x4400] =	vst v63  }
0xd1: {  	_ = 	snop  }
0xd2: {  	[spmem:s2] =	stream.indirect.scatter.add.f32 [tilespmem:s13], [sflag:$0x1], $0x10, s17, s16, $0xb8;
	[tilespmem:$0x4400] =	vst v63  }
0xd3: {  	_ = 	snop  }
0xd4: {  	[spmem:s2] =	stream.indirect.scatter.add.f32 [tilespmem:s13], [sflag:$0x1], $0x10, s18, s16, $0xb8;
	[tilespmem:$0x4400] =	vst v63  }
0xd5: {  	_ = 	snop  }
0xd6: {  	[spmem:s2] =	stream.indirect.scatter.add.f32 [tilespmem:s13], [sflag:$0x1], $0x10, s19, s16, $0xb8;
	[tilespmem:$0x4400] =	vst v63  }
0xd7: {  	_ =	swait.ge [sflag:s15], $0x800  }
0xd8: {  	[sflag:s15] =	ssyncset.done $0x0  }
0xd9: {  	[sflag:s15] =	ssyncadd.s32 $0xFFFFF800  }
0xda: {  	_ =	swait.ge [sflag:s15], $0x800  }
0xdb: {  	[sflag:s15] =	ssyncset.done $0x0  }
0xdc: {  	[sflag:s15] =	ssyncadd.s32 $0xFFFFF800  }
0xdd: {  	_ =	swait.ge [sflag:s15], $0x800  }
0xde: {  	[sflag:s15] =	ssyncset.done $0x0  }
0xdf: {  	[sflag:s15] =	ssyncadd.s32 $0xFFFFF800  }
0xe0: {  	_ =	swait.ge [sflag:s15], $0x800  }
0xe1: {  	[sflag:s15] =	ssyncset.done $0x0  }
0xe2: {  	[sflag:s15] =	ssyncadd.s32 $0xFFFFF800  }
0xe3: {  	[spmem:s2] =	stream.indirect.scatter.add.f32 [tilespmem:s13], [sflag:$0x1], $0x10, s20, s16, $0xb8;
	[tilespmem:$0x4400] =	vst v63  }
0xe4: {  	_ = 	snop  }
0xe5: {  	[spmem:s2] =	stream.indirect.scatter.add.f32 [tilespmem:s13], [sflag:$0x1], $0x10, s21, s16, $0xb8;
	[tilespmem:$0x4400] =	vst v63  }
0xe6: {  	_ = 	snop  }
0xe7: {  	[spmem:s2] =	stream.indirect.scatter.add.f32 [tilespmem:s13], [sflag:$0x1], $0x10, s22, s16, $0xb8;
	[tilespmem:$0x4400] =	vst v63  }
0xe8: {  	_ = 	snop  }
0xe9: {  	[spmem:s2] =	stream.indirect.scatter.add.f32 [tilespmem:s13], [sflag:$0x1], $0x10, s23, s16, $0xb8;
	[tilespmem:$0x4400] =	vst v63  }
0xea: {  	_ =	swait.ge [sflag:s15], $0x800  }
0xeb: {  	[sflag:s15] =	ssyncset.done $0x0  }
0xec: {  	[sflag:s15] =	ssyncadd.s32 $0xFFFFF800  }
0xed: {  	_ =	swait.ge [sflag:s15], $0x800  }
0xee: {  	[sflag:s15] =	ssyncset.done $0x0  }
0xef: {  	[sflag:s15] =	ssyncadd.s32 $0xFFFFF800  }
0xf0: {  	_ =	swait.ge [sflag:s15], $0x800  }
0xf1: {  	[sflag:s15] =	ssyncset.done $0x0  }
0xf2: {  	[sflag:s15] =	ssyncadd.s32 $0xFFFFF800  }
0xf3: {  	_ =	swait.ge [sflag:s15], $0x800  }
0xf4: {  	s24 =	sadd.s32 $0x1, s24;
	s28 =	stileid.u32;
	[sflag:s15] =	ssyncset.done $0x0  }
0xf5: {  	p0 =	sne.s32 s24, s7;
	s26 =	sshll.u32 s28, $0x6;
	[sflag:s15] =	ssyncadd.s32 $0xFFFFF800  }
.Ltmp2:
0xf6: {  	s26 =	sor.u32 $0x1C02, s26;
	[bflag:$0x0] =	sbarrier.arrive $0xFFFF;
	(pc) =	sbr.rel @p0 .LBB2_1-.Ltmp2, $4  }
0xf7: {  	[hbm:s6], [sflag:s26] =	dma.local [spmem:s25], $0x500  }
0xf8: {  	_ =	swait.ge [sflag:s14], $0x500  }
0xf9: {  	[sflag:s14] =	ssyncset.done $0x0  }
0xfa: {  	[sflag:s14] =	ssyncadd.s32 $0xFFFFFB00  }
0xfb: {  	_ =	sfence.sel $0x180000  }
0xfc: {  	[bflag:$0x0] =	sbarrier.arrive $0xFFFF  }
0xfd: {  	_ =	strace $0x9000004A  }
0xfe: {  	s0 =	stileid.u32;
	[bflag:$0x2] =	sbarrier.arrive $0xFFFF  }
0xff: {  	p0 =	sne.s32 s0, $0x0;
	s0 =	rddreg [dreg:$0x3]  }
0x100: {  	s0 =	sadd.s32 @!p0 $0x100000, s0  }
0x101: {  	[sflag:s0] =	ssyncadd.tile.s32 @!p0 $0x1;
	_ =	shalt  }
.Lfunc_end2:
_tile_overlayer_lowered:
.L_overlay_start_2:
0x102: {  	(tag) =	ssettag $0x2  }
0x103: {  	s0 =	rddreg [dreg:$0x0];
	s2 =	stileid.u32  }
0x104: {  	s1 =	rddreg [dreg:$0x1];
	p0 =	sne.s32 s2, $0x0  }
0x105: {  	s3 =	rddreg [dreg:$0x2];
	[bflag:$0x3] =	sbarrier.arrive $0xFFFF;
	s2 =	simm.s32 @!p0 $0x1C02  }
0x106: {  	[timem:s3], [sflag:s2] =	dma.local @!p0 [hbm:s0], s1  }
0x107: {  	s0 =	simm.s32 @!p0 $0x2  }
0x108: {  	_ =	swait.ge @!p0 [sflag:s0], s1  }
0x109: {  	s1 =	ssub.s32 @!p0 $0x0, s1;
	[sflag:s0] =	ssyncset.done @!p0 $0x0  }
0x10a: {  	[sflag:s0] =	ssyncadd.s32 @!p0 s1  }
0x10b: {  	[bflag:$0x3] =	sbarrier.arrive $0xFFFF  }
0x10c: {  	_ =	shalt  }

// kernel: kernel.21.cloned.1.call-start
scs
__scs_entry_jumppad:
0x0: {  	(pc) =	sbr.rel $0x88, $3  }
0x1: {  	(tag) =	ssettag $0x0;
	lr =	simm.s32 $0x1  }
0x2: {  	[smem:$0x3F92] =	sst lr;
	_ =	strace $0xD0000000  }
0x3: {  	_ = 	snop  }
0x4: {  	_ = 	snop  }
0x5: {  	_ = 	snop  }
0x6: {  	_ = 	snop  }
0x7: {  	_ = 	snop  }
__scs_overlays_trampoline_lowered:
0x8: {  	[smem:$0x3FA1] =	sst s0  }
0x9: {  	[smem:$0x3FA2] =	sst s1  }
0xa: {  	[smem:$0x3FA3] =	sst s2  }
0xb: {  	[smem:$0x3FA4] =	sst s3  }
0xc: {  	[smem:$0x3FA5] =	sst s4  }
0xd: {  	[smem:$0x3FA6] =	sst s5  }
0xe: {  	[smem:$0x3FA7] =	sst s6  }
0xf: {  	[smem:$0x3FA8] =	sst s7  }
0x10: {  	[smem:$0x3FA9] =	sst s8  }
0x11: {  	[smem:$0x3FAA] =	sst s9;
	s0 =	simm.s32 @!p0 $0x0  }
0x12: {  	s1 =	sld [smem:$0x3F90];
	s0 =	simm.s32 @p0 $0x1  }
0x13: {  	[smem:$0x3FAB] =	sst s0;
	s0 =	simm.s32 @!p1 $0x0  }
0x14: {  	s2 =	sld [smem:$0x3F8F];
	s0 =	simm.s32 @p1 $0x1  }
0x15: {  	[smem:$0x3FAC] =	sst s0;
	s0 =	simm.s32 @!p2 $0x0  }
0x16: {  	s3 =	sld [smem:$0x3FDB];
	s0 =	simm.s32 @p2 $0x1  }
0x17: {  	s4 =	simm.s32 $0x1BF5;
	[smem:$0x3FAE] =	sst s0  }
0x18: {  	s0 =	sld [smem:$0x3F91];
	_ =	swait.ge [sflag:s4], $0x0  }
0x19: {  	s7 =	sld [smem:$0x3F92]  }
0x1a: {  	s8 =	sadd.s32 $0xFFFFE003, lr  }
0x1b: {  	s9 =	sadd.s32 $0xFFFFFEF7, lr;
	s5 =	simm.s32 $0xFFFFFFFF;
	p2 =	slt.u32 s8, $0xFFFFF086  }
0x1c: {  	p1 =	slt.u32 s9, $0xF7A;
	s5 =	simm.s32 @!p2 $0x0  }
0x1d: {  	s5 =	simm.s32 @p1 $0x1;
	p0 =	seq.s32 s7, s2  }
0x1e: {  	s7 =	smul.u32 @!p0 $0xF7A, s2;
	p2 =	seq.s32 @!p0 s5, $0x0  }
0x1f: {  	s9 =	smul.u32 $0xF7A, s1;
	s8 =	simm.s32 @!p0 $0x1BF5;
	p2 =	por !p2, p0  }
0x20: {  	[sflag:s8] =	ssyncset.s32 @!p0 $0xFFFFF086;
	s6 =	sadd.s32 @!p0 s3, s7;
	s7 =	simm.s32 @!p0 $0x108  }
0x21: {  	s3 =	sadd.s32 s3, s9;
	s6 =	sadd.s32 @!p0 $0x88, s6;
	s7 =	simm.s32 @p2 $0x1082  }
0x22: {  	[simem:s7], [sflag:s8] =	dma.local @!p0 [hbm:s6], $0xF7A  }
0x23: {  	s9 =	sor.u32 $0xD0000000, s2;
	s6 =	simm.s32 $0x108;
	_ =	swait.ge @!p0 [sflag:s8], $0x0  }
0x24: {  	s3 =	sadd.s32 $0x88, s3;
	s6 =	simm.s32 @!p1 $0x1082;
	[sflag:s4] =	ssyncset.s32 $0xFFFFF086  }
0x25: {  	[simem:s6], [sflag:s4] =	dma.local [hbm:s3], $0xF7A  }
0x26: {  	[smem:$0x3F92] =	sst s1;
	(tag) =	ssettag s2;
	_ =	strace s9  }
0x27: {  	s1 =	sld [smem:$0x3FA2]  }
0x28: {  	s2 =	sld [smem:$0x3FA3]  }
0x29: {  	s4 =	sld [smem:$0x3FA5]  }
0x2a: {  	p0 =	seq.s32 s5, $0x0;
	s5 =	sld [smem:$0x3FA6]  }
0x2b: {  	s6 =	sld [smem:$0x3FA7]  }
0x2c: {  	s7 =	sld [smem:$0x3FA8]  }
0x2d: {  	s3 =	simm.s32 $0x108;
	s8 =	sld [smem:$0x3FA9]  }
0x2e: {  	s3 =	simm.s32 @!p0 $0x1082;
	s9 =	sld [smem:$0x3FAA]  }
0x2f: {  	lr =	sadd.s32 s0, s3;
	s0 =	sld [smem:$0x3FA1]  }
0x30: {  	s3 =	sld [smem:$0x3FA4]  }
0x31: {  	[smem:$0x3FAD] =	sst s10  }
0x32: {  	s10 =	sld [smem:$0x3FAB];
	_ =	sdelay $0x3  }
0x33: {  	p0 =	seq.s32 s10, $0x1;
	s10 =	sld [smem:$0x3FAD];
	_ =	sdelay $0x3  }
0x34: {  	[smem:$0x3FAD] =	sst s10  }
0x35: {  	s10 =	sld [smem:$0x3FAC];
	_ =	sdelay $0x3  }
0x36: {  	p1 =	seq.s32 s10, $0x1;
	s10 =	sld [smem:$0x3FAD];
	_ =	sdelay $0x3  }
0x37: {  	[smem:$0x3FAD] =	sst s10  }
0x38: {  	s10 =	sld [smem:$0x3FAE]  }
0x39: {  	_ = 	snop;
	(pc) =	sbr.ind lr, $3  }
0x3a: {  	_ = 	snop  }
0x3b: {  	_ = 	snop  }
0x3c: {  	p2 =	seq.s32 s10, $0x1;
	s10 =	sld [smem:$0x3FAD]  }
0x3d: {  	_ =	shalt  }
0x3e: {  	_ =	shalt  }
0x3f: {  	_ =	shalt  }
0x40: {  	_ =	shalt  }
0x41: {  	_ =	shalt  }
0x42: {  	_ =	shalt  }
0x43: {  	_ =	shalt  }
0x44: {  	_ =	shalt  }
0x45: {  	_ =	shalt  }
0x46: {  	_ =	shalt  }
0x47: {  	_ =	shalt  }
0x48: {  	_ =	shalt  }
0x49: {  	_ =	shalt  }
0x4a: {  	_ =	shalt  }
0x4b: {  	_ =	shalt  }
0x4c: {  	_ =	shalt  }
0x4d: {  	_ =	shalt  }
0x4e: {  	_ =	shalt  }
0x4f: {  	_ =	shalt  }
0x50: {  	_ =	shalt  }
0x51: {  	_ =	shalt  }
0x52: {  	_ =	shalt  }
0x53: {  	_ =	shalt  }
0x54: {  	_ =	shalt  }
0x55: {  	_ =	shalt  }
0x56: {  	_ =	shalt  }
0x57: {  	_ =	shalt  }
0x58: {  	_ =	shalt  }
0x59: {  	_ =	shalt  }
0x5a: {  	_ =	shalt  }
0x5b: {  	_ =	shalt  }
0x5c: {  	_ =	shalt  }
0x5d: {  	_ =	shalt  }
0x5e: {  	_ =	shalt  }
0x5f: {  	_ =	shalt  }
0x60: {  	_ =	shalt  }
0x61: {  	_ =	shalt  }
0x62: {  	_ =	shalt  }
0x63: {  	_ =	shalt  }
0x64: {  	_ =	shalt  }
0x65: {  	_ =	shalt  }
0x66: {  	_ =	shalt  }
0x67: {  	_ =	shalt  }
0x68: {  	_ =	shalt  }
0x69: {  	_ =	shalt  }
0x6a: {  	_ =	shalt  }
0x6b: {  	_ =	shalt  }
0x6c: {  	_ =	shalt  }
0x6d: {  	_ =	shalt  }
0x6e: {  	_ =	shalt  }
0x6f: {  	_ =	shalt  }
0x70: {  	_ =	shalt  }
0x71: {  	_ =	shalt  }
0x72: {  	_ =	shalt  }
0x73: {  	_ =	shalt  }
0x74: {  	_ =	shalt  }
0x75: {  	_ =	shalt  }
0x76: {  	_ =	shalt  }
0x77: {  	_ =	shalt  }
0x78: {  	_ =	shalt  }
0x79: {  	_ =	shalt  }
0x7a: {  	_ =	shalt  }
0x7b: {  	_ =	shalt  }
0x7c: {  	_ =	shalt  }
0x7d: {  	_ =	shalt  }
0x7e: {  	_ =	shalt  }
0x7f: {  	_ =	shalt  }
0x80: {  	_ =	shalt  }
0x81: {  	_ =	shalt  }
0x82: {  	_ =	shalt  }
0x83: {  	_ =	shalt  }
0x84: {  	_ =	shalt  }
0x85: {  	_ =	shalt  }
0x86: {  	_ =	shalt  }
0x87: {  	_ =	shalt  }
.Lfunc_end0:
.L_simem_size_0:
called_computation.2_lowered:
.L_overlay_start_0:
0x88: {  	s2 =	sld [smem:$0x3FD9]  }
0x89: {  	s3 =	sld [smem:$0x3FFE];
	_ =	sdelay $0x1  }
0x8a: {  	s1 =	srdreg.scid  }
0x8b: {  	s0 =	sand.u32 $0x1, s1  }
0x8c: {  	s15 =	sshll.u32 s0, $0xA;
	s2 =	sadd.s32 s3, s2  }
0x8d: {  	s2 =	sadd.s32 s2, s15  }
0x8e: {  	[smem:$0x3FB9] =	sst s2  }
0x8f: {  	_ = 	snop  }
0x90: {  	s2 =	sld [smem:$0x3FD0];
	_ =	sdelay $0x2  }
0x91: {  	s16 =	simm.s32 $0xB;
	s4 =	simm.s32 $0x10  }
0x92: {  	[smem:s4], [sflag:s16] =	dma.local [hbm:s2], $0x1  }
0x93: {  	_ =	swait.eq [sflag:s16], $0x1  }
0x94: {  	[sflag:s16] =	ssyncset.done $0x0  }
0x95: {  	[sflag:s16] =	ssyncadd.s32 $0xFFFFFFFF  }
0x96: {  	s17 =	sld [smem:$0x10];
	(tm) =	ssettm $0x1  }
0x97: {  	s18 =	sld [smem:$0x3FFB];
	_ =	sdelay $0x3  }
0x98: {  	_ =	strace s18  }
0x99: {  	s2 =	sld [smem:$0x3FFC];
	_ =	sdelay $0x3  }
0x9a: {  	_ =	strace s2  }
0x9b: {  	s2 =	sld [smem:$0x3FFD];
	_ =	sdelay $0x3  }
0x9c: {  	_ =	strace s2  }
0x9d: {  	_ =	strace $0x8FFFFFFF  }
0x9e: {  	s19 =	sld [smem:$0x3FDB];
	_ =	sdelay $0x1  }
0x9f: {  	s20 =	simm.s32 $_scs_section_size  }
0xa0: {  	s5 =	simm.s32 $_size__tile_overlayer_lowered;
	s6 =	simm.s32 $_tile_overlayer_lowered  }
0xa1: {  	s7 =	simm.s32 $0x1BFF;
	s21 =	sshll.u32 s6, $0x1;
	s4 =	sadd.s32 s20, s19  }
0xa2: {  	s22 =	simm.s32 $0x0;
	s5 =	sshll.u32 s5, $0x1;
	s6 =	sadd.s32 s21, s4  }
0xa3: {  	[timem:s22], [sflag:s7] =	dma.local [hbm:s6], s5  }
0xa4: {  	_ =	swait.ge [sflag:s7], s5  }
0xa5: {  	s5 =	ssub.s32 $0x0, s5;
	[sflag:s7] =	ssyncset.done $0x0  }
0xa6: {  	[sflag:s7] =	ssyncadd.s32 s5;
	_ =	sdelay $0x1  }
0xa7: {  	s23 =	simm.s32 $0x1B8B  }
0xa8: {  	_ =	swait.ge [sflag:s23], $0x1  }
0xa9: {  	[sflag:s23] =	ssyncset.done $0x0  }
0xaa: {  	[sflag:s23] =	ssyncadd.s32 $0xFFFFFFFF  }
0xab: {  	s5 =	sld [smem:$0x0]  }
0xac: {  	s6 =	sand.u32 $0xFFFFFFFE, s1  }
0xad: {  	p0 =	sne.s32 s1, s6  }
0xae: {  	s6 =	sshll.u32 @p0 s6, $0xE  }
0xaf: {  	s6 =	sadd.s32 @p0 $0x11B8D, s6;
	s7 =	sshll.u32 @p0 s5, $0x11  }
0xb0: {  	s6 =	sor.u32 @p0 s7, s6  }
0xb1: {  	[sflag:s6] =	ssyncadd.remote.s32 @p0 $0x1;
	_ =	sdelay $0x1  }
0xb2: {  	s6 =	simm.s32 @p0 $0x1B8D  }
0xb3: {  	_ =	swait.eq @p0 [sflag:s6], $0x1  }
0xb4: {  	[sflag:s6] =	ssyncadd.s32 @p0 $0xFFFFFFFF  }
0xb5: {  	s7 =	sshll.u32 @!p0 s1, $0xE  }
0xb6: {  	s7 =	sor.u32 @!p0 $0x4000, s7;
	s6 =	simm.s32 @!p0 $0x1B8D  }
0xb7: {  	s5 =	sshll.u32 @!p0 s5, $0x11;
	s7 =	sadd.s32 @!p0 $0x11B8D, s7;
	_ =	swait.eq @!p0 [sflag:s6], $0x1  }
0xb8: {  	s5 =	sor.u32 @!p0 s5, s7;
	[sflag:s6] =	ssyncadd.s32 @!p0 $0xFFFFFFFF  }
0xb9: {  	s25 =	simm.s32 $0x1B8E;
	s24 =	sld [smem:$0x3FFE];
	[sflag:s5] =	ssyncadd.remote.s32 @!p0 $0x1  }
0xba: {  	s26 =	simm.s32 $execute0_lowered;
	[smem:$0x3FD2] =	sst s25  }
0xbb: {  	s6 =	sshll.u32 s26, $0x1;
	_ =	strace $0x8000004C;
	[dreg:$0x1] =	wrdreg $0xFFFFFFFF  }
0xbc: {  	s28 =	simm.s32 $_size_execute0_lowered;
	s4 =	sadd.s32 s4, s6;
	[dreg:$0x0] =	wrdreg $0x0  }
0xbd: {  	s6 =	sshll.u32 s28, $0x1;
	[dreg:$0x2] =	wrdreg s4  }
0xbe: {  	[dreg:$0x3] =	wrdreg s6  }
0xbf: {  	[dreg:$0x4] =	wrdreg $0xC0  }
0xc0: {  	_ =	task [dreg:s22], $0x5FFFF  }
0xc1: {  	[dreg:$0x1] =	wrdreg $0xFFFFFFFF  }
0xc2: {  	[dreg:$0x0] =	wrdreg $0x60  }
0xc3: {  	[dreg:$0x2] =	wrdreg s17  }
0xc4: {  	[dreg:$0x3] =	wrdreg s24  }
0xc5: {  	[dreg:$0x4] =	wrdreg $0x0  }
0xc6: {  	[dreg:$0x5] =	wrdreg $0xA  }
0xc7: {  	_ =	task.clear_ibuf [dreg:s22], $0x6FFFF;
	_ =	strace $0x9000004C  }
0xc8: {  	s29 =	simm.s32 $0xA;
	_ =	strace $0x8000004E  }
0xc9: {  	_ =	swait.ge [sflag:s29], $0x1  }
0xca: {  	[sflag:s29] =	ssyncadd.s32 $0xFFFFFFFF  }
0xcb: {  	_ =	strace $0x9000004E  }
0xcc: {  	_ =	sfence  }
0xcd: {  	s30 =	sld [smem:$0x0];
	_ =	sdelay $0x2  }
0xce: {  	s31 =	sshll.u32 s1, $0xD;
	s1 =	sshrl.u32 s1, $0x2  }
0xcf: {  	s4 =	sand.u32 $0x4000, s31;
	s1 =	sadd.s32 s1, s30  }
0xd0: {  	s0 =	sor.u32 s4, s0;
	s1 =	sshll.u32 s1, $0x11  }
0xd1: {  	s0 =	sor.u32 s1, s0  }
0xd2: {  	s0 =	sadd.s32 $0x8F2B, s0  }
0xd3: {  	[sflag:s0] =	ssyncadd.remote.s32 $0x1  }
0xd4: {  	_ =	sfence.sel $0xFFFF  }
0xd5: {  	[dreg:$0x0] =	wrdreg $0xFFFFFFFF;
	(pc) =	sbr.abs _section_cstart, $3  }
0xd6: {  	[dreg:$0x1] =	wrdreg $0xFFFFFFFF  }
0xd7: {  	_ =	task.clear_ibuf [dreg:s22], $0x2FFFF;
	_ =	strace $0x9FFFFFFF  }
0xd8: {  	(tm) =	ssettm $0x7FFFFFFF  }
0xd9: {  	_ =	shalt  }
tec
execute0_lowered:
.L_overlay_start_1:
0x0: {  	(tag) =	ssettag $0x1  }
0x1: {  	s1 =	rddreg [dreg:$0x0]  }
0x2: {  	s0 =	rddreg [dreg:$0x1]  }
0x3: {  	s3 =	rddreg [dreg:$0x2];
	s2 =	srdreg.scid;
	s4 =	simm.s32 $0x0  }
0x4: {  	s15 =	simm.s32 $0x14000;
	s17 =	simm.s32 $0x16800;
	s18 =	simm.s32 $0x17C00  }
0x5: {  	s19 =	simm.s32 $0x5;
	s20 =	simm.s32 $0x2;
	s21 =	simm.s32 $0x80  }
0x6: {  	s22 =	simm.s32 $0x1BC00;
	s23 =	simm.s32 $0x1;
	s24 =	simm.s32 $0x4  }
0x7: {  	s25 =	simm.s32 $0x3;
	s28 =	simm.s32 $0x15380;
	s29 =	simm.s32 $0x17B80  }
0x8: {  	s30 =	simm.s32 $0x0;
	s5 =	sand.u32 $0x1, s2;
	s2 =	stileid.u32  }
0x9: {  	[smem:$0x7FF] =	sst s4;
	s6 =	smul.u32 $0x140000, s5;
	s7 =	sshll.u32 s5, $0x4  }
0xa: {  	s8 =	smul.u32 $0x14000, s2;
	_ =	strace $0x8000004D;
	s5 =	ssub.s32 $0x2, s5  }
0xb: {  	s26 =	smul.u32 $0x50000, s2;
	s7 =	sor.u32 s2, s7;
	s31 =	sshrl.u32 s5, $0x1  }
0xc: {  	s7 =	smul.u32 $0x280, s7;
	s6 =	sadd.s32 s8, s6;
	s10 =	ssub.s32 s5, s31  }
0xd: {  	s8 =	sshrl.u32 s26, $0x2;
	s26 =	simm.s32 $0x17B00;
	s6 =	sshrl.u32 s6, $0x3  }
0xe: {  	s8 =	sadd.s32 s8, s3;
	s10 =	smax.u32 s10, $0x1;
	s7 =	sadd.s32 s7, s0  }
0xf: {  	s0 =	sadd.s32 s6, s0;
	s11 =	sadd.s32 $0x4000, s8;
	s12 =	sadd.s32 $0x8000, s8  }
0x10: {  	s13 =	sadd.s32 $0xC000, s8;
	s14 =	sadd.s32 $0x10000, s8;
	s5 =	sadd.s32 $0x7000, s7  }
0x11: {  	v0 =	vimm.f32 $0.0e+00;
	s6 =	sadd.s32 $0x16000, s7;
	s7 =	sadd.s32 $0x11000, s7;
	s9 =	sadd.s32 $0x1B000, s0  }
.LBB2_1:
0x12: {  	[tilespmem:s15], [sflag:$0x2] =	stream.linear.gather [hbm4b:s5+s4], $0x1400, $0x38;
	[tilespmem:$0x1FC00] =	vst v63  }
0x13: {  	s0 =	simm.s32 $0x15400  }
0x14: {  	[tilespmem:s0], [sflag:$0x2] =	stream.linear.gather [hbm4b:s6+s4], $0x1400, $0x38;
	[tilespmem:$0x1FC00] =	vst v63  }
0x15: {  	s31 =	simm.s32 $0x200;
	s0 =	simm.s32 $0x0  }
0x16: {  	[tilespmem:s17], [sflag:$0x2] =	stream.linear.gather [hbm4b:s7+s4], $0x1400, $0x38;
	[tilespmem:$0x1FC00] =	vst v63  }
.LBB2_2:
0x17: {  	p0 =	sne.s32 s31, $0xFE00;
	[tilespmem:s0+$0x1BC70] =	vst v0  }
0x18: {  	[tilespmem:s0+$0x17C00] =	vst v0  }
0x19: {  	[tilespmem:s0+$0x1BC00] =	vst v0  }
0x1a: {  	[tilespmem:s0+$0x17C10] =	vst v0  }
0x1b: {  	[tilespmem:s0+$0x1BC10] =	vst v0  }
0x1c: {  	[tilespmem:s0+$0x17C20] =	vst v0  }
0x1d: {  	[tilespmem:s0+$0x1BC20] =	vst v0  }
0x1e: {  	[tilespmem:s0+$0x17C30] =	vst v0  }
0x1f: {  	[tilespmem:s0+$0x1BC30] =	vst v0  }
0x20: {  	[tilespmem:s0+$0x17C40] =	vst v0  }
0x21: {  	[tilespmem:s0+$0x1BC40] =	vst v0  }
.Ltmp0:
0x22: {  	[tilespmem:s0+$0x17C50] =	vst v0;
	(pc) =	sbr.rel @p0 .LBB2_2-.Ltmp0, $4  }
0x23: {  	[tilespmem:s0+$0x1BC50] =	vst v0  }
0x24: {  	[tilespmem:s0+$0x17C60] =	vst v0  }
0x25: {  	[tilespmem:s0+$0x1BC60] =	vst v0  }
0x26: {  	[tilespmem:s0+$0x17C70] =	vst v0;
	s0 =	sshra.s32 s31, $0x2;
	s31 =	sadd.s32 $0x200, s31  }
0x27: {  	[tilespmem:s0+$0x1BC70] =	vst v0  }
0x28: {  	[tilespmem:s0+$0x17C00] =	vst v0  }
0x29: {  	[tilespmem:s0+$0x1BC00] =	vst v0  }
0x2a: {  	[tilespmem:s0+$0x17C10] =	vst v0  }
0x2b: {  	[tilespmem:s0+$0x1BC10] =	vst v0  }
0x2c: {  	[tilespmem:s0+$0x17C20] =	vst v0  }
0x2d: {  	[tilespmem:s0+$0x1BC20] =	vst v0  }
0x2e: {  	[tilespmem:s0+$0x17C30] =	vst v0  }
0x2f: {  	[tilespmem:s0+$0x1BC30] =	vst v0  }
0x30: {  	[tilespmem:s0+$0x17C40] =	vst v0  }
0x31: {  	[tilespmem:s0+$0x1BC40] =	vst v0  }
0x32: {  	[tilespmem:s0+$0x17C50] =	vst v0  }
0x33: {  	[tilespmem:s0+$0x1BC50] =	vst v0  }
0x34: {  	[tilespmem:s0+$0x17C60] =	vst v0  }
0x35: {  	[tilespmem:s0+$0x1BC60] =	vst v0  }
0x36: {  	[tilespmem:s0+$0x17C70] =	vst v0  }
0x37: {  	[spmem:s8] =	stream.linear.scatter [tilespmem:s18], [sflag:$0x5], $0x4000, $0x38;
	[tilespmem:$0x1FC00] =	vst v63  }
0x38: {  	_ =	swait.ge [sflag:s19], $0x4000  }
0x39: {  	[sflag:s19] =	ssyncset.done $0x0  }
0x3a: {  	[sflag:s19] =	ssyncadd.s32 $0xFFFFC000  }
0x3b: {  	[spmem:s11] =	stream.linear.scatter [tilespmem:s18], [sflag:$0x5], $0x4000, $0x38;
	[tilespmem:$0x1FC00] =	vst v63  }
0x3c: {  	_ =	swait.ge [sflag:s19], $0x4000  }
0x3d: {  	[sflag:s19] =	ssyncset.done $0x0  }
0x3e: {  	[sflag:s19] =	ssyncadd.s32 $0xFFFFC000  }
0x3f: {  	[spmem:s12] =	stream.linear.scatter [tilespmem:s18], [sflag:$0x5], $0x4000, $0x38;
	[tilespmem:$0x1FC00] =	vst v63  }
0x40: {  	_ =	swait.ge [sflag:s19], $0x4000  }
0x41: {  	[sflag:s19] =	ssyncset.done $0x0  }
0x42: {  	[sflag:s19] =	ssyncadd.s32 $0xFFFFC000  }
0x43: {  	[spmem:s13] =	stream.linear.scatter [tilespmem:s18], [sflag:$0x5], $0x4000, $0x38;
	[tilespmem:$0x1FC00] =	vst v63  }
0x44: {  	_ =	swait.ge [sflag:s19], $0x4000  }
0x45: {  	[sflag:s19] =	ssyncset.done $0x0  }
0x46: {  	[sflag:s19] =	ssyncadd.s32 $0xFFFFC000  }
0x47: {  	[spmem:s14] =	stream.linear.scatter [tilespmem:s18], [sflag:$0x5], $0x4000, $0x38;
	[tilespmem:$0x1FC00] =	vst v63  }
0x48: {  	_ =	swait.ge [sflag:s19], $0x4000  }
0x49: {  	[sflag:s19] =	ssyncset.done $0x0  }
0x4a: {  	[sflag:s19] =	ssyncadd.s32 $0xFFFFC000  }
0x4b: {  	_ =	swait.ge [sflag:s20], $0x1400  }
0x4c: {  	[sflag:s20] =	ssyncset.done $0x0  }
0x4d: {  	[sflag:s20] =	ssyncadd.s32 $0xFFFFEC00  }
0x4e: {  	_ =	swait.ge [sflag:s20], $0x1400  }
0x4f: {  	[sflag:s20] =	ssyncset.done $0x0  }
0x50: {  	[sflag:s20] =	ssyncadd.s32 $0xFFFFEC00  }
0x51: {  	_ =	swait.ge [sflag:s20], $0x1400  }
0x52: {  	[sflag:s20] =	ssyncset.done $0x0  }
0x53: {  	s31 =	simm.s32 $0x0;
	[sflag:s20] =	ssyncadd.s32 $0xFFFFEC00  }
0x54: {  	v7 =	vld [tilespmem:s31+$0x15400]  }
0x55: {  	v12 =	vld [tilespmem:s31+$0x15410]  }
0x56: {  	v6 =	vld [tilespmem:s31+$0x15420]  }
0x57: {  	v5 =	vld [tilespmem:s31+$0x15430]  }
0x58: {  	v4 =	vld [tilespmem:s31+$0x15440]  }
0x59: {  	v3 =	vld [tilespmem:s31+$0x15450]  }
0x5a: {  	v2 =	vld [tilespmem:s31+$0x15460]  }
0x5b: {  	v1 =	vld [tilespmem:s31+$0x15470]  }
0x5c: {  	v11 =	vld [tilespmem:s31+$0x14000]  }
0x5d: {  	v10 =	vld [tilespmem:s31+$0x14010]  }
0x5e: {  	v9 =	vld [tilespmem:s31+$0x14020]  }
0x5f: {  	v8 =	vld [tilespmem:s31+$0x14030];
	v13 =	vmul.u32 $0x2800, v7  }
0x60: {  	s0 =	simm.s32 $0x200;
	v12 =	vmul.u32 $0x2800, v12;
	v7 =	vld [tilespmem:s31+$0x14040]  }
.LBB2_4:
0x61: {  	p0 =	sne.s32 s0, $0x4E00;
	v11 =	vadd.s32 v11, v13;
	v6 =	vmul.u32 $0x2800, v6;
	v13 =	vld [tilespmem:s31+$0x14050]  }
0x62: {  	v5 =	vmul.u32 $0x2800, v5;
	[tilespmem:s31+$0x14000] =	vst v11;
	v10 =	vadd.s32 v10, v12;
	v11 =	vld [tilespmem:s31+$0x14060]  }
0x63: {  	s16 =	sshra.s32 s0, $0x2;
	v4 =	vmul.u32 $0x2800, v4;
	[tilespmem:s31+$0x14010] =	vst v10;
	v6 =	vadd.s32 v9, v6;
	v9 =	vld [tilespmem:s31+$0x14070]  }
0x64: {  	v3 =	vmul.u32 $0x2800, v3;
	v12 =	vld [tilespmem:s16+$0x15400];
	[tilespmem:s31+$0x14020] =	vst v6;
	v5 =	vadd.s32 v8, v5  }
0x65: {  	v2 =	vmul.u32 $0x2800, v2;
	v14 =	vld [tilespmem:s16+$0x15410];
	[tilespmem:s31+$0x14030] =	vst v5;
	v4 =	vadd.s32 v7, v4  }
0x66: {  	v1 =	vmul.u32 $0x2800, v1;
	v6 =	vld [tilespmem:s16+$0x15420];
	[tilespmem:s31+$0x14040] =	vst v4;
	v3 =	vadd.s32 v13, v3  }
0x67: {  	v5 =	vld [tilespmem:s16+$0x15430];
	[tilespmem:s31+$0x14050] =	vst v3;
	v2 =	vadd.s32 v11, v2  }
0x68: {  	v4 =	vld [tilespmem:s16+$0x15440];
	[tilespmem:s31+$0x14060] =	vst v2;
	v1 =	vadd.s32 v9, v1  }
0x69: {  	v3 =	vld [tilespmem:s16+$0x15450];
	[tilespmem:s31+$0x14070] =	vst v1;
	s31 =	smov.u32 s16  }
0x6a: {  	v2 =	vld [tilespmem:s31+$0x15460]  }
0x6b: {  	v1 =	vld [tilespmem:s31+$0x15470]  }
.Ltmp1:
0x6c: {  	v11 =	vld [tilespmem:s31+$0x14000];
	(pc) =	sbr.rel @p0 .LBB2_4-.Ltmp1, $4  }
0x6d: {  	v10 =	vld [tilespmem:s31+$0x14010]  }
0x6e: {  	v9 =	vld [tilespmem:s31+$0x14020]  }
0x6f: {  	v13 =	vmul.u32 $0x2800, v12;
	v8 =	vld [tilespmem:s31+$0x14030]  }
0x70: {  	s0 =	sadd.s32 $0x200, s0;
	v12 =	vmul.u32 $0x2800, v14;
	v7 =	vld [tilespmem:s31+$0x14040]  }
0x71: {  	v11 =	vadd.s32 v11, v13;
	v61 =	vld [tilespmem:s31+$0x14050];
	v6 =	vmul.u32 $0x2800, v6  }
0x72: {  	v62 =	vld [tilespmem:s31+$0x14060];
	v5 =	vmul.u32 $0x2800, v5;
	[tilespmem:s31+$0x14000] =	vst v11;
	v10 =	vadd.s32 v10, v12  }
0x73: {  	v4 =	vmul.u32 $0x2800, v4;
	v63 =	vld [tilespmem:s31+$0x14070];
	[tilespmem:s31+$0x14010] =	vst v10;
	v6 =	vadd.s32 v9, v6  }
0x74: {  	v3 =	vmul.u32 $0x2800, v3;
	[tilespmem:s31+$0x14020] =	vst v6;
	v5 =	vadd.s32 v8, v5  }
0x75: {  	v2 =	vmul.u32 $0x2800, v2;
	[tilespmem:s31+$0x14030] =	vst v5;
	v4 =	vadd.s32 v7, v4  }
0x76: {  	v1 =	vmul.u32 $0x2800, v1;
	[tilespmem:s31+$0x14040] =	vst v4;
	v3 =	vadd.s32 v61, v3  }
0x77: {  	v2 =	vadd.s32 v62, v2;
	[tilespmem:s31+$0x14050] =	vst v3  }
0x78: {  	v1 =	vadd.s32 v63, v1;
	[tilespmem:s31+$0x14060] =	vst v2  }
0x79: {  	[tilespmem:s31+$0x14070] =	vst v1  }
0x7a: {  	[bflag:$0x0] =	sbarrier.arrive $0xFFFF  }
0x7b: {  	[spmem:s3] =	stream.indirect.scatter.add.f32 [tilespmem:s22], [sflag:$0x4], $0x80, s17, s21, $0xb8;
	[tilespmem:$0x1FC00] =	vst v63  }
0x7c: {  	_ = 	snop  }
0x7d: {  	[tilespmem:s18], [sflag:$0x1] =	stream.indirect.gather [hbm4b:s1+s21], $0x80, s15, s21, $0xb8;
	[tilespmem:$0x1FC00] =	vst v63  }
0x7e: {  	_ =	swait.ge [sflag:s23], $0x4000  }
0x7f: {  	[sflag:s23] =	ssyncset.done $0x0  }
0x80: {  	s0 =	simm.s32 $0x16800;
	[sflag:s23] =	ssyncadd.s32 $0xFFFFC000  }
0x81: {  	[spmem:s3] =	stream.indirect.scatter.add.f32 [tilespmem:s18], [sflag:$0x3], $0x80, s0, s21, $0xb8;
	[tilespmem:$0x1FC00] =	vst v63  }
0x82: {  	_ =	swait.ge [sflag:s24], $0x4000  }
0x83: {  	[sflag:s24] =	ssyncset.done $0x0  }
0x84: {  	s16 =	simm.s32 $0x14080;
	[sflag:s24] =	ssyncadd.s32 $0xFFFFC000  }
0x85: {  	[tilespmem:s22], [sflag:$0x2] =	stream.indirect.gather [hbm4b:s1+s21], $0x80, s16, s21, $0xb8;
	[tilespmem:$0x1FC00] =	vst v63  }
0x86: {  	_ =	swait.ge [sflag:s20], $0x4000  }
0x87: {  	[sflag:s20] =	ssyncset.done $0x0  }
0x88: {  	s16 =	simm.s32 $0x16880;
	[sflag:s20] =	ssyncadd.s32 $0xFFFFC000  }
0x89: {  	[spmem:s3] =	stream.indirect.scatter.add.f32 [tilespmem:s22], [sflag:$0x4], $0x80, s16, s21, $0xb8;
	[tilespmem:$0x1FC00] =	vst v63  }
0x8a: {  	_ =	swait.ge [sflag:s25], $0x4000  }
0x8b: {  	[sflag:s25] =	ssyncset.done $0x0  }
0x8c: {  	s31 =	simm.s32 $0x14100;
	s0 =	simm.s32 $0x400;
	[sflag:s25] =	ssyncadd.s32 $0xFFFFC000  }
.LBB2_6:
0x8d: {  	[tilespmem:s18], [sflag:$0x1] =	stream.indirect.gather [hbm4b:s1+s21], $0x80, s31, s21, $0xb8;
	[tilespmem:$0x1FC00] =	vst v63  }
0x8e: {  	s16 =	smov.u32 s0  }
0x8f: {  	p0 =	sne.s32 s0, $0x4800;
	s0 =	sadd.s32 $0x400, s0;
	_ =	swait.ge [sflag:s23], $0x4000  }
0x90: {  	s16 =	sshra.s32 s16, $0x2;
	[sflag:s23] =	ssyncset.done $0x0  }
0x91: {  	s31 =	sadd.s32 $0x16800, s16;
	[sflag:s23] =	ssyncadd.s32 $0xFFFFC000  }
0x92: {  	[spmem:s3] =	stream.indirect.scatter.add.f32 [tilespmem:s18], [sflag:$0x3], $0x80, s31, s21, $0xb8;
	[tilespmem:$0x1FC00] =	vst v63  }
0x93: {  	_ =	swait.ge [sflag:s24], $0x4000  }
0x94: {  	[sflag:s24] =	ssyncset.done $0x0  }
0x95: {  	s31 =	sadd.s32 $0x14080, s16;
	[sflag:s24] =	ssyncadd.s32 $0xFFFFC000  }
0x96: {  	[tilespmem:s22], [sflag:$0x2] =	stream.indirect.gather [hbm4b:s1+s21], $0x80, s31, s21, $0xb8;
	[tilespmem:$0x1FC00] =	vst v63  }
0x97: {  	_ =	swait.ge [sflag:s20], $0x4000  }
0x98: {  	[sflag:s20] =	ssyncset.done $0x0  }
.Ltmp2:
0x99: {  	s31 =	sadd.s32 $0x16880, s16;
	[sflag:s20] =	ssyncadd.s32 $0xFFFFC000;
	(pc) =	sbr.rel @p0 .LBB2_6-.Ltmp2, $4  }
0x9a: {  	[spmem:s3] =	stream.indirect.scatter.add.f32 [tilespmem:s22], [sflag:$0x4], $0x80, s31, s21, $0xb8;
	[tilespmem:$0x1FC00] =	vst v63  }
0x9b: {  	_ =	swait.ge [sflag:s25], $0x4000  }
0x9c: {  	[sflag:s25] =	ssyncset.done $0x0  }
0x9d: {  	s31 =	sadd.s32 $0x14100, s16;
	[sflag:s25] =	ssyncadd.s32 $0xFFFFC000  }
0x9e: {  	[tilespmem:s18], [sflag:$0x1] =	stream.indirect.gather [hbm4b:s1+s21], $0x80, s31, s21, $0xb8;
	[tilespmem:$0x1FC00] =	vst v63  }
0x9f: {  	_ =	swait.ge [sflag:s23], $0x4000  }
0xa0: {  	[sflag:s23] =	ssyncset.done $0x0  }
0xa1: {  	[sflag:s23] =	ssyncadd.s32 $0xFFFFC000  }
0xa2: {  	[spmem:s3] =	stream.indirect.scatter.add.f32 [tilespmem:s18], [sflag:$0x3], $0x80, s26, s21, $0xb8;
	[tilespmem:$0x1FC00] =	vst v63  }
0xa3: {  	_ =	swait.ge [sflag:s24], $0x4000  }
0xa4: {  	[sflag:s24] =	ssyncset.done $0x0  }
0xa5: {  	[sflag:s24] =	ssyncadd.s32 $0xFFFFC000  }
0xa6: {  	[tilespmem:s22], [sflag:$0x2] =	stream.indirect.gather [hbm4b:s1+s21], $0x80, s28, s21, $0xb8;
	[tilespmem:$0x1FC00] =	vst v63  }
0xa7: {  	_ =	swait.ge [sflag:s20], $0x4000  }
0xa8: {  	[sflag:s20] =	ssyncset.done $0x0  }
0xa9: {  	[sflag:s20] =	ssyncadd.s32 $0xFFFFC000  }
0xaa: {  	[spmem:s3] =	stream.indirect.scatter.add.f32 [tilespmem:s22], [sflag:$0x4], $0x80, s29, s21, $0xb8;
	[tilespmem:$0x1FC00] =	vst v63  }
0xab: {  	_ =	swait.ge [sflag:s25], $0x4000  }
0xac: {  	[sflag:s25] =	ssyncset.done $0x0  }
0xad: {  	[sflag:s25] =	ssyncadd.s32 $0xFFFFC000  }
0xae: {  	_ =	swait.ge [sflag:s24], $0x4000  }
0xaf: {  	s0 =	sshll.u32 s2, $0x6;
	s30 =	sadd.s32 $0x1, s30;
	[sflag:s24] =	ssyncset.done $0x0  }
0xb0: {  	s16 =	sshrl.u32 s8, $0x3;
	p0 =	sne.s32 s30, s10;
	[sflag:s24] =	ssyncadd.s32 $0xFFFFC000  }
.Ltmp3:
0xb1: {  	s0 =	sor.u32 $0x1C05, s0;
	[bflag:$0x0] =	sbarrier.arrive $0xFFFF;
	(pc) =	sbr.rel @p0 .LBB2_1-.Ltmp3, $4  }
0xb2: {  	[hbm:s9], [sflag:s0] =	dma.local [spmem:s16], $0x2800  }
0xb3: {  	_ =	swait.ge [sflag:s19], $0x2800  }
0xb4: {  	[sflag:s19] =	ssyncset.done $0x0  }
0xb5: {  	[sflag:s19] =	ssyncadd.s32 $0xFFFFD800  }
0xb6: {  	_ =	sfence.sel $0x180000  }
0xb7: {  	[bflag:$0x0] =	sbarrier.arrive $0xFFFF  }
0xb8: {  	_ =	strace $0x9000004D  }
0xb9: {  	[bflag:$0x2] =	sbarrier.arrive $0xFFFF  }
0xba: {  	p0 =	sne.s32 s2, $0x0;
	s0 =	rddreg [dreg:$0x3]  }
0xbb: {  	s0 =	sadd.s32 @!p0 $0x100000, s0  }
0xbc: {  	[sflag:s0] =	ssyncadd.tile.s32 @!p0 $0x1;
	_ =	shalt  }
.Lfunc_end2:
_tile_overlayer_lowered:
.L_overlay_start_2:
0xbd: {  	(tag) =	ssettag $0x2  }
0xbe: {  	s0 =	rddreg [dreg:$0x0];
	s2 =	stileid.u32  }
0xbf: {  	s1 =	rddreg [dreg:$0x1];
	p0 =	sne.s32 s2, $0x0  }
0xc0: {  	s3 =	rddreg [dreg:$0x2];
	[bflag:$0x3] =	sbarrier.arrive $0xFFFF;
	s2 =	simm.s32 @!p0 $0x1C05  }
0xc1: {  	[timem:s3], [sflag:s2] =	dma.local @!p0 [hbm:s0], s1  }
0xc2: {  	s0 =	simm.s32 @!p0 $0x5  }
0xc3: {  	_ =	swait.ge @!p0 [sflag:s0], s1  }
0xc4: {  	s1 =	ssub.s32 @!p0 $0x0, s1;
	[sflag:s0] =	ssyncset.done @!p0 $0x0  }
0xc5: {  	[sflag:s0] =	ssyncadd.s32 @!p0 s1  }
0xc6: {  	[bflag:$0x3] =	sbarrier.arrive $0xFFFF  }
0xc7: {  	_ =	shalt  }

// kernel: kernel.24.cloned.1.call-start
scs
__scs_entry_jumppad:
0x0: {  	(pc) =	sbr.rel $0x88, $3  }
0x1: {  	(tag) =	ssettag $0x0;
	lr =	simm.s32 $0x1  }
0x2: {  	[smem:$0x3F92] =	sst lr;
	_ =	strace $0xD0000000  }
0x3: {  	_ = 	snop  }
0x4: {  	_ = 	snop  }
0x5: {  	_ = 	snop  }
0x6: {  	_ = 	snop  }
0x7: {  	_ = 	snop  }
__scs_overlays_trampoline_lowered:
0x8: {  	[smem:$0x3FA1] =	sst s0  }
0x9: {  	[smem:$0x3FA2] =	sst s1  }
0xa: {  	[smem:$0x3FA3] =	sst s2  }
0xb: {  	[smem:$0x3FA4] =	sst s3  }
0xc: {  	[smem:$0x3FA5] =	sst s4  }
0xd: {  	[smem:$0x3FA6] =	sst s5  }
0xe: {  	[smem:$0x3FA7] =	sst s6  }
0xf: {  	[smem:$0x3FA8] =	sst s7  }
0x10: {  	[smem:$0x3FA9] =	sst s8  }
0x11: {  	[smem:$0x3FAA] =	sst s9;
	s0 =	simm.s32 @!p0 $0x0  }
0x12: {  	s1 =	sld [smem:$0x3F90];
	s0 =	simm.s32 @p0 $0x1  }
0x13: {  	[smem:$0x3FAB] =	sst s0;
	s0 =	simm.s32 @!p1 $0x0  }
0x14: {  	s2 =	sld [smem:$0x3F8F];
	s0 =	simm.s32 @p1 $0x1  }
0x15: {  	[smem:$0x3FAC] =	sst s0;
	s0 =	simm.s32 @!p2 $0x0  }
0x16: {  	s3 =	sld [smem:$0x3FDB];
	s0 =	simm.s32 @p2 $0x1  }
0x17: {  	s4 =	simm.s32 $0x1BF5;
	[smem:$0x3FAE] =	sst s0  }
0x18: {  	s0 =	sld [smem:$0x3F91];
	_ =	swait.ge [sflag:s4], $0x0  }
0x19: {  	s7 =	sld [smem:$0x3F92]  }
0x1a: {  	s8 =	sadd.s32 $0xFFFFE003, lr  }
0x1b: {  	s9 =	sadd.s32 $0xFFFFFEF7, lr;
	s5 =	simm.s32 $0xFFFFFFFF;
	p2 =	slt.u32 s8, $0xFFFFF086  }
0x1c: {  	p1 =	slt.u32 s9, $0xF7A;
	s5 =	simm.s32 @!p2 $0x0  }
0x1d: {  	s5 =	simm.s32 @p1 $0x1;
	p0 =	seq.s32 s7, s2  }
0x1e: {  	s7 =	smul.u32 @!p0 $0xF7A, s2;
	p2 =	seq.s32 @!p0 s5, $0x0  }
0x1f: {  	s9 =	smul.u32 $0xF7A, s1;
	s8 =	simm.s32 @!p0 $0x1BF5;
	p2 =	por !p2, p0  }
0x20: {  	[sflag:s8] =	ssyncset.s32 @!p0 $0xFFFFF086;
	s6 =	sadd.s32 @!p0 s3, s7;
	s7 =	simm.s32 @!p0 $0x108  }
0x21: {  	s3 =	sadd.s32 s3, s9;
	s6 =	sadd.s32 @!p0 $0x88, s6;
	s7 =	simm.s32 @p2 $0x1082  }
0x22: {  	[simem:s7], [sflag:s8] =	dma.local @!p0 [hbm:s6], $0xF7A  }
0x23: {  	s9 =	sor.u32 $0xD0000000, s2;
	s6 =	simm.s32 $0x108;
	_ =	swait.ge @!p0 [sflag:s8], $0x0  }
0x24: {  	s3 =	sadd.s32 $0x88, s3;
	s6 =	simm.s32 @!p1 $0x1082;
	[sflag:s4] =	ssyncset.s32 $0xFFFFF086  }
0x25: {  	[simem:s6], [sflag:s4] =	dma.local [hbm:s3], $0xF7A  }
0x26: {  	[smem:$0x3F92] =	sst s1;
	(tag) =	ssettag s2;
	_ =	strace s9  }
0x27: {  	s1 =	sld [smem:$0x3FA2]  }
0x28: {  	s2 =	sld [smem:$0x3FA3]  }
0x29: {  	s4 =	sld [smem:$0x3FA5]  }
0x2a: {  	p0 =	seq.s32 s5, $0x0;
	s5 =	sld [smem:$0x3FA6]  }
0x2b: {  	s6 =	sld [smem:$0x3FA7]  }
0x2c: {  	s7 =	sld [smem:$0x3FA8]  }
0x2d: {  	s3 =	simm.s32 $0x108;
	s8 =	sld [smem:$0x3FA9]  }
0x2e: {  	s3 =	simm.s32 @!p0 $0x1082;
	s9 =	sld [smem:$0x3FAA]  }
0x2f: {  	lr =	sadd.s32 s0, s3;
	s0 =	sld [smem:$0x3FA1]  }
0x30: {  	s3 =	sld [smem:$0x3FA4]  }
0x31: {  	[smem:$0x3FAD] =	sst s10  }
0x32: {  	s10 =	sld [smem:$0x3FAB];
	_ =	sdelay $0x3  }
0x33: {  	p0 =	seq.s32 s10, $0x1;
	s10 =	sld [smem:$0x3FAD];
	_ =	sdelay $0x3  }
0x34: {  	[smem:$0x3FAD] =	sst s10  }
0x35: {  	s10 =	sld [smem:$0x3FAC];
	_ =	sdelay $0x3  }
0x36: {  	p1 =	seq.s32 s10, $0x1;
	s10 =	sld [smem:$0x3FAD];
	_ =	sdelay $0x3  }
0x37: {  	[smem:$0x3FAD] =	sst s10  }
0x38: {  	s10 =	sld [smem:$0x3FAE]  }
0x39: {  	_ = 	snop;
	(pc) =	sbr.ind lr, $3  }
0x3a: {  	_ = 	snop  }
0x3b: {  	_ = 	snop  }
0x3c: {  	p2 =	seq.s32 s10, $0x1;
	s10 =	sld [smem:$0x3FAD]  }
0x3d: {  	_ =	shalt  }
0x3e: {  	_ =	shalt  }
0x3f: {  	_ =	shalt  }
0x40: {  	_ =	shalt  }
0x41: {  	_ =	shalt  }
0x42: {  	_ =	shalt  }
0x43: {  	_ =	shalt  }
0x44: {  	_ =	shalt  }
0x45: {  	_ =	shalt  }
0x46: {  	_ =	shalt  }
0x47: {  	_ =	shalt  }
0x48: {  	_ =	shalt  }
0x49: {  	_ =	shalt  }
0x4a: {  	_ =	shalt  }
0x4b: {  	_ =	shalt  }
0x4c: {  	_ =	shalt  }
0x4d: {  	_ =	shalt  }
0x4e: {  	_ =	shalt  }
0x4f: {  	_ =	shalt  }
0x50: {  	_ =	shalt  }
0x51: {  	_ =	shalt  }
0x52: {  	_ =	shalt  }
0x53: {  	_ =	shalt  }
0x54: {  	_ =	shalt  }
0x55: {  	_ =	shalt  }
0x56: {  	_ =	shalt  }
0x57: {  	_ =	shalt  }
0x58: {  	_ =	shalt  }
0x59: {  	_ =	shalt  }
0x5a: {  	_ =	shalt  }
0x5b: {  	_ =	shalt  }
0x5c: {  	_ =	shalt  }
0x5d: {  	_ =	shalt  }
0x5e: {  	_ =	shalt  }
0x5f: {  	_ =	shalt  }
0x60: {  	_ =	shalt  }
0x61: {  	_ =	shalt  }
0x62: {  	_ =	shalt  }
0x63: {  	_ =	shalt  }
0x64: {  	_ =	shalt  }
0x65: {  	_ =	shalt  }
0x66: {  	_ =	shalt  }
0x67: {  	_ =	shalt  }
0x68: {  	_ =	shalt  }
0x69: {  	_ =	shalt  }
0x6a: {  	_ =	shalt  }
0x6b: {  	_ =	shalt  }
0x6c: {  	_ =	shalt  }
0x6d: {  	_ =	shalt  }
0x6e: {  	_ =	shalt  }
0x6f: {  	_ =	shalt  }
0x70: {  	_ =	shalt  }
0x71: {  	_ =	shalt  }
0x72: {  	_ =	shalt  }
0x73: {  	_ =	shalt  }
0x74: {  	_ =	shalt  }
0x75: {  	_ =	shalt  }
0x76: {  	_ =	shalt  }
0x77: {  	_ =	shalt  }
0x78: {  	_ =	shalt  }
0x79: {  	_ =	shalt  }
0x7a: {  	_ =	shalt  }
0x7b: {  	_ =	shalt  }
0x7c: {  	_ =	shalt  }
0x7d: {  	_ =	shalt  }
0x7e: {  	_ =	shalt  }
0x7f: {  	_ =	shalt  }
0x80: {  	_ =	shalt  }
0x81: {  	_ =	shalt  }
0x82: {  	_ =	shalt  }
0x83: {  	_ =	shalt  }
0x84: {  	_ =	shalt  }
0x85: {  	_ =	shalt  }
0x86: {  	_ =	shalt  }
0x87: {  	_ =	shalt  }
.Lfunc_end0:
.L_simem_size_0:
called_computation.3_lowered:
.L_overlay_start_0:
0x88: {  	s2 =	sld [smem:$0x3FD9]  }
0x89: {  	s3 =	sld [smem:$0x3FFE];
	_ =	sdelay $0x1  }
0x8a: {  	s1 =	srdreg.scid  }
0x8b: {  	s0 =	sand.u32 $0x1, s1  }
0x8c: {  	s14 =	sshll.u32 s0, $0xA;
	s2 =	sadd.s32 s3, s2  }
0x8d: {  	s2 =	sadd.s32 s2, s14  }
0x8e: {  	[smem:$0x3FB9] =	sst s2  }
0x8f: {  	_ = 	snop  }
0x90: {  	s2 =	sld [smem:$0x3FD0];
	_ =	sdelay $0x2  }
0x91: {  	s15 =	simm.s32 $0xB;
	s4 =	simm.s32 $0x10  }
0x92: {  	[smem:s4], [sflag:s15] =	dma.local [hbm:s2], $0x1  }
0x93: {  	_ =	swait.eq [sflag:s15], $0x1  }
0x94: {  	[sflag:s15] =	ssyncset.done $0x0  }
0x95: {  	[sflag:s15] =	ssyncadd.s32 $0xFFFFFFFF  }
0x96: {  	s16 =	sld [smem:$0x10];
	(tm) =	ssettm $0x1  }
0x97: {  	s17 =	sld [smem:$0x3FFB];
	_ =	sdelay $0x3  }
0x98: {  	_ =	strace s17  }
0x99: {  	s3 =	sld [smem:$0x3FFC];
	_ =	sdelay $0x3  }
0x9a: {  	_ =	strace s3  }
0x9b: {  	s3 =	sld [smem:$0x3FFD];
	_ =	sdelay $0x3  }
0x9c: {  	_ =	strace s3  }
0x9d: {  	_ =	strace $0x8FFFFFFF  }
0x9e: {  	s18 =	sld [smem:$0x3FDB];
	_ =	sdelay $0x1  }
0x9f: {  	s19 =	simm.s32 $_scs_section_size  }
0xa0: {  	s5 =	simm.s32 $_size__tile_overlayer_lowered;
	s6 =	simm.s32 $_tile_overlayer_lowered  }
0xa1: {  	s22 =	simm.s32 $0x1BFF;
	s21 =	sshll.u32 s6, $0x1;
	s3 =	sadd.s32 s19, s18  }
0xa2: {  	s7 =	simm.s32 $0x0;
	s20 =	sshll.u32 s5, $0x1;
	s5 =	sadd.s32 s21, s3  }
0xa3: {  	[timem:s7], [sflag:s22] =	dma.local [hbm:s5], s20  }
0xa4: {  	_ =	swait.ge [sflag:s22], s20  }
0xa5: {  	s4 =	ssub.s32 $0x0, s20;
	[sflag:s22] =	ssyncset.done $0x0  }
0xa6: {  	[sflag:s22] =	ssyncadd.s32 s4;
	_ =	sdelay $0x1  }
0xa7: {  	s23 =	simm.s32 $0x1B8B  }
0xa8: {  	_ =	swait.ge [sflag:s23], $0x1  }
0xa9: {  	[sflag:s23] =	ssyncset.done $0x0  }
0xaa: {  	s25 =	simm.s32 $0x1B8E;
	s24 =	sld [smem:$0x3FFE];
	[sflag:s23] =	ssyncadd.s32 $0xFFFFFFFF  }
0xab: {  	s26 =	simm.s32 $execute0_lowered;
	[smem:$0x3FD2] =	sst s25  }
0xac: {  	s5 =	sshll.u32 s26, $0x1;
	_ =	strace $0x8000004F;
	[dreg:$0x1] =	wrdreg $0xFFFFFFFF  }
0xad: {  	s28 =	simm.s32 $_size_execute0_lowered;
	s3 =	sadd.s32 s3, s5;
	[dreg:$0x0] =	wrdreg $0x0  }
0xae: {  	s5 =	sshll.u32 s28, $0x1;
	[dreg:$0x2] =	wrdreg s3  }
0xaf: {  	[dreg:$0x3] =	wrdreg s5  }
0xb0: {  	[dreg:$0x4] =	wrdreg $0xC0  }
0xb1: {  	_ =	task [dreg:s7], $0x5FFFF  }
0xb2: {  	[dreg:$0x1] =	wrdreg $0xFFFFFFFF  }
0xb3: {  	[dreg:$0x0] =	wrdreg $0x60  }
0xb4: {  	[dreg:$0x2] =	wrdreg s16  }
0xb5: {  	[dreg:$0x3] =	wrdreg s24  }
0xb6: {  	[dreg:$0x4] =	wrdreg $0x0  }
0xb7: {  	[dreg:$0x5] =	wrdreg $0x9  }
0xb8: {  	_ =	task.clear_ibuf [dreg:s7], $0x6FFFF;
	_ =	strace $0x9000004F  }
0xb9: {  	s29 =	simm.s32 $0x9;
	_ =	strace $0x80000051  }
0xba: {  	_ =	swait.ge [sflag:s29], $0x1  }
0xbb: {  	[sflag:s29] =	ssyncadd.s32 $0xFFFFFFFF  }
0xbc: {  	_ =	strace $0x90000051  }
0xbd: {  	_ =	sfence  }
0xbe: {  	s30 =	sld [smem:$0x0];
	_ =	sdelay $0x2  }
0xbf: {  	s31 =	sshll.u32 s1, $0xD;
	s1 =	sshrl.u32 s1, $0x2  }
0xc0: {  	s3 =	sand.u32 $0x4000, s31;
	s1 =	sadd.s32 s1, s30  }
0xc1: {  	s0 =	sor.u32 s3, s0;
	s1 =	sshll.u32 s1, $0x11  }
0xc2: {  	s0 =	sor.u32 s1, s0  }
0xc3: {  	s0 =	sadd.s32 $0x8F2B, s0  }
0xc4: {  	[sflag:s0] =	ssyncadd.remote.s32 $0x1  }
0xc5: {  	_ =	sfence.sel $0xFFFF  }
0xc6: {  	[dreg:$0x0] =	wrdreg $0xFFFFFFFF;
	(pc) =	sbr.abs _section_cstart, $3  }
0xc7: {  	[dreg:$0x1] =	wrdreg $0xFFFFFFFF  }
0xc8: {  	_ =	task.clear_ibuf [dreg:s7], $0x2FFFF;
	_ =	strace $0x9FFFFFFF  }
0xc9: {  	(tm) =	ssettm $0x7FFFFFFF  }
tec
execute0_lowered:
.L_overlay_start_1:
0x0: {  	(tag) =	ssettag $0x1  }
0x1: {  	s1 =	rddreg [dreg:$0x0]  }
0x2: {  	s0 =	rddreg [dreg:$0x1]  }
0x3: {  	s3 =	rddreg [dreg:$0x2];
	s2 =	srdreg.scid;
	s4 =	simm.s32 $0x0  }
0x4: {  	s15 =	simm.s32 $0x14000;
	s17 =	simm.s32 $0x16800;
	s18 =	simm.s32 $0x17C00  }
0x5: {  	s19 =	simm.s32 $0x5;
	s20 =	simm.s32 $0x2;
	s21 =	simm.s32 $0x80  }
0x6: {  	s22 =	simm.s32 $0x1BC00;
	s23 =	simm.s32 $0x1;
	s24 =	simm.s32 $0x4  }
0x7: {  	s25 =	simm.s32 $0x3;
	s28 =	simm.s32 $0x15380;
	s29 =	simm.s32 $0x17B80  }
0x8: {  	s30 =	simm.s32 $0x0;
	s5 =	sand.u32 $0x1, s2;
	s2 =	stileid.u32  }
0x9: {  	[smem:$0x7FF] =	sst s4;
	s6 =	smul.u32 $0x140000, s5;
	s7 =	sshll.u32 s5, $0x4  }
0xa: {  	s8 =	smul.u32 $0x14000, s2;
	_ =	strace $0x80000050;
	s5 =	ssub.s32 $0x2, s5  }
0xb: {  	s26 =	smul.u32 $0x50000, s2;
	s7 =	sor.u32 s2, s7;
	s31 =	sshrl.u32 s5, $0x1  }
0xc: {  	s7 =	smul.u32 $0x280, s7;
	s6 =	sadd.s32 s8, s6;
	s10 =	ssub.s32 s5, s31  }
0xd: {  	s8 =	sshrl.u32 s26, $0x2;
	s26 =	simm.s32 $0x17B00;
	s6 =	sshrl.u32 s6, $0x3  }
0xe: {  	s8 =	sadd.s32 s8, s3;
	s10 =	smax.u32 s10, $0x1;
	s7 =	sadd.s32 s7, s0  }
0xf: {  	s0 =	sadd.s32 s6, s0;
	s11 =	sadd.s32 $0x4000, s8;
	s12 =	sadd.s32 $0x8000, s8  }
0x10: {  	s13 =	sadd.s32 $0xC000, s8;
	s14 =	sadd.s32 $0x10000, s8;
	s5 =	sadd.s32 $0x7000, s7  }
0x11: {  	v0 =	vimm.f32 $0.0e+00;
	s6 =	sadd.s32 $0x16000, s7;
	s7 =	sadd.s32 $0x11000, s7;
	s9 =	sadd.s32 $0x1B000, s0  }
.LBB2_1:
0x12: {  	[tilespmem:s15], [sflag:$0x2] =	stream.linear.gather [hbm4b:s5+s4], $0x1400, $0x38;
	[tilespmem:$0x1FC00] =	vst v63  }
0x13: {  	s0 =	simm.s32 $0x15400  }
0x14: {  	[tilespmem:s0], [sflag:$0x2] =	stream.linear.gather [hbm4b:s6+s4], $0x1400, $0x38;
	[tilespmem:$0x1FC00] =	vst v63  }
0x15: {  	s31 =	simm.s32 $0x200;
	s0 =	simm.s32 $0x0  }
0x16: {  	[tilespmem:s17], [sflag:$0x2] =	stream.linear.gather [hbm4b:s7+s4], $0x1400, $0x38;
	[tilespmem:$0x1FC00] =	vst v63  }
.LBB2_2:
0x17: {  	p0 =	sne.s32 s31, $0xFE00;
	[tilespmem:s0+$0x1BC70] =	vst v0  }
0x18: {  	[tilespmem:s0+$0x17C00] =	vst v0  }
0x19: {  	[tilespmem:s0+$0x1BC00] =	vst v0  }
0x1a: {  	[tilespmem:s0+$0x17C10] =	vst v0  }
0x1b: {  	[tilespmem:s0+$0x1BC10] =	vst v0  }
0x1c: {  	[tilespmem:s0+$0x17C20] =	vst v0  }
0x1d: {  	[tilespmem:s0+$0x1BC20] =	vst v0  }
0x1e: {  	[tilespmem:s0+$0x17C30] =	vst v0  }
0x1f: {  	[tilespmem:s0+$0x1BC30] =	vst v0  }
0x20: {  	[tilespmem:s0+$0x17C40] =	vst v0  }
0x21: {  	[tilespmem:s0+$0x1BC40] =	vst v0  }
.Ltmp0:
0x22: {  	[tilespmem:s0+$0x17C50] =	vst v0;
	(pc) =	sbr.rel @p0 .LBB2_2-.Ltmp0, $4  }
0x23: {  	[tilespmem:s0+$0x1BC50] =	vst v0  }
0x24: {  	[tilespmem:s0+$0x17C60] =	vst v0  }
0x25: {  	[tilespmem:s0+$0x1BC60] =	vst v0  }
0x26: {  	[tilespmem:s0+$0x17C70] =	vst v0;
	s0 =	sshra.s32 s31, $0x2;
	s31 =	sadd.s32 $0x200, s31  }
0x27: {  	[tilespmem:s0+$0x1BC70] =	vst v0  }
0x28: {  	[tilespmem:s0+$0x17C00] =	vst v0  }
0x29: {  	[tilespmem:s0+$0x1BC00] =	vst v0  }
0x2a: {  	[tilespmem:s0+$0x17C10] =	vst v0  }
0x2b: {  	[tilespmem:s0+$0x1BC10] =	vst v0  }
0x2c: {  	[tilespmem:s0+$0x17C20] =	vst v0  }
0x2d: {  	[tilespmem:s0+$0x1BC20] =	vst v0  }
0x2e: {  	[tilespmem:s0+$0x17C30] =	vst v0  }
0x2f: {  	[tilespmem:s0+$0x1BC30] =	vst v0  }
0x30: {  	[tilespmem:s0+$0x17C40] =	vst v0  }
0x31: {  	[tilespmem:s0+$0x1BC40] =	vst v0  }
0x32: {  	[tilespmem:s0+$0x17C50] =	vst v0  }
0x33: {  	[tilespmem:s0+$0x1BC50] =	vst v0  }
0x34: {  	[tilespmem:s0+$0x17C60] =	vst v0  }
0x35: {  	[tilespmem:s0+$0x1BC60] =	vst v0  }
0x36: {  	[tilespmem:s0+$0x17C70] =	vst v0  }
0x37: {  	[spmem:s8] =	stream.linear.scatter [tilespmem:s18], [sflag:$0x5], $0x4000, $0x38;
	[tilespmem:$0x1FC00] =	vst v63  }
0x38: {  	_ =	swait.ge [sflag:s19], $0x4000  }
0x39: {  	[sflag:s19] =	ssyncset.done $0x0  }
0x3a: {  	[sflag:s19] =	ssyncadd.s32 $0xFFFFC000  }
0x3b: {  	[spmem:s11] =	stream.linear.scatter [tilespmem:s18], [sflag:$0x5], $0x4000, $0x38;
	[tilespmem:$0x1FC00] =	vst v63  }
0x3c: {  	_ =	swait.ge [sflag:s19], $0x4000  }
0x3d: {  	[sflag:s19] =	ssyncset.done $0x0  }
0x3e: {  	[sflag:s19] =	ssyncadd.s32 $0xFFFFC000  }
0x3f: {  	[spmem:s12] =	stream.linear.scatter [tilespmem:s18], [sflag:$0x5], $0x4000, $0x38;
	[tilespmem:$0x1FC00] =	vst v63  }
0x40: {  	_ =	swait.ge [sflag:s19], $0x4000  }
0x41: {  	[sflag:s19] =	ssyncset.done $0x0  }
0x42: {  	[sflag:s19] =	ssyncadd.s32 $0xFFFFC000  }
0x43: {  	[spmem:s13] =	stream.linear.scatter [tilespmem:s18], [sflag:$0x5], $0x4000, $0x38;
	[tilespmem:$0x1FC00] =	vst v63  }
0x44: {  	_ =	swait.ge [sflag:s19], $0x4000  }
0x45: {  	[sflag:s19] =	ssyncset.done $0x0  }
0x46: {  	[sflag:s19] =	ssyncadd.s32 $0xFFFFC000  }
0x47: {  	[spmem:s14] =	stream.linear.scatter [tilespmem:s18], [sflag:$0x5], $0x4000, $0x38;
	[tilespmem:$0x1FC00] =	vst v63  }
0x48: {  	_ =	swait.ge [sflag:s19], $0x4000  }
0x49: {  	[sflag:s19] =	ssyncset.done $0x0  }
0x4a: {  	[sflag:s19] =	ssyncadd.s32 $0xFFFFC000  }
0x4b: {  	_ =	swait.ge [sflag:s20], $0x1400  }
0x4c: {  	[sflag:s20] =	ssyncset.done $0x0  }
0x4d: {  	[sflag:s20] =	ssyncadd.s32 $0xFFFFEC00  }
0x4e: {  	_ =	swait.ge [sflag:s20], $0x1400  }
0x4f: {  	[sflag:s20] =	ssyncset.done $0x0  }
0x50: {  	[sflag:s20] =	ssyncadd.s32 $0xFFFFEC00  }
0x51: {  	_ =	swait.ge [sflag:s20], $0x1400  }
0x52: {  	[sflag:s20] =	ssyncset.done $0x0  }
0x53: {  	s31 =	simm.s32 $0x0;
	[sflag:s20] =	ssyncadd.s32 $0xFFFFEC00  }
0x54: {  	v7 =	vld [tilespmem:s31+$0x15400]  }
0x55: {  	v12 =	vld [tilespmem:s31+$0x15410]  }
0x56: {  	v6 =	vld [tilespmem:s31+$0x15420]  }
0x57: {  	v5 =	vld [tilespmem:s31+$0x15430]  }
0x58: {  	v4 =	vld [tilespmem:s31+$0x15440]  }
0x59: {  	v3 =	vld [tilespmem:s31+$0x15450]  }
0x5a: {  	v2 =	vld [tilespmem:s31+$0x15460]  }
0x5b: {  	v1 =	vld [tilespmem:s31+$0x15470]  }
0x5c: {  	v11 =	vld [tilespmem:s31+$0x14000]  }
0x5d: {  	v10 =	vld [tilespmem:s31+$0x14010]  }
0x5e: {  	v9 =	vld [tilespmem:s31+$0x14020]  }
0x5f: {  	v8 =	vld [tilespmem:s31+$0x14030];
	v13 =	vmul.u32 $0x2800, v7  }
0x60: {  	s0 =	simm.s32 $0x200;
	v12 =	vmul.u32 $0x2800, v12;
	v7 =	vld [tilespmem:s31+$0x14040]  }
.LBB2_4:
0x61: {  	p0 =	sne.s32 s0, $0x4E00;
	v11 =	vadd.s32 v11, v13;
	v6 =	vmul.u32 $0x2800, v6;
	v13 =	vld [tilespmem:s31+$0x14050]  }
0x62: {  	v5 =	vmul.u32 $0x2800, v5;
	[tilespmem:s31+$0x14000] =	vst v11;
	v10 =	vadd.s32 v10, v12;
	v11 =	vld [tilespmem:s31+$0x14060]  }
0x63: {  	s16 =	sshra.s32 s0, $0x2;
	v4 =	vmul.u32 $0x2800, v4;
	[tilespmem:s31+$0x14010] =	vst v10;
	v6 =	vadd.s32 v9, v6;
	v9 =	vld [tilespmem:s31+$0x14070]  }
0x64: {  	v3 =	vmul.u32 $0x2800, v3;
	v12 =	vld [tilespmem:s16+$0x15400];
	[tilespmem:s31+$0x14020] =	vst v6;
	v5 =	vadd.s32 v8, v5  }
0x65: {  	v2 =	vmul.u32 $0x2800, v2;
	v14 =	vld [tilespmem:s16+$0x15410];
	[tilespmem:s31+$0x14030] =	vst v5;
	v4 =	vadd.s32 v7, v4  }
0x66: {  	v1 =	vmul.u32 $0x2800, v1;
	v6 =	vld [tilespmem:s16+$0x15420];
	[tilespmem:s31+$0x14040] =	vst v4;
	v3 =	vadd.s32 v13, v3  }
0x67: {  	v5 =	vld [tilespmem:s16+$0x15430];
	[tilespmem:s31+$0x14050] =	vst v3;
	v2 =	vadd.s32 v11, v2  }
0x68: {  	v4 =	vld [tilespmem:s16+$0x15440];
	[tilespmem:s31+$0x14060] =	vst v2;
	v1 =	vadd.s32 v9, v1  }
0x69: {  	v3 =	vld [tilespmem:s16+$0x15450];
	[tilespmem:s31+$0x14070] =	vst v1;
	s31 =	smov.u32 s16  }
0x6a: {  	v2 =	vld [tilespmem:s31+$0x15460]  }
0x6b: {  	v1 =	vld [tilespmem:s31+$0x15470]  }
.Ltmp1:
0x6c: {  	v11 =	vld [tilespmem:s31+$0x14000];
	(pc) =	sbr.rel @p0 .LBB2_4-.Ltmp1, $4  }
0x6d: {  	v10 =	vld [tilespmem:s31+$0x14010]  }
0x6e: {  	v9 =	vld [tilespmem:s31+$0x14020]  }
0x6f: {  	v13 =	vmul.u32 $0x2800, v12;
	v8 =	vld [tilespmem:s31+$0x14030]  }
0x70: {  	s0 =	sadd.s32 $0x200, s0;
	v12 =	vmul.u32 $0x2800, v14;
	v7 =	vld [tilespmem:s31+$0x14040]  }
0x71: {  	v11 =	vadd.s32 v11, v13;
	v61 =	vld [tilespmem:s31+$0x14050];
	v6 =	vmul.u32 $0x2800, v6  }
0x72: {  	v62 =	vld [tilespmem:s31+$0x14060];
	v5 =	vmul.u32 $0x2800, v5;
	[tilespmem:s31+$0x14000] =	vst v11;
	v10 =	vadd.s32 v10, v12  }
0x73: {  	v4 =	vmul.u32 $0x2800, v4;
	v63 =	vld [tilespmem:s31+$0x14070];
	[tilespmem:s31+$0x14010] =	vst v10;
	v6 =	vadd.s32 v9, v6  }
0x74: {  	v3 =	vmul.u32 $0x2800, v3;
	[tilespmem:s31+$0x14020] =	vst v6;
	v5 =	vadd.s32 v8, v5  }
0x75: {  	v2 =	vmul.u32 $0x2800, v2;
	[tilespmem:s31+$0x14030] =	vst v5;
	v4 =	vadd.s32 v7, v4  }
0x76: {  	v1 =	vmul.u32 $0x2800, v1;
	[tilespmem:s31+$0x14040] =	vst v4;
	v3 =	vadd.s32 v61, v3  }
0x77: {  	v2 =	vadd.s32 v62, v2;
	[tilespmem:s31+$0x14050] =	vst v3  }
0x78: {  	v1 =	vadd.s32 v63, v1;
	[tilespmem:s31+$0x14060] =	vst v2  }
0x79: {  	[tilespmem:s31+$0x14070] =	vst v1  }
0x7a: {  	[bflag:$0x0] =	sbarrier.arrive $0xFFFF  }
0x7b: {  	[spmem:s3] =	stream.indirect.scatter.add.f32 [tilespmem:s22], [sflag:$0x4], $0x80, s17, s21, $0xb8;
	[tilespmem:$0x1FC00] =	vst v63  }
0x7c: {  	_ = 	snop  }
0x7d: {  	[tilespmem:s18], [sflag:$0x1] =	stream.indirect.gather [hbm4b:s1+s21], $0x80, s15, s21, $0xb8;
	[tilespmem:$0x1FC00] =	vst v63  }
0x7e: {  	_ =	swait.ge [sflag:s23], $0x4000  }
0x7f: {  	[sflag:s23] =	ssyncset.done $0x0  }
0x80: {  	s0 =	simm.s32 $0x16800;
	[sflag:s23] =	ssyncadd.s32 $0xFFFFC000  }
0x81: {  	[spmem:s3] =	stream.indirect.scatter.add.f32 [tilespmem:s18], [sflag:$0x3], $0x80, s0, s21, $0xb8;
	[tilespmem:$0x1FC00] =	vst v63  }
0x82: {  	_ =	swait.ge [sflag:s24], $0x4000  }
0x83: {  	[sflag:s24] =	ssyncset.done $0x0  }
0x84: {  	s16 =	simm.s32 $0x14080;
	[sflag:s24] =	ssyncadd.s32 $0xFFFFC000  }
0x85: {  	[tilespmem:s22], [sflag:$0x2] =	stream.indirect.gather [hbm4b:s1+s21], $0x80, s16, s21, $0xb8;
	[tilespmem:$0x1FC00] =	vst v63  }
0x86: {  	_ =	swait.ge [sflag:s20], $0x4000  }
0x87: {  	[sflag:s20] =	ssyncset.done $0x0  }
0x88: {  	s16 =	simm.s32 $0x16880;
	[sflag:s20] =	ssyncadd.s32 $0xFFFFC000  }
0x89: {  	[spmem:s3] =	stream.indirect.scatter.add.f32 [tilespmem:s22], [sflag:$0x4], $0x80, s16, s21, $0xb8;
	[tilespmem:$0x1FC00] =	vst v63  }
0x8a: {  	_ =	swait.ge [sflag:s25], $0x4000  }
0x8b: {  	[sflag:s25] =	ssyncset.done $0x0  }
0x8c: {  	s31 =	simm.s32 $0x14100;
	s0 =	simm.s32 $0x400;
	[sflag:s25] =	ssyncadd.s32 $0xFFFFC000  }
.LBB2_6:
0x8d: {  	[tilespmem:s18], [sflag:$0x1] =	stream.indirect.gather [hbm4b:s1+s21], $0x80, s31, s21, $0xb8;
	[tilespmem:$0x1FC00] =	vst v63  }
0x8e: {  	s16 =	smov.u32 s0  }
0x8f: {  	p0 =	sne.s32 s0, $0x4800;
	s0 =	sadd.s32 $0x400, s0;
	_ =	swait.ge [sflag:s23], $0x4000  }
0x90: {  	s16 =	sshra.s32 s16, $0x2;
	[sflag:s23] =	ssyncset.done $0x0  }
0x91: {  	s31 =	sadd.s32 $0x16800, s16;
	[sflag:s23] =	ssyncadd.s32 $0xFFFFC000  }
0x92: {  	[spmem:s3] =	stream.indirect.scatter.add.f32 [tilespmem:s18], [sflag:$0x3], $0x80, s31, s21, $0xb8;
	[tilespmem:$0x1FC00] =	vst v63  }
0x93: {  	_ =	swait.ge [sflag:s24], $0x4000  }
0x94: {  	[sflag:s24] =	ssyncset.done $0x0  }
0x95: {  	s31 =	sadd.s32 $0x14080, s16;
	[sflag:s24] =	ssyncadd.s32 $0xFFFFC000  }
0x96: {  	[tilespmem:s22], [sflag:$0x2] =	stream.indirect.gather [hbm4b:s1+s21], $0x80, s31, s21, $0xb8;
	[tilespmem:$0x1FC00] =	vst v63  }
0x97: {  	_ =	swait.ge [sflag:s20], $0x4000  }
0x98: {  	[sflag:s20] =	ssyncset.done $0x0  }
.Ltmp2:
0x99: {  	s31 =	sadd.s32 $0x16880, s16;
	[sflag:s20] =	ssyncadd.s32 $0xFFFFC000;
	(pc) =	sbr.rel @p0 .LBB2_6-.Ltmp2, $4  }
0x9a: {  	[spmem:s3] =	stream.indirect.scatter.add.f32 [tilespmem:s22], [sflag:$0x4], $0x80, s31, s21, $0xb8;
	[tilespmem:$0x1FC00] =	vst v63  }
0x9b: {  	_ =	swait.ge [sflag:s25], $0x4000  }
0x9c: {  	[sflag:s25] =	ssyncset.done $0x0  }
0x9d: {  	s31 =	sadd.s32 $0x14100, s16;
	[sflag:s25] =	ssyncadd.s32 $0xFFFFC000  }
0x9e: {  	[tilespmem:s18], [sflag:$0x1] =	stream.indirect.gather [hbm4b:s1+s21], $0x80, s31, s21, $0xb8;
	[tilespmem:$0x1FC00] =	vst v63  }
0x9f: {  	_ =	swait.ge [sflag:s23], $0x4000  }
0xa0: {  	[sflag:s23] =	ssyncset.done $0x0  }
0xa1: {  	[sflag:s23] =	ssyncadd.s32 $0xFFFFC000  }
0xa2: {  	[spmem:s3] =	stream.indirect.scatter.add.f32 [tilespmem:s18], [sflag:$0x3], $0x80, s26, s21, $0xb8;
	[tilespmem:$0x1FC00] =	vst v63  }
0xa3: {  	_ =	swait.ge [sflag:s24], $0x4000  }
0xa4: {  	[sflag:s24] =	ssyncset.done $0x0  }
0xa5: {  	[sflag:s24] =	ssyncadd.s32 $0xFFFFC000  }
0xa6: {  	[tilespmem:s22], [sflag:$0x2] =	stream.indirect.gather [hbm4b:s1+s21], $0x80, s28, s21, $0xb8;
	[tilespmem:$0x1FC00] =	vst v63  }
0xa7: {  	_ =	swait.ge [sflag:s20], $0x4000  }
0xa8: {  	[sflag:s20] =	ssyncset.done $0x0  }
0xa9: {  	[sflag:s20] =	ssyncadd.s32 $0xFFFFC000  }
0xaa: {  	[spmem:s3] =	stream.indirect.scatter.add.f32 [tilespmem:s22], [sflag:$0x4], $0x80, s29, s21, $0xb8;
	[tilespmem:$0x1FC00] =	vst v63  }
0xab: {  	_ =	swait.ge [sflag:s25], $0x4000  }
0xac: {  	[sflag:s25] =	ssyncset.done $0x0  }
0xad: {  	[sflag:s25] =	ssyncadd.s32 $0xFFFFC000  }
0xae: {  	_ =	swait.ge [sflag:s24], $0x4000  }
0xaf: {  	s0 =	sshll.u32 s2, $0x6;
	s30 =	sadd.s32 $0x1, s30;
	[sflag:s24] =	ssyncset.done $0x0  }
0xb0: {  	s16 =	sshrl.u32 s8, $0x3;
	p0 =	sne.s32 s30, s10;
	[sflag:s24] =	ssyncadd.s32 $0xFFFFC000  }
.Ltmp3:
0xb1: {  	s0 =	sor.u32 $0x1C05, s0;
	[bflag:$0x0] =	sbarrier.arrive $0xFFFF;
	(pc) =	sbr.rel @p0 .LBB2_1-.Ltmp3, $4  }
0xb2: {  	[hbm:s9], [sflag:s0] =	dma.local [spmem:s16], $0x2800  }
0xb3: {  	_ =	swait.ge [sflag:s19], $0x2800  }
0xb4: {  	[sflag:s19] =	ssyncset.done $0x0  }
0xb5: {  	[sflag:s19] =	ssyncadd.s32 $0xFFFFD800  }
0xb6: {  	_ =	sfence.sel $0x180000  }
0xb7: {  	[bflag:$0x0] =	sbarrier.arrive $0xFFFF  }
0xb8: {  	_ =	strace $0x90000050  }
0xb9: {  	[bflag:$0x2] =	sbarrier.arrive $0xFFFF  }
0xba: {  	p0 =	sne.s32 s2, $0x0;
	s0 =	rddreg [dreg:$0x3]  }
0xbb: {  	s0 =	sadd.s32 @!p0 $0x100000, s0  }
0xbc: {  	[sflag:s0] =	ssyncadd.tile.s32 @!p0 $0x1;
	_ =	shalt  }
.Lfunc_end2:
_tile_overlayer_lowered:
.L_overlay_start_2:
0xbd: {  	(tag) =	ssettag $0x2  }
0xbe: {  	s0 =	rddreg [dreg:$0x0];
	s2 =	stileid.u32  }
0xbf: {  	s1 =	rddreg [dreg:$0x1];
	p0 =	sne.s32 s2, $0x0  }
0xc0: {  	s3 =	rddreg [dreg:$0x2];
	[bflag:$0x3] =	sbarrier.arrive $0xFFFF;
	s2 =	simm.s32 @!p0 $0x1C05  }
0xc1: {  	[timem:s3], [sflag:s2] =	dma.local @!p0 [hbm:s0], s1  }
0xc2: {  	s0 =	simm.s32 @!p0 $0x5  }
0xc3: {  	_ =	swait.ge @!p0 [sflag:s0], s1  }
0xc4: {  	s1 =	ssub.s32 @!p0 $0x0, s1;
	[sflag:s0] =	ssyncset.done @!p0 $0x0  }
0xc5: {  	[sflag:s0] =	ssyncadd.s32 @!p0 s1  }
0xc6: {  	[bflag:$0x3] =	sbarrier.arrive $0xFFFF  }
0xc7: {  	_ =	shalt  }

// kernel: kernel.27.cloned.1.call-start
scs
__scs_entry_jumppad:
0x0: {  	(pc) =	sbr.rel $0x88, $3  }
0x1: {  	(tag) =	ssettag $0x0;
	lr =	simm.s32 $0x1  }
0x2: {  	[smem:$0x3F92] =	sst lr;
	_ =	strace $0xD0000000  }
0x3: {  	_ = 	snop  }
0x4: {  	_ = 	snop  }
0x5: {  	_ = 	snop  }
0x6: {  	_ = 	snop  }
0x7: {  	_ = 	snop  }
__scs_overlays_trampoline_lowered:
0x8: {  	[smem:$0x3FA1] =	sst s0  }
0x9: {  	[smem:$0x3FA2] =	sst s1  }
0xa: {  	[smem:$0x3FA3] =	sst s2  }
0xb: {  	[smem:$0x3FA4] =	sst s3  }
0xc: {  	[smem:$0x3FA5] =	sst s4  }
0xd: {  	[smem:$0x3FA6] =	sst s5  }
0xe: {  	[smem:$0x3FA7] =	sst s6  }
0xf: {  	[smem:$0x3FA8] =	sst s7  }
0x10: {  	[smem:$0x3FA9] =	sst s8  }
0x11: {  	[smem:$0x3FAA] =	sst s9;
	s0 =	simm.s32 @!p0 $0x0  }
0x12: {  	s1 =	sld [smem:$0x3F90];
	s0 =	simm.s32 @p0 $0x1  }
0x13: {  	[smem:$0x3FAB] =	sst s0;
	s0 =	simm.s32 @!p1 $0x0  }
0x14: {  	s2 =	sld [smem:$0x3F8F];
	s0 =	simm.s32 @p1 $0x1  }
0x15: {  	[smem:$0x3FAC] =	sst s0;
	s0 =	simm.s32 @!p2 $0x0  }
0x16: {  	s3 =	sld [smem:$0x3FDB];
	s0 =	simm.s32 @p2 $0x1  }
0x17: {  	s4 =	simm.s32 $0x1BF5;
	[smem:$0x3FAE] =	sst s0  }
0x18: {  	s0 =	sld [smem:$0x3F91];
	_ =	swait.ge [sflag:s4], $0x0  }
0x19: {  	s7 =	sld [smem:$0x3F92]  }
0x1a: {  	s8 =	sadd.s32 $0xFFFFE003, lr  }
0x1b: {  	s9 =	sadd.s32 $0xFFFFFEF7, lr;
	s5 =	simm.s32 $0xFFFFFFFF;
	p2 =	slt.u32 s8, $0xFFFFF086  }
0x1c: {  	p1 =	slt.u32 s9, $0xF7A;
	s5 =	simm.s32 @!p2 $0x0  }
0x1d: {  	s5 =	simm.s32 @p1 $0x1;
	p0 =	seq.s32 s7, s2  }
0x1e: {  	s7 =	smul.u32 @!p0 $0xF7A, s2;
	p2 =	seq.s32 @!p0 s5, $0x0  }
0x1f: {  	s9 =	smul.u32 $0xF7A, s1;
	s8 =	simm.s32 @!p0 $0x1BF5;
	p2 =	por !p2, p0  }
0x20: {  	[sflag:s8] =	ssyncset.s32 @!p0 $0xFFFFF086;
	s6 =	sadd.s32 @!p0 s3, s7;
	s7 =	simm.s32 @!p0 $0x108  }
0x21: {  	s3 =	sadd.s32 s3, s9;
	s6 =	sadd.s32 @!p0 $0x88, s6;
	s7 =	simm.s32 @p2 $0x1082  }
0x22: {  	[simem:s7], [sflag:s8] =	dma.local @!p0 [hbm:s6], $0xF7A  }
0x23: {  	s9 =	sor.u32 $0xD0000000, s2;
	s6 =	simm.s32 $0x108;
	_ =	swait.ge @!p0 [sflag:s8], $0x0  }
0x24: {  	s3 =	sadd.s32 $0x88, s3;
	s6 =	simm.s32 @!p1 $0x1082;
	[sflag:s4] =	ssyncset.s32 $0xFFFFF086  }
0x25: {  	[simem:s6], [sflag:s4] =	dma.local [hbm:s3], $0xF7A  }
0x26: {  	[smem:$0x3F92] =	sst s1;
	(tag) =	ssettag s2;
	_ =	strace s9  }
0x27: {  	s1 =	sld [smem:$0x3FA2]  }
0x28: {  	s2 =	sld [smem:$0x3FA3]  }
0x29: {  	s4 =	sld [smem:$0x3FA5]  }
0x2a: {  	p0 =	seq.s32 s5, $0x0;
	s5 =	sld [smem:$0x3FA6]  }
0x2b: {  	s6 =	sld [smem:$0x3FA7]  }
0x2c: {  	s7 =	sld [smem:$0x3FA8]  }
0x2d: {  	s3 =	simm.s32 $0x108;
	s8 =	sld [smem:$0x3FA9]  }
0x2e: {  	s3 =	simm.s32 @!p0 $0x1082;
	s9 =	sld [smem:$0x3FAA]  }
0x2f: {  	lr =	sadd.s32 s0, s3;
	s0 =	sld [smem:$0x3FA1]  }
0x30: {  	s3 =	sld [smem:$0x3FA4]  }
0x31: {  	[smem:$0x3FAD] =	sst s10  }
0x32: {  	s10 =	sld [smem:$0x3FAB];
	_ =	sdelay $0x3  }
0x33: {  	p0 =	seq.s32 s10, $0x1;
	s10 =	sld [smem:$0x3FAD];
	_ =	sdelay $0x3  }
0x34: {  	[smem:$0x3FAD] =	sst s10  }
0x35: {  	s10 =	sld [smem:$0x3FAC];
	_ =	sdelay $0x3  }
0x36: {  	p1 =	seq.s32 s10, $0x1;
	s10 =	sld [smem:$0x3FAD];
	_ =	sdelay $0x3  }
0x37: {  	[smem:$0x3FAD] =	sst s10  }
0x38: {  	s10 =	sld [smem:$0x3FAE]  }
0x39: {  	_ = 	snop;
	(pc) =	sbr.ind lr, $3  }
0x3a: {  	_ = 	snop  }
0x3b: {  	_ = 	snop  }
0x3c: {  	p2 =	seq.s32 s10, $0x1;
	s10 =	sld [smem:$0x3FAD]  }
0x3d: {  	_ =	shalt  }
0x3e: {  	_ =	shalt  }
0x3f: {  	_ =	shalt  }
0x40: {  	_ =	shalt  }
0x41: {  	_ =	shalt  }
0x42: {  	_ =	shalt  }
0x43: {  	_ =	shalt  }
0x44: {  	_ =	shalt  }
0x45: {  	_ =	shalt  }
0x46: {  	_ =	shalt  }
0x47: {  	_ =	shalt  }
0x48: {  	_ =	shalt  }
0x49: {  	_ =	shalt  }
0x4a: {  	_ =	shalt  }
0x4b: {  	_ =	shalt  }
0x4c: {  	_ =	shalt  }
0x4d: {  	_ =	shalt  }
0x4e: {  	_ =	shalt  }
0x4f: {  	_ =	shalt  }
0x50: {  	_ =	shalt  }
0x51: {  	_ =	shalt  }
0x52: {  	_ =	shalt  }
0x53: {  	_ =	shalt  }
0x54: {  	_ =	shalt  }
0x55: {  	_ =	shalt  }
0x56: {  	_ =	shalt  }
0x57: {  	_ =	shalt  }
0x58: {  	_ =	shalt  }
0x59: {  	_ =	shalt  }
0x5a: {  	_ =	shalt  }
0x5b: {  	_ =	shalt  }
0x5c: {  	_ =	shalt  }
0x5d: {  	_ =	shalt  }
0x5e: {  	_ =	shalt  }
0x5f: {  	_ =	shalt  }
0x60: {  	_ =	shalt  }
0x61: {  	_ =	shalt  }
0x62: {  	_ =	shalt  }
0x63: {  	_ =	shalt  }
0x64: {  	_ =	shalt  }
0x65: {  	_ =	shalt  }
0x66: {  	_ =	shalt  }
0x67: {  	_ =	shalt  }
0x68: {  	_ =	shalt  }
0x69: {  	_ =	shalt  }
0x6a: {  	_ =	shalt  }
0x6b: {  	_ =	shalt  }
0x6c: {  	_ =	shalt  }
0x6d: {  	_ =	shalt  }
0x6e: {  	_ =	shalt  }
0x6f: {  	_ =	shalt  }
0x70: {  	_ =	shalt  }
0x71: {  	_ =	shalt  }
0x72: {  	_ =	shalt  }
0x73: {  	_ =	shalt  }
0x74: {  	_ =	shalt  }
0x75: {  	_ =	shalt  }
0x76: {  	_ =	shalt  }
0x77: {  	_ =	shalt  }
0x78: {  	_ =	shalt  }
0x79: {  	_ =	shalt  }
0x7a: {  	_ =	shalt  }
0x7b: {  	_ =	shalt  }
0x7c: {  	_ =	shalt  }
0x7d: {  	_ =	shalt  }
0x7e: {  	_ =	shalt  }
0x7f: {  	_ =	shalt  }
0x80: {  	_ =	shalt  }
0x81: {  	_ =	shalt  }
0x82: {  	_ =	shalt  }
0x83: {  	_ =	shalt  }
0x84: {  	_ =	shalt  }
0x85: {  	_ =	shalt  }
0x86: {  	_ =	shalt  }
0x87: {  	_ =	shalt  }
.Lfunc_end0:
.L_simem_size_0:
called_computation.4_lowered:
.L_overlay_start_0:
0x88: {  	s2 =	sld [smem:$0x3FD9]  }
0x89: {  	s3 =	sld [smem:$0x3FFE];
	_ =	sdelay $0x1  }
0x8a: {  	s1 =	srdreg.scid  }
0x8b: {  	s0 =	sand.u32 $0x1, s1  }
0x8c: {  	s14 =	sshll.u32 s0, $0xA;
	s2 =	sadd.s32 s3, s2  }
0x8d: {  	s2 =	sadd.s32 s2, s14  }
0x8e: {  	[smem:$0x3FB9] =	sst s2  }
0x8f: {  	_ = 	snop  }
0x90: {  	s2 =	sld [smem:$0x3FD0];
	_ =	sdelay $0x2  }
0x91: {  	s15 =	simm.s32 $0xB;
	s4 =	simm.s32 $0x10  }
0x92: {  	[smem:s4], [sflag:s15] =	dma.local [hbm:s2], $0x1  }
0x93: {  	_ =	swait.eq [sflag:s15], $0x1  }
0x94: {  	[sflag:s15] =	ssyncset.done $0x0  }
0x95: {  	[sflag:s15] =	ssyncadd.s32 $0xFFFFFFFF  }
0x96: {  	s16 =	sld [smem:$0x10];
	(tm) =	ssettm $0x1  }
0x97: {  	s17 =	sld [smem:$0x3FFB];
	_ =	sdelay $0x3  }
0x98: {  	_ =	strace s17  }
0x99: {  	s3 =	sld [smem:$0x3FFC];
	_ =	sdelay $0x3  }
0x9a: {  	_ =	strace s3  }
0x9b: {  	s3 =	sld [smem:$0x3FFD];
	_ =	sdelay $0x3  }
0x9c: {  	_ =	strace s3  }
0x9d: {  	_ =	strace $0x8FFFFFFF  }
0x9e: {  	s18 =	sld [smem:$0x3FDB];
	_ =	sdelay $0x1  }
0x9f: {  	s19 =	simm.s32 $_scs_section_size  }
0xa0: {  	s5 =	simm.s32 $_size__tile_overlayer_lowered;
	s6 =	simm.s32 $_tile_overlayer_lowered  }
0xa1: {  	s22 =	simm.s32 $0x1BFF;
	s21 =	sshll.u32 s6, $0x1;
	s3 =	sadd.s32 s19, s18  }
0xa2: {  	s7 =	simm.s32 $0x0;
	s20 =	sshll.u32 s5, $0x1;
	s5 =	sadd.s32 s21, s3  }
0xa3: {  	[timem:s7], [sflag:s22] =	dma.local [hbm:s5], s20  }
0xa4: {  	_ =	swait.ge [sflag:s22], s20  }
0xa5: {  	s4 =	ssub.s32 $0x0, s20;
	[sflag:s22] =	ssyncset.done $0x0  }
0xa6: {  	[sflag:s22] =	ssyncadd.s32 s4;
	_ =	sdelay $0x1  }
0xa7: {  	s23 =	simm.s32 $0x1B8B  }
0xa8: {  	_ =	swait.ge [sflag:s23], $0x1  }
0xa9: {  	[sflag:s23] =	ssyncset.done $0x0  }
0xaa: {  	s25 =	simm.s32 $0x1B8E;
	s24 =	sld [smem:$0x3FFE];
	[sflag:s23] =	ssyncadd.s32 $0xFFFFFFFF  }
0xab: {  	s26 =	simm.s32 $execute0_lowered;
	[smem:$0x3FD2] =	sst s25  }
0xac: {  	s5 =	sshll.u32 s26, $0x1;
	_ =	strace $0x80000052;
	[dreg:$0x1] =	wrdreg $0xFFFFFFFF  }
0xad: {  	s28 =	simm.s32 $_size_execute0_lowered;
	s3 =	sadd.s32 s3, s5;
	[dreg:$0x0] =	wrdreg $0x0  }
0xae: {  	s5 =	sshll.u32 s28, $0x1;
	[dreg:$0x2] =	wrdreg s3  }
0xaf: {  	[dreg:$0x3] =	wrdreg s5  }
0xb0: {  	[dreg:$0x4] =	wrdreg $0xC0  }
0xb1: {  	_ =	task [dreg:s7], $0x5FFFF  }
0xb2: {  	[dreg:$0x1] =	wrdreg $0xFFFFFFFF  }
0xb3: {  	[dreg:$0x0] =	wrdreg $0x60  }
0xb4: {  	[dreg:$0x2] =	wrdreg s16  }
0xb5: {  	[dreg:$0x3] =	wrdreg s24  }
0xb6: {  	[dreg:$0x4] =	wrdreg $0x0  }
0xb7: {  	[dreg:$0x5] =	wrdreg $0x9  }
0xb8: {  	_ =	task.clear_ibuf [dreg:s7], $0x6FFFF;
	_ =	strace $0x90000052  }
0xb9: {  	s29 =	simm.s32 $0x9;
	_ =	strace $0x80000054  }
0xba: {  	_ =	swait.ge [sflag:s29], $0x1  }
0xbb: {  	[sflag:s29] =	ssyncadd.s32 $0xFFFFFFFF  }
0xbc: {  	_ =	strace $0x90000054  }
0xbd: {  	_ =	sfence  }
0xbe: {  	s30 =	sld [smem:$0x0];
	_ =	sdelay $0x2  }
0xbf: {  	s31 =	sshll.u32 s1, $0xD;
	s1 =	sshrl.u32 s1, $0x2  }
0xc0: {  	s3 =	sand.u32 $0x4000, s31;
	s1 =	sadd.s32 s1, s30  }
0xc1: {  	s0 =	sor.u32 s3, s0;
	s1 =	sshll.u32 s1, $0x11  }
0xc2: {  	s0 =	sor.u32 s1, s0  }
0xc3: {  	s0 =	sadd.s32 $0x8F2B, s0  }
0xc4: {  	[sflag:s0] =	ssyncadd.remote.s32 $0x1  }
0xc5: {  	_ =	sfence.sel $0xFFFF  }
0xc6: {  	[dreg:$0x0] =	wrdreg $0xFFFFFFFF;
	(pc) =	sbr.abs _section_cstart, $3  }
0xc7: {  	[dreg:$0x1] =	wrdreg $0xFFFFFFFF  }
0xc8: {  	_ =	task.clear_ibuf [dreg:s7], $0x2FFFF;
	_ =	strace $0x9FFFFFFF  }
0xc9: {  	(tm) =	ssettm $0x7FFFFFFF  }
tec
execute0_lowered:
.L_overlay_start_1:
0x0: {  	(tag) =	ssettag $0x1  }
0x1: {  	s1 =	rddreg [dreg:$0x0]  }
0x2: {  	s0 =	rddreg [dreg:$0x1]  }
0x3: {  	s3 =	rddreg [dreg:$0x2];
	s2 =	srdreg.scid;
	s4 =	simm.s32 $0x0  }
0x4: {  	s15 =	simm.s32 $0x14000;
	s17 =	simm.s32 $0x16800;
	s18 =	simm.s32 $0x17C00  }
0x5: {  	s19 =	simm.s32 $0x5;
	s20 =	simm.s32 $0x2;
	s21 =	simm.s32 $0x80  }
0x6: {  	s22 =	simm.s32 $0x1BC00;
	s23 =	simm.s32 $0x1;
	s24 =	simm.s32 $0x4  }
0x7: {  	s25 =	simm.s32 $0x3;
	s28 =	simm.s32 $0x15380;
	s29 =	simm.s32 $0x17B80  }
0x8: {  	s30 =	simm.s32 $0x0;
	s5 =	sand.u32 $0x1, s2;
	s2 =	stileid.u32  }
0x9: {  	[smem:$0x7FF] =	sst s4;
	s6 =	smul.u32 $0x140000, s5;
	s7 =	sshll.u32 s5, $0x4  }
0xa: {  	s8 =	smul.u32 $0x14000, s2;
	_ =	strace $0x80000053;
	s5 =	ssub.s32 $0x2, s5  }
0xb: {  	s26 =	smul.u32 $0x50000, s2;
	s7 =	sor.u32 s2, s7;
	s31 =	sshrl.u32 s5, $0x1  }
0xc: {  	s7 =	smul.u32 $0x280, s7;
	s6 =	sadd.s32 s8, s6;
	s10 =	ssub.s32 s5, s31  }
0xd: {  	s8 =	sshrl.u32 s26, $0x2;
	s26 =	simm.s32 $0x17B00;
	s6 =	sshrl.u32 s6, $0x3  }
0xe: {  	s8 =	sadd.s32 s8, s3;
	s10 =	smax.u32 s10, $0x1;
	s7 =	sadd.s32 s7, s0  }
0xf: {  	s0 =	sadd.s32 s6, s0;
	s11 =	sadd.s32 $0x4000, s8;
	s12 =	sadd.s32 $0x8000, s8  }
0x10: {  	s13 =	sadd.s32 $0xC000, s8;
	s14 =	sadd.s32 $0x10000, s8;
	s5 =	sadd.s32 $0x7000, s7  }
0x11: {  	v0 =	vimm.f32 $0.0e+00;
	s6 =	sadd.s32 $0x16000, s7;
	s7 =	sadd.s32 $0x11000, s7;
	s9 =	sadd.s32 $0x1B000, s0  }
.LBB2_1:
0x12: {  	[tilespmem:s15], [sflag:$0x2] =	stream.linear.gather [hbm4b:s5+s4], $0x1400, $0x38;
	[tilespmem:$0x1FC00] =	vst v63  }
0x13: {  	s0 =	simm.s32 $0x15400  }
0x14: {  	[tilespmem:s0], [sflag:$0x2] =	stream.linear.gather [hbm4b:s6+s4], $0x1400, $0x38;
	[tilespmem:$0x1FC00] =	vst v63  }
0x15: {  	s31 =	simm.s32 $0x200;
	s0 =	simm.s32 $0x0  }
0x16: {  	[tilespmem:s17], [sflag:$0x2] =	stream.linear.gather [hbm4b:s7+s4], $0x1400, $0x38;
	[tilespmem:$0x1FC00] =	vst v63  }
.LBB2_2:
0x17: {  	p0 =	sne.s32 s31, $0xFE00;
	[tilespmem:s0+$0x1BC70] =	vst v0  }
0x18: {  	[tilespmem:s0+$0x17C00] =	vst v0  }
0x19: {  	[tilespmem:s0+$0x1BC00] =	vst v0  }
0x1a: {  	[tilespmem:s0+$0x17C10] =	vst v0  }
0x1b: {  	[tilespmem:s0+$0x1BC10] =	vst v0  }
0x1c: {  	[tilespmem:s0+$0x17C20] =	vst v0  }
0x1d: {  	[tilespmem:s0+$0x1BC20] =	vst v0  }
0x1e: {  	[tilespmem:s0+$0x17C30] =	vst v0  }
0x1f: {  	[tilespmem:s0+$0x1BC30] =	vst v0  }
0x20: {  	[tilespmem:s0+$0x17C40] =	vst v0  }
0x21: {  	[tilespmem:s0+$0x1BC40] =	vst v0  }
.Ltmp0:
0x22: {  	[tilespmem:s0+$0x17C50] =	vst v0;
	(pc) =	sbr.rel @p0 .LBB2_2-.Ltmp0, $4  }
0x23: {  	[tilespmem:s0+$0x1BC50] =	vst v0  }
0x24: {  	[tilespmem:s0+$0x17C60] =	vst v0  }
0x25: {  	[tilespmem:s0+$0x1BC60] =	vst v0  }
0x26: {  	[tilespmem:s0+$0x17C70] =	vst v0;
	s0 =	sshra.s32 s31, $0x2;
	s31 =	sadd.s32 $0x200, s31  }
0x27: {  	[tilespmem:s0+$0x1BC70] =	vst v0  }
0x28: {  	[tilespmem:s0+$0x17C00] =	vst v0  }
0x29: {  	[tilespmem:s0+$0x1BC00] =	vst v0  }
0x2a: {  	[tilespmem:s0+$0x17C10] =	vst v0  }
0x2b: {  	[tilespmem:s0+$0x1BC10] =	vst v0  }
0x2c: {  	[tilespmem:s0+$0x17C20] =	vst v0  }
0x2d: {  	[tilespmem:s0+$0x1BC20] =	vst v0  }
0x2e: {  	[tilespmem:s0+$0x17C30] =	vst v0  }
0x2f: {  	[tilespmem:s0+$0x1BC30] =	vst v0  }
0x30: {  	[tilespmem:s0+$0x17C40] =	vst v0  }
0x31: {  	[tilespmem:s0+$0x1BC40] =	vst v0  }
0x32: {  	[tilespmem:s0+$0x17C50] =	vst v0  }
0x33: {  	[tilespmem:s0+$0x1BC50] =	vst v0  }
0x34: {  	[tilespmem:s0+$0x17C60] =	vst v0  }
0x35: {  	[tilespmem:s0+$0x1BC60] =	vst v0  }
0x36: {  	[tilespmem:s0+$0x17C70] =	vst v0  }
0x37: {  	[spmem:s8] =	stream.linear.scatter [tilespmem:s18], [sflag:$0x5], $0x4000, $0x38;
	[tilespmem:$0x1FC00] =	vst v63  }
0x38: {  	_ =	swait.ge [sflag:s19], $0x4000  }
0x39: {  	[sflag:s19] =	ssyncset.done $0x0  }
0x3a: {  	[sflag:s19] =	ssyncadd.s32 $0xFFFFC000  }
0x3b: {  	[spmem:s11] =	stream.linear.scatter [tilespmem:s18], [sflag:$0x5], $0x4000, $0x38;
	[tilespmem:$0x1FC00] =	vst v63  }
0x3c: {  	_ =	swait.ge [sflag:s19], $0x4000  }
0x3d: {  	[sflag:s19] =	ssyncset.done $0x0  }
0x3e: {  	[sflag:s19] =	ssyncadd.s32 $0xFFFFC000  }
0x3f: {  	[spmem:s12] =	stream.linear.scatter [tilespmem:s18], [sflag:$0x5], $0x4000, $0x38;
	[tilespmem:$0x1FC00] =	vst v63  }
0x40: {  	_ =	swait.ge [sflag:s19], $0x4000  }
0x41: {  	[sflag:s19] =	ssyncset.done $0x0  }
0x42: {  	[sflag:s19] =	ssyncadd.s32 $0xFFFFC000  }
0x43: {  	[spmem:s13] =	stream.linear.scatter [tilespmem:s18], [sflag:$0x5], $0x4000, $0x38;
	[tilespmem:$0x1FC00] =	vst v63  }
0x44: {  	_ =	swait.ge [sflag:s19], $0x4000  }
0x45: {  	[sflag:s19] =	ssyncset.done $0x0  }
0x46: {  	[sflag:s19] =	ssyncadd.s32 $0xFFFFC000  }
0x47: {  	[spmem:s14] =	stream.linear.scatter [tilespmem:s18], [sflag:$0x5], $0x4000, $0x38;
	[tilespmem:$0x1FC00] =	vst v63  }
0x48: {  	_ =	swait.ge [sflag:s19], $0x4000  }
0x49: {  	[sflag:s19] =	ssyncset.done $0x0  }
0x4a: {  	[sflag:s19] =	ssyncadd.s32 $0xFFFFC000  }
0x4b: {  	_ =	swait.ge [sflag:s20], $0x1400  }
0x4c: {  	[sflag:s20] =	ssyncset.done $0x0  }
0x4d: {  	[sflag:s20] =	ssyncadd.s32 $0xFFFFEC00  }
0x4e: {  	_ =	swait.ge [sflag:s20], $0x1400  }
0x4f: {  	[sflag:s20] =	ssyncset.done $0x0  }
0x50: {  	[sflag:s20] =	ssyncadd.s32 $0xFFFFEC00  }
0x51: {  	_ =	swait.ge [sflag:s20], $0x1400  }
0x52: {  	[sflag:s20] =	ssyncset.done $0x0  }
0x53: {  	s31 =	simm.s32 $0x0;
	[sflag:s20] =	ssyncadd.s32 $0xFFFFEC00  }
0x54: {  	v7 =	vld [tilespmem:s31+$0x15400]  }
0x55: {  	v12 =	vld [tilespmem:s31+$0x15410]  }
0x56: {  	v6 =	vld [tilespmem:s31+$0x15420]  }
0x57: {  	v5 =	vld [tilespmem:s31+$0x15430]  }
0x58: {  	v4 =	vld [tilespmem:s31+$0x15440]  }
0x59: {  	v3 =	vld [tilespmem:s31+$0x15450]  }
0x5a: {  	v2 =	vld [tilespmem:s31+$0x15460]  }
0x5b: {  	v1 =	vld [tilespmem:s31+$0x15470]  }
0x5c: {  	v11 =	vld [tilespmem:s31+$0x14000]  }
0x5d: {  	v10 =	vld [tilespmem:s31+$0x14010]  }
0x5e: {  	v9 =	vld [tilespmem:s31+$0x14020]  }
0x5f: {  	v8 =	vld [tilespmem:s31+$0x14030];
	v13 =	vmul.u32 $0x2800, v7  }
0x60: {  	s0 =	simm.s32 $0x200;
	v12 =	vmul.u32 $0x2800, v12;
	v7 =	vld [tilespmem:s31+$0x14040]  }
.LBB2_4:
0x61: {  	p0 =	sne.s32 s0, $0x4E00;
	v11 =	vadd.s32 v11, v13;
	v6 =	vmul.u32 $0x2800, v6;
	v13 =	vld [tilespmem:s31+$0x14050]  }
0x62: {  	v5 =	vmul.u32 $0x2800, v5;
	[tilespmem:s31+$0x14000] =	vst v11;
	v10 =	vadd.s32 v10, v12;
	v11 =	vld [tilespmem:s31+$0x14060]  }
0x63: {  	s16 =	sshra.s32 s0, $0x2;
	v4 =	vmul.u32 $0x2800, v4;
	[tilespmem:s31+$0x14010] =	vst v10;
	v6 =	vadd.s32 v9, v6;
	v9 =	vld [tilespmem:s31+$0x14070]  }
0x64: {  	v3 =	vmul.u32 $0x2800, v3;
	v12 =	vld [tilespmem:s16+$0x15400];
	[tilespmem:s31+$0x14020] =	vst v6;
	v5 =	vadd.s32 v8, v5  }
0x65: {  	v2 =	vmul.u32 $0x2800, v2;
	v14 =	vld [tilespmem:s16+$0x15410];
	[tilespmem:s31+$0x14030] =	vst v5;
	v4 =	vadd.s32 v7, v4  }
0x66: {  	v1 =	vmul.u32 $0x2800, v1;
	v6 =	vld [tilespmem:s16+$0x15420];
	[tilespmem:s31+$0x14040] =	vst v4;
	v3 =	vadd.s32 v13, v3  }
0x67: {  	v5 =	vld [tilespmem:s16+$0x15430];
	[tilespmem:s31+$0x14050] =	vst v3;
	v2 =	vadd.s32 v11, v2  }
0x68: {  	v4 =	vld [tilespmem:s16+$0x15440];
	[tilespmem:s31+$0x14060] =	vst v2;
	v1 =	vadd.s32 v9, v1  }
0x69: {  	v3 =	vld [tilespmem:s16+$0x15450];
	[tilespmem:s31+$0x14070] =	vst v1;
	s31 =	smov.u32 s16  }
0x6a: {  	v2 =	vld [tilespmem:s31+$0x15460]  }
0x6b: {  	v1 =	vld [tilespmem:s31+$0x15470]  }
.Ltmp1:
0x6c: {  	v11 =	vld [tilespmem:s31+$0x14000];
	(pc) =	sbr.rel @p0 .LBB2_4-.Ltmp1, $4  }
0x6d: {  	v10 =	vld [tilespmem:s31+$0x14010]  }
0x6e: {  	v9 =	vld [tilespmem:s31+$0x14020]  }
0x6f: {  	v13 =	vmul.u32 $0x2800, v12;
	v8 =	vld [tilespmem:s31+$0x14030]  }
0x70: {  	s0 =	sadd.s32 $0x200, s0;
	v12 =	vmul.u32 $0x2800, v14;
	v7 =	vld [tilespmem:s31+$0x14040]  }
0x71: {  	v11 =	vadd.s32 v11, v13;
	v61 =	vld [tilespmem:s31+$0x14050];
	v6 =	vmul.u32 $0x2800, v6  }
0x72: {  	v62 =	vld [tilespmem:s31+$0x14060];
	v5 =	vmul.u32 $0x2800, v5;
	[tilespmem:s31+$0x14000] =	vst v11;
	v10 =	vadd.s32 v10, v12  }
0x73: {  	v4 =	vmul.u32 $0x2800, v4;
	v63 =	vld [tilespmem:s31+$0x14070];
	[tilespmem:s31+$0x14010] =	vst v10;
	v6 =	vadd.s32 v9, v6  }
0x74: {  	v3 =	vmul.u32 $0x2800, v3;
	[tilespmem:s31+$0x14020] =	vst v6;
	v5 =	vadd.s32 v8, v5  }
0x75: {  	v2 =	vmul.u32 $0x2800, v2;
	[tilespmem:s31+$0x14030] =	vst v5;
	v4 =	vadd.s32 v7, v4  }
0x76: {  	v1 =	vmul.u32 $0x2800, v1;
	[tilespmem:s31+$0x14040] =	vst v4;
	v3 =	vadd.s32 v61, v3  }
0x77: {  	v2 =	vadd.s32 v62, v2;
	[tilespmem:s31+$0x14050] =	vst v3  }
0x78: {  	v1 =	vadd.s32 v63, v1;
	[tilespmem:s31+$0x14060] =	vst v2  }
0x79: {  	[tilespmem:s31+$0x14070] =	vst v1  }
0x7a: {  	[bflag:$0x0] =	sbarrier.arrive $0xFFFF  }
0x7b: {  	[spmem:s3] =	stream.indirect.scatter.add.f32 [tilespmem:s22], [sflag:$0x4], $0x80, s17, s21, $0xb8;
	[tilespmem:$0x1FC00] =	vst v63  }
0x7c: {  	_ = 	snop  }
0x7d: {  	[tilespmem:s18], [sflag:$0x1] =	stream.indirect.gather [hbm4b:s1+s21], $0x80, s15, s21, $0xb8;
	[tilespmem:$0x1FC00] =	vst v63  }
0x7e: {  	_ =	swait.ge [sflag:s23], $0x4000  }
0x7f: {  	[sflag:s23] =	ssyncset.done $0x0  }
0x80: {  	s0 =	simm.s32 $0x16800;
	[sflag:s23] =	ssyncadd.s32 $0xFFFFC000  }
0x81: {  	[spmem:s3] =	stream.indirect.scatter.add.f32 [tilespmem:s18], [sflag:$0x3], $0x80, s0, s21, $0xb8;
	[tilespmem:$0x1FC00] =	vst v63  }
0x82: {  	_ =	swait.ge [sflag:s24], $0x4000  }
0x83: {  	[sflag:s24] =	ssyncset.done $0x0  }
0x84: {  	s16 =	simm.s32 $0x14080;
	[sflag:s24] =	ssyncadd.s32 $0xFFFFC000  }
0x85: {  	[tilespmem:s22], [sflag:$0x2] =	stream.indirect.gather [hbm4b:s1+s21], $0x80, s16, s21, $0xb8;
	[tilespmem:$0x1FC00] =	vst v63  }
0x86: {  	_ =	swait.ge [sflag:s20], $0x4000  }
0x87: {  	[sflag:s20] =	ssyncset.done $0x0  }
0x88: {  	s16 =	simm.s32 $0x16880;
	[sflag:s20] =	ssyncadd.s32 $0xFFFFC000  }
0x89: {  	[spmem:s3] =	stream.indirect.scatter.add.f32 [tilespmem:s22], [sflag:$0x4], $0x80, s16, s21, $0xb8;
	[tilespmem:$0x1FC00] =	vst v63  }
0x8a: {  	_ =	swait.ge [sflag:s25], $0x4000  }
0x8b: {  	[sflag:s25] =	ssyncset.done $0x0  }
0x8c: {  	s31 =	simm.s32 $0x14100;
	s0 =	simm.s32 $0x400;
	[sflag:s25] =	ssyncadd.s32 $0xFFFFC000  }
.LBB2_6:
0x8d: {  	[tilespmem:s18], [sflag:$0x1] =	stream.indirect.gather [hbm4b:s1+s21], $0x80, s31, s21, $0xb8;
	[tilespmem:$0x1FC00] =	vst v63  }
0x8e: {  	s16 =	smov.u32 s0  }
0x8f: {  	p0 =	sne.s32 s0, $0x4800;
	s0 =	sadd.s32 $0x400, s0;
	_ =	swait.ge [sflag:s23], $0x4000  }
0x90: {  	s16 =	sshra.s32 s16, $0x2;
	[sflag:s23] =	ssyncset.done $0x0  }
0x91: {  	s31 =	sadd.s32 $0x16800, s16;
	[sflag:s23] =	ssyncadd.s32 $0xFFFFC000  }
0x92: {  	[spmem:s3] =	stream.indirect.scatter.add.f32 [tilespmem:s18], [sflag:$0x3], $0x80, s31, s21, $0xb8;
	[tilespmem:$0x1FC00] =	vst v63  }
0x93: {  	_ =	swait.ge [sflag:s24], $0x4000  }
0x94: {  	[sflag:s24] =	ssyncset.done $0x0  }
0x95: {  	s31 =	sadd.s32 $0x14080, s16;
	[sflag:s24] =	ssyncadd.s32 $0xFFFFC000  }
0x96: {  	[tilespmem:s22], [sflag:$0x2] =	stream.indirect.gather [hbm4b:s1+s21], $0x80, s31, s21, $0xb8;
	[tilespmem:$0x1FC00] =	vst v63  }
0x97: {  	_ =	swait.ge [sflag:s20], $0x4000  }
0x98: {  	[sflag:s20] =	ssyncset.done $0x0  }
.Ltmp2:
0x99: {  	s31 =	sadd.s32 $0x16880, s16;
	[sflag:s20] =	ssyncadd.s32 $0xFFFFC000;
	(pc) =	sbr.rel @p0 .LBB2_6-.Ltmp2, $4  }
0x9a: {  	[spmem:s3] =	stream.indirect.scatter.add.f32 [tilespmem:s22], [sflag:$0x4], $0x80, s31, s21, $0xb8;
	[tilespmem:$0x1FC00] =	vst v63  }
0x9b: {  	_ =	swait.ge [sflag:s25], $0x4000  }
0x9c: {  	[sflag:s25] =	ssyncset.done $0x0  }
0x9d: {  	s31 =	sadd.s32 $0x14100, s16;
	[sflag:s25] =	ssyncadd.s32 $0xFFFFC000  }
0x9e: {  	[tilespmem:s18], [sflag:$0x1] =	stream.indirect.gather [hbm4b:s1+s21], $0x80, s31, s21, $0xb8;
	[tilespmem:$0x1FC00] =	vst v63  }
0x9f: {  	_ =	swait.ge [sflag:s23], $0x4000  }
0xa0: {  	[sflag:s23] =	ssyncset.done $0x0  }
0xa1: {  	[sflag:s23] =	ssyncadd.s32 $0xFFFFC000  }
0xa2: {  	[spmem:s3] =	stream.indirect.scatter.add.f32 [tilespmem:s18], [sflag:$0x3], $0x80, s26, s21, $0xb8;
	[tilespmem:$0x1FC00] =	vst v63  }
0xa3: {  	_ =	swait.ge [sflag:s24], $0x4000  }
0xa4: {  	[sflag:s24] =	ssyncset.done $0x0  }
0xa5: {  	[sflag:s24] =	ssyncadd.s32 $0xFFFFC000  }
0xa6: {  	[tilespmem:s22], [sflag:$0x2] =	stream.indirect.gather [hbm4b:s1+s21], $0x80, s28, s21, $0xb8;
	[tilespmem:$0x1FC00] =	vst v63  }
0xa7: {  	_ =	swait.ge [sflag:s20], $0x4000  }
0xa8: {  	[sflag:s20] =	ssyncset.done $0x0  }
0xa9: {  	[sflag:s20] =	ssyncadd.s32 $0xFFFFC000  }
0xaa: {  	[spmem:s3] =	stream.indirect.scatter.add.f32 [tilespmem:s22], [sflag:$0x4], $0x80, s29, s21, $0xb8;
	[tilespmem:$0x1FC00] =	vst v63  }
0xab: {  	_ =	swait.ge [sflag:s25], $0x4000  }
0xac: {  	[sflag:s25] =	ssyncset.done $0x0  }
0xad: {  	[sflag:s25] =	ssyncadd.s32 $0xFFFFC000  }
0xae: {  	_ =	swait.ge [sflag:s24], $0x4000  }
0xaf: {  	s0 =	sshll.u32 s2, $0x6;
	s30 =	sadd.s32 $0x1, s30;
	[sflag:s24] =	ssyncset.done $0x0  }
0xb0: {  	s16 =	sshrl.u32 s8, $0x3;
	p0 =	sne.s32 s30, s10;
	[sflag:s24] =	ssyncadd.s32 $0xFFFFC000  }
.Ltmp3:
0xb1: {  	s0 =	sor.u32 $0x1C05, s0;
	[bflag:$0x0] =	sbarrier.arrive $0xFFFF;
	(pc) =	sbr.rel @p0 .LBB2_1-.Ltmp3, $4  }
0xb2: {  	[hbm:s9], [sflag:s0] =	dma.local [spmem:s16], $0x2800  }
0xb3: {  	_ =	swait.ge [sflag:s19], $0x2800  }
0xb4: {  	[sflag:s19] =	ssyncset.done $0x0  }
0xb5: {  	[sflag:s19] =	ssyncadd.s32 $0xFFFFD800  }
0xb6: {  	_ =	sfence.sel $0x180000  }
0xb7: {  	[bflag:$0x0] =	sbarrier.arrive $0xFFFF  }
0xb8: {  	_ =	strace $0x90000053  }
0xb9: {  	[bflag:$0x2] =	sbarrier.arrive $0xFFFF  }
0xba: {  	p0 =	sne.s32 s2, $0x0;
	s0 =	rddreg [dreg:$0x3]  }
0xbb: {  	s0 =	sadd.s32 @!p0 $0x100000, s0  }
0xbc: {  	[sflag:s0] =	ssyncadd.tile.s32 @!p0 $0x1;
	_ =	shalt  }
.Lfunc_end2:
_tile_overlayer_lowered:
.L_overlay_start_2:
0xbd: {  	(tag) =	ssettag $0x2  }
0xbe: {  	s0 =	rddreg [dreg:$0x0];
	s2 =	stileid.u32  }
0xbf: {  	s1 =	rddreg [dreg:$0x1];
	p0 =	sne.s32 s2, $0x0  }
0xc0: {  	s3 =	rddreg [dreg:$0x2];
	[bflag:$0x3] =	sbarrier.arrive $0xFFFF;
	s2 =	simm.s32 @!p0 $0x1C05  }
0xc1: {  	[timem:s3], [sflag:s2] =	dma.local @!p0 [hbm:s0], s1  }
0xc2: {  	s0 =	simm.s32 @!p0 $0x5  }
0xc3: {  	_ =	swait.ge @!p0 [sflag:s0], s1  }
0xc4: {  	s1 =	ssub.s32 @!p0 $0x0, s1;
	[sflag:s0] =	ssyncset.done @!p0 $0x0  }
0xc5: {  	[sflag:s0] =	ssyncadd.s32 @!p0 s1  }
0xc6: {  	[bflag:$0x3] =	sbarrier.arrive $0xFFFF  }
0xc7: {  	_ =	shalt  }

// kernel: kernel.30.cloned.1.call-start
scs
__scs_entry_jumppad:
0x0: {  	(pc) =	sbr.rel $0x88, $3  }
0x1: {  	(tag) =	ssettag $0x0;
	lr =	simm.s32 $0x1  }
0x2: {  	[smem:$0x3F92] =	sst lr;
	_ =	strace $0xD0000000  }
0x3: {  	_ = 	snop  }
0x4: {  	_ = 	snop  }
0x5: {  	_ = 	snop  }
0x6: {  	_ = 	snop  }
0x7: {  	_ = 	snop  }
__scs_overlays_trampoline_lowered:
0x8: {  	[smem:$0x3FA1] =	sst s0  }
0x9: {  	[smem:$0x3FA2] =	sst s1  }
0xa: {  	[smem:$0x3FA3] =	sst s2  }
0xb: {  	[smem:$0x3FA4] =	sst s3  }
0xc: {  	[smem:$0x3FA5] =	sst s4  }
0xd: {  	[smem:$0x3FA6] =	sst s5  }
0xe: {  	[smem:$0x3FA7] =	sst s6  }
0xf: {  	[smem:$0x3FA8] =	sst s7  }
0x10: {  	[smem:$0x3FA9] =	sst s8  }
0x11: {  	[smem:$0x3FAA] =	sst s9;
	s0 =	simm.s32 @!p0 $0x0  }
0x12: {  	s1 =	sld [smem:$0x3F90];
	s0 =	simm.s32 @p0 $0x1  }
0x13: {  	[smem:$0x3FAB] =	sst s0;
	s0 =	simm.s32 @!p1 $0x0  }
0x14: {  	s2 =	sld [smem:$0x3F8F];
	s0 =	simm.s32 @p1 $0x1  }
0x15: {  	[smem:$0x3FAC] =	sst s0;
	s0 =	simm.s32 @!p2 $0x0  }
0x16: {  	s3 =	sld [smem:$0x3FDB];
	s0 =	simm.s32 @p2 $0x1  }
0x17: {  	s4 =	simm.s32 $0x1BF5;
	[smem:$0x3FAE] =	sst s0  }
0x18: {  	s0 =	sld [smem:$0x3F91];
	_ =	swait.ge [sflag:s4], $0x0  }
0x19: {  	s7 =	sld [smem:$0x3F92]  }
0x1a: {  	s8 =	sadd.s32 $0xFFFFE003, lr  }
0x1b: {  	s9 =	sadd.s32 $0xFFFFFEF7, lr;
	s5 =	simm.s32 $0xFFFFFFFF;
	p2 =	slt.u32 s8, $0xFFFFF086  }
0x1c: {  	p1 =	slt.u32 s9, $0xF7A;
	s5 =	simm.s32 @!p2 $0x0  }
0x1d: {  	s5 =	simm.s32 @p1 $0x1;
	p0 =	seq.s32 s7, s2  }
0x1e: {  	s7 =	smul.u32 @!p0 $0xF7A, s2;
	p2 =	seq.s32 @!p0 s5, $0x0  }
0x1f: {  	s9 =	smul.u32 $0xF7A, s1;
	s8 =	simm.s32 @!p0 $0x1BF5;
	p2 =	por !p2, p0  }
0x20: {  	[sflag:s8] =	ssyncset.s32 @!p0 $0xFFFFF086;
	s6 =	sadd.s32 @!p0 s3, s7;
	s7 =	simm.s32 @!p0 $0x108  }
0x21: {  	s3 =	sadd.s32 s3, s9;
	s6 =	sadd.s32 @!p0 $0x88, s6;
	s7 =	simm.s32 @p2 $0x1082  }
0x22: {  	[simem:s7], [sflag:s8] =	dma.local @!p0 [hbm:s6], $0xF7A  }
0x23: {  	s9 =	sor.u32 $0xD0000000, s2;
	s6 =	simm.s32 $0x108;
	_ =	swait.ge @!p0 [sflag:s8], $0x0  }
0x24: {  	s3 =	sadd.s32 $0x88, s3;
	s6 =	simm.s32 @!p1 $0x1082;
	[sflag:s4] =	ssyncset.s32 $0xFFFFF086  }
0x25: {  	[simem:s6], [sflag:s4] =	dma.local [hbm:s3], $0xF7A  }
0x26: {  	[smem:$0x3F92] =	sst s1;
	(tag) =	ssettag s2;
	_ =	strace s9  }
0x27: {  	s1 =	sld [smem:$0x3FA2]  }
0x28: {  	s2 =	sld [smem:$0x3FA3]  }
0x29: {  	s4 =	sld [smem:$0x3FA5]  }
0x2a: {  	p0 =	seq.s32 s5, $0x0;
	s5 =	sld [smem:$0x3FA6]  }
0x2b: {  	s6 =	sld [smem:$0x3FA7]  }
0x2c: {  	s7 =	sld [smem:$0x3FA8]  }
0x2d: {  	s3 =	simm.s32 $0x108;
	s8 =	sld [smem:$0x3FA9]  }
0x2e: {  	s3 =	simm.s32 @!p0 $0x1082;
	s9 =	sld [smem:$0x3FAA]  }
0x2f: {  	lr =	sadd.s32 s0, s3;
	s0 =	sld [smem:$0x3FA1]  }
0x30: {  	s3 =	sld [smem:$0x3FA4]  }
0x31: {  	[smem:$0x3FAD] =	sst s10  }
0x32: {  	s10 =	sld [smem:$0x3FAB];
	_ =	sdelay $0x3  }
0x33: {  	p0 =	seq.s32 s10, $0x1;
	s10 =	sld [smem:$0x3FAD];
	_ =	sdelay $0x3  }
0x34: {  	[smem:$0x3FAD] =	sst s10  }
0x35: {  	s10 =	sld [smem:$0x3FAC];
	_ =	sdelay $0x3  }
0x36: {  	p1 =	seq.s32 s10, $0x1;
	s10 =	sld [smem:$0x3FAD];
	_ =	sdelay $0x3  }
0x37: {  	[smem:$0x3FAD] =	sst s10  }
0x38: {  	s10 =	sld [smem:$0x3FAE]  }
0x39: {  	_ = 	snop;
	(pc) =	sbr.ind lr, $3  }
0x3a: {  	_ = 	snop  }
0x3b: {  	_ = 	snop  }
0x3c: {  	p2 =	seq.s32 s10, $0x1;
	s10 =	sld [smem:$0x3FAD]  }
0x3d: {  	_ =	shalt  }
0x3e: {  	_ =	shalt  }
0x3f: {  	_ =	shalt  }
0x40: {  	_ =	shalt  }
0x41: {  	_ =	shalt  }
0x42: {  	_ =	shalt  }
0x43: {  	_ =	shalt  }
0x44: {  	_ =	shalt  }
0x45: {  	_ =	shalt  }
0x46: {  	_ =	shalt  }
0x47: {  	_ =	shalt  }
0x48: {  	_ =	shalt  }
0x49: {  	_ =	shalt  }
0x4a: {  	_ =	shalt  }
0x4b: {  	_ =	shalt  }
0x4c: {  	_ =	shalt  }
0x4d: {  	_ =	shalt  }
0x4e: {  	_ =	shalt  }
0x4f: {  	_ =	shalt  }
0x50: {  	_ =	shalt  }
0x51: {  	_ =	shalt  }
0x52: {  	_ =	shalt  }
0x53: {  	_ =	shalt  }
0x54: {  	_ =	shalt  }
0x55: {  	_ =	shalt  }
0x56: {  	_ =	shalt  }
0x57: {  	_ =	shalt  }
0x58: {  	_ =	shalt  }
0x59: {  	_ =	shalt  }
0x5a: {  	_ =	shalt  }
0x5b: {  	_ =	shalt  }
0x5c: {  	_ =	shalt  }
0x5d: {  	_ =	shalt  }
0x5e: {  	_ =	shalt  }
0x5f: {  	_ =	shalt  }
0x60: {  	_ =	shalt  }
0x61: {  	_ =	shalt  }
0x62: {  	_ =	shalt  }
0x63: {  	_ =	shalt  }
0x64: {  	_ =	shalt  }
0x65: {  	_ =	shalt  }
0x66: {  	_ =	shalt  }
0x67: {  	_ =	shalt  }
0x68: {  	_ =	shalt  }
0x69: {  	_ =	shalt  }
0x6a: {  	_ =	shalt  }
0x6b: {  	_ =	shalt  }
0x6c: {  	_ =	shalt  }
0x6d: {  	_ =	shalt  }
0x6e: {  	_ =	shalt  }
0x6f: {  	_ =	shalt  }
0x70: {  	_ =	shalt  }
0x71: {  	_ =	shalt  }
0x72: {  	_ =	shalt  }
0x73: {  	_ =	shalt  }
0x74: {  	_ =	shalt  }
0x75: {  	_ =	shalt  }
0x76: {  	_ =	shalt  }
0x77: {  	_ =	shalt  }
0x78: {  	_ =	shalt  }
0x79: {  	_ =	shalt  }
0x7a: {  	_ =	shalt  }
0x7b: {  	_ =	shalt  }
0x7c: {  	_ =	shalt  }
0x7d: {  	_ =	shalt  }
0x7e: {  	_ =	shalt  }
0x7f: {  	_ =	shalt  }
0x80: {  	_ =	shalt  }
0x81: {  	_ =	shalt  }
0x82: {  	_ =	shalt  }
0x83: {  	_ =	shalt  }
0x84: {  	_ =	shalt  }
0x85: {  	_ =	shalt  }
0x86: {  	_ =	shalt  }
0x87: {  	_ =	shalt  }
.Lfunc_end0:
.L_simem_size_0:
called_computation.5_lowered:
.L_overlay_start_0:
0x88: {  	s2 =	sld [smem:$0x3FD9]  }
0x89: {  	s3 =	sld [smem:$0x3FFE];
	_ =	sdelay $0x1  }
0x8a: {  	s1 =	srdreg.scid  }
0x8b: {  	s0 =	sand.u32 $0x1, s1  }
0x8c: {  	s14 =	sshll.u32 s0, $0xA;
	s2 =	sadd.s32 s3, s2  }
0x8d: {  	s2 =	sadd.s32 s2, s14  }
0x8e: {  	[smem:$0x3FB9] =	sst s2  }
0x8f: {  	_ = 	snop  }
0x90: {  	s2 =	sld [smem:$0x3FD0];
	_ =	sdelay $0x2  }
0x91: {  	s15 =	simm.s32 $0xB;
	s4 =	simm.s32 $0x10  }
0x92: {  	[smem:s4], [sflag:s15] =	dma.local [hbm:s2], $0x1  }
0x93: {  	_ =	swait.eq [sflag:s15], $0x1  }
0x94: {  	[sflag:s15] =	ssyncset.done $0x0  }
0x95: {  	[sflag:s15] =	ssyncadd.s32 $0xFFFFFFFF  }
0x96: {  	s16 =	sld [smem:$0x11];
	(tm) =	ssettm $0x1  }
0x97: {  	s17 =	sld [smem:$0x3FFB];
	_ =	sdelay $0x3  }
0x98: {  	_ =	strace s17  }
0x99: {  	s3 =	sld [smem:$0x3FFC];
	_ =	sdelay $0x3  }
0x9a: {  	_ =	strace s3  }
0x9b: {  	s3 =	sld [smem:$0x3FFD];
	_ =	sdelay $0x3  }
0x9c: {  	_ =	strace s3  }
0x9d: {  	_ =	strace $0x8FFFFFFF  }
0x9e: {  	s18 =	sld [smem:$0x3FDB];
	_ =	sdelay $0x1  }
0x9f: {  	s19 =	simm.s32 $_scs_section_size  }
0xa0: {  	s5 =	simm.s32 $_size__tile_overlayer_lowered;
	s6 =	simm.s32 $_tile_overlayer_lowered  }
0xa1: {  	s22 =	simm.s32 $0x1BFF;
	s21 =	sshll.u32 s6, $0x1;
	s3 =	sadd.s32 s19, s18  }
0xa2: {  	s7 =	simm.s32 $0x0;
	s20 =	sshll.u32 s5, $0x1;
	s5 =	sadd.s32 s21, s3  }
0xa3: {  	[timem:s7], [sflag:s22] =	dma.local [hbm:s5], s20  }
0xa4: {  	_ =	swait.ge [sflag:s22], s20  }
0xa5: {  	s4 =	ssub.s32 $0x0, s20;
	[sflag:s22] =	ssyncset.done $0x0  }
0xa6: {  	[sflag:s22] =	ssyncadd.s32 s4;
	_ =	sdelay $0x1  }
0xa7: {  	s23 =	simm.s32 $0x1B8B  }
0xa8: {  	_ =	swait.ge [sflag:s23], $0x1  }
0xa9: {  	[sflag:s23] =	ssyncset.done $0x0  }
0xaa: {  	s25 =	simm.s32 $0x1B8E;
	s24 =	sld [smem:$0x3FFE];
	[sflag:s23] =	ssyncadd.s32 $0xFFFFFFFF  }
0xab: {  	s26 =	simm.s32 $execute0_lowered;
	[smem:$0x3FD2] =	sst s25  }
0xac: {  	s5 =	sshll.u32 s26, $0x1;
	_ =	strace $0x80000055;
	[dreg:$0x1] =	wrdreg $0xFFFFFFFF  }
0xad: {  	s28 =	simm.s32 $_size_execute0_lowered;
	s3 =	sadd.s32 s3, s5;
	[dreg:$0x0] =	wrdreg $0x0  }
0xae: {  	s5 =	sshll.u32 s28, $0x1;
	[dreg:$0x2] =	wrdreg s3  }
0xaf: {  	[dreg:$0x3] =	wrdreg s5  }
0xb0: {  	[dreg:$0x4] =	wrdreg $0xC0  }
0xb1: {  	_ =	task [dreg:s7], $0x5FFFF  }
0xb2: {  	[dreg:$0x1] =	wrdreg $0xFFFFFFFF  }
0xb3: {  	[dreg:$0x0] =	wrdreg $0x60  }
0xb4: {  	[dreg:$0x2] =	wrdreg s16  }
0xb5: {  	[dreg:$0x3] =	wrdreg s24  }
0xb6: {  	[dreg:$0x4] =	wrdreg $0x9  }
0xb7: {  	_ =	task.clear_ibuf [dreg:s7], $0x5FFFF;
	_ =	strace $0x90000055  }
0xb8: {  	s29 =	simm.s32 $0x9;
	_ =	strace $0x80000057  }
0xb9: {  	_ =	swait.ge [sflag:s29], $0x1  }
0xba: {  	[sflag:s29] =	ssyncadd.s32 $0xFFFFFFFF  }
0xbb: {  	_ =	strace $0x90000057  }
0xbc: {  	_ =	sfence  }
0xbd: {  	s30 =	sld [smem:$0x0];
	_ =	sdelay $0x2  }
0xbe: {  	s31 =	sshll.u32 s1, $0xD;
	s1 =	sshrl.u32 s1, $0x2  }
0xbf: {  	s3 =	sand.u32 $0x4000, s31;
	s1 =	sadd.s32 s1, s30  }
0xc0: {  	s0 =	sor.u32 s3, s0;
	s1 =	sshll.u32 s1, $0x11  }
0xc1: {  	s0 =	sor.u32 s1, s0  }
0xc2: {  	s0 =	sadd.s32 $0x8F2B, s0  }
0xc3: {  	[sflag:s0] =	ssyncadd.remote.s32 $0x1  }
0xc4: {  	_ =	sfence.sel $0xFFFF  }
0xc5: {  	[dreg:$0x0] =	wrdreg $0xFFFFFFFF;
	(pc) =	sbr.abs _section_cstart, $3  }
0xc6: {  	[dreg:$0x1] =	wrdreg $0xFFFFFFFF  }
0xc7: {  	_ =	task.clear_ibuf [dreg:s7], $0x2FFFF;
	_ =	strace $0x9FFFFFFF  }
0xc8: {  	(tm) =	ssettm $0x7FFFFFFF  }
0xc9: {  	_ =	shalt  }
tec
execute0_lowered:
.L_overlay_start_1:
0x0: {  	(tag) =	ssettag $0x1  }
0x1: {  	s0 =	srdreg.scid;
	s2 =	rddreg [dreg:$0x0]  }
0x2: {  	s10 =	rddreg [dreg:$0x1];
	s1 =	stileid.u32;
	s3 =	simm.s32 $0x0  }
0x3: {  	s12 =	simm.s32 $0x1400;
	s13 =	simm.s32 $0x1;
	s14 =	simm.s32 $0x2  }
0x4: {  	s15 =	simm.s32 $0x80;
	s16 =	simm.s32 $0x2800;
	s17 =	simm.s32 $0x3000  }
0x5: {  	s18 =	simm.s32 $0x4800;
	s19 =	simm.s32 $0x5000;
	s20 =	simm.s32 $0x3800  }
0x6: {  	s21 =	simm.s32 $0x4000;
	s22 =	simm.s32 $0x5;
	s23 =	simm.s32 $0x3  }
0x7: {  	s24 =	simm.s32 $0x4;
	s25 =	simm.s32 $0x6;
	s0 =	sand.u32 $0x1, s0  }
0x8: {  	s26 =	simm.s32 $0x0;
	s4 =	sshll.u32 s0, $0x4;
	s0 =	ssub.s32 $0x2, s0  }
0x9: {  	[smem:$0x7FF] =	sst s3;
	s6 =	sor.u32 s1, s4;
	s7 =	sshrl.u32 s0, $0x1  }
0xa: {  	_ =	strace $0x80000056;
	s5 =	smul.u32 $0x280, s6;
	s0 =	ssub.s32 s0, s7  }
0xb: {  	s4 =	sadd.s32 $0x4800, s10;
	s6 =	smul.u32 $0x2800, s6;
	s11 =	smax.u32 s0, $0x1  }
0xc: {  	s8 =	sadd.s32 s5, s10;
	s5 =	sadd.s32 $0x16000, s10;
	s10 =	sadd.s32 $0x16100, s10  }
0xd: {  	s7 =	sadd.s32 $0xC000, s8;
	s8 =	sadd.s32 $0x11000, s8;
	s9 =	sadd.s32 s5, s6  }
.LBB2_1:
0xe: {  	[tilespmem:s3], [sflag:$0x1] =	stream.linear.gather [hbm4b:s7+s3], $0x1400, $0x38;
	[tilespmem:$0x5800] =	vst v63  }
0xf: {  	_ = 	snop  }
0x10: {  	[tilespmem:s12], [sflag:$0x2] =	stream.linear.gather [hbm4b:s8+s3], $0x1400, $0x38;
	[tilespmem:$0x5800] =	vst v63  }
0x11: {  	_ =	swait.ge [sflag:s13], $0x1400  }
0x12: {  	[sflag:s13] =	ssyncset.done $0x0  }
0x13: {  	[sflag:s13] =	ssyncadd.s32 $0xFFFFEC00  }
0x14: {  	_ =	swait.ge [sflag:s14], $0x1400  }
0x15: {  	[sflag:s14] =	ssyncset.done $0x0  }
0x16: {  	[sflag:s14] =	ssyncadd.s32 $0xFFFFEC00  }
0x17: {  	[tilespmem:s16], [sflag:$0x1] =	stream.indirect.gather [hbm4b:s2+s15], $0x10, s3, s15, $0xb8;
	[tilespmem:$0x5800] =	vst v63  }
0x18: {  	_ = 	snop  }
0x19: {  	[tilespmem:s17], [sflag:$0x2] =	stream.indirect.gather [hbm4b:s4+s15], $0x10, s12, s15, $0xb8;
	[tilespmem:$0x5800] =	vst v63  }
0x1a: {  	_ = 	snop  }
0x1b: {  	[hbm4b:s9+s3] =	stream.linear.scatter [tilespmem:s18], [sflag:$0x5], $0x800, $0x38;
	[tilespmem:$0x5800] =	vst v63  }
0x1c: {  	s28 =	simm.s32 $0x0  }
0x1d: {  	[hbm4b:s9+s3] =	stream.linear.scatter [tilespmem:s19], [sflag:$0x6], $0x800, $0x38;
	[tilespmem:$0x5800] =	vst v63  }
.LBB2_2:
0x1e: {  	s29 =	sshll.u32 s28, $0x8  }
0x1f: {  	s0 =	sor.u32 $0x80, s29  }
0x20: {  	[tilespmem:s20], [sflag:$0x3] =	stream.indirect.gather [hbm4b:s2+s15], $0x10, s0, s15, $0xb8;
	[tilespmem:$0x5800] =	vst v63  }
0x21: {  	s1 =	sadd.s32 $0x1480, s29  }
0x22: {  	[tilespmem:s21], [sflag:$0x4] =	stream.indirect.gather [hbm4b:s4+s15], $0x10, s1, s15, $0xb8;
	[tilespmem:$0x5800] =	vst v63  }
0x23: {  	_ =	swait.ge [sflag:s13], $0x800  }
0x24: {  	[sflag:s13] =	ssyncset.done $0x0  }
0x25: {  	[sflag:s13] =	ssyncadd.s32 $0xFFFFF800  }
0x26: {  	_ =	swait.ge [sflag:s14], $0x800  }
0x27: {  	[sflag:s14] =	ssyncset.done $0x0  }
0x28: {  	[sflag:s14] =	ssyncadd.s32 $0xFFFFF800  }
0x29: {  	_ =	swait.ge [sflag:s22], $0x800  }
0x2a: {  	[sflag:s22] =	ssyncset.done $0x0  }
0x2b: {  	s30 =	simm.s32 $0x0;
	[sflag:s22] =	ssyncadd.s32 $0xFFFFF800  }
0x2c: {  	v0 =	vld [tilespmem:s30+$0x2870]  }
0x2d: {  	v1 =	vld [tilespmem:s30+$0x3070]  }
0x2e: {  	v2 =	vld [tilespmem:s30+$0x2800]  }
0x2f: {  	v3 =	vld [tilespmem:s30+$0x3000]  }
0x30: {  	v4 =	vld [tilespmem:s30+$0x2810]  }
0x31: {  	v5 =	vld [tilespmem:s30+$0x3010]  }
0x32: {  	v6 =	vld [tilespmem:s30+$0x2820]  }
0x33: {  	v7 =	vld [tilespmem:s30+$0x2830]  }
0x34: {  	v0 =	vadd.f32 v1, v0;
	v1 =	vld [tilespmem:s30+$0x3020]  }
0x35: {  	v8 =	vld [tilespmem:s30+$0x3030]  }
0x36: {  	v9 =	vld [tilespmem:s30+$0x3040];
	v2 =	vadd.f32 v3, v2  }
0x37: {  	[tilespmem:s30+$0x4870] =	vst v0;
	v0 =	vadd.f32 v5, v4;
	v5 =	vld [tilespmem:s30+$0x2840]  }
0x38: {  	v3 =	vld [tilespmem:s30+$0x3050];
	[tilespmem:s30+$0x4800] =	vst v2  }
0x39: {  	v2 =	vld [tilespmem:s30+$0x2850];
	[tilespmem:s30+$0x4810] =	vst v0;
	v0 =	vadd.f32 v1, v6  }
0x3a: {  	v4 =	vld [tilespmem:s30+$0x3060];
	v6 =	vadd.f32 v8, v7  }
0x3b: {  	s31 =	simm.s32 $0x80;
	[tilespmem:s30+$0x4820] =	vst v0;
	v0 =	vld [tilespmem:s30+$0x2860]  }
0x3c: {  	s0 =	simm.s32 $0x400;
	v5 =	vadd.f32 v9, v5;
	v1 =	vld [tilespmem:s31+$0x2870];
	[tilespmem:s30+$0x4830] =	vst v6  }
.LBB2_3:
0x3d: {  	p0 =	sne.s32 s0, $0x1E00;
	v6 =	vld [tilespmem:s31+$0x3070]  }
0x3e: {  	v7 =	vld [tilespmem:s31+$0x2800];
	[tilespmem:s30+$0x4840] =	vst v5;
	v2 =	vadd.f32 v3, v2  }
0x3f: {  	v3 =	vld [tilespmem:s31+$0x3000]  }
0x40: {  	v5 =	vld [tilespmem:s31+$0x2810];
	[tilespmem:s30+$0x4850] =	vst v2;
	v0 =	vadd.f32 v4, v0  }
0x41: {  	v2 =	vld [tilespmem:s31+$0x3010]  }
0x42: {  	v4 =	vld [tilespmem:s31+$0x2820];
	v1 =	vadd.f32 v6, v1;
	[tilespmem:s30+$0x4860] =	vst v0;
	s30 =	smov.u32 s31  }
0x43: {  	v0 =	vld [tilespmem:s30+$0x3020]  }
0x44: {  	v3 =	vadd.f32 v3, v7;
	v6 =	vld [tilespmem:s30+$0x2830];
	[tilespmem:s30+$0x4870] =	vst v1  }
0x45: {  	v1 =	vld [tilespmem:s30+$0x3030]  }
0x46: {  	[tilespmem:s30+$0x4800] =	vst v3;
	v2 =	vadd.f32 v2, v5;
	v5 =	vld [tilespmem:s30+$0x2840]  }
0x47: {  	v7 =	vld [tilespmem:s30+$0x3040]  }
.Ltmp0:
0x48: {  	[tilespmem:s30+$0x4810] =	vst v2;
	v0 =	vadd.f32 v0, v4;
	v2 =	vld [tilespmem:s30+$0x2850];
	(pc) =	sbr.rel @p0 .LBB2_3-.Ltmp0, $4  }
0x49: {  	v3 =	vld [tilespmem:s30+$0x3050]  }
0x4a: {  	[tilespmem:s30+$0x4820] =	vst v0;
	v6 =	vadd.f32 v1, v6;
	v0 =	vld [tilespmem:s30+$0x2860]  }
0x4b: {  	s31 =	sshra.s32 s0, $0x2;
	v4 =	vld [tilespmem:s30+$0x3060]  }
0x4c: {  	s0 =	sadd.s32 $0x200, s0;
	v1 =	vld [tilespmem:s31+$0x2870];
	[tilespmem:s30+$0x4830] =	vst v6;
	v5 =	vadd.f32 v7, v5  }
0x4d: {  	v6 =	vld [tilespmem:s31+$0x3070]  }
0x4e: {  	v7 =	vld [tilespmem:s31+$0x2800];
	[tilespmem:s30+$0x4840] =	vst v5;
	v2 =	vadd.f32 v3, v2  }
0x4f: {  	v3 =	vld [tilespmem:s31+$0x3000]  }
0x50: {  	v5 =	vld [tilespmem:s31+$0x2810];
	[tilespmem:s30+$0x4850] =	vst v2;
	v0 =	vadd.f32 v4, v0  }
0x51: {  	v2 =	vld [tilespmem:s31+$0x3010]  }
0x52: {  	v4 =	vld [tilespmem:s31+$0x2820];
	[tilespmem:s30+$0x4860] =	vst v0  }
0x53: {  	v0 =	vadd.f32 v6, v1;
	v1 =	vld [tilespmem:s31+$0x3020]  }
0x54: {  	v6 =	vld [tilespmem:s31+$0x2830]  }
0x55: {  	v3 =	vadd.f32 v3, v7;
	[tilespmem:s31+$0x4870] =	vst v0;
	v0 =	vld [tilespmem:s31+$0x3030]  }
0x56: {  	v7 =	vld [tilespmem:s31+$0x3060]  }
0x57: {  	[tilespmem:s31+$0x4800] =	vst v3;
	v2 =	vadd.f32 v2, v5;
	v3 =	vld [tilespmem:s31+$0x2840]  }
0x58: {  	v5 =	vld [tilespmem:s31+$0x3040]  }
0x59: {  	[tilespmem:s31+$0x4810] =	vst v2;
	v1 =	vadd.f32 v1, v4;
	v2 =	vld [tilespmem:s31+$0x2850]  }
0x5a: {  	v4 =	vld [tilespmem:s31+$0x3050]  }
0x5b: {  	[tilespmem:s31+$0x4820] =	vst v1;
	v1 =	vld [tilespmem:s31+$0x2860];
	_ =	sdelay $0x1  }
0x5c: {  	v0 =	vadd.f32 v0, v6  }
0x5d: {  	v3 =	vadd.f32 v5, v3  }
0x5e: {  	[tilespmem:s31+$0x4830] =	vst v0;
	v0 =	vadd.f32 v4, v2  }
0x5f: {  	s0 =	sshll.u32 s28, $0x9;
	[tilespmem:s31+$0x4840] =	vst v3;
	v1 =	vadd.f32 v7, v1  }
0x60: {  	s30 =	sadd.s32 s6, s0;
	[tilespmem:s31+$0x4850] =	vst v0  }
0x61: {  	p0 =	seq.s32 s28, $0x13;
	s0 =	sadd.s32 s5, s30;
	[tilespmem:s31+$0x4860] =	vst v1  }
0x62: {  	[hbm4b:s0+s3] =	stream.linear.scatter [tilespmem:s18], [sflag:$0x5], $0x800, $0x38;
	[tilespmem:$0x5800] =	vst v63  }
0x63: {  	s1 =	simm.s32 @!p0 $0x2800;
	s31 =	simm.s32 @!p0 $0x80;
	s0 =	sadd.s32 @!p0 $0x100, s29  }
0x64: {  	[tilespmem:s1], [sflag:$0x1] =	stream.indirect.gather @!p0 [hbm4b:s2+s31], $0x10, s0, s31, $0xb8;
	[tilespmem:$0x5800] =	vst v63  }
0x65: {  	s0 =	sadd.s32 @!p0 $0x1500, s29;
	s1 =	simm.s32 @!p0 $0x3000  }
0x66: {  	[tilespmem:s1], [sflag:$0x2] =	stream.indirect.gather @!p0 [hbm4b:s4+s31], $0x10, s0, s31, $0xb8;
	[tilespmem:$0x5800] =	vst v63  }
0x67: {  	_ =	swait.ge [sflag:s23], $0x800  }
0x68: {  	[sflag:s23] =	ssyncset.done $0x0  }
0x69: {  	[sflag:s23] =	ssyncadd.s32 $0xFFFFF800  }
0x6a: {  	_ =	swait.ge [sflag:s24], $0x800  }
0x6b: {  	[sflag:s24] =	ssyncset.done $0x0  }
0x6c: {  	[sflag:s24] =	ssyncadd.s32 $0xFFFFF800  }
0x6d: {  	_ =	swait.ge [sflag:s25], $0x800  }
0x6e: {  	[sflag:s25] =	ssyncset.done $0x0  }
0x6f: {  	s29 =	simm.s32 $0x0;
	[sflag:s25] =	ssyncadd.s32 $0xFFFFF800  }
0x70: {  	v0 =	vld [tilespmem:s29+$0x3870]  }
0x71: {  	v1 =	vld [tilespmem:s29+$0x4070]  }
0x72: {  	v2 =	vld [tilespmem:s29+$0x3800]  }
0x73: {  	v3 =	vld [tilespmem:s29+$0x4000]  }
0x74: {  	v4 =	vld [tilespmem:s29+$0x3810]  }
0x75: {  	v5 =	vld [tilespmem:s29+$0x4010]  }
0x76: {  	v6 =	vld [tilespmem:s29+$0x3820]  }
0x77: {  	v7 =	vld [tilespmem:s29+$0x3830]  }
0x78: {  	v0 =	vadd.f32 v1, v0;
	v1 =	vld [tilespmem:s29+$0x4020]  }
0x79: {  	v8 =	vld [tilespmem:s29+$0x4030]  }
0x7a: {  	v9 =	vld [tilespmem:s29+$0x4040];
	v2 =	vadd.f32 v3, v2  }
0x7b: {  	[tilespmem:s29+$0x5070] =	vst v0;
	v0 =	vadd.f32 v5, v4;
	v5 =	vld [tilespmem:s29+$0x3840]  }
0x7c: {  	v3 =	vld [tilespmem:s29+$0x4050];
	[tilespmem:s29+$0x5000] =	vst v2  }
0x7d: {  	v2 =	vld [tilespmem:s29+$0x3850];
	[tilespmem:s29+$0x5010] =	vst v0;
	v0 =	vadd.f32 v1, v6  }
0x7e: {  	v4 =	vld [tilespmem:s29+$0x4060];
	v6 =	vadd.f32 v8, v7  }
0x7f: {  	s31 =	simm.s32 $0x80;
	[tilespmem:s29+$0x5020] =	vst v0;
	v0 =	vld [tilespmem:s29+$0x3860]  }
0x80: {  	s0 =	simm.s32 $0x400;
	v5 =	vadd.f32 v9, v5;
	v1 =	vld [tilespmem:s31+$0x3870];
	[tilespmem:s29+$0x5030] =	vst v6  }
.LBB2_5:
0x81: {  	p0 =	sne.s32 s0, $0x1E00;
	v6 =	vld [tilespmem:s31+$0x4070]  }
0x82: {  	v7 =	vld [tilespmem:s31+$0x3800];
	[tilespmem:s29+$0x5040] =	vst v5;
	v2 =	vadd.f32 v3, v2  }
0x83: {  	v3 =	vld [tilespmem:s31+$0x4000]  }
0x84: {  	v5 =	vld [tilespmem:s31+$0x3810];
	[tilespmem:s29+$0x5050] =	vst v2;
	v0 =	vadd.f32 v4, v0  }
0x85: {  	v2 =	vld [tilespmem:s31+$0x4010]  }
0x86: {  	v4 =	vld [tilespmem:s31+$0x3820];
	v1 =	vadd.f32 v6, v1;
	[tilespmem:s29+$0x5060] =	vst v0;
	s29 =	smov.u32 s31  }
0x87: {  	v0 =	vld [tilespmem:s29+$0x4020]  }
0x88: {  	v3 =	vadd.f32 v3, v7;
	v6 =	vld [tilespmem:s29+$0x3830];
	[tilespmem:s29+$0x5070] =	vst v1  }
0x89: {  	v1 =	vld [tilespmem:s29+$0x4030]  }
0x8a: {  	[tilespmem:s29+$0x5000] =	vst v3;
	v2 =	vadd.f32 v2, v5;
	v5 =	vld [tilespmem:s29+$0x3840]  }
0x8b: {  	v7 =	vld [tilespmem:s29+$0x4040]  }
.Ltmp1:
0x8c: {  	[tilespmem:s29+$0x5010] =	vst v2;
	v0 =	vadd.f32 v0, v4;
	v2 =	vld [tilespmem:s29+$0x3850];
	(pc) =	sbr.rel @p0 .LBB2_5-.Ltmp1, $4  }
0x8d: {  	v3 =	vld [tilespmem:s29+$0x4050]  }
0x8e: {  	[tilespmem:s29+$0x5020] =	vst v0;
	v6 =	vadd.f32 v1, v6;
	v0 =	vld [tilespmem:s29+$0x3860]  }
0x8f: {  	s31 =	sshra.s32 s0, $0x2;
	v4 =	vld [tilespmem:s29+$0x4060]  }
0x90: {  	s0 =	sadd.s32 $0x200, s0;
	v1 =	vld [tilespmem:s31+$0x3870];
	[tilespmem:s29+$0x5030] =	vst v6;
	v5 =	vadd.f32 v7, v5  }
0x91: {  	v6 =	vld [tilespmem:s31+$0x4070]  }
0x92: {  	v7 =	vld [tilespmem:s31+$0x3800];
	[tilespmem:s29+$0x5040] =	vst v5;
	v2 =	vadd.f32 v3, v2  }
0x93: {  	v51 =	vld [tilespmem:s31+$0x4000]  }
0x94: {  	v5 =	vld [tilespmem:s31+$0x3810];
	[tilespmem:s29+$0x5050] =	vst v2;
	v0 =	vadd.f32 v4, v0  }
0x95: {  	v2 =	vld [tilespmem:s31+$0x4010]  }
0x96: {  	v52 =	vld [tilespmem:s31+$0x3820];
	[tilespmem:s29+$0x5060] =	vst v0  }
0x97: {  	v54 =	vld [tilespmem:s31+$0x4020]  }
0x98: {  	v55 =	vld [tilespmem:s31+$0x3830]  }
0x99: {  	v56 =	vld [tilespmem:s31+$0x4030]  }
0x9a: {  	v57 =	vld [tilespmem:s31+$0x3840]  }
0x9b: {  	v58 =	vld [tilespmem:s31+$0x4040]  }
0x9c: {  	v59 =	vld [tilespmem:s31+$0x3850]  }
0x9d: {  	v53 =	vadd.f32 v6, v1;
	v60 =	vld [tilespmem:s31+$0x4050]  }
0x9e: {  	v61 =	vld [tilespmem:s31+$0x3860];
	v3 =	vadd.f32 v51, v7  }
0x9f: {  	v62 =	vld [tilespmem:s31+$0x4060];
	[tilespmem:s31+$0x5070] =	vst v53;
	v2 =	vadd.f32 v2, v5  }
0xa0: {  	[tilespmem:s31+$0x5000] =	vst v3;
	v1 =	vadd.f32 v54, v52  }
0xa1: {  	s28 =	sadd.s32 $0x1, s28;
	[tilespmem:s31+$0x5010] =	vst v2;
	v0 =	vadd.f32 v56, v55  }
0xa2: {  	p0 =	sne.s32 s28, $0x14;
	v3 =	vadd.f32 v58, v57;
	[tilespmem:s31+$0x5020] =	vst v1  }
.Ltmp2:
0xa3: {  	v63 =	vadd.f32 v60, v59;
	[tilespmem:s31+$0x5030] =	vst v0;
	(pc) =	sbr.rel @p0 .LBB2_2-.Ltmp2, $4  }
0xa4: {  	[tilespmem:s31+$0x5040] =	vst v3;
	v1 =	vadd.f32 v62, v61  }
0xa5: {  	[tilespmem:s31+$0x5050] =	vst v63  }
0xa6: {  	s0 =	sadd.s32 s30, s10;
	[tilespmem:s31+$0x5060] =	vst v1  }
0xa7: {  	[hbm4b:s0+s3] =	stream.linear.scatter [tilespmem:s19], [sflag:$0x6], $0x800, $0x38;
	[tilespmem:$0x5800] =	vst v63  }
0xa8: {  	s26 =	sadd.s32 $0x1, s26  }
0xa9: {  	_ =	swait.ge [sflag:s22], $0x800;
	p0 =	sne.s32 s26, s11  }
.Ltmp3:
0xaa: {  	[sflag:s22] =	ssyncset.done $0x0;
	(pc) =	sbr.rel @p0 .LBB2_1-.Ltmp3, $4  }
0xab: {  	[sflag:s22] =	ssyncadd.s32 $0xFFFFF800  }
0xac: {  	_ =	swait.ge [sflag:s25], $0x800  }
0xad: {  	[sflag:s25] =	ssyncset.done $0x0  }
0xae: {  	[sflag:s25] =	ssyncadd.s32 $0xFFFFF800  }
0xaf: {  	_ =	sfence.sel $0x180000  }
0xb0: {  	[bflag:$0x0] =	sbarrier.arrive $0xFFFF  }
0xb1: {  	_ =	strace $0x90000056  }
0xb2: {  	s0 =	stileid.u32;
	[bflag:$0x2] =	sbarrier.arrive $0xFFFF  }
0xb3: {  	p0 =	sne.s32 s0, $0x0;
	s0 =	rddreg [dreg:$0x2]  }
0xb4: {  	s0 =	sadd.s32 @!p0 $0x100000, s0  }
0xb5: {  	[sflag:s0] =	ssyncadd.tile.s32 @!p0 $0x1;
	_ =	shalt  }
.Lfunc_end2:
_tile_overlayer_lowered:
.L_overlay_start_2:
0xb6: {  	(tag) =	ssettag $0x2  }
0xb7: {  	s0 =	rddreg [dreg:$0x0];
	s2 =	stileid.u32  }
0xb8: {  	s1 =	rddreg [dreg:$0x1];
	p0 =	sne.s32 s2, $0x0  }
0xb9: {  	s3 =	rddreg [dreg:$0x2];
	[bflag:$0x3] =	sbarrier.arrive $0xFFFF;
	s2 =	simm.s32 @!p0 $0x1C07  }
0xba: {  	[timem:s3], [sflag:s2] =	dma.local @!p0 [hbm:s0], s1  }
0xbb: {  	s0 =	simm.s32 @!p0 $0x7  }
0xbc: {  	_ =	swait.ge @!p0 [sflag:s0], s1  }
0xbd: {  	s1 =	ssub.s32 @!p0 $0x0, s1;
	[sflag:s0] =	ssyncset.done @!p0 $0x0  }
0xbe: {  	[sflag:s0] =	ssyncadd.s32 @!p0 s1  }
0xbf: {  	[bflag:$0x3] =	sbarrier.arrive $0xFFFF  }
0xc0: {  	_ =	shalt  }

</sc_bundles>
